<compile_context>
chip_gen: v7x
topology: tpu7x:2x2x1
jax: 0.10.2.dev20260603
libtpu: 0.0.44.dev20260713+nightly
codegen_flags: <defaults>
</compile_context>

<pallas_src>
import functools

import jax
import jax.numpy as jnp
from jax import lax
from jax.experimental import pallas as pl
from jax.experimental.pallas import tpu as pltpu
from jax.experimental.pallas import tpu_sc as plsc

N = 1024
E = 16384
NN = N * N
NC = 2
NS = 16
EPW = E // NS
CHUNK = 128
NCH = EPW // CHUNK
ZLEN = 16384
SLICE = NN // NS
PENALTY = 0.1
PEN_SUM = float(PENALTY * (N * (N + 1) // 2))

_HI = lax.Precision.HIGHEST


def _dot(a, b):
    return lax.dot_general(a, b, (((1,), (0,)), ((), ())),
                           precision=lax.Precision.DEFAULT,
                           preferred_element_type=jnp.float32)


def _adj_body(src_h, dst_h, zer_h, out_h, src_v, dst_v, idx_v, val_v,
              zer_v, a_sh, sem_in, sem_sp):
    cid = lax.axis_index("c")
    sid = lax.axis_index("s")

    @pl.when(cid == 0)
    def _():
        base = sid * EPW
        c_src = pltpu.async_copy(src_h.at[pl.ds(base, EPW)], src_v, sem_in)
        c_dst = pltpu.async_copy(dst_h.at[pl.ds(base, EPW)], dst_v, sem_in)
        c_zer = pltpu.async_copy(zer_h, zer_v, sem_in)
        c_zer.wait()
        zc = [pltpu.async_copy(
                  zer_v, a_sh.at[pl.ds(sid * SLICE + q * ZLEN, ZLEN)],
                  sem_sp)
              for q in range(SLICE // ZLEN)]
        c_src.wait()
        c_dst.wait()
        for j in range(NCH):
            for k in range(CHUNK // 16):
                sl = pl.ds(j * CHUNK + k * 16, 16)
                flat = dst_v[sl] * N + src_v[sl]
                idx_v[j][pl.ds(k * 16, 16)] = flat
        for k in range(CHUNK // 16):
            val_v[pl.ds(k * 16, 16)] = jnp.full((16,), 1.0, jnp.float32)
        for c in zc:
            c.wait()
        plsc.subcore_barrier()

        sc = [pltpu.async_copy(val_v, a_sh.at[idx_v[j]], sem_sp, add=True)
              for j in range(NCH)]
        for c in sc:
            c.wait()
        plsc.subcore_barrier()

        oc = pltpu.async_copy(a_sh.at[pl.ds(sid * SLICE, SLICE)],
                              out_h.at[pl.ds(sid * SLICE, SLICE)], sem_sp)
        oc.wait()


def _hist_body(src_h, dst_h, rank_h, out_h, rank_v, src_v, dst_v,
               lo_v, hi_v, val_v, zer_v, hist_v, res_v, hist_sh,
               sem_in, sem_sp):
    cid = lax.axis_index("c")
    sid = lax.axis_index("s")

    @pl.when(cid == 0)
    def _():
        base = sid * EPW
        c_rnk = pltpu.async_copy(rank_h, rank_v, sem_in)
        c_src = pltpu.async_copy(src_h.at[pl.ds(base, EPW)], src_v, sem_in)
        c_dst = pltpu.async_copy(dst_h.at[pl.ds(base, EPW)], dst_v, sem_in)

        for k in range(CHUNK // 16):
            sl = pl.ds(k * 16, 16)
            val_v[sl] = jnp.full((16,), 1.0, jnp.float32)
            zer_v[sl] = jnp.zeros((16,), jnp.float32)

        zc = pltpu.async_copy(zer_v, hist_sh.at[pl.ds(sid * CHUNK, CHUNK)],
                              sem_sp)
        c_rnk.wait()
        c_src.wait()
        c_dst.wait()
        for j in range(NCH):
            for k in range(CHUNK // 16):
                sl = pl.ds(j * CHUNK + k * 16, 16)
                rs = plsc.load_gather(rank_v, [src_v[sl]])
                rd = plsc.load_gather(rank_v, [dst_v[sl]])
                out_sl = pl.ds(k * 16, 16)
                lo_v[j][out_sl] = jnp.minimum(rs, rd)
                hi_v[j][out_sl] = jnp.maximum(rs, rd) + N
        zc.wait()
        plsc.subcore_barrier()

        sc = [pltpu.async_copy(val_v, hist_sh.at[lo_v[j]], sem_sp, add=True)
              for j in range(NCH)]
        sc += [pltpu.async_copy(val_v, hist_sh.at[hi_v[j]], sem_sp, add=True)
               for j in range(NCH)]
        for c in sc:
            c.wait()
        plsc.subcore_barrier()

        @pl.when(sid == 0)
        def _tail():
            pltpu.sync_copy(hist_sh, hist_v)

            def cbody(i, carry):
                run, mx, sm = carry
                d16 = (hist_v[pl.ds(i * 16, 16)]
                       - hist_v[pl.ds(N + i * 16, 16)])
                seg = plsc.cumsum(d16) + run
                mx = jnp.maximum(mx, seg)
                sm = sm + seg
                run = run + jnp.sum(d16)
                return run, mx, sm

            run0 = jnp.float32(0.0)
            mx0 = jnp.full((16,), -3.0e38, jnp.float32)
            sm0 = jnp.zeros((16,), jnp.float32)
            _, mx, sm = lax.fori_loop(0, N // 16, cbody, (run0, mx0, sm0))
            max_cut = jnp.max(mx)
            sum_cut = jnp.sum(sm)
            lane = lax.iota(jnp.int32, 16)
            res = jnp.where(lane == 0, -max_cut,
                            (PEN_SUM - sum_cut) * (1.0 / N))
            res = jnp.where(lane <= 1, res, 0.0)
            res_v[...] = res
            pltpu.sync_copy(res_v, out_h)


@functools.cache
def _sc_kernels():
    mesh = plsc.VectorSubcoreMesh(core_axis_name="c", subcore_axis_name="s",
                                  num_cores=NC, num_subcores=NS)
    adj = pl.kernel(
        _adj_body,
        out_type=jax.ShapeDtypeStruct((NN,), jnp.float32),
        mesh=mesh,
        scratch_types=[
            pltpu.VMEM((EPW,), jnp.int32),
            pltpu.VMEM((EPW,), jnp.int32),
            [pltpu.VMEM((CHUNK,), jnp.int32) for _ in range(NCH)],
            pltpu.VMEM((CHUNK,), jnp.float32),
            pltpu.VMEM((ZLEN,), jnp.float32),
            pltpu.VMEM_SHARED((NN,), jnp.float32),
            pltpu.SemaphoreType.DMA,
            pltpu.SemaphoreType.DMA,
        ],
    )
    hist = pl.kernel(
        _hist_body,
        out_type=jax.ShapeDtypeStruct((16,), jnp.float32),
        mesh=mesh,
        compiler_params=pltpu.CompilerParams(needs_layout_passes=False),
        scratch_types=[
            pltpu.VMEM((N,), jnp.int32),
            pltpu.VMEM((EPW,), jnp.int32),
            pltpu.VMEM((EPW,), jnp.int32),
            [pltpu.VMEM((CHUNK,), jnp.int32) for _ in range(NCH)],
            [pltpu.VMEM((CHUNK,), jnp.int32) for _ in range(NCH)],
            pltpu.VMEM((CHUNK,), jnp.float32),
            pltpu.VMEM((CHUNK,), jnp.float32),
            pltpu.VMEM((2 * N,), jnp.float32),
            pltpu.VMEM((16,), jnp.float32),
            pltpu.VMEM_SHARED((2 * N,), jnp.float32),
            pltpu.SemaphoreType.DMA,
            pltpu.SemaphoreType.DMA,
        ],
    )
    return adj, hist


def _dense_body(x_ref, a_ref, wg_ref, bg_ref, w0_ref, w1_ref,
                w2_ref, wih_ref, whh_ref, bih_ref, bhh_ref, wl1_ref,
                bl1_ref, wl2_ref, bl2_ref, s_ref, rank_ref):
    f32 = jnp.float32
    A = a_ref[...].reshape(N, N)
    deg = jnp.maximum(jnp.sum(A, axis=1, keepdims=True), 1.0)
    inv = lax.rsqrt(deg)

    def leaky(v):
        return jnp.where(v >= 0, v, 0.01 * v)

    xw = _dot(x_ref[...], wg_ref[...])
    x1 = leaky(inv * _dot(A, inv * xw) + bg_ref[...])

    h = x1
    bih = bih_ref[...]
    bhh = bhh_ref[...]
    wih = wih_ref[...]
    whh = whh_ref[...]
    for w_ref in (w0_ref, w1_ref, w2_ref):
        m = _dot(A, _dot(h, w_ref[...]))
        gi = _dot(m, wih) + bih
        gh = _dot(h, whh) + bhh
        i_r, i_z, i_n = gi[:, 0:256], gi[:, 256:512], gi[:, 512:768]
        h_r, h_z, h_n = gh[:, 0:256], gh[:, 256:512], gh[:, 512:768]
        r = jax.nn.sigmoid(i_r + h_r)
        z = jax.nn.sigmoid(i_z + h_z)
        nn_ = jnp.tanh(i_n + r * h_n)
        h = (1.0 - z) * nn_ + z * h

    x2 = leaky(h) + x1
    x3 = leaky(_dot(x2, wl1_ref[...]) + bl1_ref[...])
    xf = jax.nn.sigmoid(leaky(_dot(x3, wl2_ref[...]) + bl2_ref[...]))
    s_ref[...] = xf

    logit_row = lax.dot_general(wl2_ref[...], x3, (((0,), (1,)), ((), ())),
                                precision=_HI, preferred_element_type=f32)
    xf_row = jax.nn.sigmoid(leaky(logit_row + bl2_ref[...]))
    row_i = lax.broadcasted_iota(jnp.int32, (N, N), 0)
    col_i = lax.broadcasted_iota(jnp.int32, (N, N), 1)
    C = (row_i != col_i) & ((xf_row > xf)
                            | ((xf_row == xf) & (col_i < row_i)))
    rank = jnp.sum(C.astype(f32), axis=1)
    rank_ref[...] = rank.astype(jnp.int32)


_dense_kernel = pl.pallas_call(
    _dense_body,
    out_shape=[jax.ShapeDtypeStruct((N, 1), jnp.float32),
               jax.ShapeDtypeStruct((N,), jnp.int32)],
)


def kernel(x, edge_index, batch, W_gcn, b_gcn, W_ggc, W_ih, W_hh, b_ih,
           b_hh, W_lin1, b_lin1, W_lin2, b_lin2):
    adj, hist_k = _sc_kernels()
    src = edge_index[0]
    dst = edge_index[1]
    a = adj(src, dst, jnp.zeros((ZLEN,), jnp.float32))
    s, rank = _dense_kernel(
        x, a, W_gcn, b_gcn.reshape(1, -1), W_ggc[0], W_ggc[1],
        W_ggc[2], W_ih, W_hh, b_ih.reshape(1, -1), b_hh.reshape(1, -1),
        W_lin1, b_lin1.reshape(1, -1), W_lin2, b_lin2.reshape(1, -1))
    res = hist_k(src, dst, rank)
    return (s, res[0], res[1])

# --- scband reference (transcript-rebuilt; emitter-appended) ---
"""Pipeline reference for scband-stnet-1640677507202 (READ-ONLY COPY).

The authoritative reference and input builder live on the scoring server;
editing this copy changes nothing except your own understanding.
"""

import jax, jax.numpy as jnp
import numpy as np

N = 1024
E = 16384
D_IN = 128
H = 256
L = 3
PENALTY = 0.1


def setup_inputs(seed: int = 0) -> dict:
    key = jax.random.key(seed)
    ks = jax.random.split(key, 16)
    x = jax.random.normal(ks[0], (N, D_IN), dtype=jnp.float32)
    edge_index = jax.random.randint(ks[1], (2, E), 0, N, dtype=jnp.int32)
    batch = jnp.zeros((N,), dtype=jnp.int32)
    sc = 0.1
    W_gcn = sc * jax.random.normal(ks[2], (D_IN, H), dtype=jnp.float32)
    b_gcn = jnp.zeros((H,), dtype=jnp.float32)
    W_ggc = sc * jax.random.normal(ks[3], (L, H, H), dtype=jnp.float32)
    W_ih = sc * jax.random.normal(ks[4], (H, 3 * H), dtype=jnp.float32)
    W_hh = sc * jax.random.normal(ks[5], (H, 3 * H), dtype=jnp.float32)
    b_ih = jnp.zeros((3 * H,), dtype=jnp.float32)
    b_hh = jnp.zeros((3 * H,), dtype=jnp.float32)
    W_lin1 = sc * jax.random.normal(ks[6], (H, H), dtype=jnp.float32)
    b_lin1 = jnp.zeros((H,), dtype=jnp.float32)
    W_lin2 = sc * jax.random.normal(ks[7], (H, 1), dtype=jnp.float32)
    b_lin2 = jnp.zeros((1,), dtype=jnp.float32)
    return {"x": x, "edge_index": edge_index, "batch": batch,
            "W_gcn": W_gcn, "b_gcn": b_gcn, "W_ggc": W_ggc,
            "W_ih": W_ih, "W_hh": W_hh, "b_ih": b_ih, "b_hh": b_hh,
            "W_lin1": W_lin1, "b_lin1": b_lin1, "W_lin2": W_lin2, "b_lin2": b_lin2}


def _gru(m, h, W_ih, W_hh, b_ih, b_hh):
    gi = m @ W_ih + b_ih
    gh = h @ W_hh + b_hh
    i_r, i_z, i_n = jnp.split(gi, 3, axis=-1)
    h_r, h_z, h_n = jnp.split(gh, 3, axis=-1)
    r = jax.nn.sigmoid(i_r + h_r)
    z = jax.nn.sigmoid(i_z + h_z)
    nn = jnp.tanh(i_n + r * h_n)
    return (1.0 - z) * nn + z * h


def reference(x, edge_index, batch, W_gcn, b_gcn, W_ggc, W_ih, W_hh, b_ih, b_hh, W_lin1, b_lin1, W_lin2, b_lin2):
    src = edge_index[0]
    dst = edge_index[1]
    n = x.shape[0]
    # GCN-style first conv: symmetric degree normalization + scatter-add
    ones = jnp.ones((src.shape[0],), dtype=x.dtype)
    deg = jnp.maximum(jax.ops.segment_sum(ones, dst, num_segments=n), 1.0)
    norm = jax.lax.rsqrt(deg[src] * deg[dst])
    xw = x @ W_gcn
    agg = jax.ops.segment_sum(xw[src] * norm[:, None], dst, num_segments=n) + b_gcn
    x1 = jax.nn.leaky_relu(agg)
    # GatedGraphConv: L rounds of message passing + GRU update, residual add
    h = x1
    for i in range(L):
        m = jax.ops.segment_sum((h @ W_ggc[i])[src], dst, num_segments=n)
        h = _gru(m, h, W_ih, W_hh, b_ih, b_hh)
    x2 = jax.nn.leaky_relu(h) + x1
    # MLP head -> per-node selection probability
    x3 = jax.nn.leaky_relu(x2 @ W_lin1 + b_lin1)
    s = jax.nn.sigmoid(jax.nn.leaky_relu(x3 @ W_lin2 + b_lin2))
    xf = s[:, 0]
    # straight-through level sets: sort descending, top-i masks for i=1..N
    order = jnp.argsort(-xf)
    rank = jnp.argsort(order)
    level = (rank[None, :] <= jnp.arange(n)[:, None]).astype(xf.dtype)
    level = level + xf[None, :] - jax.lax.stop_gradient(xf)[None, :]
    # set function (maxcut objective) evaluated on every level set
    s_src = level[:, src]
    s_dst = level[:, dst]
    cut = jnp.sum(s_src * (1.0 - s_dst) + (1.0 - s_src) * s_dst, axis=-1)
    f_unreg = -cut
    f_sets = f_unreg + PENALTY * jnp.sum(level, axis=-1)
    loss = jnp.mean(f_sets)
    min_set_val = jnp.min(f_unreg)
    return (s, min_set_val, loss)

if __name__ == "__main__":
    import jax
    _d = setup_inputs()
    print(jax.jit(kernel)(*tuple(_d.values())))

</pallas_src>

<mosaic_0001>
#map = affine_map<(d0, d1) -> (0)>
module attributes {stable_mosaic.version = 14 : i64} {
  func.func @_hist_body(%arg0: i32, %arg1: i32, %arg2: memref<16384xi32, #tpu.memory_space<hbm>>, %arg3: memref<16384xi32, #tpu.memory_space<hbm>>, %arg4: memref<1024xi32, #tpu.memory_space<hbm>>, %arg5: memref<16xf32, #tpu.memory_space<hbm>>, %arg6: memref<1024xi32, #tpu.memory_space<vmem>>, %arg7: memref<1024xi32, #tpu.memory_space<vmem>>, %arg8: memref<1024xi32, #tpu.memory_space<vmem>>, %arg9: memref<128xi32, #tpu.memory_space<vmem>>, %arg10: memref<128xi32, #tpu.memory_space<vmem>>, %arg11: memref<128xi32, #tpu.memory_space<vmem>>, %arg12: memref<128xi32, #tpu.memory_space<vmem>>, %arg13: memref<128xi32, #tpu.memory_space<vmem>>, %arg14: memref<128xi32, #tpu.memory_space<vmem>>, %arg15: memref<128xi32, #tpu.memory_space<vmem>>, %arg16: memref<128xi32, #tpu.memory_space<vmem>>, %arg17: memref<128xi32, #tpu.memory_space<vmem>>, %arg18: memref<128xi32, #tpu.memory_space<vmem>>, %arg19: memref<128xi32, #tpu.memory_space<vmem>>, %arg20: memref<128xi32, #tpu.memory_space<vmem>>, %arg21: memref<128xi32, #tpu.memory_space<vmem>>, %arg22: memref<128xi32, #tpu.memory_space<vmem>>, %arg23: memref<128xi32, #tpu.memory_space<vmem>>, %arg24: memref<128xi32, #tpu.memory_space<vmem>>, %arg25: memref<128xf32, #tpu.memory_space<vmem>>, %arg26: memref<128xf32, #tpu.memory_space<vmem>>, %arg27: memref<2048xf32, #tpu.memory_space<vmem>>, %arg28: memref<16xf32, #tpu.memory_space<vmem>>, %arg29: memref<2048xf32, #tpu.memory_space<vmem_shared>>, %arg30: memref<!tpu.dma_semaphore, #tpu.memory_space<semaphore_mem>>, %arg31: memref<!tpu.dma_semaphore, #tpu.memory_space<semaphore_mem>>) attributes {dimension_semantics = [#tpu.dimension_semantics<core_parallel>, #tpu.dimension_semantics<subcore_parallel>], iteration_bounds = array<i64: 2, 16>, scalar_prefetch = 0 : i64, scratch_operands = 26 : i64, tpu.core_type = #tpu.core_type<sc_vector_subcore>, window_params = [{transform_indices = #map}, {transform_indices = #map}, {transform_indices = #map}, {transform_indices = #map}]} {
    %eq3A = arith.constant 0 : i32
    %eq3A_0 = arith.cmpi eq, %arg0, %eq3A : i32
    %convert_element_type3A = arith.extui %eq3A_0 : i1 to i32
    %cond3A = arith.constant 0 : i32
    %cond3A_1 = arith.cmpi ne, %convert_element_type3A, %cond3A : i32
    scf.if %cond3A_1 {
      %mul3A = arith.constant 1024 : i32
      %mul3A_2 = arith.muli %arg1, %mul3A : i32
      tpu.enqueue_dma source(%arg4 : memref<1024xi32, #tpu.memory_space<hbm>>) target(%arg6 : memref<1024xi32, #tpu.memory_space<vmem>>) target_semaphore(%arg30 : memref<!tpu.dma_semaphore, #tpu.memory_space<semaphore_mem>>)
      %dma_start3A = tpu.memref_slice %arg2[%mul3A_2] : memref<16384xi32, #tpu.memory_space<hbm>> -> memref<1024xi32, #tpu.memory_space<hbm>>
      %dma_start3A_3 = tpu.memref_slice %arg2[%mul3A_2] : memref<16384xi32, #tpu.memory_space<hbm>> -> memref<1024xi32, #tpu.memory_space<hbm>>
      tpu.enqueue_dma source(%dma_start3A_3 : memref<1024xi32, #tpu.memory_space<hbm>>) target(%arg7 : memref<1024xi32, #tpu.memory_space<vmem>>) target_semaphore(%arg30 : memref<!tpu.dma_semaphore, #tpu.memory_space<semaphore_mem>>)
      %dma_start3A_4 = tpu.memref_slice %arg3[%mul3A_2] : memref<16384xi32, #tpu.memory_space<hbm>> -> memref<1024xi32, #tpu.memory_space<hbm>>
      %dma_start3A_5 = tpu.memref_slice %arg3[%mul3A_2] : memref<16384xi32, #tpu.memory_space<hbm>> -> memref<1024xi32, #tpu.memory_space<hbm>>
      tpu.enqueue_dma source(%dma_start3A_5 : memref<1024xi32, #tpu.memory_space<hbm>>) target(%arg8 : memref<1024xi32, #tpu.memory_space<vmem>>) target_semaphore(%arg30 : memref<!tpu.dma_semaphore, #tpu.memory_space<semaphore_mem>>)
      %broadcast_in_dim3A = arith.constant 1.000000e+00 : f32
      %broadcast_in_dim3A_6 = vector.broadcast %broadcast_in_dim3A : f32 to vector<16xf32>
      %swap3A = arith.constant 0 : index
      %swap3A_7 = tpu.vector_load %arg25[%swap3A] {strides = array<i32>} : memref<128xf32, #tpu.memory_space<vmem>>, vector<16xf32>,
      %swap3A_8 = vector.shape_cast %swap3A_7 : vector<16xf32> to vector<16xf32>
      %swap3A_9 = vector.shape_cast %broadcast_in_dim3A_6 : vector<16xf32> to vector<16xf32>
      tpu.vector_store %arg25[%swap3A], %swap3A_9 {strides = array<i32>} : memref<128xf32, #tpu.memory_space<vmem>>, vector<16xf32>,
      %broadcast_in_dim3A_10 = arith.constant 0.000000e+00 : f32
      %broadcast_in_dim3A_11 = vector.broadcast %broadcast_in_dim3A_10 : f32 to vector<16xf32>
      %swap3A_12 = arith.constant 0 : index
      %swap3A_13 = tpu.vector_load %arg26[%swap3A_12] {strides = array<i32>} : memref<128xf32, #tpu.memory_space<vmem>>, vector<16xf32>,
      %swap3A_14 = vector.shape_cast %swap3A_13 : vector<16xf32> to vector<16xf32>
      %swap3A_15 = vector.shape_cast %broadcast_in_dim3A_11 : vector<16xf32> to vector<16xf32>
      tpu.vector_store %arg26[%swap3A_12], %swap3A_15 {strides = array<i32>} : memref<128xf32, #tpu.memory_space<vmem>>, vector<16xf32>,
      %broadcast_in_dim3A_16 = arith.constant 1.000000e+00 : f32
      %broadcast_in_dim3A_17 = vector.broadcast %broadcast_in_dim3A_16 : f32 to vector<16xf32>
      %swap3A_18 = arith.constant 16 : index
      %swap3A_19 = tpu.vector_load %arg25[%swap3A_18] {strides = array<i32>} : memref<128xf32, #tpu.memory_space<vmem>>, vector<16xf32>,
      %swap3A_20 = vector.shape_cast %swap3A_19 : vector<16xf32> to vector<16xf32>
      %swap3A_21 = vector.shape_cast %broadcast_in_dim3A_17 : vector<16xf32> to vector<16xf32>
      tpu.vector_store %arg25[%swap3A_18], %swap3A_21 {strides = array<i32>} : memref<128xf32, #tpu.memory_space<vmem>>, vector<16xf32>,
      %broadcast_in_dim3A_22 = arith.constant 0.000000e+00 : f32
      %broadcast_in_dim3A_23 = vector.broadcast %broadcast_in_dim3A_22 : f32 to vector<16xf32>
      %swap3A_24 = arith.constant 16 : index
      %swap3A_25 = tpu.vector_load %arg26[%swap3A_24] {strides = array<i32>} : memref<128xf32, #tpu.memory_space<vmem>>, vector<16xf32>,
      %swap3A_26 = vector.shape_cast %swap3A_25 : vector<16xf32> to vector<16xf32>
      %swap3A_27 = vector.shape_cast %broadcast_in_dim3A_23 : vector<16xf32> to vector<16xf32>
      tpu.vector_store %arg26[%swap3A_24], %swap3A_27 {strides = array<i32>} : memref<128xf32, #tpu.memory_space<vmem>>, vector<16xf32>,
      %broadcast_in_dim3A_28 = arith.constant 1.000000e+00 : f32
      %broadcast_in_dim3A_29 = vector.broadcast %broadcast_in_dim3A_28 : f32 to vector<16xf32>
      %swap3A_30 = arith.constant 32 : index
      %swap3A_31 = tpu.vector_load %arg25[%swap3A_30] {strides = array<i32>} : memref<128xf32, #tpu.memory_space<vmem>>, vector<16xf32>,
      %swap3A_32 = vector.shape_cast %swap3A_31 : vector<16xf32> to vector<16xf32>
      %swap3A_33 = vector.shape_cast %broadcast_in_dim3A_29 : vector<16xf32> to vector<16xf32>
      tpu.vector_store %arg25[%swap3A_30], %swap3A_33 {strides = array<i32>} : memref<128xf32, #tpu.memory_space<vmem>>, vector<16xf32>,
      %broadcast_in_dim3A_34 = arith.constant 0.000000e+00 : f32
      %broadcast_in_dim3A_35 = vector.broadcast %broadcast_in_dim3A_34 : f32 to vector<16xf32>
      %swap3A_36 = arith.constant 32 : index
      %swap3A_37 = tpu.vector_load %arg26[%swap3A_36] {strides = array<i32>} : memref<128xf32, #tpu.memory_space<vmem>>, vector<16xf32>,
      %swap3A_38 = vector.shape_cast %swap3A_37 : vector<16xf32> to vector<16xf32>
      %swap3A_39 = vector.shape_cast %broadcast_in_dim3A_35 : vector<16xf32> to vector<16xf32>
      tpu.vector_store %arg26[%swap3A_36], %swap3A_39 {strides = array<i32>} : memref<128xf32, #tpu.memory_space<vmem>>, vector<16xf32>,
      %broadcast_in_dim3A_40 = arith.constant 1.000000e+00 : f32
      %broadcast_in_dim3A_41 = vector.broadcast %broadcast_in_dim3A_40 : f32 to vector<16xf32>
      %swap3A_42 = arith.constant 48 : index
      %swap3A_43 = tpu.vector_load %arg25[%swap3A_42] {strides = array<i32>} : memref<128xf32, #tpu.memory_space<vmem>>, vector<16xf32>,
      %swap3A_44 = vector.shape_cast %swap3A_43 : vector<16xf32> to vector<16xf32>
      %swap3A_45 = vector.shape_cast %broadcast_in_dim3A_41 : vector<16xf32> to vector<16xf32>
      tpu.vector_store %arg25[%swap3A_42], %swap3A_45 {strides = array<i32>} : memref<128xf32, #tpu.memory_space<vmem>>, vector<16xf32>,
      %broadcast_in_dim3A_46 = arith.constant 0.000000e+00 : f32
      %broadcast_in_dim3A_47 = vector.broadcast %broadcast_in_dim3A_46 : f32 to vector<16xf32>
      %swap3A_48 = arith.constant 48 : index
      %swap3A_49 = tpu.vector_load %arg26[%swap3A_48] {strides = array<i32>} : memref<128xf32, #tpu.memory_space<vmem>>, vector<16xf32>,
      %swap3A_50 = vector.shape_cast %swap3A_49 : vector<16xf32> to vector<16xf32>
      %swap3A_51 = vector.shape_cast %broadcast_in_dim3A_47 : vector<16xf32> to vector<16xf32>
      tpu.vector_store %arg26[%swap3A_48], %swap3A_51 {strides = array<i32>} : memref<128xf32, #tpu.memory_space<vmem>>, vector<16xf32>,
      %broadcast_in_dim3A_52 = arith.constant 1.000000e+00 : f32
      %broadcast_in_dim3A_53 = vector.broadcast %broadcast_in_dim3A_52 : f32 to vector<16xf32>
      %swap3A_54 = arith.constant 64 : index
      %swap3A_55 = tpu.vector_load %arg25[%swap3A_54] {strides = array<i32>} : memref<128xf32, #tpu.memory_space<vmem>>, vector<16xf32>,
      %swap3A_56 = vector.shape_cast %swap3A_55 : vector<16xf32> to vector<16xf32>
      %swap3A_57 = vector.shape_cast %broadcast_in_dim3A_53 : vector<16xf32> to vector<16xf32>
      tpu.vector_store %arg25[%swap3A_54], %swap3A_57 {strides = array<i32>} : memref<128xf32, #tpu.memory_space<vmem>>, vector<16xf32>,
      %broadcast_in_dim3A_58 = arith.constant 0.000000e+00 : f32
      %broadcast_in_dim3A_59 = vector.broadcast %broadcast_in_dim3A_58 : f32 to vector<16xf32>
      %swap3A_60 = arith.constant 64 : index
      %swap3A_61 = tpu.vector_load %arg26[%swap3A_60] {strides = array<i32>} : memref<128xf32, #tpu.memory_space<vmem>>, vector<16xf32>,
      %swap3A_62 = vector.shape_cast %swap3A_61 : vector<16xf32> to vector<16xf32>
      %swap3A_63 = vector.shape_cast %broadcast_in_dim3A_59 : vector<16xf32> to vector<16xf32>
      tpu.vector_store %arg26[%swap3A_60], %swap3A_63 {strides = array<i32>} : memref<128xf32, #tpu.memory_space<vmem>>, vector<16xf32>,
      %broadcast_in_dim3A_64 = arith.constant 1.000000e+00 : f32
      %broadcast_in_dim3A_65 = vector.broadcast %broadcast_in_dim3A_64 : f32 to vector<16xf32>
      %swap3A_66 = arith.constant 80 : index
      %swap3A_67 = tpu.vector_load %arg25[%swap3A_66] {strides = array<i32>} : memref<128xf32, #tpu.memory_space<vmem>>, vector<16xf32>,
      %swap3A_68 = vector.shape_cast %swap3A_67 : vector<16xf32> to vector<16xf32>
      %swap3A_69 = vector.shape_cast %broadcast_in_dim3A_65 : vector<16xf32> to vector<16xf32>
      tpu.vector_store %arg25[%swap3A_66], %swap3A_69 {strides = array<i32>} : memref<128xf32, #tpu.memory_space<vmem>>, vector<16xf32>,
      %broadcast_in_dim3A_70 = arith.constant 0.000000e+00 : f32
      %broadcast_in_dim3A_71 = vector.broadcast %broadcast_in_dim3A_70 : f32 to vector<16xf32>
      %swap3A_72 = arith.constant 80 : index
      %swap3A_73 = tpu.vector_load %arg26[%swap3A_72] {strides = array<i32>} : memref<128xf32, #tpu.memory_space<vmem>>, vector<16xf32>,
      %swap3A_74 = vector.shape_cast %swap3A_73 : vector<16xf32> to vector<16xf32>
      %swap3A_75 = vector.shape_cast %broadcast_in_dim3A_71 : vector<16xf32> to vector<16xf32>
      tpu.vector_store %arg26[%swap3A_72], %swap3A_75 {strides = array<i32>} : memref<128xf32, #tpu.memory_space<vmem>>, vector<16xf32>,
      %broadcast_in_dim3A_76 = arith.constant 1.000000e+00 : f32
      %broadcast_in_dim3A_77 = vector.broadcast %broadcast_in_dim3A_76 : f32 to vector<16xf32>
      %swap3A_78 = arith.constant 96 : index
      %swap3A_79 = tpu.vector_load %arg25[%swap3A_78] {strides = array<i32>} : memref<128xf32, #tpu.memory_space<vmem>>, vector<16xf32>,
      %swap3A_80 = vector.shape_cast %swap3A_79 : vector<16xf32> to vector<16xf32>
      %swap3A_81 = vector.shape_cast %broadcast_in_dim3A_77 : vector<16xf32> to vector<16xf32>
      tpu.vector_store %arg25[%swap3A_78], %swap3A_81 {strides = array<i32>} : memref<128xf32, #tpu.memory_space<vmem>>, vector<16xf32>,
      %broadcast_in_dim3A_82 = arith.constant 0.000000e+00 : f32
      %broadcast_in_dim3A_83 = vector.broadcast %broadcast_in_dim3A_82 : f32 to vector<16xf32>
      %swap3A_84 = arith.constant 96 : index
      %swap3A_85 = tpu.vector_load %arg26[%swap3A_84] {strides = array<i32>} : memref<128xf32, #tpu.memory_space<vmem>>, vector<16xf32>,
      %swap3A_86 = vector.shape_cast %swap3A_85 : vector<16xf32> to vector<16xf32>
      %swap3A_87 = vector.shape_cast %broadcast_in_dim3A_83 : vector<16xf32> to vector<16xf32>
      tpu.vector_store %arg26[%swap3A_84], %swap3A_87 {strides = array<i32>} : memref<128xf32, #tpu.memory_space<vmem>>, vector<16xf32>,
      %broadcast_in_dim3A_88 = arith.constant 1.000000e+00 : f32
      %broadcast_in_dim3A_89 = vector.broadcast %broadcast_in_dim3A_88 : f32 to vector<16xf32>
      %swap3A_90 = arith.constant 112 : index
      %swap3A_91 = tpu.vector_load %arg25[%swap3A_90] {strides = array<i32>} : memref<128xf32, #tpu.memory_space<vmem>>, vector<16xf32>,
      %swap3A_92 = vector.shape_cast %swap3A_91 : vector<16xf32> to vector<16xf32>
      %swap3A_93 = vector.shape_cast %broadcast_in_dim3A_89 : vector<16xf32> to vector<16xf32>
      tpu.vector_store %arg25[%swap3A_90], %swap3A_93 {strides = array<i32>} : memref<128xf32, #tpu.memory_space<vmem>>, vector<16xf32>,
      %broadcast_in_dim3A_94 = arith.constant 0.000000e+00 : f32
      %broadcast_in_dim3A_95 = vector.broadcast %broadcast_in_dim3A_94 : f32 to vector<16xf32>
      %swap3A_96 = arith.constant 112 : index
      %swap3A_97 = tpu.vector_load %arg26[%swap3A_96] {strides = array<i32>} : memref<128xf32, #tpu.memory_space<vmem>>, vector<16xf32>,
      %swap3A_98 = vector.shape_cast %swap3A_97 : vector<16xf32> to vector<16xf32>
      %swap3A_99 = vector.shape_cast %broadcast_in_dim3A_95 : vector<16xf32> to vector<16xf32>
      tpu.vector_store %arg26[%swap3A_96], %swap3A_99 {strides = array<i32>} : memref<128xf32, #tpu.memory_space<vmem>>, vector<16xf32>,
      %mul3A_100 = arith.constant 128 : i32
      %mul3A_101 = arith.muli %arg1, %mul3A_100 : i32
      %dma_start3A_102 = tpu.memref_slice %arg29[%mul3A_101] : memref<2048xf32, #tpu.memory_space<vmem_shared>> -> memref<128xf32, #tpu.memory_space<vmem_shared>>
      %dma_start3A_103 = tpu.memref_slice %arg29[%mul3A_101] : memref<2048xf32, #tpu.memory_space<vmem_shared>> -> memref<128xf32, #tpu.memory_space<vmem_shared>>
      tpu.enqueue_dma source(%arg26 : memref<128xf32, #tpu.memory_space<vmem>>) target(%dma_start3A_103 : memref<128xf32, #tpu.memory_space<vmem_shared>>) target_semaphore(%arg31 : memref<!tpu.dma_semaphore, #tpu.memory_space<semaphore_mem>>)
      tpu.wait_dma2 semaphore(%arg30 : memref<!tpu.dma_semaphore, #tpu.memory_space<semaphore_mem>>) src(%arg4 : memref<1024xi32, #tpu.memory_space<hbm>>) dst(%arg6 : memref<1024xi32, #tpu.memory_space<vmem>>)
      %dma_wait3A = tpu.memref_slice %arg2[%mul3A_2] : memref<16384xi32, #tpu.memory_space<hbm>> -> memref<1024xi32, #tpu.memory_space<hbm>>
      %dma_wait3A_104 = tpu.memref_slice %arg2[%mul3A_2] : memref<16384xi32, #tpu.memory_space<hbm>> -> memref<1024xi32, #tpu.memory_space<hbm>>
      tpu.wait_dma2 semaphore(%arg30 : memref<!tpu.dma_semaphore, #tpu.memory_space<semaphore_mem>>) src(%dma_wait3A_104 : memref<1024xi32, #tpu.memory_space<hbm>>) dst(%arg7 : memref<1024xi32, #tpu.memory_space<vmem>>)
      %dma_wait3A_105 = tpu.memref_slice %arg3[%mul3A_2] : memref<16384xi32, #tpu.memory_space<hbm>> -> memref<1024xi32, #tpu.memory_space<hbm>>
      %dma_wait3A_106 = tpu.memref_slice %arg3[%mul3A_2] : memref<16384xi32, #tpu.memory_space<hbm>> -> memref<1024xi32, #tpu.memory_space<hbm>>
      tpu.wait_dma2 semaphore(%arg30 : memref<!tpu.dma_semaphore, #tpu.memory_space<semaphore_mem>>) src(%dma_wait3A_106 : memref<1024xi32, #tpu.memory_space<hbm>>) dst(%arg8 : memref<1024xi32, #tpu.memory_space<vmem>>)
      %get3A = arith.constant 0 : index
      %get3A_107 = tpu.vector_load %arg7[%get3A] {strides = array<i32>} : memref<1024xi32, #tpu.memory_space<vmem>>, vector<16xi32>,
      %get3A_108 = vector.shape_cast %get3A_107 : vector<16xi32> to vector<16xi32>
      %gather3A = tpu.vector_load_idx %arg6[%get3A_108] : memref<1024xi32, #tpu.memory_space<vmem>>[vector<16xi32>], vector<16xi32>,
      %get3A_109 = arith.constant 0 : index
      %get3A_110 = tpu.vector_load %arg8[%get3A_109] {strides = array<i32>} : memref<1024xi32, #tpu.memory_space<vmem>>, vector<16xi32>,
      %get3A_111 = vector.shape_cast %get3A_110 : vector<16xi32> to vector<16xi32>
      %gather3A_112 = tpu.vector_load_idx %arg6[%get3A_111] : memref<1024xi32, #tpu.memory_space<vmem>>[vector<16xi32>], vector<16xi32>,
      %min3A = arith.minsi %gather3A, %gather3A_112 : vector<16xi32>
      %swap3A_113 = arith.constant 0 : index
      %swap3A_114 = tpu.vector_load %arg9[%swap3A_113] {strides = array<i32>} : memref<128xi32, #tpu.memory_space<vmem>>, vector<16xi32>,
      %swap3A_115 = vector.shape_cast %swap3A_114 : vector<16xi32> to vector<16xi32>
      %swap3A_116 = vector.shape_cast %min3A : vector<16xi32> to vector<16xi32>
      tpu.vector_store %arg9[%swap3A_113], %swap3A_116 {strides = array<i32>} : memref<128xi32, #tpu.memory_space<vmem>>, vector<16xi32>,
      %max3A = arith.maxsi %gather3A, %gather3A_112 : vector<16xi32>
      %add3A = arith.constant 1024 : i32
      %add3A_117 = vector.broadcast %add3A : i32 to vector<16xi32>
      %add3A_118 = arith.addi %max3A, %add3A_117 : vector<16xi32>
      %swap3A_119 = arith.constant 0 : index
      %swap3A_120 = tpu.vector_load %arg17[%swap3A_119] {strides = array<i32>} : memref<128xi32, #tpu.memory_space<vmem>>, vector<16xi32>,
      %swap3A_121 = vector.shape_cast %swap3A_120 : vector<16xi32> to vector<16xi32>
      %swap3A_122 = vector.shape_cast %add3A_118 : vector<16xi32> to vector<16xi32>
      tpu.vector_store %arg17[%swap3A_119], %swap3A_122 {strides = array<i32>} : memref<128xi32, #tpu.memory_space<vmem>>, vector<16xi32>,
      %get3A_123 = arith.constant 16 : index
      %get3A_124 = tpu.vector_load %arg7[%get3A_123] {strides = array<i32>} : memref<1024xi32, #tpu.memory_space<vmem>>, vector<16xi32>,
      %get3A_125 = vector.shape_cast %get3A_124 : vector<16xi32> to vector<16xi32>
      %gather3A_126 = tpu.vector_load_idx %arg6[%get3A_125] : memref<1024xi32, #tpu.memory_space<vmem>>[vector<16xi32>], vector<16xi32>,
      %get3A_127 = arith.constant 16 : index
      %get3A_128 = tpu.vector_load %arg8[%get3A_127] {strides = array<i32>} : memref<1024xi32, #tpu.memory_space<vmem>>, vector<16xi32>,
      %get3A_129 = vector.shape_cast %get3A_128 : vector<16xi32> to vector<16xi32>
      %gather3A_130 = tpu.vector_load_idx %arg6[%get3A_129] : memref<1024xi32, #tpu.memory_space<vmem>>[vector<16xi32>], vector<16xi32>,
      %min3A_131 = arith.minsi %gather3A_126, %gather3A_130 : vector<16xi32>
      %swap3A_132 = arith.constant 16 : index
      %swap3A_133 = tpu.vector_load %arg9[%swap3A_132] {strides = array<i32>} : memref<128xi32, #tpu.memory_space<vmem>>, vector<16xi32>,
      %swap3A_134 = vector.shape_cast %swap3A_133 : vector<16xi32> to vector<16xi32>
      %swap3A_135 = vector.shape_cast %min3A_131 : vector<16xi32> to vector<16xi32>
      tpu.vector_store %arg9[%swap3A_132], %swap3A_135 {strides = array<i32>} : memref<128xi32, #tpu.memory_space<vmem>>, vector<16xi32>,
      %max3A_136 = arith.maxsi %gather3A_126, %gather3A_130 : vector<16xi32>
      %add3A_137 = arith.constant 1024 : i32
      %add3A_138 = vector.broadcast %add3A_137 : i32 to vector<16xi32>
      %add3A_139 = arith.addi %max3A_136, %add3A_138 : vector<16xi32>
      %swap3A_140 = arith.constant 16 : index
      %swap3A_141 = tpu.vector_load %arg17[%swap3A_140] {strides = array<i32>} : memref<128xi32, #tpu.memory_space<vmem>>, vector<16xi32>,
      %swap3A_142 = vector.shape_cast %swap3A_141 : vector<16xi32> to vector<16xi32>
      %swap3A_143 = vector.shape_cast %add3A_139 : vector<16xi32> to vector<16xi32>
      tpu.vector_store %arg17[%swap3A_140], %swap3A_143 {strides = array<i32>} : memref<128xi32, #tpu.memory_space<vmem>>, vector<16xi32>,
      %get3A_144 = arith.constant 32 : index
      %get3A_145 = tpu.vector_load %arg7[%get3A_144] {strides = array<i32>} : memref<1024xi32, #tpu.memory_space<vmem>>, vector<16xi32>,
      %get3A_146 = vector.shape_cast %get3A_145 : vector<16xi32> to vector<16xi32>
      %gather3A_147 = tpu.vector_load_idx %arg6[%get3A_146] : memref<1024xi32, #tpu.memory_space<vmem>>[vector<16xi32>], vector<16xi32>,
      %get3A_148 = arith.constant 32 : index
      %get3A_149 = tpu.vector_load %arg8[%get3A_148] {strides = array<i32>} : memref<1024xi32, #tpu.memory_space<vmem>>, vector<16xi32>,
      %get3A_150 = vector.shape_cast %get3A_149 : vector<16xi32> to vector<16xi32>
      %gather3A_151 = tpu.vector_load_idx %arg6[%get3A_150] : memref<1024xi32, #tpu.memory_space<vmem>>[vector<16xi32>], vector<16xi32>,
      %min3A_152 = arith.minsi %gather3A_147, %gather3A_151 : vector<16xi32>
      %swap3A_153 = arith.constant 32 : index
      %swap3A_154 = tpu.vector_load %arg9[%swap3A_153] {strides = array<i32>} : memref<128xi32, #tpu.memory_space<vmem>>, vector<16xi32>,
      %swap3A_155 = vector.shape_cast %swap3A_154 : vector<16xi32> to vector<16xi32>
      %swap3A_156 = vector.shape_cast %min3A_152 : vector<16xi32> to vector<16xi32>
      tpu.vector_store %arg9[%swap3A_153], %swap3A_156 {strides = array<i32>} : memref<128xi32, #tpu.memory_space<vmem>>, vector<16xi32>,
      %max3A_157 = arith.maxsi %gather3A_147, %gather3A_151 : vector<16xi32>
      %add3A_158 = arith.constant 1024 : i32
      %add3A_159 = vector.broadcast %add3A_158 : i32 to vector<16xi32>
      %add3A_160 = arith.addi %max3A_157, %add3A_159 : vector<16xi32>
      %swap3A_161 = arith.constant 32 : index
      %swap3A_162 = tpu.vector_load %arg17[%swap3A_161] {strides = array<i32>} : memref<128xi32, #tpu.memory_space<vmem>>, vector<16xi32>,
      %swap3A_163 = vector.shape_cast %swap3A_162 : vector<16xi32> to vector<16xi32>
      %swap3A_164 = vector.shape_cast %add3A_160 : vector<16xi32> to vector<16xi32>
      tpu.vector_store %arg17[%swap3A_161], %swap3A_164 {strides = array<i32>} : memref<128xi32, #tpu.memory_space<vmem>>, vector<16xi32>,
      %get3A_165 = arith.constant 48 : index
      %get3A_166 = tpu.vector_load %arg7[%get3A_165] {strides = array<i32>} : memref<1024xi32, #tpu.memory_space<vmem>>, vector<16xi32>,
      %get3A_167 = vector.shape_cast %get3A_166 : vector<16xi32> to vector<16xi32>
      %gather3A_168 = tpu.vector_load_idx %arg6[%get3A_167] : memref<1024xi32, #tpu.memory_space<vmem>>[vector<16xi32>], vector<16xi32>,
      %get3A_169 = arith.constant 48 : index
      %get3A_170 = tpu.vector_load %arg8[%get3A_169] {strides = array<i32>} : memref<1024xi32, #tpu.memory_space<vmem>>, vector<16xi32>,
      %get3A_171 = vector.shape_cast %get3A_170 : vector<16xi32> to vector<16xi32>
      %gather3A_172 = tpu.vector_load_idx %arg6[%get3A_171] : memref<1024xi32, #tpu.memory_space<vmem>>[vector<16xi32>], vector<16xi32>,
      %min3A_173 = arith.minsi %gather3A_168, %gather3A_172 : vector<16xi32>
      %swap3A_174 = arith.constant 48 : index
      %swap3A_175 = tpu.vector_load %arg9[%swap3A_174] {strides = array<i32>} : memref<128xi32, #tpu.memory_space<vmem>>, vector<16xi32>,
      %swap3A_176 = vector.shape_cast %swap3A_175 : vector<16xi32> to vector<16xi32>
      %swap3A_177 = vector.shape_cast %min3A_173 : vector<16xi32> to vector<16xi32>
      tpu.vector_store %arg9[%swap3A_174], %swap3A_177 {strides = array<i32>} : memref<128xi32, #tpu.memory_space<vmem>>, vector<16xi32>,
      %max3A_178 = arith.maxsi %gather3A_168, %gather3A_172 : vector<16xi32>
      %add3A_179 = arith.constant 1024 : i32
      %add3A_180 = vector.broadcast %add3A_179 : i32 to vector<16xi32>
      %add3A_181 = arith.addi %max3A_178, %add3A_180 : vector<16xi32>
      %swap3A_182 = arith.constant 48 : index
      %swap3A_183 = tpu.vector_load %arg17[%swap3A_182] {strides = array<i32>} : memref<128xi32, #tpu.memory_space<vmem>>, vector<16xi32>,
      %swap3A_184 = vector.shape_cast %swap3A_183 : vector<16xi32> to vector<16xi32>
      %swap3A_185 = vector.shape_cast %add3A_181 : vector<16xi32> to vector<16xi32>
      tpu.vector_store %arg17[%swap3A_182], %swap3A_185 {strides = array<i32>} : memref<128xi32, #tpu.memory_space<vmem>>, vector<16xi32>,
      %get3A_186 = arith.constant 64 : index
      %get3A_187 = tpu.vector_load %arg7[%get3A_186] {strides = array<i32>} : memref<1024xi32, #tpu.memory_space<vmem>>, vector<16xi32>,
      %get3A_188 = vector.shape_cast %get3A_187 : vector<16xi32> to vector<16xi32>
      %gather3A_189 = tpu.vector_load_idx %arg6[%get3A_188] : memref<1024xi32, #tpu.memory_space<vmem>>[vector<16xi32>], vector<16xi32>,
      %get3A_190 = arith.constant 64 : index
      %get3A_191 = tpu.vector_load %arg8[%get3A_190] {strides = array<i32>} : memref<1024xi32, #tpu.memory_space<vmem>>, vector<16xi32>,
      %get3A_192 = vector.shape_cast %get3A_191 : vector<16xi32> to vector<16xi32>
      %gather3A_193 = tpu.vector_load_idx %arg6[%get3A_192] : memref<1024xi32, #tpu.memory_space<vmem>>[vector<16xi32>], vector<16xi32>,
      %min3A_194 = arith.minsi %gather3A_189, %gather3A_193 : vector<16xi32>
      %swap3A_195 = arith.constant 64 : index
      %swap3A_196 = tpu.vector_load %arg9[%swap3A_195] {strides = array<i32>} : memref<128xi32, #tpu.memory_space<vmem>>, vector<16xi32>,
      %swap3A_197 = vector.shape_cast %swap3A_196 : vector<16xi32> to vector<16xi32>
      %swap3A_198 = vector.shape_cast %min3A_194 : vector<16xi32> to vector<16xi32>
      tpu.vector_store %arg9[%swap3A_195], %swap3A_198 {strides = array<i32>} : memref<128xi32, #tpu.memory_space<vmem>>, vector<16xi32>,
      %max3A_199 = arith.maxsi %gather3A_189, %gather3A_193 : vector<16xi32>
      %add3A_200 = arith.constant 1024 : i32
      %add3A_201 = vector.broadcast %add3A_200 : i32 to vector<16xi32>
      %add3A_202 = arith.addi %max3A_199, %add3A_201 : vector<16xi32>
      %swap3A_203 = arith.constant 64 : index
      %swap3A_204 = tpu.vector_load %arg17[%swap3A_203] {strides = array<i32>} : memref<128xi32, #tpu.memory_space<vmem>>, vector<16xi32>,
      %swap3A_205 = vector.shape_cast %swap3A_204 : vector<16xi32> to vector<16xi32>
      %swap3A_206 = vector.shape_cast %add3A_202 : vector<16xi32> to vector<16xi32>
      tpu.vector_store %arg17[%swap3A_203], %swap3A_206 {strides = array<i32>} : memref<128xi32, #tpu.memory_space<vmem>>, vector<16xi32>,
      %get3A_207 = arith.constant 80 : index
      %get3A_208 = tpu.vector_load %arg7[%get3A_207] {strides = array<i32>} : memref<1024xi32, #tpu.memory_space<vmem>>, vector<16xi32>,
      %get3A_209 = vector.shape_cast %get3A_208 : vector<16xi32> to vector<16xi32>
      %gather3A_210 = tpu.vector_load_idx %arg6[%get3A_209] : memref<1024xi32, #tpu.memory_space<vmem>>[vector<16xi32>], vector<16xi32>,
      %get3A_211 = arith.constant 80 : index
      %get3A_212 = tpu.vector_load %arg8[%get3A_211] {strides = array<i32>} : memref<1024xi32, #tpu.memory_space<vmem>>, vector<16xi32>,
      %get3A_213 = vector.shape_cast %get3A_212 : vector<16xi32> to vector<16xi32>
      %gather3A_214 = tpu.vector_load_idx %arg6[%get3A_213] : memref<1024xi32, #tpu.memory_space<vmem>>[vector<16xi32>], vector<16xi32>,
      %min3A_215 = arith.minsi %gather3A_210, %gather3A_214 : vector<16xi32>
      %swap3A_216 = arith.constant 80 : index
      %swap3A_217 = tpu.vector_load %arg9[%swap3A_216] {strides = array<i32>} : memref<128xi32, #tpu.memory_space<vmem>>, vector<16xi32>,
      %swap3A_218 = vector.shape_cast %swap3A_217 : vector<16xi32> to vector<16xi32>
      %swap3A_219 = vector.shape_cast %min3A_215 : vector<16xi32> to vector<16xi32>
      tpu.vector_store %arg9[%swap3A_216], %swap3A_219 {strides = array<i32>} : memref<128xi32, #tpu.memory_space<vmem>>, vector<16xi32>,
      %max3A_220 = arith.maxsi %gather3A_210, %gather3A_214 : vector<16xi32>
      %add3A_221 = arith.constant 1024 : i32
      %add3A_222 = vector.broadcast %add3A_221 : i32 to vector<16xi32>
      %add3A_223 = arith.addi %max3A_220, %add3A_222 : vector<16xi32>
      %swap3A_224 = arith.constant 80 : index
      %swap3A_225 = tpu.vector_load %arg17[%swap3A_224] {strides = array<i32>} : memref<128xi32, #tpu.memory_space<vmem>>, vector<16xi32>,
      %swap3A_226 = vector.shape_cast %swap3A_225 : vector<16xi32> to vector<16xi32>
      %swap3A_227 = vector.shape_cast %add3A_223 : vector<16xi32> to vector<16xi32>
      tpu.vector_store %arg17[%swap3A_224], %swap3A_227 {strides = array<i32>} : memref<128xi32, #tpu.memory_space<vmem>>, vector<16xi32>,
      %get3A_228 = arith.constant 96 : index
      %get3A_229 = tpu.vector_load %arg7[%get3A_228] {strides = array<i32>} : memref<1024xi32, #tpu.memory_space<vmem>>, vector<16xi32>,
      %get3A_230 = vector.shape_cast %get3A_229 : vector<16xi32> to vector<16xi32>
      %gather3A_231 = tpu.vector_load_idx %arg6[%get3A_230] : memref<1024xi32, #tpu.memory_space<vmem>>[vector<16xi32>], vector<16xi32>,
      %get3A_232 = arith.constant 96 : index
      %get3A_233 = tpu.vector_load %arg8[%get3A_232] {strides = array<i32>} : memref<1024xi32, #tpu.memory_space<vmem>>, vector<16xi32>,
      %get3A_234 = vector.shape_cast %get3A_233 : vector<16xi32> to vector<16xi32>
      %gather3A_235 = tpu.vector_load_idx %arg6[%get3A_234] : memref<1024xi32, #tpu.memory_space<vmem>>[vector<16xi32>], vector<16xi32>,
      %min3A_236 = arith.minsi %gather3A_231, %gather3A_235 : vector<16xi32>
      %swap3A_237 = arith.constant 96 : index
      %swap3A_238 = tpu.vector_load %arg9[%swap3A_237] {strides = array<i32>} : memref<128xi32, #tpu.memory_space<vmem>>, vector<16xi32>,
      %swap3A_239 = vector.shape_cast %swap3A_238 : vector<16xi32> to vector<16xi32>
      %swap3A_240 = vector.shape_cast %min3A_236 : vector<16xi32> to vector<16xi32>
      tpu.vector_store %arg9[%swap3A_237], %swap3A_240 {strides = array<i32>} : memref<128xi32, #tpu.memory_space<vmem>>, vector<16xi32>,
      %max3A_241 = arith.maxsi %gather3A_231, %gather3A_235 : vector<16xi32>
      %add3A_242 = arith.constant 1024 : i32
      %add3A_243 = vector.broadcast %add3A_242 : i32 to vector<16xi32>
      %add3A_244 = arith.addi %max3A_241, %add3A_243 : vector<16xi32>
      %swap3A_245 = arith.constant 96 : index
      %swap3A_246 = tpu.vector_load %arg17[%swap3A_245] {strides = array<i32>} : memref<128xi32, #tpu.memory_space<vmem>>, vector<16xi32>,
      %swap3A_247 = vector.shape_cast %swap3A_246 : vector<16xi32> to vector<16xi32>
      %swap3A_248 = vector.shape_cast %add3A_244 : vector<16xi32> to vector<16xi32>
      tpu.vector_store %arg17[%swap3A_245], %swap3A_248 {strides = array<i32>} : memref<128xi32, #tpu.memory_space<vmem>>, vector<16xi32>,
      %get3A_249 = arith.constant 112 : index
      %get3A_250 = tpu.vector_load %arg7[%get3A_249] {strides = array<i32>} : memref<1024xi32, #tpu.memory_space<vmem>>, vector<16xi32>,
      %get3A_251 = vector.shape_cast %get3A_250 : vector<16xi32> to vector<16xi32>
      %gather3A_252 = tpu.vector_load_idx %arg6[%get3A_251] : memref<1024xi32, #tpu.memory_space<vmem>>[vector<16xi32>], vector<16xi32>,
      %get3A_253 = arith.constant 112 : index
      %get3A_254 = tpu.vector_load %arg8[%get3A_253] {strides = array<i32>} : memref<1024xi32, #tpu.memory_space<vmem>>, vector<16xi32>,
      %get3A_255 = vector.shape_cast %get3A_254 : vector<16xi32> to vector<16xi32>
      %gather3A_256 = tpu.vector_load_idx %arg6[%get3A_255] : memref<1024xi32, #tpu.memory_space<vmem>>[vector<16xi32>], vector<16xi32>,
      %min3A_257 = arith.minsi %gather3A_252, %gather3A_256 : vector<16xi32>
      %swap3A_258 = arith.constant 112 : index
      %swap3A_259 = tpu.vector_load %arg9[%swap3A_258] {strides = array<i32>} : memref<128xi32, #tpu.memory_space<vmem>>, vector<16xi32>,
      %swap3A_260 = vector.shape_cast %swap3A_259 : vector<16xi32> to vector<16xi32>
      %swap3A_261 = vector.shape_cast %min3A_257 : vector<16xi32> to vector<16xi32>
      tpu.vector_store %arg9[%swap3A_258], %swap3A_261 {strides = array<i32>} : memref<128xi32, #tpu.memory_space<vmem>>, vector<16xi32>,
      %max3A_262 = arith.maxsi %gather3A_252, %gather3A_256 : vector<16xi32>
      %add3A_263 = arith.constant 1024 : i32
      %add3A_264 = vector.broadcast %add3A_263 : i32 to vector<16xi32>
      %add3A_265 = arith.addi %max3A_262, %add3A_264 : vector<16xi32>
      %swap3A_266 = arith.constant 112 : index
      %swap3A_267 = tpu.vector_load %arg17[%swap3A_266] {strides = array<i32>} : memref<128xi32, #tpu.memory_space<vmem>>, vector<16xi32>,
      %swap3A_268 = vector.shape_cast %swap3A_267 : vector<16xi32> to vector<16xi32>
      %swap3A_269 = vector.shape_cast %add3A_265 : vector<16xi32> to vector<16xi32>
      tpu.vector_store %arg17[%swap3A_266], %swap3A_269 {strides = array<i32>} : memref<128xi32, #tpu.memory_space<vmem>>, vector<16xi32>,
      %get3A_270 = arith.constant 128 : index
      %get3A_271 = tpu.vector_load %arg7[%get3A_270] {strides = array<i32>} : memref<1024xi32, #tpu.memory_space<vmem>>, vector<16xi32>,
      %get3A_272 = vector.shape_cast %get3A_271 : vector<16xi32> to vector<16xi32>
      %gather3A_273 = tpu.vector_load_idx %arg6[%get3A_272] : memref<1024xi32, #tpu.memory_space<vmem>>[vector<16xi32>], vector<16xi32>,
      %get3A_274 = arith.constant 128 : index
      %get3A_275 = tpu.vector_load %arg8[%get3A_274] {strides = array<i32>} : memref<1024xi32, #tpu.memory_space<vmem>>, vector<16xi32>,
      %get3A_276 = vector.shape_cast %get3A_275 : vector<16xi32> to vector<16xi32>
      %gather3A_277 = tpu.vector_load_idx %arg6[%get3A_276] : memref<1024xi32, #tpu.memory_space<vmem>>[vector<16xi32>], vector<16xi32>,
      %min3A_278 = arith.minsi %gather3A_273, %gather3A_277 : vector<16xi32>
      %swap3A_279 = arith.constant 0 : index
      %swap3A_280 = tpu.vector_load %arg10[%swap3A_279] {strides = array<i32>} : memref<128xi32, #tpu.memory_space<vmem>>, vector<16xi32>,
      %swap3A_281 = vector.shape_cast %swap3A_280 : vector<16xi32> to vector<16xi32>
      %swap3A_282 = vector.shape_cast %min3A_278 : vector<16xi32> to vector<16xi32>
      tpu.vector_store %arg10[%swap3A_279], %swap3A_282 {strides = array<i32>} : memref<128xi32, #tpu.memory_space<vmem>>, vector<16xi32>,
      %max3A_283 = arith.maxsi %gather3A_273, %gather3A_277 : vector<16xi32>
      %add3A_284 = arith.constant 1024 : i32
      %add3A_285 = vector.broadcast %add3A_284 : i32 to vector<16xi32>
      %add3A_286 = arith.addi %max3A_283, %add3A_285 : vector<16xi32>
      %swap3A_287 = arith.constant 0 : index
      %swap3A_288 = tpu.vector_load %arg18[%swap3A_287] {strides = array<i32>} : memref<128xi32, #tpu.memory_space<vmem>>, vector<16xi32>,
      %swap3A_289 = vector.shape_cast %swap3A_288 : vector<16xi32> to vector<16xi32>
      %swap3A_290 = vector.shape_cast %add3A_286 : vector<16xi32> to vector<16xi32>
      tpu.vector_store %arg18[%swap3A_287], %swap3A_290 {strides = array<i32>} : memref<128xi32, #tpu.memory_space<vmem>>, vector<16xi32>,
      %get3A_291 = arith.constant 144 : index
      %get3A_292 = tpu.vector_load %arg7[%get3A_291] {strides = array<i32>} : memref<1024xi32, #tpu.memory_space<vmem>>, vector<16xi32>,
      %get3A_293 = vector.shape_cast %get3A_292 : vector<16xi32> to vector<16xi32>
      %gather3A_294 = tpu.vector_load_idx %arg6[%get3A_293] : memref<1024xi32, #tpu.memory_space<vmem>>[vector<16xi32>], vector<16xi32>,
      %get3A_295 = arith.constant 144 : index
      %get3A_296 = tpu.vector_load %arg8[%get3A_295] {strides = array<i32>} : memref<1024xi32, #tpu.memory_space<vmem>>, vector<16xi32>,
      %get3A_297 = vector.shape_cast %get3A_296 : vector<16xi32> to vector<16xi32>
      %gather3A_298 = tpu.vector_load_idx %arg6[%get3A_297] : memref<1024xi32, #tpu.memory_space<vmem>>[vector<16xi32>], vector<16xi32>,
      %min3A_299 = arith.minsi %gather3A_294, %gather3A_298 : vector<16xi32>
      %swap3A_300 = arith.constant 16 : index
      %swap3A_301 = tpu.vector_load %arg10[%swap3A_300] {strides = array<i32>} : memref<128xi32, #tpu.memory_space<vmem>>, vector<16xi32>,
      %swap3A_302 = vector.shape_cast %swap3A_301 : vector<16xi32> to vector<16xi32>
      %swap3A_303 = vector.shape_cast %min3A_299 : vector<16xi32> to vector<16xi32>
      tpu.vector_store %arg10[%swap3A_300], %swap3A_303 {strides = array<i32>} : memref<128xi32, #tpu.memory_space<vmem>>, vector<16xi32>,
      %max3A_304 = arith.maxsi %gather3A_294, %gather3A_298 : vector<16xi32>
      %add3A_305 = arith.constant 1024 : i32
      %add3A_306 = vector.broadcast %add3A_305 : i32 to vector<16xi32>
      %add3A_307 = arith.addi %max3A_304, %add3A_306 : vector<16xi32>
      %swap3A_308 = arith.constant 16 : index
      %swap3A_309 = tpu.vector_load %arg18[%swap3A_308] {strides = array<i32>} : memref<128xi32, #tpu.memory_space<vmem>>, vector<16xi32>,
      %swap3A_310 = vector.shape_cast %swap3A_309 : vector<16xi32> to vector<16xi32>
      %swap3A_311 = vector.shape_cast %add3A_307 : vector<16xi32> to vector<16xi32>
      tpu.vector_store %arg18[%swap3A_308], %swap3A_311 {strides = array<i32>} : memref<128xi32, #tpu.memory_space<vmem>>, vector<16xi32>,
      %get3A_312 = arith.constant 160 : index
      %get3A_313 = tpu.vector_load %arg7[%get3A_312] {strides = array<i32>} : memref<1024xi32, #tpu.memory_space<vmem>>, vector<16xi32>,
      %get3A_314 = vector.shape_cast %get3A_313 : vector<16xi32> to vector<16xi32>
      %gather3A_315 = tpu.vector_load_idx %arg6[%get3A_314] : memref<1024xi32, #tpu.memory_space<vmem>>[vector<16xi32>], vector<16xi32>,
      %get3A_316 = arith.constant 160 : index
      %get3A_317 = tpu.vector_load %arg8[%get3A_316] {strides = array<i32>} : memref<1024xi32, #tpu.memory_space<vmem>>, vector<16xi32>,
      %get3A_318 = vector.shape_cast %get3A_317 : vector<16xi32> to vector<16xi32>
      %gather3A_319 = tpu.vector_load_idx %arg6[%get3A_318] : memref<1024xi32, #tpu.memory_space<vmem>>[vector<16xi32>], vector<16xi32>,
      %min3A_320 = arith.minsi %gather3A_315, %gather3A_319 : vector<16xi32>
      %swap3A_321 = arith.constant 32 : index
      %swap3A_322 = tpu.vector_load %arg10[%swap3A_321] {strides = array<i32>} : memref<128xi32, #tpu.memory_space<vmem>>, vector<16xi32>,
      %swap3A_323 = vector.shape_cast %swap3A_322 : vector<16xi32> to vector<16xi32>
      %swap3A_324 = vector.shape_cast %min3A_320 : vector<16xi32> to vector<16xi32>
      tpu.vector_store %arg10[%swap3A_321], %swap3A_324 {strides = array<i32>} : memref<128xi32, #tpu.memory_space<vmem>>, vector<16xi32>,
      %max3A_325 = arith.maxsi %gather3A_315, %gather3A_319 : vector<16xi32>
      %add3A_326 = arith.constant 1024 : i32
      %add3A_327 = vector.broadcast %add3A_326 : i32 to vector<16xi32>
      %add3A_328 = arith.addi %max3A_325, %add3A_327 : vector<16xi32>
      %swap3A_329 = arith.constant 32 : index
      %swap3A_330 = tpu.vector_load %arg18[%swap3A_329] {strides = array<i32>} : memref<128xi32, #tpu.memory_space<vmem>>, vector<16xi32>,
      %swap3A_331 = vector.shape_cast %swap3A_330 : vector<16xi32> to vector<16xi32>
      %swap3A_332 = vector.shape_cast %add3A_328 : vector<16xi32> to vector<16xi32>
      tpu.vector_store %arg18[%swap3A_329], %swap3A_332 {strides = array<i32>} : memref<128xi32, #tpu.memory_space<vmem>>, vector<16xi32>,
      %get3A_333 = arith.constant 176 : index
      %get3A_334 = tpu.vector_load %arg7[%get3A_333] {strides = array<i32>} : memref<1024xi32, #tpu.memory_space<vmem>>, vector<16xi32>,
      %get3A_335 = vector.shape_cast %get3A_334 : vector<16xi32> to vector<16xi32>
      %gather3A_336 = tpu.vector_load_idx %arg6[%get3A_335] : memref<1024xi32, #tpu.memory_space<vmem>>[vector<16xi32>], vector<16xi32>,
      %get3A_337 = arith.constant 176 : index
      %get3A_338 = tpu.vector_load %arg8[%get3A_337] {strides = array<i32>} : memref<1024xi32, #tpu.memory_space<vmem>>, vector<16xi32>,
      %get3A_339 = vector.shape_cast %get3A_338 : vector<16xi32> to vector<16xi32>
      %gather3A_340 = tpu.vector_load_idx %arg6[%get3A_339] : memref<1024xi32, #tpu.memory_space<vmem>>[vector<16xi32>], vector<16xi32>,
      %min3A_341 = arith.minsi %gather3A_336, %gather3A_340 : vector<16xi32>
      %swap3A_342 = arith.constant 48 : index
      %swap3A_343 = tpu.vector_load %arg10[%swap3A_342] {strides = array<i32>} : memref<128xi32, #tpu.memory_space<vmem>>, vector<16xi32>,
      %swap3A_344 = vector.shape_cast %swap3A_343 : vector<16xi32> to vector<16xi32>
      %swap3A_345 = vector.shape_cast %min3A_341 : vector<16xi32> to vector<16xi32>
      tpu.vector_store %arg10[%swap3A_342], %swap3A_345 {strides = array<i32>} : memref<128xi32, #tpu.memory_space<vmem>>, vector<16xi32>,
      %max3A_346 = arith.maxsi %gather3A_336, %gather3A_340 : vector<16xi32>
      %add3A_347 = arith.constant 1024 : i32
      %add3A_348 = vector.broadcast %add3A_347 : i32 to vector<16xi32>
      %add3A_349 = arith.addi %max3A_346, %add3A_348 : vector<16xi32>
      %swap3A_350 = arith.constant 48 : index
      %swap3A_351 = tpu.vector_load %arg18[%swap3A_350] {strides = array<i32>} : memref<128xi32, #tpu.memory_space<vmem>>, vector<16xi32>,
      %swap3A_352 = vector.shape_cast %swap3A_351 : vector<16xi32> to vector<16xi32>
      %swap3A_353 = vector.shape_cast %add3A_349 : vector<16xi32> to vector<16xi32>
      tpu.vector_store %arg18[%swap3A_350], %swap3A_353 {strides = array<i32>} : memref<128xi32, #tpu.memory_space<vmem>>, vector<16xi32>,
      %get3A_354 = arith.constant 192 : index
      %get3A_355 = tpu.vector_load %arg7[%get3A_354] {strides = array<i32>} : memref<1024xi32, #tpu.memory_space<vmem>>, vector<16xi32>,
      %get3A_356 = vector.shape_cast %get3A_355 : vector<16xi32> to vector<16xi32>
      %gather3A_357 = tpu.vector_load_idx %arg6[%get3A_356] : memref<1024xi32, #tpu.memory_space<vmem>>[vector<16xi32>], vector<16xi32>,
      %get3A_358 = arith.constant 192 : index
      %get3A_359 = tpu.vector_load %arg8[%get3A_358] {strides = array<i32>} : memref<1024xi32, #tpu.memory_space<vmem>>, vector<16xi32>,
      %get3A_360 = vector.shape_cast %get3A_359 : vector<16xi32> to vector<16xi32>
      %gather3A_361 = tpu.vector_load_idx %arg6[%get3A_360] : memref<1024xi32, #tpu.memory_space<vmem>>[vector<16xi32>], vector<16xi32>,
      %min3A_362 = arith.minsi %gather3A_357, %gather3A_361 : vector<16xi32>
      %swap3A_363 = arith.constant 64 : index
      %swap3A_364 = tpu.vector_load %arg10[%swap3A_363] {strides = array<i32>} : memref<128xi32, #tpu.memory_space<vmem>>, vector<16xi32>,
      %swap3A_365 = vector.shape_cast %swap3A_364 : vector<16xi32> to vector<16xi32>
      %swap3A_366 = vector.shape_cast %min3A_362 : vector<16xi32> to vector<16xi32>
      tpu.vector_store %arg10[%swap3A_363], %swap3A_366 {strides = array<i32>} : memref<128xi32, #tpu.memory_space<vmem>>, vector<16xi32>,
      %max3A_367 = arith.maxsi %gather3A_357, %gather3A_361 : vector<16xi32>
      %add3A_368 = arith.constant 1024 : i32
      %add3A_369 = vector.broadcast %add3A_368 : i32 to vector<16xi32>
      %add3A_370 = arith.addi %max3A_367, %add3A_369 : vector<16xi32>
      %swap3A_371 = arith.constant 64 : index
      %swap3A_372 = tpu.vector_load %arg18[%swap3A_371] {strides = array<i32>} : memref<128xi32, #tpu.memory_space<vmem>>, vector<16xi32>,
      %swap3A_373 = vector.shape_cast %swap3A_372 : vector<16xi32> to vector<16xi32>
      %swap3A_374 = vector.shape_cast %add3A_370 : vector<16xi32> to vector<16xi32>
      tpu.vector_store %arg18[%swap3A_371], %swap3A_374 {strides = array<i32>} : memref<128xi32, #tpu.memory_space<vmem>>, vector<16xi32>,
      %get3A_375 = arith.constant 208 : index
      %get3A_376 = tpu.vector_load %arg7[%get3A_375] {strides = array<i32>} : memref<1024xi32, #tpu.memory_space<vmem>>, vector<16xi32>,
      %get3A_377 = vector.shape_cast %get3A_376 : vector<16xi32> to vector<16xi32>
      %gather3A_378 = tpu.vector_load_idx %arg6[%get3A_377] : memref<1024xi32, #tpu.memory_space<vmem>>[vector<16xi32>], vector<16xi32>,
      %get3A_379 = arith.constant 208 : index
      %get3A_380 = tpu.vector_load %arg8[%get3A_379] {strides = array<i32>} : memref<1024xi32, #tpu.memory_space<vmem>>, vector<16xi32>,
      %get3A_381 = vector.shape_cast %get3A_380 : vector<16xi32> to vector<16xi32>
      %gather3A_382 = tpu.vector_load_idx %arg6[%get3A_381] : memref<1024xi32, #tpu.memory_space<vmem>>[vector<16xi32>], vector<16xi32>,
      %min3A_383 = arith.minsi %gather3A_378, %gather3A_382 : vector<16xi32>
      %swap3A_384 = arith.constant 80 : index
      %swap3A_385 = tpu.vector_load %arg10[%swap3A_384] {strides = array<i32>} : memref<128xi32, #tpu.memory_space<vmem>>, vector<16xi32>,
      %swap3A_386 = vector.shape_cast %swap3A_385 : vector<16xi32> to vector<16xi32>
      %swap3A_387 = vector.shape_cast %min3A_383 : vector<16xi32> to vector<16xi32>
      tpu.vector_store %arg10[%swap3A_384], %swap3A_387 {strides = array<i32>} : memref<128xi32, #tpu.memory_space<vmem>>, vector<16xi32>,
      %max3A_388 = arith.maxsi %gather3A_378, %gather3A_382 : vector<16xi32>
      %add3A_389 = arith.constant 1024 : i32
      %add3A_390 = vector.broadcast %add3A_389 : i32 to vector<16xi32>
      %add3A_391 = arith.addi %max3A_388, %add3A_390 : vector<16xi32>
      %swap3A_392 = arith.constant 80 : index
      %swap3A_393 = tpu.vector_load %arg18[%swap3A_392] {strides = array<i32>} : memref<128xi32, #tpu.memory_space<vmem>>, vector<16xi32>,
      %swap3A_394 = vector.shape_cast %swap3A_393 : vector<16xi32> to vector<16xi32>
      %swap3A_395 = vector.shape_cast %add3A_391 : vector<16xi32> to vector<16xi32>
      tpu.vector_store %arg18[%swap3A_392], %swap3A_395 {strides = array<i32>} : memref<128xi32, #tpu.memory_space<vmem>>, vector<16xi32>,
      %get3A_396 = arith.constant 224 : index
      %get3A_397 = tpu.vector_load %arg7[%get3A_396] {strides = array<i32>} : memref<1024xi32, #tpu.memory_space<vmem>>, vector<16xi32>,
      %get3A_398 = vector.shape_cast %get3A_397 : vector<16xi32> to vector<16xi32>
      %gather3A_399 = tpu.vector_load_idx %arg6[%get3A_398] : memref<1024xi32, #tpu.memory_space<vmem>>[vector<16xi32>], vector<16xi32>,
      %get3A_400 = arith.constant 224 : index
      %get3A_401 = tpu.vector_load %arg8[%get3A_400] {strides = array<i32>} : memref<1024xi32, #tpu.memory_space<vmem>>, vector<16xi32>,
      %get3A_402 = vector.shape_cast %get3A_401 : vector<16xi32> to vector<16xi32>
      %gather3A_403 = tpu.vector_load_idx %arg6[%get3A_402] : memref<1024xi32, #tpu.memory_space<vmem>>[vector<16xi32>], vector<16xi32>,
      %min3A_404 = arith.minsi %gather3A_399, %gather3A_403 : vector<16xi32>
      %swap3A_405 = arith.constant 96 : index
      %swap3A_406 = tpu.vector_load %arg10[%swap3A_405] {strides = array<i32>} : memref<128xi32, #tpu.memory_space<vmem>>, vector<16xi32>,
      %swap3A_407 = vector.shape_cast %swap3A_406 : vector<16xi32> to vector<16xi32>
      %swap3A_408 = vector.shape_cast %min3A_404 : vector<16xi32> to vector<16xi32>
      tpu.vector_store %arg10[%swap3A_405], %swap3A_408 {strides = array<i32>} : memref<128xi32, #tpu.memory_space<vmem>>, vector<16xi32>,
      %max3A_409 = arith.maxsi %gather3A_399, %gather3A_403 : vector<16xi32>
      %add3A_410 = arith.constant 1024 : i32
      %add3A_411 = vector.broadcast %add3A_410 : i32 to vector<16xi32>
      %add3A_412 = arith.addi %max3A_409, %add3A_411 : vector<16xi32>
      %swap3A_413 = arith.constant 96 : index
      %swap3A_414 = tpu.vector_load %arg18[%swap3A_413] {strides = array<i32>} : memref<128xi32, #tpu.memory_space<vmem>>, vector<16xi32>,
      %swap3A_415 = vector.shape_cast %swap3A_414 : vector<16xi32> to vector<16xi32>
      %swap3A_416 = vector.shape_cast %add3A_412 : vector<16xi32> to vector<16xi32>
      tpu.vector_store %arg18[%swap3A_413], %swap3A_416 {strides = array<i32>} : memref<128xi32, #tpu.memory_space<vmem>>, vector<16xi32>,
      %get3A_417 = arith.constant 240 : index
      %get3A_418 = tpu.vector_load %arg7[%get3A_417] {strides = array<i32>} : memref<1024xi32, #tpu.memory_space<vmem>>, vector<16xi32>,
      %get3A_419 = vector.shape_cast %get3A_418 : vector<16xi32> to vector<16xi32>
      %gather3A_420 = tpu.vector_load_idx %arg6[%get3A_419] : memref<1024xi32, #tpu.memory_space<vmem>>[vector<16xi32>], vector<16xi32>,
      %get3A_421 = arith.constant 240 : index
      %get3A_422 = tpu.vector_load %arg8[%get3A_421] {strides = array<i32>} : memref<1024xi32, #tpu.memory_space<vmem>>, vector<16xi32>,
      %get3A_423 = vector.shape_cast %get3A_422 : vector<16xi32> to vector<16xi32>
      %gather3A_424 = tpu.vector_load_idx %arg6[%get3A_423] : memref<1024xi32, #tpu.memory_space<vmem>>[vector<16xi32>], vector<16xi32>,
      %min3A_425 = arith.minsi %gather3A_420, %gather3A_424 : vector<16xi32>
      %swap3A_426 = arith.constant 112 : index
      %swap3A_427 = tpu.vector_load %arg10[%swap3A_426] {strides = array<i32>} : memref<128xi32, #tpu.memory_space<vmem>>, vector<16xi32>,
      %swap3A_428 = vector.shape_cast %swap3A_427 : vector<16xi32> to vector<16xi32>
      %swap3A_429 = vector.shape_cast %min3A_425 : vector<16xi32> to vector<16xi32>
      tpu.vector_store %arg10[%swap3A_426], %swap3A_429 {strides = array<i32>} : memref<128xi32, #tpu.memory_space<vmem>>, vector<16xi32>,
      %max3A_430 = arith.maxsi %gather3A_420, %gather3A_424 : vector<16xi32>
      %add3A_431 = arith.constant 1024 : i32
      %add3A_432 = vector.broadcast %add3A_431 : i32 to vector<16xi32>
      %add3A_433 = arith.addi %max3A_430, %add3A_432 : vector<16xi32>
      %swap3A_434 = arith.constant 112 : index
      %swap3A_435 = tpu.vector_load %arg18[%swap3A_434] {strides = array<i32>} : memref<128xi32, #tpu.memory_space<vmem>>, vector<16xi32>,
      %swap3A_436 = vector.shape_cast %swap3A_435 : vector<16xi32> to vector<16xi32>
      %swap3A_437 = vector.shape_cast %add3A_433 : vector<16xi32> to vector<16xi32>
      tpu.vector_store %arg18[%swap3A_434], %swap3A_437 {strides = array<i32>} : memref<128xi32, #tpu.memory_space<vmem>>, vector<16xi32>,
      %get3A_438 = arith.constant 256 : index
      %get3A_439 = tpu.vector_load %arg7[%get3A_438] {strides = array<i32>} : memref<1024xi32, #tpu.memory_space<vmem>>, vector<16xi32>,
      %get3A_440 = vector.shape_cast %get3A_439 : vector<16xi32> to vector<16xi32>
      %gather3A_441 = tpu.vector_load_idx %arg6[%get3A_440] : memref<1024xi32, #tpu.memory_space<vmem>>[vector<16xi32>], vector<16xi32>,
      %get3A_442 = arith.constant 256 : index
      %get3A_443 = tpu.vector_load %arg8[%get3A_442] {strides = array<i32>} : memref<1024xi32, #tpu.memory_space<vmem>>, vector<16xi32>,
      %get3A_444 = vector.shape_cast %get3A_443 : vector<16xi32> to vector<16xi32>
      %gather3A_445 = tpu.vector_load_idx %arg6[%get3A_444] : memref<1024xi32, #tpu.memory_space<vmem>>[vector<16xi32>], vector<16xi32>,
      %min3A_446 = arith.minsi %gather3A_441, %gather3A_445 : vector<16xi32>
      %swap3A_447 = arith.constant 0 : index
      %swap3A_448 = tpu.vector_load %arg11[%swap3A_447] {strides = array<i32>} : memref<128xi32, #tpu.memory_space<vmem>>, vector<16xi32>,
      %swap3A_449 = vector.shape_cast %swap3A_448 : vector<16xi32> to vector<16xi32>
      %swap3A_450 = vector.shape_cast %min3A_446 : vector<16xi32> to vector<16xi32>
      tpu.vector_store %arg11[%swap3A_447], %swap3A_450 {strides = array<i32>} : memref<128xi32, #tpu.memory_space<vmem>>, vector<16xi32>,
      %max3A_451 = arith.maxsi %gather3A_441, %gather3A_445 : vector<16xi32>
      %add3A_452 = arith.constant 1024 : i32
      %add3A_453 = vector.broadcast %add3A_452 : i32 to vector<16xi32>
      %add3A_454 = arith.addi %max3A_451, %add3A_453 : vector<16xi32>
      %swap3A_455 = arith.constant 0 : index
      %swap3A_456 = tpu.vector_load %arg19[%swap3A_455] {strides = array<i32>} : memref<128xi32, #tpu.memory_space<vmem>>, vector<16xi32>,
      %swap3A_457 = vector.shape_cast %swap3A_456 : vector<16xi32> to vector<16xi32>
      %swap3A_458 = vector.shape_cast %add3A_454 : vector<16xi32> to vector<16xi32>
      tpu.vector_store %arg19[%swap3A_455], %swap3A_458 {strides = array<i32>} : memref<128xi32, #tpu.memory_space<vmem>>, vector<16xi32>,
      %get3A_459 = arith.constant 272 : index
      %get3A_460 = tpu.vector_load %arg7[%get3A_459] {strides = array<i32>} : memref<1024xi32, #tpu.memory_space<vmem>>, vector<16xi32>,
      %get3A_461 = vector.shape_cast %get3A_460 : vector<16xi32> to vector<16xi32>
      %gather3A_462 = tpu.vector_load_idx %arg6[%get3A_461] : memref<1024xi32, #tpu.memory_space<vmem>>[vector<16xi32>], vector<16xi32>,
      %get3A_463 = arith.constant 272 : index
      %get3A_464 = tpu.vector_load %arg8[%get3A_463] {strides = array<i32>} : memref<1024xi32, #tpu.memory_space<vmem>>, vector<16xi32>,
      %get3A_465 = vector.shape_cast %get3A_464 : vector<16xi32> to vector<16xi32>
      %gather3A_466 = tpu.vector_load_idx %arg6[%get3A_465] : memref<1024xi32, #tpu.memory_space<vmem>>[vector<16xi32>], vector<16xi32>,
      %min3A_467 = arith.minsi %gather3A_462, %gather3A_466 : vector<16xi32>
      %swap3A_468 = arith.constant 16 : index
      %swap3A_469 = tpu.vector_load %arg11[%swap3A_468] {strides = array<i32>} : memref<128xi32, #tpu.memory_space<vmem>>, vector<16xi32>,
      %swap3A_470 = vector.shape_cast %swap3A_469 : vector<16xi32> to vector<16xi32>
      %swap3A_471 = vector.shape_cast %min3A_467 : vector<16xi32> to vector<16xi32>
      tpu.vector_store %arg11[%swap3A_468], %swap3A_471 {strides = array<i32>} : memref<128xi32, #tpu.memory_space<vmem>>, vector<16xi32>,
      %max3A_472 = arith.maxsi %gather3A_462, %gather3A_466 : vector<16xi32>
      %add3A_473 = arith.constant 1024 : i32
      %add3A_474 = vector.broadcast %add3A_473 : i32 to vector<16xi32>
      %add3A_475 = arith.addi %max3A_472, %add3A_474 : vector<16xi32>
      %swap3A_476 = arith.constant 16 : index
      %swap3A_477 = tpu.vector_load %arg19[%swap3A_476] {strides = array<i32>} : memref<128xi32, #tpu.memory_space<vmem>>, vector<16xi32>,
      %swap3A_478 = vector.shape_cast %swap3A_477 : vector<16xi32> to vector<16xi32>
      %swap3A_479 = vector.shape_cast %add3A_475 : vector<16xi32> to vector<16xi32>
      tpu.vector_store %arg19[%swap3A_476], %swap3A_479 {strides = array<i32>} : memref<128xi32, #tpu.memory_space<vmem>>, vector<16xi32>,
      %get3A_480 = arith.constant 288 : index
      %get3A_481 = tpu.vector_load %arg7[%get3A_480] {strides = array<i32>} : memref<1024xi32, #tpu.memory_space<vmem>>, vector<16xi32>,
      %get3A_482 = vector.shape_cast %get3A_481 : vector<16xi32> to vector<16xi32>
      %gather3A_483 = tpu.vector_load_idx %arg6[%get3A_482] : memref<1024xi32, #tpu.memory_space<vmem>>[vector<16xi32>], vector<16xi32>,
      %get3A_484 = arith.constant 288 : index
      %get3A_485 = tpu.vector_load %arg8[%get3A_484] {strides = array<i32>} : memref<1024xi32, #tpu.memory_space<vmem>>, vector<16xi32>,
      %get3A_486 = vector.shape_cast %get3A_485 : vector<16xi32> to vector<16xi32>
      %gather3A_487 = tpu.vector_load_idx %arg6[%get3A_486] : memref<1024xi32, #tpu.memory_space<vmem>>[vector<16xi32>], vector<16xi32>,
      %min3A_488 = arith.minsi %gather3A_483, %gather3A_487 : vector<16xi32>
      %swap3A_489 = arith.constant 32 : index
      %swap3A_490 = tpu.vector_load %arg11[%swap3A_489] {strides = array<i32>} : memref<128xi32, #tpu.memory_space<vmem>>, vector<16xi32>,
      %swap3A_491 = vector.shape_cast %swap3A_490 : vector<16xi32> to vector<16xi32>
      %swap3A_492 = vector.shape_cast %min3A_488 : vector<16xi32> to vector<16xi32>
      tpu.vector_store %arg11[%swap3A_489], %swap3A_492 {strides = array<i32>} : memref<128xi32, #tpu.memory_space<vmem>>, vector<16xi32>,
      %max3A_493 = arith.maxsi %gather3A_483, %gather3A_487 : vector<16xi32>
      %add3A_494 = arith.constant 1024 : i32
      %add3A_495 = vector.broadcast %add3A_494 : i32 to vector<16xi32>
      %add3A_496 = arith.addi %max3A_493, %add3A_495 : vector<16xi32>
      %swap3A_497 = arith.constant 32 : index
      %swap3A_498 = tpu.vector_load %arg19[%swap3A_497] {strides = array<i32>} : memref<128xi32, #tpu.memory_space<vmem>>, vector<16xi32>,
      %swap3A_499 = vector.shape_cast %swap3A_498 : vector<16xi32> to vector<16xi32>
      %swap3A_500 = vector.shape_cast %add3A_496 : vector<16xi32> to vector<16xi32>
      tpu.vector_store %arg19[%swap3A_497], %swap3A_500 {strides = array<i32>} : memref<128xi32, #tpu.memory_space<vmem>>, vector<16xi32>,
      %get3A_501 = arith.constant 304 : index
      %get3A_502 = tpu.vector_load %arg7[%get3A_501] {strides = array<i32>} : memref<1024xi32, #tpu.memory_space<vmem>>, vector<16xi32>,
      %get3A_503 = vector.shape_cast %get3A_502 : vector<16xi32> to vector<16xi32>
      %gather3A_504 = tpu.vector_load_idx %arg6[%get3A_503] : memref<1024xi32, #tpu.memory_space<vmem>>[vector<16xi32>], vector<16xi32>,
      %get3A_505 = arith.constant 304 : index
      %get3A_506 = tpu.vector_load %arg8[%get3A_505] {strides = array<i32>} : memref<1024xi32, #tpu.memory_space<vmem>>, vector<16xi32>,
      %get3A_507 = vector.shape_cast %get3A_506 : vector<16xi32> to vector<16xi32>
      %gather3A_508 = tpu.vector_load_idx %arg6[%get3A_507] : memref<1024xi32, #tpu.memory_space<vmem>>[vector<16xi32>], vector<16xi32>,
      %min3A_509 = arith.minsi %gather3A_504, %gather3A_508 : vector<16xi32>
      %swap3A_510 = arith.constant 48 : index
      %swap3A_511 = tpu.vector_load %arg11[%swap3A_510] {strides = array<i32>} : memref<128xi32, #tpu.memory_space<vmem>>, vector<16xi32>,
      %swap3A_512 = vector.shape_cast %swap3A_511 : vector<16xi32> to vector<16xi32>
      %swap3A_513 = vector.shape_cast %min3A_509 : vector<16xi32> to vector<16xi32>
      tpu.vector_store %arg11[%swap3A_510], %swap3A_513 {strides = array<i32>} : memref<128xi32, #tpu.memory_space<vmem>>, vector<16xi32>,
      %max3A_514 = arith.maxsi %gather3A_504, %gather3A_508 : vector<16xi32>
      %add3A_515 = arith.constant 1024 : i32
      %add3A_516 = vector.broadcast %add3A_515 : i32 to vector<16xi32>
      %add3A_517 = arith.addi %max3A_514, %add3A_516 : vector<16xi32>
      %swap3A_518 = arith.constant 48 : index
      %swap3A_519 = tpu.vector_load %arg19[%swap3A_518] {strides = array<i32>} : memref<128xi32, #tpu.memory_space<vmem>>, vector<16xi32>,
      %swap3A_520 = vector.shape_cast %swap3A_519 : vector<16xi32> to vector<16xi32>
      %swap3A_521 = vector.shape_cast %add3A_517 : vector<16xi32> to vector<16xi32>
      tpu.vector_store %arg19[%swap3A_518], %swap3A_521 {strides = array<i32>} : memref<128xi32, #tpu.memory_space<vmem>>, vector<16xi32>,
      %get3A_522 = arith.constant 320 : index
      %get3A_523 = tpu.vector_load %arg7[%get3A_522] {strides = array<i32>} : memref<1024xi32, #tpu.memory_space<vmem>>, vector<16xi32>,
      %get3A_524 = vector.shape_cast %get3A_523 : vector<16xi32> to vector<16xi32>
      %gather3A_525 = tpu.vector_load_idx %arg6[%get3A_524] : memref<1024xi32, #tpu.memory_space<vmem>>[vector<16xi32>], vector<16xi32>,
      %get3A_526 = arith.constant 320 : index
      %get3A_527 = tpu.vector_load %arg8[%get3A_526] {strides = array<i32>} : memref<1024xi32, #tpu.memory_space<vmem>>, vector<16xi32>,
      %get3A_528 = vector.shape_cast %get3A_527 : vector<16xi32> to vector<16xi32>
      %gather3A_529 = tpu.vector_load_idx %arg6[%get3A_528] : memref<1024xi32, #tpu.memory_space<vmem>>[vector<16xi32>], vector<16xi32>,
      %min3A_530 = arith.minsi %gather3A_525, %gather3A_529 : vector<16xi32>
      %swap3A_531 = arith.constant 64 : index
      %swap3A_532 = tpu.vector_load %arg11[%swap3A_531] {strides = array<i32>} : memref<128xi32, #tpu.memory_space<vmem>>, vector<16xi32>,
      %swap3A_533 = vector.shape_cast %swap3A_532 : vector<16xi32> to vector<16xi32>
      %swap3A_534 = vector.shape_cast %min3A_530 : vector<16xi32> to vector<16xi32>
      tpu.vector_store %arg11[%swap3A_531], %swap3A_534 {strides = array<i32>} : memref<128xi32, #tpu.memory_space<vmem>>, vector<16xi32>,
      %max3A_535 = arith.maxsi %gather3A_525, %gather3A_529 : vector<16xi32>
      %add3A_536 = arith.constant 1024 : i32
      %add3A_537 = vector.broadcast %add3A_536 : i32 to vector<16xi32>
      %add3A_538 = arith.addi %max3A_535, %add3A_537 : vector<16xi32>
      %swap3A_539 = arith.constant 64 : index
      %swap3A_540 = tpu.vector_load %arg19[%swap3A_539] {strides = array<i32>} : memref<128xi32, #tpu.memory_space<vmem>>, vector<16xi32>,
      %swap3A_541 = vector.shape_cast %swap3A_540 : vector<16xi32> to vector<16xi32>
      %swap3A_542 = vector.shape_cast %add3A_538 : vector<16xi32> to vector<16xi32>
      tpu.vector_store %arg19[%swap3A_539], %swap3A_542 {strides = array<i32>} : memref<128xi32, #tpu.memory_space<vmem>>, vector<16xi32>,
      %get3A_543 = arith.constant 336 : index
      %get3A_544 = tpu.vector_load %arg7[%get3A_543] {strides = array<i32>} : memref<1024xi32, #tpu.memory_space<vmem>>, vector<16xi32>,
      %get3A_545 = vector.shape_cast %get3A_544 : vector<16xi32> to vector<16xi32>
      %gather3A_546 = tpu.vector_load_idx %arg6[%get3A_545] : memref<1024xi32, #tpu.memory_space<vmem>>[vector<16xi32>], vector<16xi32>,
      %get3A_547 = arith.constant 336 : index
      %get3A_548 = tpu.vector_load %arg8[%get3A_547] {strides = array<i32>} : memref<1024xi32, #tpu.memory_space<vmem>>, vector<16xi32>,
      %get3A_549 = vector.shape_cast %get3A_548 : vector<16xi32> to vector<16xi32>
      %gather3A_550 = tpu.vector_load_idx %arg6[%get3A_549] : memref<1024xi32, #tpu.memory_space<vmem>>[vector<16xi32>], vector<16xi32>,
      %min3A_551 = arith.minsi %gather3A_546, %gather3A_550 : vector<16xi32>
      %swap3A_552 = arith.constant 80 : index
      %swap3A_553 = tpu.vector_load %arg11[%swap3A_552] {strides = array<i32>} : memref<128xi32, #tpu.memory_space<vmem>>, vector<16xi32>,
      %swap3A_554 = vector.shape_cast %swap3A_553 : vector<16xi32> to vector<16xi32>
      %swap3A_555 = vector.shape_cast %min3A_551 : vector<16xi32> to vector<16xi32>
      tpu.vector_store %arg11[%swap3A_552], %swap3A_555 {strides = array<i32>} : memref<128xi32, #tpu.memory_space<vmem>>, vector<16xi32>,
      %max3A_556 = arith.maxsi %gather3A_546, %gather3A_550 : vector<16xi32>
      %add3A_557 = arith.constant 1024 : i32
      %add3A_558 = vector.broadcast %add3A_557 : i32 to vector<16xi32>
      %add3A_559 = arith.addi %max3A_556, %add3A_558 : vector<16xi32>
      %swap3A_560 = arith.constant 80 : index
      %swap3A_561 = tpu.vector_load %arg19[%swap3A_560] {strides = array<i32>} : memref<128xi32, #tpu.memory_space<vmem>>, vector<16xi32>,
      %swap3A_562 = vector.shape_cast %swap3A_561 : vector<16xi32> to vector<16xi32>
      %swap3A_563 = vector.shape_cast %add3A_559 : vector<16xi32> to vector<16xi32>
      tpu.vector_store %arg19[%swap3A_560], %swap3A_563 {strides = array<i32>} : memref<128xi32, #tpu.memory_space<vmem>>, vector<16xi32>,
      %get3A_564 = arith.constant 352 : index
      %get3A_565 = tpu.vector_load %arg7[%get3A_564] {strides = array<i32>} : memref<1024xi32, #tpu.memory_space<vmem>>, vector<16xi32>,
      %get3A_566 = vector.shape_cast %get3A_565 : vector<16xi32> to vector<16xi32>
      %gather3A_567 = tpu.vector_load_idx %arg6[%get3A_566] : memref<1024xi32, #tpu.memory_space<vmem>>[vector<16xi32>], vector<16xi32>,
      %get3A_568 = arith.constant 352 : index
      %get3A_569 = tpu.vector_load %arg8[%get3A_568] {strides = array<i32>} : memref<1024xi32, #tpu.memory_space<vmem>>, vector<16xi32>,
      %get3A_570 = vector.shape_cast %get3A_569 : vector<16xi32> to vector<16xi32>
      %gather3A_571 = tpu.vector_load_idx %arg6[%get3A_570] : memref<1024xi32, #tpu.memory_space<vmem>>[vector<16xi32>], vector<16xi32>,
      %min3A_572 = arith.minsi %gather3A_567, %gather3A_571 : vector<16xi32>
      %swap3A_573 = arith.constant 96 : index
      %swap3A_574 = tpu.vector_load %arg11[%swap3A_573] {strides = array<i32>} : memref<128xi32, #tpu.memory_space<vmem>>, vector<16xi32>,
      %swap3A_575 = vector.shape_cast %swap3A_574 : vector<16xi32> to vector<16xi32>
      %swap3A_576 = vector.shape_cast %min3A_572 : vector<16xi32> to vector<16xi32>
      tpu.vector_store %arg11[%swap3A_573], %swap3A_576 {strides = array<i32>} : memref<128xi32, #tpu.memory_space<vmem>>, vector<16xi32>,
      %max3A_577 = arith.maxsi %gather3A_567, %gather3A_571 : vector<16xi32>
      %add3A_578 = arith.constant 1024 : i32
      %add3A_579 = vector.broadcast %add3A_578 : i32 to vector<16xi32>
      %add3A_580 = arith.addi %max3A_577, %add3A_579 : vector<16xi32>
      %swap3A_581 = arith.constant 96 : index
      %swap3A_582 = tpu.vector_load %arg19[%swap3A_581] {strides = array<i32>} : memref<128xi32, #tpu.memory_space<vmem>>, vector<16xi32>,
      %swap3A_583 = vector.shape_cast %swap3A_582 : vector<16xi32> to vector<16xi32>
      %swap3A_584 = vector.shape_cast %add3A_580 : vector<16xi32> to vector<16xi32>
      tpu.vector_store %arg19[%swap3A_581], %swap3A_584 {strides = array<i32>} : memref<128xi32, #tpu.memory_space<vmem>>, vector<16xi32>,
      %get3A_585 = arith.constant 368 : index
      %get3A_586 = tpu.vector_load %arg7[%get3A_585] {strides = array<i32>} : memref<1024xi32, #tpu.memory_space<vmem>>, vector<16xi32>,
      %get3A_587 = vector.shape_cast %get3A_586 : vector<16xi32> to vector<16xi32>
      %gather3A_588 = tpu.vector_load_idx %arg6[%get3A_587] : memref<1024xi32, #tpu.memory_space<vmem>>[vector<16xi32>], vector<16xi32>,
      %get3A_589 = arith.constant 368 : index
      %get3A_590 = tpu.vector_load %arg8[%get3A_589] {strides = array<i32>} : memref<1024xi32, #tpu.memory_space<vmem>>, vector<16xi32>,
      %get3A_591 = vector.shape_cast %get3A_590 : vector<16xi32> to vector<16xi32>
      %gather3A_592 = tpu.vector_load_idx %arg6[%get3A_591] : memref<1024xi32, #tpu.memory_space<vmem>>[vector<16xi32>], vector<16xi32>,
      %min3A_593 = arith.minsi %gather3A_588, %gather3A_592 : vector<16xi32>
      %swap3A_594 = arith.constant 112 : index
      %swap3A_595 = tpu.vector_load %arg11[%swap3A_594] {strides = array<i32>} : memref<128xi32, #tpu.memory_space<vmem>>, vector<16xi32>,
      %swap3A_596 = vector.shape_cast %swap3A_595 : vector<16xi32> to vector<16xi32>
      %swap3A_597 = vector.shape_cast %min3A_593 : vector<16xi32> to vector<16xi32>
      tpu.vector_store %arg11[%swap3A_594], %swap3A_597 {strides = array<i32>} : memref<128xi32, #tpu.memory_space<vmem>>, vector<16xi32>,
      %max3A_598 = arith.maxsi %gather3A_588, %gather3A_592 : vector<16xi32>
      %add3A_599 = arith.constant 1024 : i32
      %add3A_600 = vector.broadcast %add3A_599 : i32 to vector<16xi32>
      %add3A_601 = arith.addi %max3A_598, %add3A_600 : vector<16xi32>
      %swap3A_602 = arith.constant 112 : index
      %swap3A_603 = tpu.vector_load %arg19[%swap3A_602] {strides = array<i32>} : memref<128xi32, #tpu.memory_space<vmem>>, vector<16xi32>,
      %swap3A_604 = vector.shape_cast %swap3A_603 : vector<16xi32> to vector<16xi32>
      %swap3A_605 = vector.shape_cast %add3A_601 : vector<16xi32> to vector<16xi32>
      tpu.vector_store %arg19[%swap3A_602], %swap3A_605 {strides = array<i32>} : memref<128xi32, #tpu.memory_space<vmem>>, vector<16xi32>,
      %get3A_606 = arith.constant 384 : index
      %get3A_607 = tpu.vector_load %arg7[%get3A_606] {strides = array<i32>} : memref<1024xi32, #tpu.memory_space<vmem>>, vector<16xi32>,
      %get3A_608 = vector.shape_cast %get3A_607 : vector<16xi32> to vector<16xi32>
      %gather3A_609 = tpu.vector_load_idx %arg6[%get3A_608] : memref<1024xi32, #tpu.memory_space<vmem>>[vector<16xi32>], vector<16xi32>,
      %get3A_610 = arith.constant 384 : index
      %get3A_611 = tpu.vector_load %arg8[%get3A_610] {strides = array<i32>} : memref<1024xi32, #tpu.memory_space<vmem>>, vector<16xi32>,
      %get3A_612 = vector.shape_cast %get3A_611 : vector<16xi32> to vector<16xi32>
      %gather3A_613 = tpu.vector_load_idx %arg6[%get3A_612] : memref<1024xi32, #tpu.memory_space<vmem>>[vector<16xi32>], vector<16xi32>,
      %min3A_614 = arith.minsi %gather3A_609, %gather3A_613 : vector<16xi32>
      %swap3A_615 = arith.constant 0 : index
      %swap3A_616 = tpu.vector_load %arg12[%swap3A_615] {strides = array<i32>} : memref<128xi32, #tpu.memory_space<vmem>>, vector<16xi32>,
      %swap3A_617 = vector.shape_cast %swap3A_616 : vector<16xi32> to vector<16xi32>
      %swap3A_618 = vector.shape_cast %min3A_614 : vector<16xi32> to vector<16xi32>
      tpu.vector_store %arg12[%swap3A_615], %swap3A_618 {strides = array<i32>} : memref<128xi32, #tpu.memory_space<vmem>>, vector<16xi32>,
      %max3A_619 = arith.maxsi %gather3A_609, %gather3A_613 : vector<16xi32>
      %add3A_620 = arith.constant 1024 : i32
      %add3A_621 = vector.broadcast %add3A_620 : i32 to vector<16xi32>
      %add3A_622 = arith.addi %max3A_619, %add3A_621 : vector<16xi32>
      %swap3A_623 = arith.constant 0 : index
      %swap3A_624 = tpu.vector_load %arg20[%swap3A_623] {strides = array<i32>} : memref<128xi32, #tpu.memory_space<vmem>>, vector<16xi32>,
      %swap3A_625 = vector.shape_cast %swap3A_624 : vector<16xi32> to vector<16xi32>
      %swap3A_626 = vector.shape_cast %add3A_622 : vector<16xi32> to vector<16xi32>
      tpu.vector_store %arg20[%swap3A_623], %swap3A_626 {strides = array<i32>} : memref<128xi32, #tpu.memory_space<vmem>>, vector<16xi32>,
      %get3A_627 = arith.constant 400 : index
      %get3A_628 = tpu.vector_load %arg7[%get3A_627] {strides = array<i32>} : memref<1024xi32, #tpu.memory_space<vmem>>, vector<16xi32>,
      %get3A_629 = vector.shape_cast %get3A_628 : vector<16xi32> to vector<16xi32>
      %gather3A_630 = tpu.vector_load_idx %arg6[%get3A_629] : memref<1024xi32, #tpu.memory_space<vmem>>[vector<16xi32>], vector<16xi32>,
      %get3A_631 = arith.constant 400 : index
      %get3A_632 = tpu.vector_load %arg8[%get3A_631] {strides = array<i32>} : memref<1024xi32, #tpu.memory_space<vmem>>, vector<16xi32>,
      %get3A_633 = vector.shape_cast %get3A_632 : vector<16xi32> to vector<16xi32>
      %gather3A_634 = tpu.vector_load_idx %arg6[%get3A_633] : memref<1024xi32, #tpu.memory_space<vmem>>[vector<16xi32>], vector<16xi32>,
      %min3A_635 = arith.minsi %gather3A_630, %gather3A_634 : vector<16xi32>
      %swap3A_636 = arith.constant 16 : index
      %swap3A_637 = tpu.vector_load %arg12[%swap3A_636] {strides = array<i32>} : memref<128xi32, #tpu.memory_space<vmem>>, vector<16xi32>,
      %swap3A_638 = vector.shape_cast %swap3A_637 : vector<16xi32> to vector<16xi32>
      %swap3A_639 = vector.shape_cast %min3A_635 : vector<16xi32> to vector<16xi32>
      tpu.vector_store %arg12[%swap3A_636], %swap3A_639 {strides = array<i32>} : memref<128xi32, #tpu.memory_space<vmem>>, vector<16xi32>,
      %max3A_640 = arith.maxsi %gather3A_630, %gather3A_634 : vector<16xi32>
      %add3A_641 = arith.constant 1024 : i32
      %add3A_642 = vector.broadcast %add3A_641 : i32 to vector<16xi32>
      %add3A_643 = arith.addi %max3A_640, %add3A_642 : vector<16xi32>
      %swap3A_644 = arith.constant 16 : index
      %swap3A_645 = tpu.vector_load %arg20[%swap3A_644] {strides = array<i32>} : memref<128xi32, #tpu.memory_space<vmem>>, vector<16xi32>,
      %swap3A_646 = vector.shape_cast %swap3A_645 : vector<16xi32> to vector<16xi32>
      %swap3A_647 = vector.shape_cast %add3A_643 : vector<16xi32> to vector<16xi32>
      tpu.vector_store %arg20[%swap3A_644], %swap3A_647 {strides = array<i32>} : memref<128xi32, #tpu.memory_space<vmem>>, vector<16xi32>,
      %get3A_648 = arith.constant 416 : index
      %get3A_649 = tpu.vector_load %arg7[%get3A_648] {strides = array<i32>} : memref<1024xi32, #tpu.memory_space<vmem>>, vector<16xi32>,
      %get3A_650 = vector.shape_cast %get3A_649 : vector<16xi32> to vector<16xi32>
      %gather3A_651 = tpu.vector_load_idx %arg6[%get3A_650] : memref<1024xi32, #tpu.memory_space<vmem>>[vector<16xi32>], vector<16xi32>,
      %get3A_652 = arith.constant 416 : index
      %get3A_653 = tpu.vector_load %arg8[%get3A_652] {strides = array<i32>} : memref<1024xi32, #tpu.memory_space<vmem>>, vector<16xi32>,
      %get3A_654 = vector.shape_cast %get3A_653 : vector<16xi32> to vector<16xi32>
      %gather3A_655 = tpu.vector_load_idx %arg6[%get3A_654] : memref<1024xi32, #tpu.memory_space<vmem>>[vector<16xi32>], vector<16xi32>,
      %min3A_656 = arith.minsi %gather3A_651, %gather3A_655 : vector<16xi32>
      %swap3A_657 = arith.constant 32 : index
      %swap3A_658 = tpu.vector_load %arg12[%swap3A_657] {strides = array<i32>} : memref<128xi32, #tpu.memory_space<vmem>>, vector<16xi32>,
      %swap3A_659 = vector.shape_cast %swap3A_658 : vector<16xi32> to vector<16xi32>
      %swap3A_660 = vector.shape_cast %min3A_656 : vector<16xi32> to vector<16xi32>
      tpu.vector_store %arg12[%swap3A_657], %swap3A_660 {strides = array<i32>} : memref<128xi32, #tpu.memory_space<vmem>>, vector<16xi32>,
      %max3A_661 = arith.maxsi %gather3A_651, %gather3A_655 : vector<16xi32>
      %add3A_662 = arith.constant 1024 : i32
      %add3A_663 = vector.broadcast %add3A_662 : i32 to vector<16xi32>
      %add3A_664 = arith.addi %max3A_661, %add3A_663 : vector<16xi32>
      %swap3A_665 = arith.constant 32 : index
      %swap3A_666 = tpu.vector_load %arg20[%swap3A_665] {strides = array<i32>} : memref<128xi32, #tpu.memory_space<vmem>>, vector<16xi32>,
      %swap3A_667 = vector.shape_cast %swap3A_666 : vector<16xi32> to vector<16xi32>
      %swap3A_668 = vector.shape_cast %add3A_664 : vector<16xi32> to vector<16xi32>
      tpu.vector_store %arg20[%swap3A_665], %swap3A_668 {strides = array<i32>} : memref<128xi32, #tpu.memory_space<vmem>>, vector<16xi32>,
      %get3A_669 = arith.constant 432 : index
      %get3A_670 = tpu.vector_load %arg7[%get3A_669] {strides = array<i32>} : memref<1024xi32, #tpu.memory_space<vmem>>, vector<16xi32>,
      %get3A_671 = vector.shape_cast %get3A_670 : vector<16xi32> to vector<16xi32>
      %gather3A_672 = tpu.vector_load_idx %arg6[%get3A_671] : memref<1024xi32, #tpu.memory_space<vmem>>[vector<16xi32>], vector<16xi32>,
      %get3A_673 = arith.constant 432 : index
      %get3A_674 = tpu.vector_load %arg8[%get3A_673] {strides = array<i32>} : memref<1024xi32, #tpu.memory_space<vmem>>, vector<16xi32>,
      %get3A_675 = vector.shape_cast %get3A_674 : vector<16xi32> to vector<16xi32>
      %gather3A_676 = tpu.vector_load_idx %arg6[%get3A_675] : memref<1024xi32, #tpu.memory_space<vmem>>[vector<16xi32>], vector<16xi32>,
      %min3A_677 = arith.minsi %gather3A_672, %gather3A_676 : vector<16xi32>
      %swap3A_678 = arith.constant 48 : index
      %swap3A_679 = tpu.vector_load %arg12[%swap3A_678] {strides = array<i32>} : memref<128xi32, #tpu.memory_space<vmem>>, vector<16xi32>,
      %swap3A_680 = vector.shape_cast %swap3A_679 : vector<16xi32> to vector<16xi32>
      %swap3A_681 = vector.shape_cast %min3A_677 : vector<16xi32> to vector<16xi32>
      tpu.vector_store %arg12[%swap3A_678], %swap3A_681 {strides = array<i32>} : memref<128xi32, #tpu.memory_space<vmem>>, vector<16xi32>,
      %max3A_682 = arith.maxsi %gather3A_672, %gather3A_676 : vector<16xi32>
      %add3A_683 = arith.constant 1024 : i32
      %add3A_684 = vector.broadcast %add3A_683 : i32 to vector<16xi32>
      %add3A_685 = arith.addi %max3A_682, %add3A_684 : vector<16xi32>
      %swap3A_686 = arith.constant 48 : index
      %swap3A_687 = tpu.vector_load %arg20[%swap3A_686] {strides = array<i32>} : memref<128xi32, #tpu.memory_space<vmem>>, vector<16xi32>,
      %swap3A_688 = vector.shape_cast %swap3A_687 : vector<16xi32> to vector<16xi32>
      %swap3A_689 = vector.shape_cast %add3A_685 : vector<16xi32> to vector<16xi32>
      tpu.vector_store %arg20[%swap3A_686], %swap3A_689 {strides = array<i32>} : memref<128xi32, #tpu.memory_space<vmem>>, vector<16xi32>,
      %get3A_690 = arith.constant 448 : index
      %get3A_691 = tpu.vector_load %arg7[%get3A_690] {strides = array<i32>} : memref<1024xi32, #tpu.memory_space<vmem>>, vector<16xi32>,
      %get3A_692 = vector.shape_cast %get3A_691 : vector<16xi32> to vector<16xi32>
      %gather3A_693 = tpu.vector_load_idx %arg6[%get3A_692] : memref<1024xi32, #tpu.memory_space<vmem>>[vector<16xi32>], vector<16xi32>,
      %get3A_694 = arith.constant 448 : index
      %get3A_695 = tpu.vector_load %arg8[%get3A_694] {strides = array<i32>} : memref<1024xi32, #tpu.memory_space<vmem>>, vector<16xi32>,
      %get3A_696 = vector.shape_cast %get3A_695 : vector<16xi32> to vector<16xi32>
      %gather3A_697 = tpu.vector_load_idx %arg6[%get3A_696] : memref<1024xi32, #tpu.memory_space<vmem>>[vector<16xi32>], vector<16xi32>,
      %min3A_698 = arith.minsi %gather3A_693, %gather3A_697 : vector<16xi32>
      %swap3A_699 = arith.constant 64 : index
      %swap3A_700 = tpu.vector_load %arg12[%swap3A_699] {strides = array<i32>} : memref<128xi32, #tpu.memory_space<vmem>>, vector<16xi32>,
      %swap3A_701 = vector.shape_cast %swap3A_700 : vector<16xi32> to vector<16xi32>
      %swap3A_702 = vector.shape_cast %min3A_698 : vector<16xi32> to vector<16xi32>
      tpu.vector_store %arg12[%swap3A_699], %swap3A_702 {strides = array<i32>} : memref<128xi32, #tpu.memory_space<vmem>>, vector<16xi32>,
      %max3A_703 = arith.maxsi %gather3A_693, %gather3A_697 : vector<16xi32>
      %add3A_704 = arith.constant 1024 : i32
      %add3A_705 = vector.broadcast %add3A_704 : i32 to vector<16xi32>
      %add3A_706 = arith.addi %max3A_703, %add3A_705 : vector<16xi32>
      %swap3A_707 = arith.constant 64 : index
      %swap3A_708 = tpu.vector_load %arg20[%swap3A_707] {strides = array<i32>} : memref<128xi32, #tpu.memory_space<vmem>>, vector<16xi32>,
      %swap3A_709 = vector.shape_cast %swap3A_708 : vector<16xi32> to vector<16xi32>
      %swap3A_710 = vector.shape_cast %add3A_706 : vector<16xi32> to vector<16xi32>
      tpu.vector_store %arg20[%swap3A_707], %swap3A_710 {strides = array<i32>} : memref<128xi32, #tpu.memory_space<vmem>>, vector<16xi32>,
      %get3A_711 = arith.constant 464 : index
      %get3A_712 = tpu.vector_load %arg7[%get3A_711] {strides = array<i32>} : memref<1024xi32, #tpu.memory_space<vmem>>, vector<16xi32>,
      %get3A_713 = vector.shape_cast %get3A_712 : vector<16xi32> to vector<16xi32>
      %gather3A_714 = tpu.vector_load_idx %arg6[%get3A_713] : memref<1024xi32, #tpu.memory_space<vmem>>[vector<16xi32>], vector<16xi32>,
      %get3A_715 = arith.constant 464 : index
      %get3A_716 = tpu.vector_load %arg8[%get3A_715] {strides = array<i32>} : memref<1024xi32, #tpu.memory_space<vmem>>, vector<16xi32>,
      %get3A_717 = vector.shape_cast %get3A_716 : vector<16xi32> to vector<16xi32>
      %gather3A_718 = tpu.vector_load_idx %arg6[%get3A_717] : memref<1024xi32, #tpu.memory_space<vmem>>[vector<16xi32>], vector<16xi32>,
      %min3A_719 = arith.minsi %gather3A_714, %gather3A_718 : vector<16xi32>
      %swap3A_720 = arith.constant 80 : index
      %swap3A_721 = tpu.vector_load %arg12[%swap3A_720] {strides = array<i32>} : memref<128xi32, #tpu.memory_space<vmem>>, vector<16xi32>,
      %swap3A_722 = vector.shape_cast %swap3A_721 : vector<16xi32> to vector<16xi32>
      %swap3A_723 = vector.shape_cast %min3A_719 : vector<16xi32> to vector<16xi32>
      tpu.vector_store %arg12[%swap3A_720], %swap3A_723 {strides = array<i32>} : memref<128xi32, #tpu.memory_space<vmem>>, vector<16xi32>,
      %max3A_724 = arith.maxsi %gather3A_714, %gather3A_718 : vector<16xi32>
      %add3A_725 = arith.constant 1024 : i32
      %add3A_726 = vector.broadcast %add3A_725 : i32 to vector<16xi32>
      %add3A_727 = arith.addi %max3A_724, %add3A_726 : vector<16xi32>
      %swap3A_728 = arith.constant 80 : index
      %swap3A_729 = tpu.vector_load %arg20[%swap3A_728] {strides = array<i32>} : memref<128xi32, #tpu.memory_space<vmem>>, vector<16xi32>,
      %swap3A_730 = vector.shape_cast %swap3A_729 : vector<16xi32> to vector<16xi32>
      %swap3A_731 = vector.shape_cast %add3A_727 : vector<16xi32> to vector<16xi32>
      tpu.vector_store %arg20[%swap3A_728], %swap3A_731 {strides = array<i32>} : memref<128xi32, #tpu.memory_space<vmem>>, vector<16xi32>,
      %get3A_732 = arith.constant 480 : index
      %get3A_733 = tpu.vector_load %arg7[%get3A_732] {strides = array<i32>} : memref<1024xi32, #tpu.memory_space<vmem>>, vector<16xi32>,
      %get3A_734 = vector.shape_cast %get3A_733 : vector<16xi32> to vector<16xi32>
      %gather3A_735 = tpu.vector_load_idx %arg6[%get3A_734] : memref<1024xi32, #tpu.memory_space<vmem>>[vector<16xi32>], vector<16xi32>,
      %get3A_736 = arith.constant 480 : index
      %get3A_737 = tpu.vector_load %arg8[%get3A_736] {strides = array<i32>} : memref<1024xi32, #tpu.memory_space<vmem>>, vector<16xi32>,
      %get3A_738 = vector.shape_cast %get3A_737 : vector<16xi32> to vector<16xi32>
      %gather3A_739 = tpu.vector_load_idx %arg6[%get3A_738] : memref<1024xi32, #tpu.memory_space<vmem>>[vector<16xi32>], vector<16xi32>,
      %min3A_740 = arith.minsi %gather3A_735, %gather3A_739 : vector<16xi32>
      %swap3A_741 = arith.constant 96 : index
      %swap3A_742 = tpu.vector_load %arg12[%swap3A_741] {strides = array<i32>} : memref<128xi32, #tpu.memory_space<vmem>>, vector<16xi32>,
      %swap3A_743 = vector.shape_cast %swap3A_742 : vector<16xi32> to vector<16xi32>
      %swap3A_744 = vector.shape_cast %min3A_740 : vector<16xi32> to vector<16xi32>
      tpu.vector_store %arg12[%swap3A_741], %swap3A_744 {strides = array<i32>} : memref<128xi32, #tpu.memory_space<vmem>>, vector<16xi32>,
      %max3A_745 = arith.maxsi %gather3A_735, %gather3A_739 : vector<16xi32>
      %add3A_746 = arith.constant 1024 : i32
      %add3A_747 = vector.broadcast %add3A_746 : i32 to vector<16xi32>
      %add3A_748 = arith.addi %max3A_745, %add3A_747 : vector<16xi32>
      %swap3A_749 = arith.constant 96 : index
      %swap3A_750 = tpu.vector_load %arg20[%swap3A_749] {strides = array<i32>} : memref<128xi32, #tpu.memory_space<vmem>>, vector<16xi32>,
      %swap3A_751 = vector.shape_cast %swap3A_750 : vector<16xi32> to vector<16xi32>
      %swap3A_752 = vector.shape_cast %add3A_748 : vector<16xi32> to vector<16xi32>
      tpu.vector_store %arg20[%swap3A_749], %swap3A_752 {strides = array<i32>} : memref<128xi32, #tpu.memory_space<vmem>>, vector<16xi32>,
      %get3A_753 = arith.constant 496 : index
      %get3A_754 = tpu.vector_load %arg7[%get3A_753] {strides = array<i32>} : memref<1024xi32, #tpu.memory_space<vmem>>, vector<16xi32>,
      %get3A_755 = vector.shape_cast %get3A_754 : vector<16xi32> to vector<16xi32>
      %gather3A_756 = tpu.vector_load_idx %arg6[%get3A_755] : memref<1024xi32, #tpu.memory_space<vmem>>[vector<16xi32>], vector<16xi32>,
      %get3A_757 = arith.constant 496 : index
      %get3A_758 = tpu.vector_load %arg8[%get3A_757] {strides = array<i32>} : memref<1024xi32, #tpu.memory_space<vmem>>, vector<16xi32>,
      %get3A_759 = vector.shape_cast %get3A_758 : vector<16xi32> to vector<16xi32>
      %gather3A_760 = tpu.vector_load_idx %arg6[%get3A_759] : memref<1024xi32, #tpu.memory_space<vmem>>[vector<16xi32>], vector<16xi32>,
      %min3A_761 = arith.minsi %gather3A_756, %gather3A_760 : vector<16xi32>
      %swap3A_762 = arith.constant 112 : index
      %swap3A_763 = tpu.vector_load %arg12[%swap3A_762] {strides = array<i32>} : memref<128xi32, #tpu.memory_space<vmem>>, vector<16xi32>,
      %swap3A_764 = vector.shape_cast %swap3A_763 : vector<16xi32> to vector<16xi32>
      %swap3A_765 = vector.shape_cast %min3A_761 : vector<16xi32> to vector<16xi32>
      tpu.vector_store %arg12[%swap3A_762], %swap3A_765 {strides = array<i32>} : memref<128xi32, #tpu.memory_space<vmem>>, vector<16xi32>,
      %max3A_766 = arith.maxsi %gather3A_756, %gather3A_760 : vector<16xi32>
      %add3A_767 = arith.constant 1024 : i32
      %add3A_768 = vector.broadcast %add3A_767 : i32 to vector<16xi32>
      %add3A_769 = arith.addi %max3A_766, %add3A_768 : vector<16xi32>
      %swap3A_770 = arith.constant 112 : index
      %swap3A_771 = tpu.vector_load %arg20[%swap3A_770] {strides = array<i32>} : memref<128xi32, #tpu.memory_space<vmem>>, vector<16xi32>,
      %swap3A_772 = vector.shape_cast %swap3A_771 : vector<16xi32> to vector<16xi32>
      %swap3A_773 = vector.shape_cast %add3A_769 : vector<16xi32> to vector<16xi32>
      tpu.vector_store %arg20[%swap3A_770], %swap3A_773 {strides = array<i32>} : memref<128xi32, #tpu.memory_space<vmem>>, vector<16xi32>,
      %get3A_774 = arith.constant 512 : index
      %get3A_775 = tpu.vector_load %arg7[%get3A_774] {strides = array<i32>} : memref<1024xi32, #tpu.memory_space<vmem>>, vector<16xi32>,
      %get3A_776 = vector.shape_cast %get3A_775 : vector<16xi32> to vector<16xi32>
      %gather3A_777 = tpu.vector_load_idx %arg6[%get3A_776] : memref<1024xi32, #tpu.memory_space<vmem>>[vector<16xi32>], vector<16xi32>,
      %get3A_778 = arith.constant 512 : index
      %get3A_779 = tpu.vector_load %arg8[%get3A_778] {strides = array<i32>} : memref<1024xi32, #tpu.memory_space<vmem>>, vector<16xi32>,
      %get3A_780 = vector.shape_cast %get3A_779 : vector<16xi32> to vector<16xi32>
      %gather3A_781 = tpu.vector_load_idx %arg6[%get3A_780] : memref<1024xi32, #tpu.memory_space<vmem>>[vector<16xi32>], vector<16xi32>,
      %min3A_782 = arith.minsi %gather3A_777, %gather3A_781 : vector<16xi32>
      %swap3A_783 = arith.constant 0 : index
      %swap3A_784 = tpu.vector_load %arg13[%swap3A_783] {strides = array<i32>} : memref<128xi32, #tpu.memory_space<vmem>>, vector<16xi32>,
      %swap3A_785 = vector.shape_cast %swap3A_784 : vector<16xi32> to vector<16xi32>
      %swap3A_786 = vector.shape_cast %min3A_782 : vector<16xi32> to vector<16xi32>
      tpu.vector_store %arg13[%swap3A_783], %swap3A_786 {strides = array<i32>} : memref<128xi32, #tpu.memory_space<vmem>>, vector<16xi32>,
      %max3A_787 = arith.maxsi %gather3A_777, %gather3A_781 : vector<16xi32>
      %add3A_788 = arith.constant 1024 : i32
      %add3A_789 = vector.broadcast %add3A_788 : i32 to vector<16xi32>
      %add3A_790 = arith.addi %max3A_787, %add3A_789 : vector<16xi32>
      %swap3A_791 = arith.constant 0 : index
      %swap3A_792 = tpu.vector_load %arg21[%swap3A_791] {strides = array<i32>} : memref<128xi32, #tpu.memory_space<vmem>>, vector<16xi32>,
      %swap3A_793 = vector.shape_cast %swap3A_792 : vector<16xi32> to vector<16xi32>
      %swap3A_794 = vector.shape_cast %add3A_790 : vector<16xi32> to vector<16xi32>
      tpu.vector_store %arg21[%swap3A_791], %swap3A_794 {strides = array<i32>} : memref<128xi32, #tpu.memory_space<vmem>>, vector<16xi32>,
      %get3A_795 = arith.constant 528 : index
      %get3A_796 = tpu.vector_load %arg7[%get3A_795] {strides = array<i32>} : memref<1024xi32, #tpu.memory_space<vmem>>, vector<16xi32>,
      %get3A_797 = vector.shape_cast %get3A_796 : vector<16xi32> to vector<16xi32>
      %gather3A_798 = tpu.vector_load_idx %arg6[%get3A_797] : memref<1024xi32, #tpu.memory_space<vmem>>[vector<16xi32>], vector<16xi32>,
      %get3A_799 = arith.constant 528 : index
      %get3A_800 = tpu.vector_load %arg8[%get3A_799] {strides = array<i32>} : memref<1024xi32, #tpu.memory_space<vmem>>, vector<16xi32>,
      %get3A_801 = vector.shape_cast %get3A_800 : vector<16xi32> to vector<16xi32>
      %gather3A_802 = tpu.vector_load_idx %arg6[%get3A_801] : memref<1024xi32, #tpu.memory_space<vmem>>[vector<16xi32>], vector<16xi32>,
      %min3A_803 = arith.minsi %gather3A_798, %gather3A_802 : vector<16xi32>
      %swap3A_804 = arith.constant 16 : index
      %swap3A_805 = tpu.vector_load %arg13[%swap3A_804] {strides = array<i32>} : memref<128xi32, #tpu.memory_space<vmem>>, vector<16xi32>,
      %swap3A_806 = vector.shape_cast %swap3A_805 : vector<16xi32> to vector<16xi32>
      %swap3A_807 = vector.shape_cast %min3A_803 : vector<16xi32> to vector<16xi32>
      tpu.vector_store %arg13[%swap3A_804], %swap3A_807 {strides = array<i32>} : memref<128xi32, #tpu.memory_space<vmem>>, vector<16xi32>,
      %max3A_808 = arith.maxsi %gather3A_798, %gather3A_802 : vector<16xi32>
      %add3A_809 = arith.constant 1024 : i32
      %add3A_810 = vector.broadcast %add3A_809 : i32 to vector<16xi32>
      %add3A_811 = arith.addi %max3A_808, %add3A_810 : vector<16xi32>
      %swap3A_812 = arith.constant 16 : index
      %swap3A_813 = tpu.vector_load %arg21[%swap3A_812] {strides = array<i32>} : memref<128xi32, #tpu.memory_space<vmem>>, vector<16xi32>,
      %swap3A_814 = vector.shape_cast %swap3A_813 : vector<16xi32> to vector<16xi32>
      %swap3A_815 = vector.shape_cast %add3A_811 : vector<16xi32> to vector<16xi32>
      tpu.vector_store %arg21[%swap3A_812], %swap3A_815 {strides = array<i32>} : memref<128xi32, #tpu.memory_space<vmem>>, vector<16xi32>,
      %get3A_816 = arith.constant 544 : index
      %get3A_817 = tpu.vector_load %arg7[%get3A_816] {strides = array<i32>} : memref<1024xi32, #tpu.memory_space<vmem>>, vector<16xi32>,
      %get3A_818 = vector.shape_cast %get3A_817 : vector<16xi32> to vector<16xi32>
      %gather3A_819 = tpu.vector_load_idx %arg6[%get3A_818] : memref<1024xi32, #tpu.memory_space<vmem>>[vector<16xi32>], vector<16xi32>,
      %get3A_820 = arith.constant 544 : index
      %get3A_821 = tpu.vector_load %arg8[%get3A_820] {strides = array<i32>} : memref<1024xi32, #tpu.memory_space<vmem>>, vector<16xi32>,
      %get3A_822 = vector.shape_cast %get3A_821 : vector<16xi32> to vector<16xi32>
      %gather3A_823 = tpu.vector_load_idx %arg6[%get3A_822] : memref<1024xi32, #tpu.memory_space<vmem>>[vector<16xi32>], vector<16xi32>,
      %min3A_824 = arith.minsi %gather3A_819, %gather3A_823 : vector<16xi32>
      %swap3A_825 = arith.constant 32 : index
      %swap3A_826 = tpu.vector_load %arg13[%swap3A_825] {strides = array<i32>} : memref<128xi32, #tpu.memory_space<vmem>>, vector<16xi32>,
      %swap3A_827 = vector.shape_cast %swap3A_826 : vector<16xi32> to vector<16xi32>
      %swap3A_828 = vector.shape_cast %min3A_824 : vector<16xi32> to vector<16xi32>
      tpu.vector_store %arg13[%swap3A_825], %swap3A_828 {strides = array<i32>} : memref<128xi32, #tpu.memory_space<vmem>>, vector<16xi32>,
      %max3A_829 = arith.maxsi %gather3A_819, %gather3A_823 : vector<16xi32>
      %add3A_830 = arith.constant 1024 : i32
      %add3A_831 = vector.broadcast %add3A_830 : i32 to vector<16xi32>
      %add3A_832 = arith.addi %max3A_829, %add3A_831 : vector<16xi32>
      %swap3A_833 = arith.constant 32 : index
      %swap3A_834 = tpu.vector_load %arg21[%swap3A_833] {strides = array<i32>} : memref<128xi32, #tpu.memory_space<vmem>>, vector<16xi32>,
      %swap3A_835 = vector.shape_cast %swap3A_834 : vector<16xi32> to vector<16xi32>
      %swap3A_836 = vector.shape_cast %add3A_832 : vector<16xi32> to vector<16xi32>
      tpu.vector_store %arg21[%swap3A_833], %swap3A_836 {strides = array<i32>} : memref<128xi32, #tpu.memory_space<vmem>>, vector<16xi32>,
      %get3A_837 = arith.constant 560 : index
      %get3A_838 = tpu.vector_load %arg7[%get3A_837] {strides = array<i32>} : memref<1024xi32, #tpu.memory_space<vmem>>, vector<16xi32>,
      %get3A_839 = vector.shape_cast %get3A_838 : vector<16xi32> to vector<16xi32>
      %gather3A_840 = tpu.vector_load_idx %arg6[%get3A_839] : memref<1024xi32, #tpu.memory_space<vmem>>[vector<16xi32>], vector<16xi32>,
      %get3A_841 = arith.constant 560 : index
      %get3A_842 = tpu.vector_load %arg8[%get3A_841] {strides = array<i32>} : memref<1024xi32, #tpu.memory_space<vmem>>, vector<16xi32>,
      %get3A_843 = vector.shape_cast %get3A_842 : vector<16xi32> to vector<16xi32>
      %gather3A_844 = tpu.vector_load_idx %arg6[%get3A_843] : memref<1024xi32, #tpu.memory_space<vmem>>[vector<16xi32>], vector<16xi32>,
      %min3A_845 = arith.minsi %gather3A_840, %gather3A_844 : vector<16xi32>
      %swap3A_846 = arith.constant 48 : index
      %swap3A_847 = tpu.vector_load %arg13[%swap3A_846] {strides = array<i32>} : memref<128xi32, #tpu.memory_space<vmem>>, vector<16xi32>,
      %swap3A_848 = vector.shape_cast %swap3A_847 : vector<16xi32> to vector<16xi32>
      %swap3A_849 = vector.shape_cast %min3A_845 : vector<16xi32> to vector<16xi32>
      tpu.vector_store %arg13[%swap3A_846], %swap3A_849 {strides = array<i32>} : memref<128xi32, #tpu.memory_space<vmem>>, vector<16xi32>,
      %max3A_850 = arith.maxsi %gather3A_840, %gather3A_844 : vector<16xi32>
      %add3A_851 = arith.constant 1024 : i32
      %add3A_852 = vector.broadcast %add3A_851 : i32 to vector<16xi32>
      %add3A_853 = arith.addi %max3A_850, %add3A_852 : vector<16xi32>
      %swap3A_854 = arith.constant 48 : index
      %swap3A_855 = tpu.vector_load %arg21[%swap3A_854] {strides = array<i32>} : memref<128xi32, #tpu.memory_space<vmem>>, vector<16xi32>,
      %swap3A_856 = vector.shape_cast %swap3A_855 : vector<16xi32> to vector<16xi32>
      %swap3A_857 = vector.shape_cast %add3A_853 : vector<16xi32> to vector<16xi32>
      tpu.vector_store %arg21[%swap3A_854], %swap3A_857 {strides = array<i32>} : memref<128xi32, #tpu.memory_space<vmem>>, vector<16xi32>,
      %get3A_858 = arith.constant 576 : index
      %get3A_859 = tpu.vector_load %arg7[%get3A_858] {strides = array<i32>} : memref<1024xi32, #tpu.memory_space<vmem>>, vector<16xi32>,
      %get3A_860 = vector.shape_cast %get3A_859 : vector<16xi32> to vector<16xi32>
      %gather3A_861 = tpu.vector_load_idx %arg6[%get3A_860] : memref<1024xi32, #tpu.memory_space<vmem>>[vector<16xi32>], vector<16xi32>,
      %get3A_862 = arith.constant 576 : index
      %get3A_863 = tpu.vector_load %arg8[%get3A_862] {strides = array<i32>} : memref<1024xi32, #tpu.memory_space<vmem>>, vector<16xi32>,
      %get3A_864 = vector.shape_cast %get3A_863 : vector<16xi32> to vector<16xi32>
      %gather3A_865 = tpu.vector_load_idx %arg6[%get3A_864] : memref<1024xi32, #tpu.memory_space<vmem>>[vector<16xi32>], vector<16xi32>,
      %min3A_866 = arith.minsi %gather3A_861, %gather3A_865 : vector<16xi32>
      %swap3A_867 = arith.constant 64 : index
      %swap3A_868 = tpu.vector_load %arg13[%swap3A_867] {strides = array<i32>} : memref<128xi32, #tpu.memory_space<vmem>>, vector<16xi32>,
      %swap3A_869 = vector.shape_cast %swap3A_868 : vector<16xi32> to vector<16xi32>
      %swap3A_870 = vector.shape_cast %min3A_866 : vector<16xi32> to vector<16xi32>
      tpu.vector_store %arg13[%swap3A_867], %swap3A_870 {strides = array<i32>} : memref<128xi32, #tpu.memory_space<vmem>>, vector<16xi32>,
      %max3A_871 = arith.maxsi %gather3A_861, %gather3A_865 : vector<16xi32>
      %add3A_872 = arith.constant 1024 : i32
      %add3A_873 = vector.broadcast %add3A_872 : i32 to vector<16xi32>
      %add3A_874 = arith.addi %max3A_871, %add3A_873 : vector<16xi32>
      %swap3A_875 = arith.constant 64 : index
      %swap3A_876 = tpu.vector_load %arg21[%swap3A_875] {strides = array<i32>} : memref<128xi32, #tpu.memory_space<vmem>>, vector<16xi32>,
      %swap3A_877 = vector.shape_cast %swap3A_876 : vector<16xi32> to vector<16xi32>
      %swap3A_878 = vector.shape_cast %add3A_874 : vector<16xi32> to vector<16xi32>
      tpu.vector_store %arg21[%swap3A_875], %swap3A_878 {strides = array<i32>} : memref<128xi32, #tpu.memory_space<vmem>>, vector<16xi32>,
      %get3A_879 = arith.constant 592 : index
      %get3A_880 = tpu.vector_load %arg7[%get3A_879] {strides = array<i32>} : memref<1024xi32, #tpu.memory_space<vmem>>, vector<16xi32>,
      %get3A_881 = vector.shape_cast %get3A_880 : vector<16xi32> to vector<16xi32>
      %gather3A_882 = tpu.vector_load_idx %arg6[%get3A_881] : memref<1024xi32, #tpu.memory_space<vmem>>[vector<16xi32>], vector<16xi32>,
      %get3A_883 = arith.constant 592 : index
      %get3A_884 = tpu.vector_load %arg8[%get3A_883] {strides = array<i32>} : memref<1024xi32, #tpu.memory_space<vmem>>, vector<16xi32>,
      %get3A_885 = vector.shape_cast %get3A_884 : vector<16xi32> to vector<16xi32>
      %gather3A_886 = tpu.vector_load_idx %arg6[%get3A_885] : memref<1024xi32, #tpu.memory_space<vmem>>[vector<16xi32>], vector<16xi32>,
      %min3A_887 = arith.minsi %gather3A_882, %gather3A_886 : vector<16xi32>
      %swap3A_888 = arith.constant 80 : index
      %swap3A_889 = tpu.vector_load %arg13[%swap3A_888] {strides = array<i32>} : memref<128xi32, #tpu.memory_space<vmem>>, vector<16xi32>,
      %swap3A_890 = vector.shape_cast %swap3A_889 : vector<16xi32> to vector<16xi32>
      %swap3A_891 = vector.shape_cast %min3A_887 : vector<16xi32> to vector<16xi32>
      tpu.vector_store %arg13[%swap3A_888], %swap3A_891 {strides = array<i32>} : memref<128xi32, #tpu.memory_space<vmem>>, vector<16xi32>,
      %max3A_892 = arith.maxsi %gather3A_882, %gather3A_886 : vector<16xi32>
      %add3A_893 = arith.constant 1024 : i32
      %add3A_894 = vector.broadcast %add3A_893 : i32 to vector<16xi32>
      %add3A_895 = arith.addi %max3A_892, %add3A_894 : vector<16xi32>
      %swap3A_896 = arith.constant 80 : index
      %swap3A_897 = tpu.vector_load %arg21[%swap3A_896] {strides = array<i32>} : memref<128xi32, #tpu.memory_space<vmem>>, vector<16xi32>,
      %swap3A_898 = vector.shape_cast %swap3A_897 : vector<16xi32> to vector<16xi32>
      %swap3A_899 = vector.shape_cast %add3A_895 : vector<16xi32> to vector<16xi32>
      tpu.vector_store %arg21[%swap3A_896], %swap3A_899 {strides = array<i32>} : memref<128xi32, #tpu.memory_space<vmem>>, vector<16xi32>,
      %get3A_900 = arith.constant 608 : index
      %get3A_901 = tpu.vector_load %arg7[%get3A_900] {strides = array<i32>} : memref<1024xi32, #tpu.memory_space<vmem>>, vector<16xi32>,
      %get3A_902 = vector.shape_cast %get3A_901 : vector<16xi32> to vector<16xi32>
      %gather3A_903 = tpu.vector_load_idx %arg6[%get3A_902] : memref<1024xi32, #tpu.memory_space<vmem>>[vector<16xi32>], vector<16xi32>,
      %get3A_904 = arith.constant 608 : index
      %get3A_905 = tpu.vector_load %arg8[%get3A_904] {strides = array<i32>} : memref<1024xi32, #tpu.memory_space<vmem>>, vector<16xi32>,
      %get3A_906 = vector.shape_cast %get3A_905 : vector<16xi32> to vector<16xi32>
      %gather3A_907 = tpu.vector_load_idx %arg6[%get3A_906] : memref<1024xi32, #tpu.memory_space<vmem>>[vector<16xi32>], vector<16xi32>,
      %min3A_908 = arith.minsi %gather3A_903, %gather3A_907 : vector<16xi32>
      %swap3A_909 = arith.constant 96 : index
      %swap3A_910 = tpu.vector_load %arg13[%swap3A_909] {strides = array<i32>} : memref<128xi32, #tpu.memory_space<vmem>>, vector<16xi32>,
      %swap3A_911 = vector.shape_cast %swap3A_910 : vector<16xi32> to vector<16xi32>
      %swap3A_912 = vector.shape_cast %min3A_908 : vector<16xi32> to vector<16xi32>
      tpu.vector_store %arg13[%swap3A_909], %swap3A_912 {strides = array<i32>} : memref<128xi32, #tpu.memory_space<vmem>>, vector<16xi32>,
      %max3A_913 = arith.maxsi %gather3A_903, %gather3A_907 : vector<16xi32>
      %add3A_914 = arith.constant 1024 : i32
      %add3A_915 = vector.broadcast %add3A_914 : i32 to vector<16xi32>
      %add3A_916 = arith.addi %max3A_913, %add3A_915 : vector<16xi32>
      %swap3A_917 = arith.constant 96 : index
      %swap3A_918 = tpu.vector_load %arg21[%swap3A_917] {strides = array<i32>} : memref<128xi32, #tpu.memory_space<vmem>>, vector<16xi32>,
      %swap3A_919 = vector.shape_cast %swap3A_918 : vector<16xi32> to vector<16xi32>
      %swap3A_920 = vector.shape_cast %add3A_916 : vector<16xi32> to vector<16xi32>
      tpu.vector_store %arg21[%swap3A_917], %swap3A_920 {strides = array<i32>} : memref<128xi32, #tpu.memory_space<vmem>>, vector<16xi32>,
      %get3A_921 = arith.constant 624 : index
      %get3A_922 = tpu.vector_load %arg7[%get3A_921] {strides = array<i32>} : memref<1024xi32, #tpu.memory_space<vmem>>, vector<16xi32>,
      %get3A_923 = vector.shape_cast %get3A_922 : vector<16xi32> to vector<16xi32>
      %gather3A_924 = tpu.vector_load_idx %arg6[%get3A_923] : memref<1024xi32, #tpu.memory_space<vmem>>[vector<16xi32>], vector<16xi32>,
      %get3A_925 = arith.constant 624 : index
      %get3A_926 = tpu.vector_load %arg8[%get3A_925] {strides = array<i32>} : memref<1024xi32, #tpu.memory_space<vmem>>, vector<16xi32>,
      %get3A_927 = vector.shape_cast %get3A_926 : vector<16xi32> to vector<16xi32>
      %gather3A_928 = tpu.vector_load_idx %arg6[%get3A_927] : memref<1024xi32, #tpu.memory_space<vmem>>[vector<16xi32>], vector<16xi32>,
      %min3A_929 = arith.minsi %gather3A_924, %gather3A_928 : vector<16xi32>
      %swap3A_930 = arith.constant 112 : index
      %swap3A_931 = tpu.vector_load %arg13[%swap3A_930] {strides = array<i32>} : memref<128xi32, #tpu.memory_space<vmem>>, vector<16xi32>,
      %swap3A_932 = vector.shape_cast %swap3A_931 : vector<16xi32> to vector<16xi32>
      %swap3A_933 = vector.shape_cast %min3A_929 : vector<16xi32> to vector<16xi32>
      tpu.vector_store %arg13[%swap3A_930], %swap3A_933 {strides = array<i32>} : memref<128xi32, #tpu.memory_space<vmem>>, vector<16xi32>,
      %max3A_934 = arith.maxsi %gather3A_924, %gather3A_928 : vector<16xi32>
      %add3A_935 = arith.constant 1024 : i32
      %add3A_936 = vector.broadcast %add3A_935 : i32 to vector<16xi32>
      %add3A_937 = arith.addi %max3A_934, %add3A_936 : vector<16xi32>
      %swap3A_938 = arith.constant 112 : index
      %swap3A_939 = tpu.vector_load %arg21[%swap3A_938] {strides = array<i32>} : memref<128xi32, #tpu.memory_space<vmem>>, vector<16xi32>,
      %swap3A_940 = vector.shape_cast %swap3A_939 : vector<16xi32> to vector<16xi32>
      %swap3A_941 = vector.shape_cast %add3A_937 : vector<16xi32> to vector<16xi32>
      tpu.vector_store %arg21[%swap3A_938], %swap3A_941 {strides = array<i32>} : memref<128xi32, #tpu.memory_space<vmem>>, vector<16xi32>,
      %get3A_942 = arith.constant 640 : index
      %get3A_943 = tpu.vector_load %arg7[%get3A_942] {strides = array<i32>} : memref<1024xi32, #tpu.memory_space<vmem>>, vector<16xi32>,
      %get3A_944 = vector.shape_cast %get3A_943 : vector<16xi32> to vector<16xi32>
      %gather3A_945 = tpu.vector_load_idx %arg6[%get3A_944] : memref<1024xi32, #tpu.memory_space<vmem>>[vector<16xi32>], vector<16xi32>,
      %get3A_946 = arith.constant 640 : index
      %get3A_947 = tpu.vector_load %arg8[%get3A_946] {strides = array<i32>} : memref<1024xi32, #tpu.memory_space<vmem>>, vector<16xi32>,
      %get3A_948 = vector.shape_cast %get3A_947 : vector<16xi32> to vector<16xi32>
      %gather3A_949 = tpu.vector_load_idx %arg6[%get3A_948] : memref<1024xi32, #tpu.memory_space<vmem>>[vector<16xi32>], vector<16xi32>,
      %min3A_950 = arith.minsi %gather3A_945, %gather3A_949 : vector<16xi32>
      %swap3A_951 = arith.constant 0 : index
      %swap3A_952 = tpu.vector_load %arg14[%swap3A_951] {strides = array<i32>} : memref<128xi32, #tpu.memory_space<vmem>>, vector<16xi32>,
      %swap3A_953 = vector.shape_cast %swap3A_952 : vector<16xi32> to vector<16xi32>
      %swap3A_954 = vector.shape_cast %min3A_950 : vector<16xi32> to vector<16xi32>
      tpu.vector_store %arg14[%swap3A_951], %swap3A_954 {strides = array<i32>} : memref<128xi32, #tpu.memory_space<vmem>>, vector<16xi32>,
      %max3A_955 = arith.maxsi %gather3A_945, %gather3A_949 : vector<16xi32>
      %add3A_956 = arith.constant 1024 : i32
      %add3A_957 = vector.broadcast %add3A_956 : i32 to vector<16xi32>
      %add3A_958 = arith.addi %max3A_955, %add3A_957 : vector<16xi32>
      %swap3A_959 = arith.constant 0 : index
      %swap3A_960 = tpu.vector_load %arg22[%swap3A_959] {strides = array<i32>} : memref<128xi32, #tpu.memory_space<vmem>>, vector<16xi32>,
      %swap3A_961 = vector.shape_cast %swap3A_960 : vector<16xi32> to vector<16xi32>
      %swap3A_962 = vector.shape_cast %add3A_958 : vector<16xi32> to vector<16xi32>
      tpu.vector_store %arg22[%swap3A_959], %swap3A_962 {strides = array<i32>} : memref<128xi32, #tpu.memory_space<vmem>>, vector<16xi32>,
      %get3A_963 = arith.constant 656 : index
      %get3A_964 = tpu.vector_load %arg7[%get3A_963] {strides = array<i32>} : memref<1024xi32, #tpu.memory_space<vmem>>, vector<16xi32>,
      %get3A_965 = vector.shape_cast %get3A_964 : vector<16xi32> to vector<16xi32>
      %gather3A_966 = tpu.vector_load_idx %arg6[%get3A_965] : memref<1024xi32, #tpu.memory_space<vmem>>[vector<16xi32>], vector<16xi32>,
      %get3A_967 = arith.constant 656 : index
      %get3A_968 = tpu.vector_load %arg8[%get3A_967] {strides = array<i32>} : memref<1024xi32, #tpu.memory_space<vmem>>, vector<16xi32>,
      %get3A_969 = vector.shape_cast %get3A_968 : vector<16xi32> to vector<16xi32>
      %gather3A_970 = tpu.vector_load_idx %arg6[%get3A_969] : memref<1024xi32, #tpu.memory_space<vmem>>[vector<16xi32>], vector<16xi32>,
      %min3A_971 = arith.minsi %gather3A_966, %gather3A_970 : vector<16xi32>
      %swap3A_972 = arith.constant 16 : index
      %swap3A_973 = tpu.vector_load %arg14[%swap3A_972] {strides = array<i32>} : memref<128xi32, #tpu.memory_space<vmem>>, vector<16xi32>,
      %swap3A_974 = vector.shape_cast %swap3A_973 : vector<16xi32> to vector<16xi32>
      %swap3A_975 = vector.shape_cast %min3A_971 : vector<16xi32> to vector<16xi32>
      tpu.vector_store %arg14[%swap3A_972], %swap3A_975 {strides = array<i32>} : memref<128xi32, #tpu.memory_space<vmem>>, vector<16xi32>,
      %max3A_976 = arith.maxsi %gather3A_966, %gather3A_970 : vector<16xi32>
      %add3A_977 = arith.constant 1024 : i32
      %add3A_978 = vector.broadcast %add3A_977 : i32 to vector<16xi32>
      %add3A_979 = arith.addi %max3A_976, %add3A_978 : vector<16xi32>
      %swap3A_980 = arith.constant 16 : index
      %swap3A_981 = tpu.vector_load %arg22[%swap3A_980] {strides = array<i32>} : memref<128xi32, #tpu.memory_space<vmem>>, vector<16xi32>,
      %swap3A_982 = vector.shape_cast %swap3A_981 : vector<16xi32> to vector<16xi32>
      %swap3A_983 = vector.shape_cast %add3A_979 : vector<16xi32> to vector<16xi32>
      tpu.vector_store %arg22[%swap3A_980], %swap3A_983 {strides = array<i32>} : memref<128xi32, #tpu.memory_space<vmem>>, vector<16xi32>,
      %get3A_984 = arith.constant 672 : index
      %get3A_985 = tpu.vector_load %arg7[%get3A_984] {strides = array<i32>} : memref<1024xi32, #tpu.memory_space<vmem>>, vector<16xi32>,
      %get3A_986 = vector.shape_cast %get3A_985 : vector<16xi32> to vector<16xi32>
      %gather3A_987 = tpu.vector_load_idx %arg6[%get3A_986] : memref<1024xi32, #tpu.memory_space<vmem>>[vector<16xi32>], vector<16xi32>,
      %get3A_988 = arith.constant 672 : index
      %get3A_989 = tpu.vector_load %arg8[%get3A_988] {strides = array<i32>} : memref<1024xi32, #tpu.memory_space<vmem>>, vector<16xi32>,
      %get3A_990 = vector.shape_cast %get3A_989 : vector<16xi32> to vector<16xi32>
      %gather3A_991 = tpu.vector_load_idx %arg6[%get3A_990] : memref<1024xi32, #tpu.memory_space<vmem>>[vector<16xi32>], vector<16xi32>,
      %min3A_992 = arith.minsi %gather3A_987, %gather3A_991 : vector<16xi32>
      %swap3A_993 = arith.constant 32 : index
      %swap3A_994 = tpu.vector_load %arg14[%swap3A_993] {strides = array<i32>} : memref<128xi32, #tpu.memory_space<vmem>>, vector<16xi32>,
      %swap3A_995 = vector.shape_cast %swap3A_994 : vector<16xi32> to vector<16xi32>
      %swap3A_996 = vector.shape_cast %min3A_992 : vector<16xi32> to vector<16xi32>
      tpu.vector_store %arg14[%swap3A_993], %swap3A_996 {strides = array<i32>} : memref<128xi32, #tpu.memory_space<vmem>>, vector<16xi32>,
      %max3A_997 = arith.maxsi %gather3A_987, %gather3A_991 : vector<16xi32>
      %add3A_998 = arith.constant 1024 : i32
      %add3A_999 = vector.broadcast %add3A_998 : i32 to vector<16xi32>
      %add3A_1000 = arith.addi %max3A_997, %add3A_999 : vector<16xi32>
      %swap3A_1001 = arith.constant 32 : index
      %swap3A_1002 = tpu.vector_load %arg22[%swap3A_1001] {strides = array<i32>} : memref<128xi32, #tpu.memory_space<vmem>>, vector<16xi32>,
      %swap3A_1003 = vector.shape_cast %swap3A_1002 : vector<16xi32> to vector<16xi32>
      %swap3A_1004 = vector.shape_cast %add3A_1000 : vector<16xi32> to vector<16xi32>
      tpu.vector_store %arg22[%swap3A_1001], %swap3A_1004 {strides = array<i32>} : memref<128xi32, #tpu.memory_space<vmem>>, vector<16xi32>,
      %get3A_1005 = arith.constant 688 : index
      %get3A_1006 = tpu.vector_load %arg7[%get3A_1005] {strides = array<i32>} : memref<1024xi32, #tpu.memory_space<vmem>>, vector<16xi32>,
      %get3A_1007 = vector.shape_cast %get3A_1006 : vector<16xi32> to vector<16xi32>
      %gather3A_1008 = tpu.vector_load_idx %arg6[%get3A_1007] : memref<1024xi32, #tpu.memory_space<vmem>>[vector<16xi32>], vector<16xi32>,
      %get3A_1009 = arith.constant 688 : index
      %get3A_1010 = tpu.vector_load %arg8[%get3A_1009] {strides = array<i32>} : memref<1024xi32, #tpu.memory_space<vmem>>, vector<16xi32>,
      %get3A_1011 = vector.shape_cast %get3A_1010 : vector<16xi32> to vector<16xi32>
      %gather3A_1012 = tpu.vector_load_idx %arg6[%get3A_1011] : memref<1024xi32, #tpu.memory_space<vmem>>[vector<16xi32>], vector<16xi32>,
      %min3A_1013 = arith.minsi %gather3A_1008, %gather3A_1012 : vector<16xi32>
      %swap3A_1014 = arith.constant 48 : index
      %swap3A_1015 = tpu.vector_load %arg14[%swap3A_1014] {strides = array<i32>} : memref<128xi32, #tpu.memory_space<vmem>>, vector<16xi32>,
      %swap3A_1016 = vector.shape_cast %swap3A_1015 : vector<16xi32> to vector<16xi32>
      %swap3A_1017 = vector.shape_cast %min3A_1013 : vector<16xi32> to vector<16xi32>
      tpu.vector_store %arg14[%swap3A_1014], %swap3A_1017 {strides = array<i32>} : memref<128xi32, #tpu.memory_space<vmem>>, vector<16xi32>,
      %max3A_1018 = arith.maxsi %gather3A_1008, %gather3A_1012 : vector<16xi32>
      %add3A_1019 = arith.constant 1024 : i32
      %add3A_1020 = vector.broadcast %add3A_1019 : i32 to vector<16xi32>
      %add3A_1021 = arith.addi %max3A_1018, %add3A_1020 : vector<16xi32>
      %swap3A_1022 = arith.constant 48 : index
      %swap3A_1023 = tpu.vector_load %arg22[%swap3A_1022] {strides = array<i32>} : memref<128xi32, #tpu.memory_space<vmem>>, vector<16xi32>,
      %swap3A_1024 = vector.shape_cast %swap3A_1023 : vector<16xi32> to vector<16xi32>
      %swap3A_1025 = vector.shape_cast %add3A_1021 : vector<16xi32> to vector<16xi32>
      tpu.vector_store %arg22[%swap3A_1022], %swap3A_1025 {strides = array<i32>} : memref<128xi32, #tpu.memory_space<vmem>>, vector<16xi32>,
      %get3A_1026 = arith.constant 704 : index
      %get3A_1027 = tpu.vector_load %arg7[%get3A_1026] {strides = array<i32>} : memref<1024xi32, #tpu.memory_space<vmem>>, vector<16xi32>,
      %get3A_1028 = vector.shape_cast %get3A_1027 : vector<16xi32> to vector<16xi32>
      %gather3A_1029 = tpu.vector_load_idx %arg6[%get3A_1028] : memref<1024xi32, #tpu.memory_space<vmem>>[vector<16xi32>], vector<16xi32>,
      %get3A_1030 = arith.constant 704 : index
      %get3A_1031 = tpu.vector_load %arg8[%get3A_1030] {strides = array<i32>} : memref<1024xi32, #tpu.memory_space<vmem>>, vector<16xi32>,
      %get3A_1032 = vector.shape_cast %get3A_1031 : vector<16xi32> to vector<16xi32>
      %gather3A_1033 = tpu.vector_load_idx %arg6[%get3A_1032] : memref<1024xi32, #tpu.memory_space<vmem>>[vector<16xi32>], vector<16xi32>,
      %min3A_1034 = arith.minsi %gather3A_1029, %gather3A_1033 : vector<16xi32>
      %swap3A_1035 = arith.constant 64 : index
      %swap3A_1036 = tpu.vector_load %arg14[%swap3A_1035] {strides = array<i32>} : memref<128xi32, #tpu.memory_space<vmem>>, vector<16xi32>,
      %swap3A_1037 = vector.shape_cast %swap3A_1036 : vector<16xi32> to vector<16xi32>
      %swap3A_1038 = vector.shape_cast %min3A_1034 : vector<16xi32> to vector<16xi32>
      tpu.vector_store %arg14[%swap3A_1035], %swap3A_1038 {strides = array<i32>} : memref<128xi32, #tpu.memory_space<vmem>>, vector<16xi32>,
      %max3A_1039 = arith.maxsi %gather3A_1029, %gather3A_1033 : vector<16xi32>
      %add3A_1040 = arith.constant 1024 : i32
      %add3A_1041 = vector.broadcast %add3A_1040 : i32 to vector<16xi32>
      %add3A_1042 = arith.addi %max3A_1039, %add3A_1041 : vector<16xi32>
      %swap3A_1043 = arith.constant 64 : index
      %swap3A_1044 = tpu.vector_load %arg22[%swap3A_1043] {strides = array<i32>} : memref<128xi32, #tpu.memory_space<vmem>>, vector<16xi32>,
      %swap3A_1045 = vector.shape_cast %swap3A_1044 : vector<16xi32> to vector<16xi32>
      %swap3A_1046 = vector.shape_cast %add3A_1042 : vector<16xi32> to vector<16xi32>
      tpu.vector_store %arg22[%swap3A_1043], %swap3A_1046 {strides = array<i32>} : memref<128xi32, #tpu.memory_space<vmem>>, vector<16xi32>,
      %get3A_1047 = arith.constant 720 : index
      %get3A_1048 = tpu.vector_load %arg7[%get3A_1047] {strides = array<i32>} : memref<1024xi32, #tpu.memory_space<vmem>>, vector<16xi32>,
      %get3A_1049 = vector.shape_cast %get3A_1048 : vector<16xi32> to vector<16xi32>
      %gather3A_1050 = tpu.vector_load_idx %arg6[%get3A_1049] : memref<1024xi32, #tpu.memory_space<vmem>>[vector<16xi32>], vector<16xi32>,
      %get3A_1051 = arith.constant 720 : index
      %get3A_1052 = tpu.vector_load %arg8[%get3A_1051] {strides = array<i32>} : memref<1024xi32, #tpu.memory_space<vmem>>, vector<16xi32>,
      %get3A_1053 = vector.shape_cast %get3A_1052 : vector<16xi32> to vector<16xi32>
      %gather3A_1054 = tpu.vector_load_idx %arg6[%get3A_1053] : memref<1024xi32, #tpu.memory_space<vmem>>[vector<16xi32>], vector<16xi32>,
      %min3A_1055 = arith.minsi %gather3A_1050, %gather3A_1054 : vector<16xi32>
      %swap3A_1056 = arith.constant 80 : index
      %swap3A_1057 = tpu.vector_load %arg14[%swap3A_1056] {strides = array<i32>} : memref<128xi32, #tpu.memory_space<vmem>>, vector<16xi32>,
      %swap3A_1058 = vector.shape_cast %swap3A_1057 : vector<16xi32> to vector<16xi32>
      %swap3A_1059 = vector.shape_cast %min3A_1055 : vector<16xi32> to vector<16xi32>
      tpu.vector_store %arg14[%swap3A_1056], %swap3A_1059 {strides = array<i32>} : memref<128xi32, #tpu.memory_space<vmem>>, vector<16xi32>,
      %max3A_1060 = arith.maxsi %gather3A_1050, %gather3A_1054 : vector<16xi32>
      %add3A_1061 = arith.constant 1024 : i32
      %add3A_1062 = vector.broadcast %add3A_1061 : i32 to vector<16xi32>
      %add3A_1063 = arith.addi %max3A_1060, %add3A_1062 : vector<16xi32>
      %swap3A_1064 = arith.constant 80 : index
      %swap3A_1065 = tpu.vector_load %arg22[%swap3A_1064] {strides = array<i32>} : memref<128xi32, #tpu.memory_space<vmem>>, vector<16xi32>,
      %swap3A_1066 = vector.shape_cast %swap3A_1065 : vector<16xi32> to vector<16xi32>
      %swap3A_1067 = vector.shape_cast %add3A_1063 : vector<16xi32> to vector<16xi32>
      tpu.vector_store %arg22[%swap3A_1064], %swap3A_1067 {strides = array<i32>} : memref<128xi32, #tpu.memory_space<vmem>>, vector<16xi32>,
      %get3A_1068 = arith.constant 736 : index
      %get3A_1069 = tpu.vector_load %arg7[%get3A_1068] {strides = array<i32>} : memref<1024xi32, #tpu.memory_space<vmem>>, vector<16xi32>,
      %get3A_1070 = vector.shape_cast %get3A_1069 : vector<16xi32> to vector<16xi32>
      %gather3A_1071 = tpu.vector_load_idx %arg6[%get3A_1070] : memref<1024xi32, #tpu.memory_space<vmem>>[vector<16xi32>], vector<16xi32>,
      %get3A_1072 = arith.constant 736 : index
      %get3A_1073 = tpu.vector_load %arg8[%get3A_1072] {strides = array<i32>} : memref<1024xi32, #tpu.memory_space<vmem>>, vector<16xi32>,
      %get3A_1074 = vector.shape_cast %get3A_1073 : vector<16xi32> to vector<16xi32>
      %gather3A_1075 = tpu.vector_load_idx %arg6[%get3A_1074] : memref<1024xi32, #tpu.memory_space<vmem>>[vector<16xi32>], vector<16xi32>,
      %min3A_1076 = arith.minsi %gather3A_1071, %gather3A_1075 : vector<16xi32>
      %swap3A_1077 = arith.constant 96 : index
      %swap3A_1078 = tpu.vector_load %arg14[%swap3A_1077] {strides = array<i32>} : memref<128xi32, #tpu.memory_space<vmem>>, vector<16xi32>,
      %swap3A_1079 = vector.shape_cast %swap3A_1078 : vector<16xi32> to vector<16xi32>
      %swap3A_1080 = vector.shape_cast %min3A_1076 : vector<16xi32> to vector<16xi32>
      tpu.vector_store %arg14[%swap3A_1077], %swap3A_1080 {strides = array<i32>} : memref<128xi32, #tpu.memory_space<vmem>>, vector<16xi32>,
      %max3A_1081 = arith.maxsi %gather3A_1071, %gather3A_1075 : vector<16xi32>
      %add3A_1082 = arith.constant 1024 : i32
      %add3A_1083 = vector.broadcast %add3A_1082 : i32 to vector<16xi32>
      %add3A_1084 = arith.addi %max3A_1081, %add3A_1083 : vector<16xi32>
      %swap3A_1085 = arith.constant 96 : index
      %swap3A_1086 = tpu.vector_load %arg22[%swap3A_1085] {strides = array<i32>} : memref<128xi32, #tpu.memory_space<vmem>>, vector<16xi32>,
      %swap3A_1087 = vector.shape_cast %swap3A_1086 : vector<16xi32> to vector<16xi32>
      %swap3A_1088 = vector.shape_cast %add3A_1084 : vector<16xi32> to vector<16xi32>
      tpu.vector_store %arg22[%swap3A_1085], %swap3A_1088 {strides = array<i32>} : memref<128xi32, #tpu.memory_space<vmem>>, vector<16xi32>,
      %get3A_1089 = arith.constant 752 : index
      %get3A_1090 = tpu.vector_load %arg7[%get3A_1089] {strides = array<i32>} : memref<1024xi32, #tpu.memory_space<vmem>>, vector<16xi32>,
      %get3A_1091 = vector.shape_cast %get3A_1090 : vector<16xi32> to vector<16xi32>
      %gather3A_1092 = tpu.vector_load_idx %arg6[%get3A_1091] : memref<1024xi32, #tpu.memory_space<vmem>>[vector<16xi32>], vector<16xi32>,
      %get3A_1093 = arith.constant 752 : index
      %get3A_1094 = tpu.vector_load %arg8[%get3A_1093] {strides = array<i32>} : memref<1024xi32, #tpu.memory_space<vmem>>, vector<16xi32>,
      %get3A_1095 = vector.shape_cast %get3A_1094 : vector<16xi32> to vector<16xi32>
      %gather3A_1096 = tpu.vector_load_idx %arg6[%get3A_1095] : memref<1024xi32, #tpu.memory_space<vmem>>[vector<16xi32>], vector<16xi32>,
      %min3A_1097 = arith.minsi %gather3A_1092, %gather3A_1096 : vector<16xi32>
      %swap3A_1098 = arith.constant 112 : index
      %swap3A_1099 = tpu.vector_load %arg14[%swap3A_1098] {strides = array<i32>} : memref<128xi32, #tpu.memory_space<vmem>>, vector<16xi32>,
      %swap3A_1100 = vector.shape_cast %swap3A_1099 : vector<16xi32> to vector<16xi32>
      %swap3A_1101 = vector.shape_cast %min3A_1097 : vector<16xi32> to vector<16xi32>
      tpu.vector_store %arg14[%swap3A_1098], %swap3A_1101 {strides = array<i32>} : memref<128xi32, #tpu.memory_space<vmem>>, vector<16xi32>,
      %max3A_1102 = arith.maxsi %gather3A_1092, %gather3A_1096 : vector<16xi32>
      %add3A_1103 = arith.constant 1024 : i32
      %add3A_1104 = vector.broadcast %add3A_1103 : i32 to vector<16xi32>
      %add3A_1105 = arith.addi %max3A_1102, %add3A_1104 : vector<16xi32>
      %swap3A_1106 = arith.constant 112 : index
      %swap3A_1107 = tpu.vector_load %arg22[%swap3A_1106] {strides = array<i32>} : memref<128xi32, #tpu.memory_space<vmem>>, vector<16xi32>,
      %swap3A_1108 = vector.shape_cast %swap3A_1107 : vector<16xi32> to vector<16xi32>
      %swap3A_1109 = vector.shape_cast %add3A_1105 : vector<16xi32> to vector<16xi32>
      tpu.vector_store %arg22[%swap3A_1106], %swap3A_1109 {strides = array<i32>} : memref<128xi32, #tpu.memory_space<vmem>>, vector<16xi32>,
      %get3A_1110 = arith.constant 768 : index
      %get3A_1111 = tpu.vector_load %arg7[%get3A_1110] {strides = array<i32>} : memref<1024xi32, #tpu.memory_space<vmem>>, vector<16xi32>,
      %get3A_1112 = vector.shape_cast %get3A_1111 : vector<16xi32> to vector<16xi32>
      %gather3A_1113 = tpu.vector_load_idx %arg6[%get3A_1112] : memref<1024xi32, #tpu.memory_space<vmem>>[vector<16xi32>], vector<16xi32>,
      %get3A_1114 = arith.constant 768 : index
      %get3A_1115 = tpu.vector_load %arg8[%get3A_1114] {strides = array<i32>} : memref<1024xi32, #tpu.memory_space<vmem>>, vector<16xi32>,
      %get3A_1116 = vector.shape_cast %get3A_1115 : vector<16xi32> to vector<16xi32>
      %gather3A_1117 = tpu.vector_load_idx %arg6[%get3A_1116] : memref<1024xi32, #tpu.memory_space<vmem>>[vector<16xi32>], vector<16xi32>,
      %min3A_1118 = arith.minsi %gather3A_1113, %gather3A_1117 : vector<16xi32>
      %swap3A_1119 = arith.constant 0 : index
      %swap3A_1120 = tpu.vector_load %arg15[%swap3A_1119] {strides = array<i32>} : memref<128xi32, #tpu.memory_space<vmem>>, vector<16xi32>,
      %swap3A_1121 = vector.shape_cast %swap3A_1120 : vector<16xi32> to vector<16xi32>
      %swap3A_1122 = vector.shape_cast %min3A_1118 : vector<16xi32> to vector<16xi32>
      tpu.vector_store %arg15[%swap3A_1119], %swap3A_1122 {strides = array<i32>} : memref<128xi32, #tpu.memory_space<vmem>>, vector<16xi32>,
      %max3A_1123 = arith.maxsi %gather3A_1113, %gather3A_1117 : vector<16xi32>
      %add3A_1124 = arith.constant 1024 : i32
      %add3A_1125 = vector.broadcast %add3A_1124 : i32 to vector<16xi32>
      %add3A_1126 = arith.addi %max3A_1123, %add3A_1125 : vector<16xi32>
      %swap3A_1127 = arith.constant 0 : index
      %swap3A_1128 = tpu.vector_load %arg23[%swap3A_1127] {strides = array<i32>} : memref<128xi32, #tpu.memory_space<vmem>>, vector<16xi32>,
      %swap3A_1129 = vector.shape_cast %swap3A_1128 : vector<16xi32> to vector<16xi32>
      %swap3A_1130 = vector.shape_cast %add3A_1126 : vector<16xi32> to vector<16xi32>
      tpu.vector_store %arg23[%swap3A_1127], %swap3A_1130 {strides = array<i32>} : memref<128xi32, #tpu.memory_space<vmem>>, vector<16xi32>,
      %get3A_1131 = arith.constant 784 : index
      %get3A_1132 = tpu.vector_load %arg7[%get3A_1131] {strides = array<i32>} : memref<1024xi32, #tpu.memory_space<vmem>>, vector<16xi32>,
      %get3A_1133 = vector.shape_cast %get3A_1132 : vector<16xi32> to vector<16xi32>
      %gather3A_1134 = tpu.vector_load_idx %arg6[%get3A_1133] : memref<1024xi32, #tpu.memory_space<vmem>>[vector<16xi32>], vector<16xi32>,
      %get3A_1135 = arith.constant 784 : index
      %get3A_1136 = tpu.vector_load %arg8[%get3A_1135] {strides = array<i32>} : memref<1024xi32, #tpu.memory_space<vmem>>, vector<16xi32>,
      %get3A_1137 = vector.shape_cast %get3A_1136 : vector<16xi32> to vector<16xi32>
      %gather3A_1138 = tpu.vector_load_idx %arg6[%get3A_1137] : memref<1024xi32, #tpu.memory_space<vmem>>[vector<16xi32>], vector<16xi32>,
      %min3A_1139 = arith.minsi %gather3A_1134, %gather3A_1138 : vector<16xi32>
      %swap3A_1140 = arith.constant 16 : index
      %swap3A_1141 = tpu.vector_load %arg15[%swap3A_1140] {strides = array<i32>} : memref<128xi32, #tpu.memory_space<vmem>>, vector<16xi32>,
      %swap3A_1142 = vector.shape_cast %swap3A_1141 : vector<16xi32> to vector<16xi32>
      %swap3A_1143 = vector.shape_cast %min3A_1139 : vector<16xi32> to vector<16xi32>
      tpu.vector_store %arg15[%swap3A_1140], %swap3A_1143 {strides = array<i32>} : memref<128xi32, #tpu.memory_space<vmem>>, vector<16xi32>,
      %max3A_1144 = arith.maxsi %gather3A_1134, %gather3A_1138 : vector<16xi32>
      %add3A_1145 = arith.constant 1024 : i32
      %add3A_1146 = vector.broadcast %add3A_1145 : i32 to vector<16xi32>
      %add3A_1147 = arith.addi %max3A_1144, %add3A_1146 : vector<16xi32>
      %swap3A_1148 = arith.constant 16 : index
      %swap3A_1149 = tpu.vector_load %arg23[%swap3A_1148] {strides = array<i32>} : memref<128xi32, #tpu.memory_space<vmem>>, vector<16xi32>,
      %swap3A_1150 = vector.shape_cast %swap3A_1149 : vector<16xi32> to vector<16xi32>
      %swap3A_1151 = vector.shape_cast %add3A_1147 : vector<16xi32> to vector<16xi32>
      tpu.vector_store %arg23[%swap3A_1148], %swap3A_1151 {strides = array<i32>} : memref<128xi32, #tpu.memory_space<vmem>>, vector<16xi32>,
      %get3A_1152 = arith.constant 800 : index
      %get3A_1153 = tpu.vector_load %arg7[%get3A_1152] {strides = array<i32>} : memref<1024xi32, #tpu.memory_space<vmem>>, vector<16xi32>,
      %get3A_1154 = vector.shape_cast %get3A_1153 : vector<16xi32> to vector<16xi32>
      %gather3A_1155 = tpu.vector_load_idx %arg6[%get3A_1154] : memref<1024xi32, #tpu.memory_space<vmem>>[vector<16xi32>], vector<16xi32>,
      %get3A_1156 = arith.constant 800 : index
      %get3A_1157 = tpu.vector_load %arg8[%get3A_1156] {strides = array<i32>} : memref<1024xi32, #tpu.memory_space<vmem>>, vector<16xi32>,
      %get3A_1158 = vector.shape_cast %get3A_1157 : vector<16xi32> to vector<16xi32>
      %gather3A_1159 = tpu.vector_load_idx %arg6[%get3A_1158] : memref<1024xi32, #tpu.memory_space<vmem>>[vector<16xi32>], vector<16xi32>,
      %min3A_1160 = arith.minsi %gather3A_1155, %gather3A_1159 : vector<16xi32>
      %swap3A_1161 = arith.constant 32 : index
      %swap3A_1162 = tpu.vector_load %arg15[%swap3A_1161] {strides = array<i32>} : memref<128xi32, #tpu.memory_space<vmem>>, vector<16xi32>,
      %swap3A_1163 = vector.shape_cast %swap3A_1162 : vector<16xi32> to vector<16xi32>
      %swap3A_1164 = vector.shape_cast %min3A_1160 : vector<16xi32> to vector<16xi32>
      tpu.vector_store %arg15[%swap3A_1161], %swap3A_1164 {strides = array<i32>} : memref<128xi32, #tpu.memory_space<vmem>>, vector<16xi32>,
      %max3A_1165 = arith.maxsi %gather3A_1155, %gather3A_1159 : vector<16xi32>
      %add3A_1166 = arith.constant 1024 : i32
      %add3A_1167 = vector.broadcast %add3A_1166 : i32 to vector<16xi32>
      %add3A_1168 = arith.addi %max3A_1165, %add3A_1167 : vector<16xi32>
      %swap3A_1169 = arith.constant 32 : index
      %swap3A_1170 = tpu.vector_load %arg23[%swap3A_1169] {strides = array<i32>} : memref<128xi32, #tpu.memory_space<vmem>>, vector<16xi32>,
      %swap3A_1171 = vector.shape_cast %swap3A_1170 : vector<16xi32> to vector<16xi32>
      %swap3A_1172 = vector.shape_cast %add3A_1168 : vector<16xi32> to vector<16xi32>
      tpu.vector_store %arg23[%swap3A_1169], %swap3A_1172 {strides = array<i32>} : memref<128xi32, #tpu.memory_space<vmem>>, vector<16xi32>,
      %get3A_1173 = arith.constant 816 : index
      %get3A_1174 = tpu.vector_load %arg7[%get3A_1173] {strides = array<i32>} : memref<1024xi32, #tpu.memory_space<vmem>>, vector<16xi32>,
      %get3A_1175 = vector.shape_cast %get3A_1174 : vector<16xi32> to vector<16xi32>
      %gather3A_1176 = tpu.vector_load_idx %arg6[%get3A_1175] : memref<1024xi32, #tpu.memory_space<vmem>>[vector<16xi32>], vector<16xi32>,
      %get3A_1177 = arith.constant 816 : index
      %get3A_1178 = tpu.vector_load %arg8[%get3A_1177] {strides = array<i32>} : memref<1024xi32, #tpu.memory_space<vmem>>, vector<16xi32>,
      %get3A_1179 = vector.shape_cast %get3A_1178 : vector<16xi32> to vector<16xi32>
      %gather3A_1180 = tpu.vector_load_idx %arg6[%get3A_1179] : memref<1024xi32, #tpu.memory_space<vmem>>[vector<16xi32>], vector<16xi32>,
      %min3A_1181 = arith.minsi %gather3A_1176, %gather3A_1180 : vector<16xi32>
      %swap3A_1182 = arith.constant 48 : index
      %swap3A_1183 = tpu.vector_load %arg15[%swap3A_1182] {strides = array<i32>} : memref<128xi32, #tpu.memory_space<vmem>>, vector<16xi32>,
      %swap3A_1184 = vector.shape_cast %swap3A_1183 : vector<16xi32> to vector<16xi32>
      %swap3A_1185 = vector.shape_cast %min3A_1181 : vector<16xi32> to vector<16xi32>
      tpu.vector_store %arg15[%swap3A_1182], %swap3A_1185 {strides = array<i32>} : memref<128xi32, #tpu.memory_space<vmem>>, vector<16xi32>,
      %max3A_1186 = arith.maxsi %gather3A_1176, %gather3A_1180 : vector<16xi32>
      %add3A_1187 = arith.constant 1024 : i32
      %add3A_1188 = vector.broadcast %add3A_1187 : i32 to vector<16xi32>
      %add3A_1189 = arith.addi %max3A_1186, %add3A_1188 : vector<16xi32>
      %swap3A_1190 = arith.constant 48 : index
      %swap3A_1191 = tpu.vector_load %arg23[%swap3A_1190] {strides = array<i32>} : memref<128xi32, #tpu.memory_space<vmem>>, vector<16xi32>,
      %swap3A_1192 = vector.shape_cast %swap3A_1191 : vector<16xi32> to vector<16xi32>
      %swap3A_1193 = vector.shape_cast %add3A_1189 : vector<16xi32> to vector<16xi32>
      tpu.vector_store %arg23[%swap3A_1190], %swap3A_1193 {strides = array<i32>} : memref<128xi32, #tpu.memory_space<vmem>>, vector<16xi32>,
      %get3A_1194 = arith.constant 832 : index
      %get3A_1195 = tpu.vector_load %arg7[%get3A_1194] {strides = array<i32>} : memref<1024xi32, #tpu.memory_space<vmem>>, vector<16xi32>,
      %get3A_1196 = vector.shape_cast %get3A_1195 : vector<16xi32> to vector<16xi32>
      %gather3A_1197 = tpu.vector_load_idx %arg6[%get3A_1196] : memref<1024xi32, #tpu.memory_space<vmem>>[vector<16xi32>], vector<16xi32>,
      %get3A_1198 = arith.constant 832 : index
      %get3A_1199 = tpu.vector_load %arg8[%get3A_1198] {strides = array<i32>} : memref<1024xi32, #tpu.memory_space<vmem>>, vector<16xi32>,
      %get3A_1200 = vector.shape_cast %get3A_1199 : vector<16xi32> to vector<16xi32>
      %gather3A_1201 = tpu.vector_load_idx %arg6[%get3A_1200] : memref<1024xi32, #tpu.memory_space<vmem>>[vector<16xi32>], vector<16xi32>,
      %min3A_1202 = arith.minsi %gather3A_1197, %gather3A_1201 : vector<16xi32>
      %swap3A_1203 = arith.constant 64 : index
      %swap3A_1204 = tpu.vector_load %arg15[%swap3A_1203] {strides = array<i32>} : memref<128xi32, #tpu.memory_space<vmem>>, vector<16xi32>,
      %swap3A_1205 = vector.shape_cast %swap3A_1204 : vector<16xi32> to vector<16xi32>
      %swap3A_1206 = vector.shape_cast %min3A_1202 : vector<16xi32> to vector<16xi32>
      tpu.vector_store %arg15[%swap3A_1203], %swap3A_1206 {strides = array<i32>} : memref<128xi32, #tpu.memory_space<vmem>>, vector<16xi32>,
      %max3A_1207 = arith.maxsi %gather3A_1197, %gather3A_1201 : vector<16xi32>
      %add3A_1208 = arith.constant 1024 : i32
      %add3A_1209 = vector.broadcast %add3A_1208 : i32 to vector<16xi32>
      %add3A_1210 = arith.addi %max3A_1207, %add3A_1209 : vector<16xi32>
      %swap3A_1211 = arith.constant 64 : index
      %swap3A_1212 = tpu.vector_load %arg23[%swap3A_1211] {strides = array<i32>} : memref<128xi32, #tpu.memory_space<vmem>>, vector<16xi32>,
      %swap3A_1213 = vector.shape_cast %swap3A_1212 : vector<16xi32> to vector<16xi32>
      %swap3A_1214 = vector.shape_cast %add3A_1210 : vector<16xi32> to vector<16xi32>
      tpu.vector_store %arg23[%swap3A_1211], %swap3A_1214 {strides = array<i32>} : memref<128xi32, #tpu.memory_space<vmem>>, vector<16xi32>,
      %get3A_1215 = arith.constant 848 : index
      %get3A_1216 = tpu.vector_load %arg7[%get3A_1215] {strides = array<i32>} : memref<1024xi32, #tpu.memory_space<vmem>>, vector<16xi32>,
      %get3A_1217 = vector.shape_cast %get3A_1216 : vector<16xi32> to vector<16xi32>
      %gather3A_1218 = tpu.vector_load_idx %arg6[%get3A_1217] : memref<1024xi32, #tpu.memory_space<vmem>>[vector<16xi32>], vector<16xi32>,
      %get3A_1219 = arith.constant 848 : index
      %get3A_1220 = tpu.vector_load %arg8[%get3A_1219] {strides = array<i32>} : memref<1024xi32, #tpu.memory_space<vmem>>, vector<16xi32>,
      %get3A_1221 = vector.shape_cast %get3A_1220 : vector<16xi32> to vector<16xi32>
      %gather3A_1222 = tpu.vector_load_idx %arg6[%get3A_1221] : memref<1024xi32, #tpu.memory_space<vmem>>[vector<16xi32>], vector<16xi32>,
      %min3A_1223 = arith.minsi %gather3A_1218, %gather3A_1222 : vector<16xi32>
      %swap3A_1224 = arith.constant 80 : index
      %swap3A_1225 = tpu.vector_load %arg15[%swap3A_1224] {strides = array<i32>} : memref<128xi32, #tpu.memory_space<vmem>>, vector<16xi32>,
      %swap3A_1226 = vector.shape_cast %swap3A_1225 : vector<16xi32> to vector<16xi32>
      %swap3A_1227 = vector.shape_cast %min3A_1223 : vector<16xi32> to vector<16xi32>
      tpu.vector_store %arg15[%swap3A_1224], %swap3A_1227 {strides = array<i32>} : memref<128xi32, #tpu.memory_space<vmem>>, vector<16xi32>,
      %max3A_1228 = arith.maxsi %gather3A_1218, %gather3A_1222 : vector<16xi32>
      %add3A_1229 = arith.constant 1024 : i32
      %add3A_1230 = vector.broadcast %add3A_1229 : i32 to vector<16xi32>
      %add3A_1231 = arith.addi %max3A_1228, %add3A_1230 : vector<16xi32>
      %swap3A_1232 = arith.constant 80 : index
      %swap3A_1233 = tpu.vector_load %arg23[%swap3A_1232] {strides = array<i32>} : memref<128xi32, #tpu.memory_space<vmem>>, vector<16xi32>,
      %swap3A_1234 = vector.shape_cast %swap3A_1233 : vector<16xi32> to vector<16xi32>
      %swap3A_1235 = vector.shape_cast %add3A_1231 : vector<16xi32> to vector<16xi32>
      tpu.vector_store %arg23[%swap3A_1232], %swap3A_1235 {strides = array<i32>} : memref<128xi32, #tpu.memory_space<vmem>>, vector<16xi32>,
      %get3A_1236 = arith.constant 864 : index
      %get3A_1237 = tpu.vector_load %arg7[%get3A_1236] {strides = array<i32>} : memref<1024xi32, #tpu.memory_space<vmem>>, vector<16xi32>,
      %get3A_1238 = vector.shape_cast %get3A_1237 : vector<16xi32> to vector<16xi32>
      %gather3A_1239 = tpu.vector_load_idx %arg6[%get3A_1238] : memref<1024xi32, #tpu.memory_space<vmem>>[vector<16xi32>], vector<16xi32>,
      %get3A_1240 = arith.constant 864 : index
      %get3A_1241 = tpu.vector_load %arg8[%get3A_1240] {strides = array<i32>} : memref<1024xi32, #tpu.memory_space<vmem>>, vector<16xi32>,
      %get3A_1242 = vector.shape_cast %get3A_1241 : vector<16xi32> to vector<16xi32>
      %gather3A_1243 = tpu.vector_load_idx %arg6[%get3A_1242] : memref<1024xi32, #tpu.memory_space<vmem>>[vector<16xi32>], vector<16xi32>,
      %min3A_1244 = arith.minsi %gather3A_1239, %gather3A_1243 : vector<16xi32>
      %swap3A_1245 = arith.constant 96 : index
      %swap3A_1246 = tpu.vector_load %arg15[%swap3A_1245] {strides = array<i32>} : memref<128xi32, #tpu.memory_space<vmem>>, vector<16xi32>,
      %swap3A_1247 = vector.shape_cast %swap3A_1246 : vector<16xi32> to vector<16xi32>
      %swap3A_1248 = vector.shape_cast %min3A_1244 : vector<16xi32> to vector<16xi32>
      tpu.vector_store %arg15[%swap3A_1245], %swap3A_1248 {strides = array<i32>} : memref<128xi32, #tpu.memory_space<vmem>>, vector<16xi32>,
      %max3A_1249 = arith.maxsi %gather3A_1239, %gather3A_1243 : vector<16xi32>
      %add3A_1250 = arith.constant 1024 : i32
      %add3A_1251 = vector.broadcast %add3A_1250 : i32 to vector<16xi32>
      %add3A_1252 = arith.addi %max3A_1249, %add3A_1251 : vector<16xi32>
      %swap3A_1253 = arith.constant 96 : index
      %swap3A_1254 = tpu.vector_load %arg23[%swap3A_1253] {strides = array<i32>} : memref<128xi32, #tpu.memory_space<vmem>>, vector<16xi32>,
      %swap3A_1255 = vector.shape_cast %swap3A_1254 : vector<16xi32> to vector<16xi32>
      %swap3A_1256 = vector.shape_cast %add3A_1252 : vector<16xi32> to vector<16xi32>
      tpu.vector_store %arg23[%swap3A_1253], %swap3A_1256 {strides = array<i32>} : memref<128xi32, #tpu.memory_space<vmem>>, vector<16xi32>,
      %get3A_1257 = arith.constant 880 : index
      %get3A_1258 = tpu.vector_load %arg7[%get3A_1257] {strides = array<i32>} : memref<1024xi32, #tpu.memory_space<vmem>>, vector<16xi32>,
      %get3A_1259 = vector.shape_cast %get3A_1258 : vector<16xi32> to vector<16xi32>
      %gather3A_1260 = tpu.vector_load_idx %arg6[%get3A_1259] : memref<1024xi32, #tpu.memory_space<vmem>>[vector<16xi32>], vector<16xi32>,
      %get3A_1261 = arith.constant 880 : index
      %get3A_1262 = tpu.vector_load %arg8[%get3A_1261] {strides = array<i32>} : memref<1024xi32, #tpu.memory_space<vmem>>, vector<16xi32>,
      %get3A_1263 = vector.shape_cast %get3A_1262 : vector<16xi32> to vector<16xi32>
      %gather3A_1264 = tpu.vector_load_idx %arg6[%get3A_1263] : memref<1024xi32, #tpu.memory_space<vmem>>[vector<16xi32>], vector<16xi32>,
      %min3A_1265 = arith.minsi %gather3A_1260, %gather3A_1264 : vector<16xi32>
      %swap3A_1266 = arith.constant 112 : index
      %swap3A_1267 = tpu.vector_load %arg15[%swap3A_1266] {strides = array<i32>} : memref<128xi32, #tpu.memory_space<vmem>>, vector<16xi32>,
      %swap3A_1268 = vector.shape_cast %swap3A_1267 : vector<16xi32> to vector<16xi32>
      %swap3A_1269 = vector.shape_cast %min3A_1265 : vector<16xi32> to vector<16xi32>
      tpu.vector_store %arg15[%swap3A_1266], %swap3A_1269 {strides = array<i32>} : memref<128xi32, #tpu.memory_space<vmem>>, vector<16xi32>,
      %max3A_1270 = arith.maxsi %gather3A_1260, %gather3A_1264 : vector<16xi32>
      %add3A_1271 = arith.constant 1024 : i32
      %add3A_1272 = vector.broadcast %add3A_1271 : i32 to vector<16xi32>
      %add3A_1273 = arith.addi %max3A_1270, %add3A_1272 : vector<16xi32>
      %swap3A_1274 = arith.constant 112 : index
      %swap3A_1275 = tpu.vector_load %arg23[%swap3A_1274] {strides = array<i32>} : memref<128xi32, #tpu.memory_space<vmem>>, vector<16xi32>,
      %swap3A_1276 = vector.shape_cast %swap3A_1275 : vector<16xi32> to vector<16xi32>
      %swap3A_1277 = vector.shape_cast %add3A_1273 : vector<16xi32> to vector<16xi32>
      tpu.vector_store %arg23[%swap3A_1274], %swap3A_1277 {strides = array<i32>} : memref<128xi32, #tpu.memory_space<vmem>>, vector<16xi32>,
      %get3A_1278 = arith.constant 896 : index
      %get3A_1279 = tpu.vector_load %arg7[%get3A_1278] {strides = array<i32>} : memref<1024xi32, #tpu.memory_space<vmem>>, vector<16xi32>,
      %get3A_1280 = vector.shape_cast %get3A_1279 : vector<16xi32> to vector<16xi32>
      %gather3A_1281 = tpu.vector_load_idx %arg6[%get3A_1280] : memref<1024xi32, #tpu.memory_space<vmem>>[vector<16xi32>], vector<16xi32>,
      %get3A_1282 = arith.constant 896 : index
      %get3A_1283 = tpu.vector_load %arg8[%get3A_1282] {strides = array<i32>} : memref<1024xi32, #tpu.memory_space<vmem>>, vector<16xi32>,
      %get3A_1284 = vector.shape_cast %get3A_1283 : vector<16xi32> to vector<16xi32>
      %gather3A_1285 = tpu.vector_load_idx %arg6[%get3A_1284] : memref<1024xi32, #tpu.memory_space<vmem>>[vector<16xi32>], vector<16xi32>,
      %min3A_1286 = arith.minsi %gather3A_1281, %gather3A_1285 : vector<16xi32>
      %swap3A_1287 = arith.constant 0 : index
      %swap3A_1288 = tpu.vector_load %arg16[%swap3A_1287] {strides = array<i32>} : memref<128xi32, #tpu.memory_space<vmem>>, vector<16xi32>,
      %swap3A_1289 = vector.shape_cast %swap3A_1288 : vector<16xi32> to vector<16xi32>
      %swap3A_1290 = vector.shape_cast %min3A_1286 : vector<16xi32> to vector<16xi32>
      tpu.vector_store %arg16[%swap3A_1287], %swap3A_1290 {strides = array<i32>} : memref<128xi32, #tpu.memory_space<vmem>>, vector<16xi32>,
      %max3A_1291 = arith.maxsi %gather3A_1281, %gather3A_1285 : vector<16xi32>
      %add3A_1292 = arith.constant 1024 : i32
      %add3A_1293 = vector.broadcast %add3A_1292 : i32 to vector<16xi32>
      %add3A_1294 = arith.addi %max3A_1291, %add3A_1293 : vector<16xi32>
      %swap3A_1295 = arith.constant 0 : index
      %swap3A_1296 = tpu.vector_load %arg24[%swap3A_1295] {strides = array<i32>} : memref<128xi32, #tpu.memory_space<vmem>>, vector<16xi32>,
      %swap3A_1297 = vector.shape_cast %swap3A_1296 : vector<16xi32> to vector<16xi32>
      %swap3A_1298 = vector.shape_cast %add3A_1294 : vector<16xi32> to vector<16xi32>
      tpu.vector_store %arg24[%swap3A_1295], %swap3A_1298 {strides = array<i32>} : memref<128xi32, #tpu.memory_space<vmem>>, vector<16xi32>,
      %get3A_1299 = arith.constant 912 : index
      %get3A_1300 = tpu.vector_load %arg7[%get3A_1299] {strides = array<i32>} : memref<1024xi32, #tpu.memory_space<vmem>>, vector<16xi32>,
      %get3A_1301 = vector.shape_cast %get3A_1300 : vector<16xi32> to vector<16xi32>
      %gather3A_1302 = tpu.vector_load_idx %arg6[%get3A_1301] : memref<1024xi32, #tpu.memory_space<vmem>>[vector<16xi32>], vector<16xi32>,
      %get3A_1303 = arith.constant 912 : index
      %get3A_1304 = tpu.vector_load %arg8[%get3A_1303] {strides = array<i32>} : memref<1024xi32, #tpu.memory_space<vmem>>, vector<16xi32>,
      %get3A_1305 = vector.shape_cast %get3A_1304 : vector<16xi32> to vector<16xi32>
      %gather3A_1306 = tpu.vector_load_idx %arg6[%get3A_1305] : memref<1024xi32, #tpu.memory_space<vmem>>[vector<16xi32>], vector<16xi32>,
      %min3A_1307 = arith.minsi %gather3A_1302, %gather3A_1306 : vector<16xi32>
      %swap3A_1308 = arith.constant 16 : index
      %swap3A_1309 = tpu.vector_load %arg16[%swap3A_1308] {strides = array<i32>} : memref<128xi32, #tpu.memory_space<vmem>>, vector<16xi32>,
      %swap3A_1310 = vector.shape_cast %swap3A_1309 : vector<16xi32> to vector<16xi32>
      %swap3A_1311 = vector.shape_cast %min3A_1307 : vector<16xi32> to vector<16xi32>
      tpu.vector_store %arg16[%swap3A_1308], %swap3A_1311 {strides = array<i32>} : memref<128xi32, #tpu.memory_space<vmem>>, vector<16xi32>,
      %max3A_1312 = arith.maxsi %gather3A_1302, %gather3A_1306 : vector<16xi32>
      %add3A_1313 = arith.constant 1024 : i32
      %add3A_1314 = vector.broadcast %add3A_1313 : i32 to vector<16xi32>
      %add3A_1315 = arith.addi %max3A_1312, %add3A_1314 : vector<16xi32>
      %swap3A_1316 = arith.constant 16 : index
      %swap3A_1317 = tpu.vector_load %arg24[%swap3A_1316] {strides = array<i32>} : memref<128xi32, #tpu.memory_space<vmem>>, vector<16xi32>,
      %swap3A_1318 = vector.shape_cast %swap3A_1317 : vector<16xi32> to vector<16xi32>
      %swap3A_1319 = vector.shape_cast %add3A_1315 : vector<16xi32> to vector<16xi32>
      tpu.vector_store %arg24[%swap3A_1316], %swap3A_1319 {strides = array<i32>} : memref<128xi32, #tpu.memory_space<vmem>>, vector<16xi32>,
      %get3A_1320 = arith.constant 928 : index
      %get3A_1321 = tpu.vector_load %arg7[%get3A_1320] {strides = array<i32>} : memref<1024xi32, #tpu.memory_space<vmem>>, vector<16xi32>,
      %get3A_1322 = vector.shape_cast %get3A_1321 : vector<16xi32> to vector<16xi32>
      %gather3A_1323 = tpu.vector_load_idx %arg6[%get3A_1322] : memref<1024xi32, #tpu.memory_space<vmem>>[vector<16xi32>], vector<16xi32>,
      %get3A_1324 = arith.constant 928 : index
      %get3A_1325 = tpu.vector_load %arg8[%get3A_1324] {strides = array<i32>} : memref<1024xi32, #tpu.memory_space<vmem>>, vector<16xi32>,
      %get3A_1326 = vector.shape_cast %get3A_1325 : vector<16xi32> to vector<16xi32>
      %gather3A_1327 = tpu.vector_load_idx %arg6[%get3A_1326] : memref<1024xi32, #tpu.memory_space<vmem>>[vector<16xi32>], vector<16xi32>,
      %min3A_1328 = arith.minsi %gather3A_1323, %gather3A_1327 : vector<16xi32>
      %swap3A_1329 = arith.constant 32 : index
      %swap3A_1330 = tpu.vector_load %arg16[%swap3A_1329] {strides = array<i32>} : memref<128xi32, #tpu.memory_space<vmem>>, vector<16xi32>,
      %swap3A_1331 = vector.shape_cast %swap3A_1330 : vector<16xi32> to vector<16xi32>
      %swap3A_1332 = vector.shape_cast %min3A_1328 : vector<16xi32> to vector<16xi32>
      tpu.vector_store %arg16[%swap3A_1329], %swap3A_1332 {strides = array<i32>} : memref<128xi32, #tpu.memory_space<vmem>>, vector<16xi32>,
      %max3A_1333 = arith.maxsi %gather3A_1323, %gather3A_1327 : vector<16xi32>
      %add3A_1334 = arith.constant 1024 : i32
      %add3A_1335 = vector.broadcast %add3A_1334 : i32 to vector<16xi32>
      %add3A_1336 = arith.addi %max3A_1333, %add3A_1335 : vector<16xi32>
      %swap3A_1337 = arith.constant 32 : index
      %swap3A_1338 = tpu.vector_load %arg24[%swap3A_1337] {strides = array<i32>} : memref<128xi32, #tpu.memory_space<vmem>>, vector<16xi32>,
      %swap3A_1339 = vector.shape_cast %swap3A_1338 : vector<16xi32> to vector<16xi32>
      %swap3A_1340 = vector.shape_cast %add3A_1336 : vector<16xi32> to vector<16xi32>
      tpu.vector_store %arg24[%swap3A_1337], %swap3A_1340 {strides = array<i32>} : memref<128xi32, #tpu.memory_space<vmem>>, vector<16xi32>,
      %get3A_1341 = arith.constant 944 : index
      %get3A_1342 = tpu.vector_load %arg7[%get3A_1341] {strides = array<i32>} : memref<1024xi32, #tpu.memory_space<vmem>>, vector<16xi32>,
      %get3A_1343 = vector.shape_cast %get3A_1342 : vector<16xi32> to vector<16xi32>
      %gather3A_1344 = tpu.vector_load_idx %arg6[%get3A_1343] : memref<1024xi32, #tpu.memory_space<vmem>>[vector<16xi32>], vector<16xi32>,
      %get3A_1345 = arith.constant 944 : index
      %get3A_1346 = tpu.vector_load %arg8[%get3A_1345] {strides = array<i32>} : memref<1024xi32, #tpu.memory_space<vmem>>, vector<16xi32>,
      %get3A_1347 = vector.shape_cast %get3A_1346 : vector<16xi32> to vector<16xi32>
      %gather3A_1348 = tpu.vector_load_idx %arg6[%get3A_1347] : memref<1024xi32, #tpu.memory_space<vmem>>[vector<16xi32>], vector<16xi32>,
      %min3A_1349 = arith.minsi %gather3A_1344, %gather3A_1348 : vector<16xi32>
      %swap3A_1350 = arith.constant 48 : index
      %swap3A_1351 = tpu.vector_load %arg16[%swap3A_1350] {strides = array<i32>} : memref<128xi32, #tpu.memory_space<vmem>>, vector<16xi32>,
      %swap3A_1352 = vector.shape_cast %swap3A_1351 : vector<16xi32> to vector<16xi32>
      %swap3A_1353 = vector.shape_cast %min3A_1349 : vector<16xi32> to vector<16xi32>
      tpu.vector_store %arg16[%swap3A_1350], %swap3A_1353 {strides = array<i32>} : memref<128xi32, #tpu.memory_space<vmem>>, vector<16xi32>,
      %max3A_1354 = arith.maxsi %gather3A_1344, %gather3A_1348 : vector<16xi32>
      %add3A_1355 = arith.constant 1024 : i32
      %add3A_1356 = vector.broadcast %add3A_1355 : i32 to vector<16xi32>
      %add3A_1357 = arith.addi %max3A_1354, %add3A_1356 : vector<16xi32>
      %swap3A_1358 = arith.constant 48 : index
      %swap3A_1359 = tpu.vector_load %arg24[%swap3A_1358] {strides = array<i32>} : memref<128xi32, #tpu.memory_space<vmem>>, vector<16xi32>,
      %swap3A_1360 = vector.shape_cast %swap3A_1359 : vector<16xi32> to vector<16xi32>
      %swap3A_1361 = vector.shape_cast %add3A_1357 : vector<16xi32> to vector<16xi32>
      tpu.vector_store %arg24[%swap3A_1358], %swap3A_1361 {strides = array<i32>} : memref<128xi32, #tpu.memory_space<vmem>>, vector<16xi32>,
      %get3A_1362 = arith.constant 960 : index
      %get3A_1363 = tpu.vector_load %arg7[%get3A_1362] {strides = array<i32>} : memref<1024xi32, #tpu.memory_space<vmem>>, vector<16xi32>,
      %get3A_1364 = vector.shape_cast %get3A_1363 : vector<16xi32> to vector<16xi32>
      %gather3A_1365 = tpu.vector_load_idx %arg6[%get3A_1364] : memref<1024xi32, #tpu.memory_space<vmem>>[vector<16xi32>], vector<16xi32>,
      %get3A_1366 = arith.constant 960 : index
      %get3A_1367 = tpu.vector_load %arg8[%get3A_1366] {strides = array<i32>} : memref<1024xi32, #tpu.memory_space<vmem>>, vector<16xi32>,
      %get3A_1368 = vector.shape_cast %get3A_1367 : vector<16xi32> to vector<16xi32>
      %gather3A_1369 = tpu.vector_load_idx %arg6[%get3A_1368] : memref<1024xi32, #tpu.memory_space<vmem>>[vector<16xi32>], vector<16xi32>,
      %min3A_1370 = arith.minsi %gather3A_1365, %gather3A_1369 : vector<16xi32>
      %swap3A_1371 = arith.constant 64 : index
      %swap3A_1372 = tpu.vector_load %arg16[%swap3A_1371] {strides = array<i32>} : memref<128xi32, #tpu.memory_space<vmem>>, vector<16xi32>,
      %swap3A_1373 = vector.shape_cast %swap3A_1372 : vector<16xi32> to vector<16xi32>
      %swap3A_1374 = vector.shape_cast %min3A_1370 : vector<16xi32> to vector<16xi32>
      tpu.vector_store %arg16[%swap3A_1371], %swap3A_1374 {strides = array<i32>} : memref<128xi32, #tpu.memory_space<vmem>>, vector<16xi32>,
      %max3A_1375 = arith.maxsi %gather3A_1365, %gather3A_1369 : vector<16xi32>
      %add3A_1376 = arith.constant 1024 : i32
      %add3A_1377 = vector.broadcast %add3A_1376 : i32 to vector<16xi32>
      %add3A_1378 = arith.addi %max3A_1375, %add3A_1377 : vector<16xi32>
      %swap3A_1379 = arith.constant 64 : index
      %swap3A_1380 = tpu.vector_load %arg24[%swap3A_1379] {strides = array<i32>} : memref<128xi32, #tpu.memory_space<vmem>>, vector<16xi32>,
      %swap3A_1381 = vector.shape_cast %swap3A_1380 : vector<16xi32> to vector<16xi32>
      %swap3A_1382 = vector.shape_cast %add3A_1378 : vector<16xi32> to vector<16xi32>
      tpu.vector_store %arg24[%swap3A_1379], %swap3A_1382 {strides = array<i32>} : memref<128xi32, #tpu.memory_space<vmem>>, vector<16xi32>,
      %get3A_1383 = arith.constant 976 : index
      %get3A_1384 = tpu.vector_load %arg7[%get3A_1383] {strides = array<i32>} : memref<1024xi32, #tpu.memory_space<vmem>>, vector<16xi32>,
      %get3A_1385 = vector.shape_cast %get3A_1384 : vector<16xi32> to vector<16xi32>
      %gather3A_1386 = tpu.vector_load_idx %arg6[%get3A_1385] : memref<1024xi32, #tpu.memory_space<vmem>>[vector<16xi32>], vector<16xi32>,
      %get3A_1387 = arith.constant 976 : index
      %get3A_1388 = tpu.vector_load %arg8[%get3A_1387] {strides = array<i32>} : memref<1024xi32, #tpu.memory_space<vmem>>, vector<16xi32>,
      %get3A_1389 = vector.shape_cast %get3A_1388 : vector<16xi32> to vector<16xi32>
      %gather3A_1390 = tpu.vector_load_idx %arg6[%get3A_1389] : memref<1024xi32, #tpu.memory_space<vmem>>[vector<16xi32>], vector<16xi32>,
      %min3A_1391 = arith.minsi %gather3A_1386, %gather3A_1390 : vector<16xi32>
      %swap3A_1392 = arith.constant 80 : index
      %swap3A_1393 = tpu.vector_load %arg16[%swap3A_1392] {strides = array<i32>} : memref<128xi32, #tpu.memory_space<vmem>>, vector<16xi32>,
      %swap3A_1394 = vector.shape_cast %swap3A_1393 : vector<16xi32> to vector<16xi32>
      %swap3A_1395 = vector.shape_cast %min3A_1391 : vector<16xi32> to vector<16xi32>
      tpu.vector_store %arg16[%swap3A_1392], %swap3A_1395 {strides = array<i32>} : memref<128xi32, #tpu.memory_space<vmem>>, vector<16xi32>,
      %max3A_1396 = arith.maxsi %gather3A_1386, %gather3A_1390 : vector<16xi32>
      %add3A_1397 = arith.constant 1024 : i32
      %add3A_1398 = vector.broadcast %add3A_1397 : i32 to vector<16xi32>
      %add3A_1399 = arith.addi %max3A_1396, %add3A_1398 : vector<16xi32>
      %swap3A_1400 = arith.constant 80 : index
      %swap3A_1401 = tpu.vector_load %arg24[%swap3A_1400] {strides = array<i32>} : memref<128xi32, #tpu.memory_space<vmem>>, vector<16xi32>,
      %swap3A_1402 = vector.shape_cast %swap3A_1401 : vector<16xi32> to vector<16xi32>
      %swap3A_1403 = vector.shape_cast %add3A_1399 : vector<16xi32> to vector<16xi32>
      tpu.vector_store %arg24[%swap3A_1400], %swap3A_1403 {strides = array<i32>} : memref<128xi32, #tpu.memory_space<vmem>>, vector<16xi32>,
      %get3A_1404 = arith.constant 992 : index
      %get3A_1405 = tpu.vector_load %arg7[%get3A_1404] {strides = array<i32>} : memref<1024xi32, #tpu.memory_space<vmem>>, vector<16xi32>,
      %get3A_1406 = vector.shape_cast %get3A_1405 : vector<16xi32> to vector<16xi32>
      %gather3A_1407 = tpu.vector_load_idx %arg6[%get3A_1406] : memref<1024xi32, #tpu.memory_space<vmem>>[vector<16xi32>], vector<16xi32>,
      %get3A_1408 = arith.constant 992 : index
      %get3A_1409 = tpu.vector_load %arg8[%get3A_1408] {strides = array<i32>} : memref<1024xi32, #tpu.memory_space<vmem>>, vector<16xi32>,
      %get3A_1410 = vector.shape_cast %get3A_1409 : vector<16xi32> to vector<16xi32>
      %gather3A_1411 = tpu.vector_load_idx %arg6[%get3A_1410] : memref<1024xi32, #tpu.memory_space<vmem>>[vector<16xi32>], vector<16xi32>,
      %min3A_1412 = arith.minsi %gather3A_1407, %gather3A_1411 : vector<16xi32>
      %swap3A_1413 = arith.constant 96 : index
      %swap3A_1414 = tpu.vector_load %arg16[%swap3A_1413] {strides = array<i32>} : memref<128xi32, #tpu.memory_space<vmem>>, vector<16xi32>,
      %swap3A_1415 = vector.shape_cast %swap3A_1414 : vector<16xi32> to vector<16xi32>
      %swap3A_1416 = vector.shape_cast %min3A_1412 : vector<16xi32> to vector<16xi32>
      tpu.vector_store %arg16[%swap3A_1413], %swap3A_1416 {strides = array<i32>} : memref<128xi32, #tpu.memory_space<vmem>>, vector<16xi32>,
      %max3A_1417 = arith.maxsi %gather3A_1407, %gather3A_1411 : vector<16xi32>
      %add3A_1418 = arith.constant 1024 : i32
      %add3A_1419 = vector.broadcast %add3A_1418 : i32 to vector<16xi32>
      %add3A_1420 = arith.addi %max3A_1417, %add3A_1419 : vector<16xi32>
      %swap3A_1421 = arith.constant 96 : index
      %swap3A_1422 = tpu.vector_load %arg24[%swap3A_1421] {strides = array<i32>} : memref<128xi32, #tpu.memory_space<vmem>>, vector<16xi32>,
      %swap3A_1423 = vector.shape_cast %swap3A_1422 : vector<16xi32> to vector<16xi32>
      %swap3A_1424 = vector.shape_cast %add3A_1420 : vector<16xi32> to vector<16xi32>
      tpu.vector_store %arg24[%swap3A_1421], %swap3A_1424 {strides = array<i32>} : memref<128xi32, #tpu.memory_space<vmem>>, vector<16xi32>,
      %get3A_1425 = arith.constant 1008 : index
      %get3A_1426 = tpu.vector_load %arg7[%get3A_1425] {strides = array<i32>} : memref<1024xi32, #tpu.memory_space<vmem>>, vector<16xi32>,
      %get3A_1427 = vector.shape_cast %get3A_1426 : vector<16xi32> to vector<16xi32>
      %gather3A_1428 = tpu.vector_load_idx %arg6[%get3A_1427] : memref<1024xi32, #tpu.memory_space<vmem>>[vector<16xi32>], vector<16xi32>,
      %get3A_1429 = arith.constant 1008 : index
      %get3A_1430 = tpu.vector_load %arg8[%get3A_1429] {strides = array<i32>} : memref<1024xi32, #tpu.memory_space<vmem>>, vector<16xi32>,
      %get3A_1431 = vector.shape_cast %get3A_1430 : vector<16xi32> to vector<16xi32>
      %gather3A_1432 = tpu.vector_load_idx %arg6[%get3A_1431] : memref<1024xi32, #tpu.memory_space<vmem>>[vector<16xi32>], vector<16xi32>,
      %min3A_1433 = arith.minsi %gather3A_1428, %gather3A_1432 : vector<16xi32>
      %swap3A_1434 = arith.constant 112 : index
      %swap3A_1435 = tpu.vector_load %arg16[%swap3A_1434] {strides = array<i32>} : memref<128xi32, #tpu.memory_space<vmem>>, vector<16xi32>,
      %swap3A_1436 = vector.shape_cast %swap3A_1435 : vector<16xi32> to vector<16xi32>
      %swap3A_1437 = vector.shape_cast %min3A_1433 : vector<16xi32> to vector<16xi32>
      tpu.vector_store %arg16[%swap3A_1434], %swap3A_1437 {strides = array<i32>} : memref<128xi32, #tpu.memory_space<vmem>>, vector<16xi32>,
      %max3A_1438 = arith.maxsi %gather3A_1428, %gather3A_1432 : vector<16xi32>
      %add3A_1439 = arith.constant 1024 : i32
      %add3A_1440 = vector.broadcast %add3A_1439 : i32 to vector<16xi32>
      %add3A_1441 = arith.addi %max3A_1438, %add3A_1440 : vector<16xi32>
      %swap3A_1442 = arith.constant 112 : index
      %swap3A_1443 = tpu.vector_load %arg24[%swap3A_1442] {strides = array<i32>} : memref<128xi32, #tpu.memory_space<vmem>>, vector<16xi32>,
      %swap3A_1444 = vector.shape_cast %swap3A_1443 : vector<16xi32> to vector<16xi32>
      %swap3A_1445 = vector.shape_cast %add3A_1441 : vector<16xi32> to vector<16xi32>
      tpu.vector_store %arg24[%swap3A_1442], %swap3A_1445 {strides = array<i32>} : memref<128xi32, #tpu.memory_space<vmem>>, vector<16xi32>,
      %dma_wait3A_1446 = tpu.memref_slice %arg29[%mul3A_101] : memref<2048xf32, #tpu.memory_space<vmem_shared>> -> memref<128xf32, #tpu.memory_space<vmem_shared>>
      %dma_wait3A_1447 = tpu.memref_slice %arg29[%mul3A_101] : memref<2048xf32, #tpu.memory_space<vmem_shared>> -> memref<128xf32, #tpu.memory_space<vmem_shared>>
      tpu.wait_dma2 semaphore(%arg31 : memref<!tpu.dma_semaphore, #tpu.memory_space<semaphore_mem>>) src(%arg26 : memref<128xf32, #tpu.memory_space<vmem>>) dst(%dma_wait3A_1447 : memref<128xf32, #tpu.memory_space<vmem_shared>>)
      %barrier3A = arith.constant 0 : index
      tpu.barrier barrier_id(%barrier3A)
      %dma_start3A_1448 = arith.constant 0 : i32
      %dma_start3A_1449 = tpu.memref_slice %arg29[%dma_start3A_1448] : memref<2048xf32, #tpu.memory_space<vmem_shared>> -> memref<2048xf32, #tpu.memory_space<vmem_shared>>
      tpu.enqueue_indirect_dma source(%arg25 : memref<128xf32, #tpu.memory_space<vmem>>) target(%dma_start3A_1449 : memref<2048xf32, #tpu.memory_space<vmem_shared>>) offsets(%arg9 : memref<128xi32, #tpu.memory_space<vmem>>) semaphore(%arg31 : memref<!tpu.dma_semaphore, #tpu.memory_space<semaphore_mem>>) {add = true}
      %dma_start3A_1450 = arith.constant 0 : i32
      %dma_start3A_1451 = tpu.memref_slice %arg29[%dma_start3A_1450] : memref<2048xf32, #tpu.memory_space<vmem_shared>> -> memref<2048xf32, #tpu.memory_space<vmem_shared>>
      tpu.enqueue_indirect_dma source(%arg25 : memref<128xf32, #tpu.memory_space<vmem>>) target(%dma_start3A_1451 : memref<2048xf32, #tpu.memory_space<vmem_shared>>) offsets(%arg10 : memref<128xi32, #tpu.memory_space<vmem>>) semaphore(%arg31 : memref<!tpu.dma_semaphore, #tpu.memory_space<semaphore_mem>>) {add = true}
      %dma_start3A_1452 = arith.constant 0 : i32
      %dma_start3A_1453 = tpu.memref_slice %arg29[%dma_start3A_1452] : memref<2048xf32, #tpu.memory_space<vmem_shared>> -> memref<2048xf32, #tpu.memory_space<vmem_shared>>
      tpu.enqueue_indirect_dma source(%arg25 : memref<128xf32, #tpu.memory_space<vmem>>) target(%dma_start3A_1453 : memref<2048xf32, #tpu.memory_space<vmem_shared>>) offsets(%arg11 : memref<128xi32, #tpu.memory_space<vmem>>) semaphore(%arg31 : memref<!tpu.dma_semaphore, #tpu.memory_space<semaphore_mem>>) {add = true}
      %dma_start3A_1454 = arith.constant 0 : i32
      %dma_start3A_1455 = tpu.memref_slice %arg29[%dma_start3A_1454] : memref<2048xf32, #tpu.memory_space<vmem_shared>> -> memref<2048xf32, #tpu.memory_space<vmem_shared>>
      tpu.enqueue_indirect_dma source(%arg25 : memref<128xf32, #tpu.memory_space<vmem>>) target(%dma_start3A_1455 : memref<2048xf32, #tpu.memory_space<vmem_shared>>) offsets(%arg12 : memref<128xi32, #tpu.memory_space<vmem>>) semaphore(%arg31 : memref<!tpu.dma_semaphore, #tpu.memory_space<semaphore_mem>>) {add = true}
      %dma_start3A_1456 = arith.constant 0 : i32
      %dma_start3A_1457 = tpu.memref_slice %arg29[%dma_start3A_1456] : memref<2048xf32, #tpu.memory_space<vmem_shared>> -> memref<2048xf32, #tpu.memory_space<vmem_shared>>
      tpu.enqueue_indirect_dma source(%arg25 : memref<128xf32, #tpu.memory_space<vmem>>) target(%dma_start3A_1457 : memref<2048xf32, #tpu.memory_space<vmem_shared>>) offsets(%arg13 : memref<128xi32, #tpu.memory_space<vmem>>) semaphore(%arg31 : memref<!tpu.dma_semaphore, #tpu.memory_space<semaphore_mem>>) {add = true}
      %dma_start3A_1458 = arith.constant 0 : i32
      %dma_start3A_1459 = tpu.memref_slice %arg29[%dma_start3A_1458] : memref<2048xf32, #tpu.memory_space<vmem_shared>> -> memref<2048xf32, #tpu.memory_space<vmem_shared>>
      tpu.enqueue_indirect_dma source(%arg25 : memref<128xf32, #tpu.memory_space<vmem>>) target(%dma_start3A_1459 : memref<2048xf32, #tpu.memory_space<vmem_shared>>) offsets(%arg14 : memref<128xi32, #tpu.memory_space<vmem>>) semaphore(%arg31 : memref<!tpu.dma_semaphore, #tpu.memory_space<semaphore_mem>>) {add = true}
      %dma_start3A_1460 = arith.constant 0 : i32
      %dma_start3A_1461 = tpu.memref_slice %arg29[%dma_start3A_1460] : memref<2048xf32, #tpu.memory_space<vmem_shared>> -> memref<2048xf32, #tpu.memory_space<vmem_shared>>
      tpu.enqueue_indirect_dma source(%arg25 : memref<128xf32, #tpu.memory_space<vmem>>) target(%dma_start3A_1461 : memref<2048xf32, #tpu.memory_space<vmem_shared>>) offsets(%arg15 : memref<128xi32, #tpu.memory_space<vmem>>) semaphore(%arg31 : memref<!tpu.dma_semaphore, #tpu.memory_space<semaphore_mem>>) {add = true}
      %dma_start3A_1462 = arith.constant 0 : i32
      %dma_start3A_1463 = tpu.memref_slice %arg29[%dma_start3A_1462] : memref<2048xf32, #tpu.memory_space<vmem_shared>> -> memref<2048xf32, #tpu.memory_space<vmem_shared>>
      tpu.enqueue_indirect_dma source(%arg25 : memref<128xf32, #tpu.memory_space<vmem>>) target(%dma_start3A_1463 : memref<2048xf32, #tpu.memory_space<vmem_shared>>) offsets(%arg16 : memref<128xi32, #tpu.memory_space<vmem>>) semaphore(%arg31 : memref<!tpu.dma_semaphore, #tpu.memory_space<semaphore_mem>>) {add = true}
      %dma_start3A_1464 = arith.constant 0 : i32
      %dma_start3A_1465 = tpu.memref_slice %arg29[%dma_start3A_1464] : memref<2048xf32, #tpu.memory_space<vmem_shared>> -> memref<2048xf32, #tpu.memory_space<vmem_shared>>
      tpu.enqueue_indirect_dma source(%arg25 : memref<128xf32, #tpu.memory_space<vmem>>) target(%dma_start3A_1465 : memref<2048xf32, #tpu.memory_space<vmem_shared>>) offsets(%arg17 : memref<128xi32, #tpu.memory_space<vmem>>) semaphore(%arg31 : memref<!tpu.dma_semaphore, #tpu.memory_space<semaphore_mem>>) {add = true}
      %dma_start3A_1466 = arith.constant 0 : i32
      %dma_start3A_1467 = tpu.memref_slice %arg29[%dma_start3A_1466] : memref<2048xf32, #tpu.memory_space<vmem_shared>> -> memref<2048xf32, #tpu.memory_space<vmem_shared>>
      tpu.enqueue_indirect_dma source(%arg25 : memref<128xf32, #tpu.memory_space<vmem>>) target(%dma_start3A_1467 : memref<2048xf32, #tpu.memory_space<vmem_shared>>) offsets(%arg18 : memref<128xi32, #tpu.memory_space<vmem>>) semaphore(%arg31 : memref<!tpu.dma_semaphore, #tpu.memory_space<semaphore_mem>>) {add = true}
      %dma_start3A_1468 = arith.constant 0 : i32
      %dma_start3A_1469 = tpu.memref_slice %arg29[%dma_start3A_1468] : memref<2048xf32, #tpu.memory_space<vmem_shared>> -> memref<2048xf32, #tpu.memory_space<vmem_shared>>
      tpu.enqueue_indirect_dma source(%arg25 : memref<128xf32, #tpu.memory_space<vmem>>) target(%dma_start3A_1469 : memref<2048xf32, #tpu.memory_space<vmem_shared>>) offsets(%arg19 : memref<128xi32, #tpu.memory_space<vmem>>) semaphore(%arg31 : memref<!tpu.dma_semaphore, #tpu.memory_space<semaphore_mem>>) {add = true}
      %dma_start3A_1470 = arith.constant 0 : i32
      %dma_start3A_1471 = tpu.memref_slice %arg29[%dma_start3A_1470] : memref<2048xf32, #tpu.memory_space<vmem_shared>> -> memref<2048xf32, #tpu.memory_space<vmem_shared>>
      tpu.enqueue_indirect_dma source(%arg25 : memref<128xf32, #tpu.memory_space<vmem>>) target(%dma_start3A_1471 : memref<2048xf32, #tpu.memory_space<vmem_shared>>) offsets(%arg20 : memref<128xi32, #tpu.memory_space<vmem>>) semaphore(%arg31 : memref<!tpu.dma_semaphore, #tpu.memory_space<semaphore_mem>>) {add = true}
      %dma_start3A_1472 = arith.constant 0 : i32
      %dma_start3A_1473 = tpu.memref_slice %arg29[%dma_start3A_1472] : memref<2048xf32, #tpu.memory_space<vmem_shared>> -> memref<2048xf32, #tpu.memory_space<vmem_shared>>
      tpu.enqueue_indirect_dma source(%arg25 : memref<128xf32, #tpu.memory_space<vmem>>) target(%dma_start3A_1473 : memref<2048xf32, #tpu.memory_space<vmem_shared>>) offsets(%arg21 : memref<128xi32, #tpu.memory_space<vmem>>) semaphore(%arg31 : memref<!tpu.dma_semaphore, #tpu.memory_space<semaphore_mem>>) {add = true}
      %dma_start3A_1474 = arith.constant 0 : i32
      %dma_start3A_1475 = tpu.memref_slice %arg29[%dma_start3A_1474] : memref<2048xf32, #tpu.memory_space<vmem_shared>> -> memref<2048xf32, #tpu.memory_space<vmem_shared>>
      tpu.enqueue_indirect_dma source(%arg25 : memref<128xf32, #tpu.memory_space<vmem>>) target(%dma_start3A_1475 : memref<2048xf32, #tpu.memory_space<vmem_shared>>) offsets(%arg22 : memref<128xi32, #tpu.memory_space<vmem>>) semaphore(%arg31 : memref<!tpu.dma_semaphore, #tpu.memory_space<semaphore_mem>>) {add = true}
      %dma_start3A_1476 = arith.constant 0 : i32
      %dma_start3A_1477 = tpu.memref_slice %arg29[%dma_start3A_1476] : memref<2048xf32, #tpu.memory_space<vmem_shared>> -> memref<2048xf32, #tpu.memory_space<vmem_shared>>
      tpu.enqueue_indirect_dma source(%arg25 : memref<128xf32, #tpu.memory_space<vmem>>) target(%dma_start3A_1477 : memref<2048xf32, #tpu.memory_space<vmem_shared>>) offsets(%arg23 : memref<128xi32, #tpu.memory_space<vmem>>) semaphore(%arg31 : memref<!tpu.dma_semaphore, #tpu.memory_space<semaphore_mem>>) {add = true}
      %dma_start3A_1478 = arith.constant 0 : i32
      %dma_start3A_1479 = tpu.memref_slice %arg29[%dma_start3A_1478] : memref<2048xf32, #tpu.memory_space<vmem_shared>> -> memref<2048xf32, #tpu.memory_space<vmem_shared>>
      tpu.enqueue_indirect_dma source(%arg25 : memref<128xf32, #tpu.memory_space<vmem>>) target(%dma_start3A_1479 : memref<2048xf32, #tpu.memory_space<vmem_shared>>) offsets(%arg24 : memref<128xi32, #tpu.memory_space<vmem>>) semaphore(%arg31 : memref<!tpu.dma_semaphore, #tpu.memory_space<semaphore_mem>>) {add = true}
      %dma_wait3A_1480 = arith.constant 0 : i32
      %dma_wait3A_1481 = tpu.memref_slice %arg29[%dma_wait3A_1480] : memref<2048xf32, #tpu.memory_space<vmem_shared>> -> memref<2048xf32, #tpu.memory_space<vmem_shared>>
      tpu.wait_indirect_dma semaphore(%arg31 : memref<!tpu.dma_semaphore, #tpu.memory_space<semaphore_mem>>) src(%arg25 : memref<128xf32, #tpu.memory_space<vmem>>) dst(%dma_wait3A_1481 : memref<2048xf32, #tpu.memory_space<vmem_shared>>)
      %dma_wait3A_1482 = arith.constant 0 : i32
      %dma_wait3A_1483 = tpu.memref_slice %arg29[%dma_wait3A_1482] : memref<2048xf32, #tpu.memory_space<vmem_shared>> -> memref<2048xf32, #tpu.memory_space<vmem_shared>>
      tpu.wait_indirect_dma semaphore(%arg31 : memref<!tpu.dma_semaphore, #tpu.memory_space<semaphore_mem>>) src(%arg25 : memref<128xf32, #tpu.memory_space<vmem>>) dst(%dma_wait3A_1483 : memref<2048xf32, #tpu.memory_space<vmem_shared>>)
      %dma_wait3A_1484 = arith.constant 0 : i32
      %dma_wait3A_1485 = tpu.memref_slice %arg29[%dma_wait3A_1484] : memref<2048xf32, #tpu.memory_space<vmem_shared>> -> memref<2048xf32, #tpu.memory_space<vmem_shared>>
      tpu.wait_indirect_dma semaphore(%arg31 : memref<!tpu.dma_semaphore, #tpu.memory_space<semaphore_mem>>) src(%arg25 : memref<128xf32, #tpu.memory_space<vmem>>) dst(%dma_wait3A_1485 : memref<2048xf32, #tpu.memory_space<vmem_shared>>)
      %dma_wait3A_1486 = arith.constant 0 : i32
      %dma_wait3A_1487 = tpu.memref_slice %arg29[%dma_wait3A_1486] : memref<2048xf32, #tpu.memory_space<vmem_shared>> -> memref<2048xf32, #tpu.memory_space<vmem_shared>>
      tpu.wait_indirect_dma semaphore(%arg31 : memref<!tpu.dma_semaphore, #tpu.memory_space<semaphore_mem>>) src(%arg25 : memref<128xf32, #tpu.memory_space<vmem>>) dst(%dma_wait3A_1487 : memref<2048xf32, #tpu.memory_space<vmem_shared>>)
      %dma_wait3A_1488 = arith.constant 0 : i32
      %dma_wait3A_1489 = tpu.memref_slice %arg29[%dma_wait3A_1488] : memref<2048xf32, #tpu.memory_space<vmem_shared>> -> memref<2048xf32, #tpu.memory_space<vmem_shared>>
      tpu.wait_indirect_dma semaphore(%arg31 : memref<!tpu.dma_semaphore, #tpu.memory_space<semaphore_mem>>) src(%arg25 : memref<128xf32, #tpu.memory_space<vmem>>) dst(%dma_wait3A_1489 : memref<2048xf32, #tpu.memory_space<vmem_shared>>)
      %dma_wait3A_1490 = arith.constant 0 : i32
      %dma_wait3A_1491 = tpu.memref_slice %arg29[%dma_wait3A_1490] : memref<2048xf32, #tpu.memory_space<vmem_shared>> -> memref<2048xf32, #tpu.memory_space<vmem_shared>>
      tpu.wait_indirect_dma semaphore(%arg31 : memref<!tpu.dma_semaphore, #tpu.memory_space<semaphore_mem>>) src(%arg25 : memref<128xf32, #tpu.memory_space<vmem>>) dst(%dma_wait3A_1491 : memref<2048xf32, #tpu.memory_space<vmem_shared>>)
      %dma_wait3A_1492 = arith.constant 0 : i32
      %dma_wait3A_1493 = tpu.memref_slice %arg29[%dma_wait3A_1492] : memref<2048xf32, #tpu.memory_space<vmem_shared>> -> memref<2048xf32, #tpu.memory_space<vmem_shared>>
      tpu.wait_indirect_dma semaphore(%arg31 : memref<!tpu.dma_semaphore, #tpu.memory_space<semaphore_mem>>) src(%arg25 : memref<128xf32, #tpu.memory_space<vmem>>) dst(%dma_wait3A_1493 : memref<2048xf32, #tpu.memory_space<vmem_shared>>)
      %dma_wait3A_1494 = arith.constant 0 : i32
      %dma_wait3A_1495 = tpu.memref_slice %arg29[%dma_wait3A_1494] : memref<2048xf32, #tpu.memory_space<vmem_shared>> -> memref<2048xf32, #tpu.memory_space<vmem_shared>>
      tpu.wait_indirect_dma semaphore(%arg31 : memref<!tpu.dma_semaphore, #tpu.memory_space<semaphore_mem>>) src(%arg25 : memref<128xf32, #tpu.memory_space<vmem>>) dst(%dma_wait3A_1495 : memref<2048xf32, #tpu.memory_space<vmem_shared>>)
      %dma_wait3A_1496 = arith.constant 0 : i32
      %dma_wait3A_1497 = tpu.memref_slice %arg29[%dma_wait3A_1496] : memref<2048xf32, #tpu.memory_space<vmem_shared>> -> memref<2048xf32, #tpu.memory_space<vmem_shared>>
      tpu.wait_indirect_dma semaphore(%arg31 : memref<!tpu.dma_semaphore, #tpu.memory_space<semaphore_mem>>) src(%arg25 : memref<128xf32, #tpu.memory_space<vmem>>) dst(%dma_wait3A_1497 : memref<2048xf32, #tpu.memory_space<vmem_shared>>)
      %dma_wait3A_1498 = arith.constant 0 : i32
      %dma_wait3A_1499 = tpu.memref_slice %arg29[%dma_wait3A_1498] : memref<2048xf32, #tpu.memory_space<vmem_shared>> -> memref<2048xf32, #tpu.memory_space<vmem_shared>>
      tpu.wait_indirect_dma semaphore(%arg31 : memref<!tpu.dma_semaphore, #tpu.memory_space<semaphore_mem>>) src(%arg25 : memref<128xf32, #tpu.memory_space<vmem>>) dst(%dma_wait3A_1499 : memref<2048xf32, #tpu.memory_space<vmem_shared>>)
      %dma_wait3A_1500 = arith.constant 0 : i32
      %dma_wait3A_1501 = tpu.memref_slice %arg29[%dma_wait3A_1500] : memref<2048xf32, #tpu.memory_space<vmem_shared>> -> memref<2048xf32, #tpu.memory_space<vmem_shared>>
      tpu.wait_indirect_dma semaphore(%arg31 : memref<!tpu.dma_semaphore, #tpu.memory_space<semaphore_mem>>) src(%arg25 : memref<128xf32, #tpu.memory_space<vmem>>) dst(%dma_wait3A_1501 : memref<2048xf32, #tpu.memory_space<vmem_shared>>)
      %dma_wait3A_1502 = arith.constant 0 : i32
      %dma_wait3A_1503 = tpu.memref_slice %arg29[%dma_wait3A_1502] : memref<2048xf32, #tpu.memory_space<vmem_shared>> -> memref<2048xf32, #tpu.memory_space<vmem_shared>>
      tpu.wait_indirect_dma semaphore(%arg31 : memref<!tpu.dma_semaphore, #tpu.memory_space<semaphore_mem>>) src(%arg25 : memref<128xf32, #tpu.memory_space<vmem>>) dst(%dma_wait3A_1503 : memref<2048xf32, #tpu.memory_space<vmem_shared>>)
      %dma_wait3A_1504 = arith.constant 0 : i32
      %dma_wait3A_1505 = tpu.memref_slice %arg29[%dma_wait3A_1504] : memref<2048xf32, #tpu.memory_space<vmem_shared>> -> memref<2048xf32, #tpu.memory_space<vmem_shared>>
      tpu.wait_indirect_dma semaphore(%arg31 : memref<!tpu.dma_semaphore, #tpu.memory_space<semaphore_mem>>) src(%arg25 : memref<128xf32, #tpu.memory_space<vmem>>) dst(%dma_wait3A_1505 : memref<2048xf32, #tpu.memory_space<vmem_shared>>)
      %dma_wait3A_1506 = arith.constant 0 : i32
      %dma_wait3A_1507 = tpu.memref_slice %arg29[%dma_wait3A_1506] : memref<2048xf32, #tpu.memory_space<vmem_shared>> -> memref<2048xf32, #tpu.memory_space<vmem_shared>>
      tpu.wait_indirect_dma semaphore(%arg31 : memref<!tpu.dma_semaphore, #tpu.memory_space<semaphore_mem>>) src(%arg25 : memref<128xf32, #tpu.memory_space<vmem>>) dst(%dma_wait3A_1507 : memref<2048xf32, #tpu.memory_space<vmem_shared>>)
      %dma_wait3A_1508 = arith.constant 0 : i32
      %dma_wait3A_1509 = tpu.memref_slice %arg29[%dma_wait3A_1508] : memref<2048xf32, #tpu.memory_space<vmem_shared>> -> memref<2048xf32, #tpu.memory_space<vmem_shared>>
      tpu.wait_indirect_dma semaphore(%arg31 : memref<!tpu.dma_semaphore, #tpu.memory_space<semaphore_mem>>) src(%arg25 : memref<128xf32, #tpu.memory_space<vmem>>) dst(%dma_wait3A_1509 : memref<2048xf32, #tpu.memory_space<vmem_shared>>)
      %dma_wait3A_1510 = arith.constant 0 : i32
      %dma_wait3A_1511 = tpu.memref_slice %arg29[%dma_wait3A_1510] : memref<2048xf32, #tpu.memory_space<vmem_shared>> -> memref<2048xf32, #tpu.memory_space<vmem_shared>>
      tpu.wait_indirect_dma semaphore(%arg31 : memref<!tpu.dma_semaphore, #tpu.memory_space<semaphore_mem>>) src(%arg25 : memref<128xf32, #tpu.memory_space<vmem>>) dst(%dma_wait3A_1511 : memref<2048xf32, #tpu.memory_space<vmem_shared>>)
      %barrier3A_1512 = arith.constant 0 : index
      tpu.barrier barrier_id(%barrier3A_1512)
      %eq3A_1513 = arith.constant 0 : i32
      %eq3A_1514 = arith.cmpi eq, %arg1, %eq3A_1513 : i32
      %convert_element_type3A_1515 = arith.extui %eq3A_1514 : i1 to i32
      %cond3A_1516 = arith.constant 0 : i32
      %cond3A_1517 = arith.cmpi ne, %convert_element_type3A_1515, %cond3A_1516 : i32
      scf.if %cond3A_1517 {
        "tpu.region"() ({
          %run_scoped3A = tpu.sem_alloc : memref<!tpu.dma_semaphore, #tpu.memory_space<semaphore_mem>>
          tpu.enqueue_dma source(%arg29 : memref<2048xf32, #tpu.memory_space<vmem_shared>>) target(%arg27 : memref<2048xf32, #tpu.memory_space<vmem>>) target_semaphore(%run_scoped3A : memref<!tpu.dma_semaphore, #tpu.memory_space<semaphore_mem>>)
          tpu.wait_dma2 semaphore(%run_scoped3A : memref<!tpu.dma_semaphore, #tpu.memory_space<semaphore_mem>>) src(%arg29 : memref<2048xf32, #tpu.memory_space<vmem_shared>>) dst(%arg27 : memref<2048xf32, #tpu.memory_space<vmem>>)
          tpu.yield
        }) : () -> ()
        %broadcast_in_dim3A_1518 = arith.constant -3.000000e+38 : f32
        %broadcast_in_dim3A_1519 = vector.broadcast %broadcast_in_dim3A_1518 : f32 to vector<16xf32>
        %broadcast_in_dim3A_1520 = arith.constant 0.000000e+00 : f32
        %broadcast_in_dim3A_1521 = vector.broadcast %broadcast_in_dim3A_1520 : f32 to vector<16xf32>
        %scan3A = arith.constant 0.000000e+00 : f32
        %scan3A_1522 = arith.constant 0 : i32
        %scan3A_1523 = arith.constant 64 : i32
        %scan3A_1524 = arith.addi %scan3A_1522, %scan3A_1523 : i32
        %scan3A_1525 = arith.constant 1 : i32
        %scan3A_1526:3 = scf.for %scan3A_1549 = %scan3A_1522 to %scan3A_1524 step %scan3A_1525 iter_args(%scan3A_1550 = %scan3A, %scan3A_1551 = %broadcast_in_dim3A_1519, %scan3A_1552 = %broadcast_in_dim3A_1521) -> (f32, vector<16xf32>, vector<16xf32>)  : i32 {
          %mul3A_1553 = arith.constant 16 : i32
          %mul3A_1554 = arith.muli %scan3A_1549, %mul3A_1553 : i32
          %get3A_1555 = arith.index_cast %mul3A_1554 : i32 to index
          %get3A_1556 = tpu.vector_load %arg27[%get3A_1555] {strides = array<i32>} : memref<2048xf32, #tpu.memory_space<vmem>>, vector<16xf32>,
          %mul3A_1557 = arith.constant 16 : i32
          %mul3A_1558 = arith.muli %scan3A_1549, %mul3A_1557 : i32
          %add3A_1559 = arith.constant 1024 : i32
          %add3A_1560 = arith.addi %add3A_1559, %mul3A_1558 : i32
          %get3A_1561 = arith.index_cast %add3A_1560 : i32 to index
          %get3A_1562 = tpu.vector_load %arg27[%get3A_1561] {strides = array<i32>} : memref<2048xf32, #tpu.memory_space<vmem>>, vector<16xf32>,
          %sub3A_1563 = arith.subf %get3A_1556, %get3A_1562 : vector<16xf32>
          %broadcast_in_dim3A_1564 = arith.constant true
          %broadcast_in_dim3A_1565 = vector.broadcast %broadcast_in_dim3A_1564 : i1 to vector<16xi1>
          %masked_cumsum3A = tpu.scan <sum>, %sub3A_1563 masked %broadcast_in_dim3A_1565 : vector<16xf32>, vector<16xi1> -> vector<16xf32>
          %add3A_1566 = vector.broadcast %scan3A_1550 : f32 to vector<16xf32>
          %add3A_1567 = arith.addf %masked_cumsum3A, %add3A_1566 : vector<16xf32>
          %max3A_1568 = arith.maximumf %scan3A_1551, %add3A_1567 : vector<16xf32>
          %add3A_1569 = arith.addf %scan3A_1552, %add3A_1567 : vector<16xf32>
          %reduce_sum3A_1570 = arith.constant true
          %reduce_sum3A_1571 = vector.broadcast %reduce_sum3A_1570 : i1 to vector<16xi1>
          %reduce_sum3A_1572 = tpu.scan <sum>, %sub3A_1563 masked %reduce_sum3A_1571 : vector<16xf32>, vector<16xi1> -> vector<16xf32>
          %reduce_sum3A_1573 = vector.extract %reduce_sum3A_1572[15] : f32 from vector<16xf32>
          %add3A_1574 = arith.addf %scan3A_1550, %reduce_sum3A_1573 : f32
          scf.yield %add3A_1574, %max3A_1568, %add3A_1569 : f32, vector<16xf32>, vector<16xf32>
        }
        %scan3A_1527 = arith.constant 64 : i32
        %reduce_max3A = arith.constant true
        %reduce_max3A_1528 = vector.broadcast %reduce_max3A : i1 to vector<16xi1>
        %reduce_max3A_1529 = tpu.scan <max>, %scan3A_1526#1 masked %reduce_max3A_1528 : vector<16xf32>, vector<16xi1> -> vector<16xf32>
        %reduce_max3A_1530 = vector.extract %reduce_max3A_1529[15] : f32 from vector<16xf32>
        %reduce_sum3A = arith.constant true
        %reduce_sum3A_1531 = vector.broadcast %reduce_sum3A : i1 to vector<16xi1>
        %reduce_sum3A_1532 = tpu.scan <sum>, %scan3A_1526#2 masked %reduce_sum3A_1531 : vector<16xf32>, vector<16xi1> -> vector<16xf32>
        %reduce_sum3A_1533 = vector.extract %reduce_sum3A_1532[15] : f32 from vector<16xf32>
        %iota3A = tpu.iota {dimensions = array<i32: 0>} : vector<16xi32>
        %eq3A_1534 = arith.constant 0 : i32
        %eq3A_1535 = vector.broadcast %eq3A_1534 : i32 to vector<16xi32>
        %eq3A_1536 = arith.cmpi eq, %iota3A, %eq3A_1535 : vector<16xi32>
        %neg3A = arith.constant 0.000000e+00 : f32
        %neg3A_1537 = arith.subf %neg3A, %reduce_max3A_1530 : f32
        %sub3A = arith.constant 5.248000e+04 : f32
        %sub3A_1538 = arith.subf %sub3A, %reduce_sum3A_1533 : f32
        %mul3A_1539 = arith.constant 9.765625E-4 : f32
        %mul3A_1540 = arith.mulf %sub3A_1538, %mul3A_1539 : f32
        %broadcast_in_dim3A_1541 = vector.broadcast %neg3A_1537 : f32 to vector<16xf32>
        %broadcast_in_dim3A_1542 = vector.broadcast %mul3A_1540 : f32 to vector<16xf32>
        %select_n3A = arith.select %eq3A_1536, %broadcast_in_dim3A_1541, %broadcast_in_dim3A_1542 : vector<16xi1>, vector<16xf32>
        %le3A = arith.constant 1 : i32
        %le3A_1543 = vector.broadcast %le3A : i32 to vector<16xi32>
        %le3A_1544 = arith.cmpi sle, %iota3A, %le3A_1543 : vector<16xi32>
        %jit3A = arith.constant 0.000000e+00 : f32
        %broadcast_in_dim3A_1545 = vector.broadcast %jit3A : f32 to vector<16xf32>
        %select_n3A_1546 = arith.select %le3A_1544, %select_n3A, %broadcast_in_dim3A_1545 : vector<16xi1>, vector<16xf32>
        %swap3A_1547 = arith.constant 0 : index
        %swap3A_1548 = tpu.vector_load %arg28[%swap3A_1547] {strides = array<i32>} : memref<16xf32, #tpu.memory_space<vmem>>, vector<16xf32>,
        tpu.vector_store %arg28[%swap3A_1547], %select_n3A_1546 {strides = array<i32>} : memref<16xf32, #tpu.memory_space<vmem>>, vector<16xf32>,
        "tpu.region"() ({
          %run_scoped3A = tpu.sem_alloc : memref<!tpu.dma_semaphore, #tpu.memory_space<semaphore_mem>>
          tpu.enqueue_dma source(%arg28 : memref<16xf32, #tpu.memory_space<vmem>>) target(%arg5 : memref<16xf32, #tpu.memory_space<hbm>>) target_semaphore(%run_scoped3A : memref<!tpu.dma_semaphore, #tpu.memory_space<semaphore_mem>>)
          tpu.wait_dma2 semaphore(%run_scoped3A : memref<!tpu.dma_semaphore, #tpu.memory_space<semaphore_mem>>) src(%arg28 : memref<16xf32, #tpu.memory_space<vmem>>) dst(%arg5 : memref<16xf32, #tpu.memory_space<hbm>>)
          tpu.yield
        }) : () -> ()
      } else {
      }
    } else {
    }
    return
  }
}

#map = affine_map<(d0, d1) -> (0)>
module attributes {stable_mosaic.version = 14 : i64} {
  func.func @_adj_body(%arg0: i32, %arg1: i32, %arg2: memref<16384xi32, #tpu.memory_space<hbm>>, %arg3: memref<16384xi32, #tpu.memory_space<hbm>>, %arg4: memref<16384xf32, #tpu.memory_space<hbm>>, %arg5: memref<1048576xf32, #tpu.memory_space<hbm>>, %arg6: memref<1024xi32, #tpu.memory_space<vmem>>, %arg7: memref<1024xi32, #tpu.memory_space<vmem>>, %arg8: memref<128xi32, #tpu.memory_space<vmem>>, %arg9: memref<128xi32, #tpu.memory_space<vmem>>, %arg10: memref<128xi32, #tpu.memory_space<vmem>>, %arg11: memref<128xi32, #tpu.memory_space<vmem>>, %arg12: memref<128xi32, #tpu.memory_space<vmem>>, %arg13: memref<128xi32, #tpu.memory_space<vmem>>, %arg14: memref<128xi32, #tpu.memory_space<vmem>>, %arg15: memref<128xi32, #tpu.memory_space<vmem>>, %arg16: memref<128xf32, #tpu.memory_space<vmem>>, %arg17: memref<16384xf32, #tpu.memory_space<vmem>>, %arg18: memref<1048576xf32, #tpu.memory_space<vmem_shared>>, %arg19: memref<!tpu.dma_semaphore, #tpu.memory_space<semaphore_mem>>, %arg20: memref<!tpu.dma_semaphore, #tpu.memory_space<semaphore_mem>>) attributes {dimension_semantics = [#tpu.dimension_semantics<core_parallel>, #tpu.dimension_semantics<subcore_parallel>], iteration_bounds = array<i64: 2, 16>, scalar_prefetch = 0 : i64, scratch_operands = 15 : i64, tpu.core_type = #tpu.core_type<sc_vector_subcore>, window_params = [{transform_indices = #map}, {transform_indices = #map}, {transform_indices = #map}, {transform_indices = #map}]} {
    %eq3A = arith.constant 0 : i32
    %eq3A_0 = arith.cmpi eq, %arg0, %eq3A : i32
    %convert_element_type3A = arith.extui %eq3A_0 : i1 to i32
    %cond3A = arith.constant 0 : i32
    %cond3A_1 = arith.cmpi ne, %convert_element_type3A, %cond3A : i32
    scf.if %cond3A_1 {
      %mul3A = arith.constant 1024 : i32
      %mul3A_2 = arith.muli %arg1, %mul3A : i32
      %dma_start3A = tpu.memref_slice %arg2[%mul3A_2] : memref<16384xi32, #tpu.memory_space<hbm>> -> memref<1024xi32, #tpu.memory_space<hbm>>
      %dma_start3A_3 = tpu.memref_slice %arg2[%mul3A_2] : memref<16384xi32, #tpu.memory_space<hbm>> -> memref<1024xi32, #tpu.memory_space<hbm>>
      tpu.enqueue_dma source(%dma_start3A_3 : memref<1024xi32, #tpu.memory_space<hbm>>) target(%arg6 : memref<1024xi32, #tpu.memory_space<vmem>>) target_semaphore(%arg19 : memref<!tpu.dma_semaphore, #tpu.memory_space<semaphore_mem>>)
      %dma_start3A_4 = tpu.memref_slice %arg3[%mul3A_2] : memref<16384xi32, #tpu.memory_space<hbm>> -> memref<1024xi32, #tpu.memory_space<hbm>>
      %dma_start3A_5 = tpu.memref_slice %arg3[%mul3A_2] : memref<16384xi32, #tpu.memory_space<hbm>> -> memref<1024xi32, #tpu.memory_space<hbm>>
      tpu.enqueue_dma source(%dma_start3A_5 : memref<1024xi32, #tpu.memory_space<hbm>>) target(%arg7 : memref<1024xi32, #tpu.memory_space<vmem>>) target_semaphore(%arg19 : memref<!tpu.dma_semaphore, #tpu.memory_space<semaphore_mem>>)
      tpu.enqueue_dma source(%arg4 : memref<16384xf32, #tpu.memory_space<hbm>>) target(%arg17 : memref<16384xf32, #tpu.memory_space<vmem>>) target_semaphore(%arg19 : memref<!tpu.dma_semaphore, #tpu.memory_space<semaphore_mem>>)
      tpu.wait_dma2 semaphore(%arg19 : memref<!tpu.dma_semaphore, #tpu.memory_space<semaphore_mem>>) src(%arg4 : memref<16384xf32, #tpu.memory_space<hbm>>) dst(%arg17 : memref<16384xf32, #tpu.memory_space<vmem>>)
      %mul3A_6 = arith.constant 65536 : i32
      %mul3A_7 = arith.muli %arg1, %mul3A_6 : i32
      %add3A = arith.constant 0 : i32
      %add3A_8 = arith.addi %mul3A_7, %add3A : i32
      %dma_start3A_9 = tpu.memref_slice %arg18[%add3A_8] : memref<1048576xf32, #tpu.memory_space<vmem_shared>> -> memref<16384xf32, #tpu.memory_space<vmem_shared>>
      %dma_start3A_10 = tpu.memref_slice %arg18[%add3A_8] : memref<1048576xf32, #tpu.memory_space<vmem_shared>> -> memref<16384xf32, #tpu.memory_space<vmem_shared>>
      tpu.enqueue_dma source(%arg17 : memref<16384xf32, #tpu.memory_space<vmem>>) target(%dma_start3A_10 : memref<16384xf32, #tpu.memory_space<vmem_shared>>) target_semaphore(%arg20 : memref<!tpu.dma_semaphore, #tpu.memory_space<semaphore_mem>>)
      %mul3A_11 = arith.constant 65536 : i32
      %mul3A_12 = arith.muli %arg1, %mul3A_11 : i32
      %add3A_13 = arith.constant 16384 : i32
      %add3A_14 = arith.addi %mul3A_12, %add3A_13 : i32
      %dma_start3A_15 = tpu.memref_slice %arg18[%add3A_14] : memref<1048576xf32, #tpu.memory_space<vmem_shared>> -> memref<16384xf32, #tpu.memory_space<vmem_shared>>
      %dma_start3A_16 = tpu.memref_slice %arg18[%add3A_14] : memref<1048576xf32, #tpu.memory_space<vmem_shared>> -> memref<16384xf32, #tpu.memory_space<vmem_shared>>
      tpu.enqueue_dma source(%arg17 : memref<16384xf32, #tpu.memory_space<vmem>>) target(%dma_start3A_16 : memref<16384xf32, #tpu.memory_space<vmem_shared>>) target_semaphore(%arg20 : memref<!tpu.dma_semaphore, #tpu.memory_space<semaphore_mem>>)
      %mul3A_17 = arith.constant 65536 : i32
      %mul3A_18 = arith.muli %arg1, %mul3A_17 : i32
      %add3A_19 = arith.constant 32768 : i32
      %add3A_20 = arith.addi %mul3A_18, %add3A_19 : i32
      %dma_start3A_21 = tpu.memref_slice %arg18[%add3A_20] : memref<1048576xf32, #tpu.memory_space<vmem_shared>> -> memref<16384xf32, #tpu.memory_space<vmem_shared>>
      %dma_start3A_22 = tpu.memref_slice %arg18[%add3A_20] : memref<1048576xf32, #tpu.memory_space<vmem_shared>> -> memref<16384xf32, #tpu.memory_space<vmem_shared>>
      tpu.enqueue_dma source(%arg17 : memref<16384xf32, #tpu.memory_space<vmem>>) target(%dma_start3A_22 : memref<16384xf32, #tpu.memory_space<vmem_shared>>) target_semaphore(%arg20 : memref<!tpu.dma_semaphore, #tpu.memory_space<semaphore_mem>>)
      %mul3A_23 = arith.constant 65536 : i32
      %mul3A_24 = arith.muli %arg1, %mul3A_23 : i32
      %add3A_25 = arith.constant 49152 : i32
      %add3A_26 = arith.addi %mul3A_24, %add3A_25 : i32
      %dma_start3A_27 = tpu.memref_slice %arg18[%add3A_26] : memref<1048576xf32, #tpu.memory_space<vmem_shared>> -> memref<16384xf32, #tpu.memory_space<vmem_shared>>
      %dma_start3A_28 = tpu.memref_slice %arg18[%add3A_26] : memref<1048576xf32, #tpu.memory_space<vmem_shared>> -> memref<16384xf32, #tpu.memory_space<vmem_shared>>
      tpu.enqueue_dma source(%arg17 : memref<16384xf32, #tpu.memory_space<vmem>>) target(%dma_start3A_28 : memref<16384xf32, #tpu.memory_space<vmem_shared>>) target_semaphore(%arg20 : memref<!tpu.dma_semaphore, #tpu.memory_space<semaphore_mem>>)
      %dma_wait3A = tpu.memref_slice %arg2[%mul3A_2] : memref<16384xi32, #tpu.memory_space<hbm>> -> memref<1024xi32, #tpu.memory_space<hbm>>
      %dma_wait3A_29 = tpu.memref_slice %arg2[%mul3A_2] : memref<16384xi32, #tpu.memory_space<hbm>> -> memref<1024xi32, #tpu.memory_space<hbm>>
      tpu.wait_dma2 semaphore(%arg19 : memref<!tpu.dma_semaphore, #tpu.memory_space<semaphore_mem>>) src(%dma_wait3A_29 : memref<1024xi32, #tpu.memory_space<hbm>>) dst(%arg6 : memref<1024xi32, #tpu.memory_space<vmem>>)
      %dma_wait3A_30 = tpu.memref_slice %arg3[%mul3A_2] : memref<16384xi32, #tpu.memory_space<hbm>> -> memref<1024xi32, #tpu.memory_space<hbm>>
      %dma_wait3A_31 = tpu.memref_slice %arg3[%mul3A_2] : memref<16384xi32, #tpu.memory_space<hbm>> -> memref<1024xi32, #tpu.memory_space<hbm>>
      tpu.wait_dma2 semaphore(%arg19 : memref<!tpu.dma_semaphore, #tpu.memory_space<semaphore_mem>>) src(%dma_wait3A_31 : memref<1024xi32, #tpu.memory_space<hbm>>) dst(%arg7 : memref<1024xi32, #tpu.memory_space<vmem>>)
      %get3A = arith.constant 0 : index
      %get3A_32 = tpu.vector_load %arg7[%get3A] {strides = array<i32>} : memref<1024xi32, #tpu.memory_space<vmem>>, vector<16xi32>,
      %get3A_33 = vector.shape_cast %get3A_32 : vector<16xi32> to vector<16xi32>
      %mul3A_34 = arith.constant 1024 : i32
      %mul3A_35 = vector.broadcast %mul3A_34 : i32 to vector<16xi32>
      %mul3A_36 = arith.muli %get3A_33, %mul3A_35 : vector<16xi32>
      %get3A_37 = arith.constant 0 : index
      %get3A_38 = tpu.vector_load %arg6[%get3A_37] {strides = array<i32>} : memref<1024xi32, #tpu.memory_space<vmem>>, vector<16xi32>,
      %get3A_39 = vector.shape_cast %get3A_38 : vector<16xi32> to vector<16xi32>
      %add3A_40 = arith.addi %mul3A_36, %get3A_39 : vector<16xi32>
      %swap3A = arith.constant 0 : index
      %swap3A_41 = tpu.vector_load %arg8[%swap3A] {strides = array<i32>} : memref<128xi32, #tpu.memory_space<vmem>>, vector<16xi32>,
      %swap3A_42 = vector.shape_cast %swap3A_41 : vector<16xi32> to vector<16xi32>
      %swap3A_43 = vector.shape_cast %add3A_40 : vector<16xi32> to vector<16xi32>
      tpu.vector_store %arg8[%swap3A], %swap3A_43 {strides = array<i32>} : memref<128xi32, #tpu.memory_space<vmem>>, vector<16xi32>,
      %get3A_44 = arith.constant 16 : index
      %get3A_45 = tpu.vector_load %arg7[%get3A_44] {strides = array<i32>} : memref<1024xi32, #tpu.memory_space<vmem>>, vector<16xi32>,
      %get3A_46 = vector.shape_cast %get3A_45 : vector<16xi32> to vector<16xi32>
      %mul3A_47 = arith.constant 1024 : i32
      %mul3A_48 = vector.broadcast %mul3A_47 : i32 to vector<16xi32>
      %mul3A_49 = arith.muli %get3A_46, %mul3A_48 : vector<16xi32>
      %get3A_50 = arith.constant 16 : index
      %get3A_51 = tpu.vector_load %arg6[%get3A_50] {strides = array<i32>} : memref<1024xi32, #tpu.memory_space<vmem>>, vector<16xi32>,
      %get3A_52 = vector.shape_cast %get3A_51 : vector<16xi32> to vector<16xi32>
      %add3A_53 = arith.addi %mul3A_49, %get3A_52 : vector<16xi32>
      %swap3A_54 = arith.constant 16 : index
      %swap3A_55 = tpu.vector_load %arg8[%swap3A_54] {strides = array<i32>} : memref<128xi32, #tpu.memory_space<vmem>>, vector<16xi32>,
      %swap3A_56 = vector.shape_cast %swap3A_55 : vector<16xi32> to vector<16xi32>
      %swap3A_57 = vector.shape_cast %add3A_53 : vector<16xi32> to vector<16xi32>
      tpu.vector_store %arg8[%swap3A_54], %swap3A_57 {strides = array<i32>} : memref<128xi32, #tpu.memory_space<vmem>>, vector<16xi32>,
      %get3A_58 = arith.constant 32 : index
      %get3A_59 = tpu.vector_load %arg7[%get3A_58] {strides = array<i32>} : memref<1024xi32, #tpu.memory_space<vmem>>, vector<16xi32>,
      %get3A_60 = vector.shape_cast %get3A_59 : vector<16xi32> to vector<16xi32>
      %mul3A_61 = arith.constant 1024 : i32
      %mul3A_62 = vector.broadcast %mul3A_61 : i32 to vector<16xi32>
      %mul3A_63 = arith.muli %get3A_60, %mul3A_62 : vector<16xi32>
      %get3A_64 = arith.constant 32 : index
      %get3A_65 = tpu.vector_load %arg6[%get3A_64] {strides = array<i32>} : memref<1024xi32, #tpu.memory_space<vmem>>, vector<16xi32>,
      %get3A_66 = vector.shape_cast %get3A_65 : vector<16xi32> to vector<16xi32>
      %add3A_67 = arith.addi %mul3A_63, %get3A_66 : vector<16xi32>
      %swap3A_68 = arith.constant 32 : index
      %swap3A_69 = tpu.vector_load %arg8[%swap3A_68] {strides = array<i32>} : memref<128xi32, #tpu.memory_space<vmem>>, vector<16xi32>,
      %swap3A_70 = vector.shape_cast %swap3A_69 : vector<16xi32> to vector<16xi32>
      %swap3A_71 = vector.shape_cast %add3A_67 : vector<16xi32> to vector<16xi32>
      tpu.vector_store %arg8[%swap3A_68], %swap3A_71 {strides = array<i32>} : memref<128xi32, #tpu.memory_space<vmem>>, vector<16xi32>,
      %get3A_72 = arith.constant 48 : index
      %get3A_73 = tpu.vector_load %arg7[%get3A_72] {strides = array<i32>} : memref<1024xi32, #tpu.memory_space<vmem>>, vector<16xi32>,
      %get3A_74 = vector.shape_cast %get3A_73 : vector<16xi32> to vector<16xi32>
      %mul3A_75 = arith.constant 1024 : i32
      %mul3A_76 = vector.broadcast %mul3A_75 : i32 to vector<16xi32>
      %mul3A_77 = arith.muli %get3A_74, %mul3A_76 : vector<16xi32>
      %get3A_78 = arith.constant 48 : index
      %get3A_79 = tpu.vector_load %arg6[%get3A_78] {strides = array<i32>} : memref<1024xi32, #tpu.memory_space<vmem>>, vector<16xi32>,
      %get3A_80 = vector.shape_cast %get3A_79 : vector<16xi32> to vector<16xi32>
      %add3A_81 = arith.addi %mul3A_77, %get3A_80 : vector<16xi32>
      %swap3A_82 = arith.constant 48 : index
      %swap3A_83 = tpu.vector_load %arg8[%swap3A_82] {strides = array<i32>} : memref<128xi32, #tpu.memory_space<vmem>>, vector<16xi32>,
      %swap3A_84 = vector.shape_cast %swap3A_83 : vector<16xi32> to vector<16xi32>
      %swap3A_85 = vector.shape_cast %add3A_81 : vector<16xi32> to vector<16xi32>
      tpu.vector_store %arg8[%swap3A_82], %swap3A_85 {strides = array<i32>} : memref<128xi32, #tpu.memory_space<vmem>>, vector<16xi32>,
      %get3A_86 = arith.constant 64 : index
      %get3A_87 = tpu.vector_load %arg7[%get3A_86] {strides = array<i32>} : memref<1024xi32, #tpu.memory_space<vmem>>, vector<16xi32>,
      %get3A_88 = vector.shape_cast %get3A_87 : vector<16xi32> to vector<16xi32>
      %mul3A_89 = arith.constant 1024 : i32
      %mul3A_90 = vector.broadcast %mul3A_89 : i32 to vector<16xi32>
      %mul3A_91 = arith.muli %get3A_88, %mul3A_90 : vector<16xi32>
      %get3A_92 = arith.constant 64 : index
      %get3A_93 = tpu.vector_load %arg6[%get3A_92] {strides = array<i32>} : memref<1024xi32, #tpu.memory_space<vmem>>, vector<16xi32>,
      %get3A_94 = vector.shape_cast %get3A_93 : vector<16xi32> to vector<16xi32>
      %add3A_95 = arith.addi %mul3A_91, %get3A_94 : vector<16xi32>
      %swap3A_96 = arith.constant 64 : index
      %swap3A_97 = tpu.vector_load %arg8[%swap3A_96] {strides = array<i32>} : memref<128xi32, #tpu.memory_space<vmem>>, vector<16xi32>,
      %swap3A_98 = vector.shape_cast %swap3A_97 : vector<16xi32> to vector<16xi32>
      %swap3A_99 = vector.shape_cast %add3A_95 : vector<16xi32> to vector<16xi32>
      tpu.vector_store %arg8[%swap3A_96], %swap3A_99 {strides = array<i32>} : memref<128xi32, #tpu.memory_space<vmem>>, vector<16xi32>,
      %get3A_100 = arith.constant 80 : index
      %get3A_101 = tpu.vector_load %arg7[%get3A_100] {strides = array<i32>} : memref<1024xi32, #tpu.memory_space<vmem>>, vector<16xi32>,
      %get3A_102 = vector.shape_cast %get3A_101 : vector<16xi32> to vector<16xi32>
      %mul3A_103 = arith.constant 1024 : i32
      %mul3A_104 = vector.broadcast %mul3A_103 : i32 to vector<16xi32>
      %mul3A_105 = arith.muli %get3A_102, %mul3A_104 : vector<16xi32>
      %get3A_106 = arith.constant 80 : index
      %get3A_107 = tpu.vector_load %arg6[%get3A_106] {strides = array<i32>} : memref<1024xi32, #tpu.memory_space<vmem>>, vector<16xi32>,
      %get3A_108 = vector.shape_cast %get3A_107 : vector<16xi32> to vector<16xi32>
      %add3A_109 = arith.addi %mul3A_105, %get3A_108 : vector<16xi32>
      %swap3A_110 = arith.constant 80 : index
      %swap3A_111 = tpu.vector_load %arg8[%swap3A_110] {strides = array<i32>} : memref<128xi32, #tpu.memory_space<vmem>>, vector<16xi32>,
      %swap3A_112 = vector.shape_cast %swap3A_111 : vector<16xi32> to vector<16xi32>
      %swap3A_113 = vector.shape_cast %add3A_109 : vector<16xi32> to vector<16xi32>
      tpu.vector_store %arg8[%swap3A_110], %swap3A_113 {strides = array<i32>} : memref<128xi32, #tpu.memory_space<vmem>>, vector<16xi32>,
      %get3A_114 = arith.constant 96 : index
      %get3A_115 = tpu.vector_load %arg7[%get3A_114] {strides = array<i32>} : memref<1024xi32, #tpu.memory_space<vmem>>, vector<16xi32>,
      %get3A_116 = vector.shape_cast %get3A_115 : vector<16xi32> to vector<16xi32>
      %mul3A_117 = arith.constant 1024 : i32
      %mul3A_118 = vector.broadcast %mul3A_117 : i32 to vector<16xi32>
      %mul3A_119 = arith.muli %get3A_116, %mul3A_118 : vector<16xi32>
      %get3A_120 = arith.constant 96 : index
      %get3A_121 = tpu.vector_load %arg6[%get3A_120] {strides = array<i32>} : memref<1024xi32, #tpu.memory_space<vmem>>, vector<16xi32>,
      %get3A_122 = vector.shape_cast %get3A_121 : vector<16xi32> to vector<16xi32>
      %add3A_123 = arith.addi %mul3A_119, %get3A_122 : vector<16xi32>
      %swap3A_124 = arith.constant 96 : index
      %swap3A_125 = tpu.vector_load %arg8[%swap3A_124] {strides = array<i32>} : memref<128xi32, #tpu.memory_space<vmem>>, vector<16xi32>,
      %swap3A_126 = vector.shape_cast %swap3A_125 : vector<16xi32> to vector<16xi32>
      %swap3A_127 = vector.shape_cast %add3A_123 : vector<16xi32> to vector<16xi32>
      tpu.vector_store %arg8[%swap3A_124], %swap3A_127 {strides = array<i32>} : memref<128xi32, #tpu.memory_space<vmem>>, vector<16xi32>,
      %get3A_128 = arith.constant 112 : index
      %get3A_129 = tpu.vector_load %arg7[%get3A_128] {strides = array<i32>} : memref<1024xi32, #tpu.memory_space<vmem>>, vector<16xi32>,
      %get3A_130 = vector.shape_cast %get3A_129 : vector<16xi32> to vector<16xi32>
      %mul3A_131 = arith.constant 1024 : i32
      %mul3A_132 = vector.broadcast %mul3A_131 : i32 to vector<16xi32>
      %mul3A_133 = arith.muli %get3A_130, %mul3A_132 : vector<16xi32>
      %get3A_134 = arith.constant 112 : index
      %get3A_135 = tpu.vector_load %arg6[%get3A_134] {strides = array<i32>} : memref<1024xi32, #tpu.memory_space<vmem>>, vector<16xi32>,
      %get3A_136 = vector.shape_cast %get3A_135 : vector<16xi32> to vector<16xi32>
      %add3A_137 = arith.addi %mul3A_133, %get3A_136 : vector<16xi32>
      %swap3A_138 = arith.constant 112 : index
      %swap3A_139 = tpu.vector_load %arg8[%swap3A_138] {strides = array<i32>} : memref<128xi32, #tpu.memory_space<vmem>>, vector<16xi32>,
      %swap3A_140 = vector.shape_cast %swap3A_139 : vector<16xi32> to vector<16xi32>
      %swap3A_141 = vector.shape_cast %add3A_137 : vector<16xi32> to vector<16xi32>
      tpu.vector_store %arg8[%swap3A_138], %swap3A_141 {strides = array<i32>} : memref<128xi32, #tpu.memory_space<vmem>>, vector<16xi32>,
      %get3A_142 = arith.constant 128 : index
      %get3A_143 = tpu.vector_load %arg7[%get3A_142] {strides = array<i32>} : memref<1024xi32, #tpu.memory_space<vmem>>, vector<16xi32>,
      %get3A_144 = vector.shape_cast %get3A_143 : vector<16xi32> to vector<16xi32>
      %mul3A_145 = arith.constant 1024 : i32
      %mul3A_146 = vector.broadcast %mul3A_145 : i32 to vector<16xi32>
      %mul3A_147 = arith.muli %get3A_144, %mul3A_146 : vector<16xi32>
      %get3A_148 = arith.constant 128 : index
      %get3A_149 = tpu.vector_load %arg6[%get3A_148] {strides = array<i32>} : memref<1024xi32, #tpu.memory_space<vmem>>, vector<16xi32>,
      %get3A_150 = vector.shape_cast %get3A_149 : vector<16xi32> to vector<16xi32>
      %add3A_151 = arith.addi %mul3A_147, %get3A_150 : vector<16xi32>
      %swap3A_152 = arith.constant 0 : index
      %swap3A_153 = tpu.vector_load %arg9[%swap3A_152] {strides = array<i32>} : memref<128xi32, #tpu.memory_space<vmem>>, vector<16xi32>,
      %swap3A_154 = vector.shape_cast %swap3A_153 : vector<16xi32> to vector<16xi32>
      %swap3A_155 = vector.shape_cast %add3A_151 : vector<16xi32> to vector<16xi32>
      tpu.vector_store %arg9[%swap3A_152], %swap3A_155 {strides = array<i32>} : memref<128xi32, #tpu.memory_space<vmem>>, vector<16xi32>,
      %get3A_156 = arith.constant 144 : index
      %get3A_157 = tpu.vector_load %arg7[%get3A_156] {strides = array<i32>} : memref<1024xi32, #tpu.memory_space<vmem>>, vector<16xi32>,
      %get3A_158 = vector.shape_cast %get3A_157 : vector<16xi32> to vector<16xi32>
      %mul3A_159 = arith.constant 1024 : i32
      %mul3A_160 = vector.broadcast %mul3A_159 : i32 to vector<16xi32>
      %mul3A_161 = arith.muli %get3A_158, %mul3A_160 : vector<16xi32>
      %get3A_162 = arith.constant 144 : index
      %get3A_163 = tpu.vector_load %arg6[%get3A_162] {strides = array<i32>} : memref<1024xi32, #tpu.memory_space<vmem>>, vector<16xi32>,
      %get3A_164 = vector.shape_cast %get3A_163 : vector<16xi32> to vector<16xi32>
      %add3A_165 = arith.addi %mul3A_161, %get3A_164 : vector<16xi32>
      %swap3A_166 = arith.constant 16 : index
      %swap3A_167 = tpu.vector_load %arg9[%swap3A_166] {strides = array<i32>} : memref<128xi32, #tpu.memory_space<vmem>>, vector<16xi32>,
      %swap3A_168 = vector.shape_cast %swap3A_167 : vector<16xi32> to vector<16xi32>
      %swap3A_169 = vector.shape_cast %add3A_165 : vector<16xi32> to vector<16xi32>
      tpu.vector_store %arg9[%swap3A_166], %swap3A_169 {strides = array<i32>} : memref<128xi32, #tpu.memory_space<vmem>>, vector<16xi32>,
      %get3A_170 = arith.constant 160 : index
      %get3A_171 = tpu.vector_load %arg7[%get3A_170] {strides = array<i32>} : memref<1024xi32, #tpu.memory_space<vmem>>, vector<16xi32>,
      %get3A_172 = vector.shape_cast %get3A_171 : vector<16xi32> to vector<16xi32>
      %mul3A_173 = arith.constant 1024 : i32
      %mul3A_174 = vector.broadcast %mul3A_173 : i32 to vector<16xi32>
      %mul3A_175 = arith.muli %get3A_172, %mul3A_174 : vector<16xi32>
      %get3A_176 = arith.constant 160 : index
      %get3A_177 = tpu.vector_load %arg6[%get3A_176] {strides = array<i32>} : memref<1024xi32, #tpu.memory_space<vmem>>, vector<16xi32>,
      %get3A_178 = vector.shape_cast %get3A_177 : vector<16xi32> to vector<16xi32>
      %add3A_179 = arith.addi %mul3A_175, %get3A_178 : vector<16xi32>
      %swap3A_180 = arith.constant 32 : index
      %swap3A_181 = tpu.vector_load %arg9[%swap3A_180] {strides = array<i32>} : memref<128xi32, #tpu.memory_space<vmem>>, vector<16xi32>,
      %swap3A_182 = vector.shape_cast %swap3A_181 : vector<16xi32> to vector<16xi32>
      %swap3A_183 = vector.shape_cast %add3A_179 : vector<16xi32> to vector<16xi32>
      tpu.vector_store %arg9[%swap3A_180], %swap3A_183 {strides = array<i32>} : memref<128xi32, #tpu.memory_space<vmem>>, vector<16xi32>,
      %get3A_184 = arith.constant 176 : index
      %get3A_185 = tpu.vector_load %arg7[%get3A_184] {strides = array<i32>} : memref<1024xi32, #tpu.memory_space<vmem>>, vector<16xi32>,
      %get3A_186 = vector.shape_cast %get3A_185 : vector<16xi32> to vector<16xi32>
      %mul3A_187 = arith.constant 1024 : i32
      %mul3A_188 = vector.broadcast %mul3A_187 : i32 to vector<16xi32>
      %mul3A_189 = arith.muli %get3A_186, %mul3A_188 : vector<16xi32>
      %get3A_190 = arith.constant 176 : index
      %get3A_191 = tpu.vector_load %arg6[%get3A_190] {strides = array<i32>} : memref<1024xi32, #tpu.memory_space<vmem>>, vector<16xi32>,
      %get3A_192 = vector.shape_cast %get3A_191 : vector<16xi32> to vector<16xi32>
      %add3A_193 = arith.addi %mul3A_189, %get3A_192 : vector<16xi32>
      %swap3A_194 = arith.constant 48 : index
      %swap3A_195 = tpu.vector_load %arg9[%swap3A_194] {strides = array<i32>} : memref<128xi32, #tpu.memory_space<vmem>>, vector<16xi32>,
      %swap3A_196 = vector.shape_cast %swap3A_195 : vector<16xi32> to vector<16xi32>
      %swap3A_197 = vector.shape_cast %add3A_193 : vector<16xi32> to vector<16xi32>
      tpu.vector_store %arg9[%swap3A_194], %swap3A_197 {strides = array<i32>} : memref<128xi32, #tpu.memory_space<vmem>>, vector<16xi32>,
      %get3A_198 = arith.constant 192 : index
      %get3A_199 = tpu.vector_load %arg7[%get3A_198] {strides = array<i32>} : memref<1024xi32, #tpu.memory_space<vmem>>, vector<16xi32>,
      %get3A_200 = vector.shape_cast %get3A_199 : vector<16xi32> to vector<16xi32>
      %mul3A_201 = arith.constant 1024 : i32
      %mul3A_202 = vector.broadcast %mul3A_201 : i32 to vector<16xi32>
      %mul3A_203 = arith.muli %get3A_200, %mul3A_202 : vector<16xi32>
      %get3A_204 = arith.constant 192 : index
      %get3A_205 = tpu.vector_load %arg6[%get3A_204] {strides = array<i32>} : memref<1024xi32, #tpu.memory_space<vmem>>, vector<16xi32>,
      %get3A_206 = vector.shape_cast %get3A_205 : vector<16xi32> to vector<16xi32>
      %add3A_207 = arith.addi %mul3A_203, %get3A_206 : vector<16xi32>
      %swap3A_208 = arith.constant 64 : index
      %swap3A_209 = tpu.vector_load %arg9[%swap3A_208] {strides = array<i32>} : memref<128xi32, #tpu.memory_space<vmem>>, vector<16xi32>,
      %swap3A_210 = vector.shape_cast %swap3A_209 : vector<16xi32> to vector<16xi32>
      %swap3A_211 = vector.shape_cast %add3A_207 : vector<16xi32> to vector<16xi32>
      tpu.vector_store %arg9[%swap3A_208], %swap3A_211 {strides = array<i32>} : memref<128xi32, #tpu.memory_space<vmem>>, vector<16xi32>,
      %get3A_212 = arith.constant 208 : index
      %get3A_213 = tpu.vector_load %arg7[%get3A_212] {strides = array<i32>} : memref<1024xi32, #tpu.memory_space<vmem>>, vector<16xi32>,
      %get3A_214 = vector.shape_cast %get3A_213 : vector<16xi32> to vector<16xi32>
      %mul3A_215 = arith.constant 1024 : i32
      %mul3A_216 = vector.broadcast %mul3A_215 : i32 to vector<16xi32>
      %mul3A_217 = arith.muli %get3A_214, %mul3A_216 : vector<16xi32>
      %get3A_218 = arith.constant 208 : index
      %get3A_219 = tpu.vector_load %arg6[%get3A_218] {strides = array<i32>} : memref<1024xi32, #tpu.memory_space<vmem>>, vector<16xi32>,
      %get3A_220 = vector.shape_cast %get3A_219 : vector<16xi32> to vector<16xi32>
      %add3A_221 = arith.addi %mul3A_217, %get3A_220 : vector<16xi32>
      %swap3A_222 = arith.constant 80 : index
      %swap3A_223 = tpu.vector_load %arg9[%swap3A_222] {strides = array<i32>} : memref<128xi32, #tpu.memory_space<vmem>>, vector<16xi32>,
      %swap3A_224 = vector.shape_cast %swap3A_223 : vector<16xi32> to vector<16xi32>
      %swap3A_225 = vector.shape_cast %add3A_221 : vector<16xi32> to vector<16xi32>
      tpu.vector_store %arg9[%swap3A_222], %swap3A_225 {strides = array<i32>} : memref<128xi32, #tpu.memory_space<vmem>>, vector<16xi32>,
      %get3A_226 = arith.constant 224 : index
      %get3A_227 = tpu.vector_load %arg7[%get3A_226] {strides = array<i32>} : memref<1024xi32, #tpu.memory_space<vmem>>, vector<16xi32>,
      %get3A_228 = vector.shape_cast %get3A_227 : vector<16xi32> to vector<16xi32>
      %mul3A_229 = arith.constant 1024 : i32
      %mul3A_230 = vector.broadcast %mul3A_229 : i32 to vector<16xi32>
      %mul3A_231 = arith.muli %get3A_228, %mul3A_230 : vector<16xi32>
      %get3A_232 = arith.constant 224 : index
      %get3A_233 = tpu.vector_load %arg6[%get3A_232] {strides = array<i32>} : memref<1024xi32, #tpu.memory_space<vmem>>, vector<16xi32>,
      %get3A_234 = vector.shape_cast %get3A_233 : vector<16xi32> to vector<16xi32>
      %add3A_235 = arith.addi %mul3A_231, %get3A_234 : vector<16xi32>
      %swap3A_236 = arith.constant 96 : index
      %swap3A_237 = tpu.vector_load %arg9[%swap3A_236] {strides = array<i32>} : memref<128xi32, #tpu.memory_space<vmem>>, vector<16xi32>,
      %swap3A_238 = vector.shape_cast %swap3A_237 : vector<16xi32> to vector<16xi32>
      %swap3A_239 = vector.shape_cast %add3A_235 : vector<16xi32> to vector<16xi32>
      tpu.vector_store %arg9[%swap3A_236], %swap3A_239 {strides = array<i32>} : memref<128xi32, #tpu.memory_space<vmem>>, vector<16xi32>,
      %get3A_240 = arith.constant 240 : index
      %get3A_241 = tpu.vector_load %arg7[%get3A_240] {strides = array<i32>} : memref<1024xi32, #tpu.memory_space<vmem>>, vector<16xi32>,
      %get3A_242 = vector.shape_cast %get3A_241 : vector<16xi32> to vector<16xi32>
      %mul3A_243 = arith.constant 1024 : i32
      %mul3A_244 = vector.broadcast %mul3A_243 : i32 to vector<16xi32>
      %mul3A_245 = arith.muli %get3A_242, %mul3A_244 : vector<16xi32>
      %get3A_246 = arith.constant 240 : index
      %get3A_247 = tpu.vector_load %arg6[%get3A_246] {strides = array<i32>} : memref<1024xi32, #tpu.memory_space<vmem>>, vector<16xi32>,
      %get3A_248 = vector.shape_cast %get3A_247 : vector<16xi32> to vector<16xi32>
      %add3A_249 = arith.addi %mul3A_245, %get3A_248 : vector<16xi32>
      %swap3A_250 = arith.constant 112 : index
      %swap3A_251 = tpu.vector_load %arg9[%swap3A_250] {strides = array<i32>} : memref<128xi32, #tpu.memory_space<vmem>>, vector<16xi32>,
      %swap3A_252 = vector.shape_cast %swap3A_251 : vector<16xi32> to vector<16xi32>
      %swap3A_253 = vector.shape_cast %add3A_249 : vector<16xi32> to vector<16xi32>
      tpu.vector_store %arg9[%swap3A_250], %swap3A_253 {strides = array<i32>} : memref<128xi32, #tpu.memory_space<vmem>>, vector<16xi32>,
      %get3A_254 = arith.constant 256 : index
      %get3A_255 = tpu.vector_load %arg7[%get3A_254] {strides = array<i32>} : memref<1024xi32, #tpu.memory_space<vmem>>, vector<16xi32>,
      %get3A_256 = vector.shape_cast %get3A_255 : vector<16xi32> to vector<16xi32>
      %mul3A_257 = arith.constant 1024 : i32
      %mul3A_258 = vector.broadcast %mul3A_257 : i32 to vector<16xi32>
      %mul3A_259 = arith.muli %get3A_256, %mul3A_258 : vector<16xi32>
      %get3A_260 = arith.constant 256 : index
      %get3A_261 = tpu.vector_load %arg6[%get3A_260] {strides = array<i32>} : memref<1024xi32, #tpu.memory_space<vmem>>, vector<16xi32>,
      %get3A_262 = vector.shape_cast %get3A_261 : vector<16xi32> to vector<16xi32>
      %add3A_263 = arith.addi %mul3A_259, %get3A_262 : vector<16xi32>
      %swap3A_264 = arith.constant 0 : index
      %swap3A_265 = tpu.vector_load %arg10[%swap3A_264] {strides = array<i32>} : memref<128xi32, #tpu.memory_space<vmem>>, vector<16xi32>,
      %swap3A_266 = vector.shape_cast %swap3A_265 : vector<16xi32> to vector<16xi32>
      %swap3A_267 = vector.shape_cast %add3A_263 : vector<16xi32> to vector<16xi32>
      tpu.vector_store %arg10[%swap3A_264], %swap3A_267 {strides = array<i32>} : memref<128xi32, #tpu.memory_space<vmem>>, vector<16xi32>,
      %get3A_268 = arith.constant 272 : index
      %get3A_269 = tpu.vector_load %arg7[%get3A_268] {strides = array<i32>} : memref<1024xi32, #tpu.memory_space<vmem>>, vector<16xi32>,
      %get3A_270 = vector.shape_cast %get3A_269 : vector<16xi32> to vector<16xi32>
      %mul3A_271 = arith.constant 1024 : i32
      %mul3A_272 = vector.broadcast %mul3A_271 : i32 to vector<16xi32>
      %mul3A_273 = arith.muli %get3A_270, %mul3A_272 : vector<16xi32>
      %get3A_274 = arith.constant 272 : index
      %get3A_275 = tpu.vector_load %arg6[%get3A_274] {strides = array<i32>} : memref<1024xi32, #tpu.memory_space<vmem>>, vector<16xi32>,
      %get3A_276 = vector.shape_cast %get3A_275 : vector<16xi32> to vector<16xi32>
      %add3A_277 = arith.addi %mul3A_273, %get3A_276 : vector<16xi32>
      %swap3A_278 = arith.constant 16 : index
      %swap3A_279 = tpu.vector_load %arg10[%swap3A_278] {strides = array<i32>} : memref<128xi32, #tpu.memory_space<vmem>>, vector<16xi32>,
      %swap3A_280 = vector.shape_cast %swap3A_279 : vector<16xi32> to vector<16xi32>
      %swap3A_281 = vector.shape_cast %add3A_277 : vector<16xi32> to vector<16xi32>
      tpu.vector_store %arg10[%swap3A_278], %swap3A_281 {strides = array<i32>} : memref<128xi32, #tpu.memory_space<vmem>>, vector<16xi32>,
      %get3A_282 = arith.constant 288 : index
      %get3A_283 = tpu.vector_load %arg7[%get3A_282] {strides = array<i32>} : memref<1024xi32, #tpu.memory_space<vmem>>, vector<16xi32>,
      %get3A_284 = vector.shape_cast %get3A_283 : vector<16xi32> to vector<16xi32>
      %mul3A_285 = arith.constant 1024 : i32
      %mul3A_286 = vector.broadcast %mul3A_285 : i32 to vector<16xi32>
      %mul3A_287 = arith.muli %get3A_284, %mul3A_286 : vector<16xi32>
      %get3A_288 = arith.constant 288 : index
      %get3A_289 = tpu.vector_load %arg6[%get3A_288] {strides = array<i32>} : memref<1024xi32, #tpu.memory_space<vmem>>, vector<16xi32>,
      %get3A_290 = vector.shape_cast %get3A_289 : vector<16xi32> to vector<16xi32>
      %add3A_291 = arith.addi %mul3A_287, %get3A_290 : vector<16xi32>
      %swap3A_292 = arith.constant 32 : index
      %swap3A_293 = tpu.vector_load %arg10[%swap3A_292] {strides = array<i32>} : memref<128xi32, #tpu.memory_space<vmem>>, vector<16xi32>,
      %swap3A_294 = vector.shape_cast %swap3A_293 : vector<16xi32> to vector<16xi32>
      %swap3A_295 = vector.shape_cast %add3A_291 : vector<16xi32> to vector<16xi32>
      tpu.vector_store %arg10[%swap3A_292], %swap3A_295 {strides = array<i32>} : memref<128xi32, #tpu.memory_space<vmem>>, vector<16xi32>,
      %get3A_296 = arith.constant 304 : index
      %get3A_297 = tpu.vector_load %arg7[%get3A_296] {strides = array<i32>} : memref<1024xi32, #tpu.memory_space<vmem>>, vector<16xi32>,
      %get3A_298 = vector.shape_cast %get3A_297 : vector<16xi32> to vector<16xi32>
      %mul3A_299 = arith.constant 1024 : i32
      %mul3A_300 = vector.broadcast %mul3A_299 : i32 to vector<16xi32>
      %mul3A_301 = arith.muli %get3A_298, %mul3A_300 : vector<16xi32>
      %get3A_302 = arith.constant 304 : index
      %get3A_303 = tpu.vector_load %arg6[%get3A_302] {strides = array<i32>} : memref<1024xi32, #tpu.memory_space<vmem>>, vector<16xi32>,
      %get3A_304 = vector.shape_cast %get3A_303 : vector<16xi32> to vector<16xi32>
      %add3A_305 = arith.addi %mul3A_301, %get3A_304 : vector<16xi32>
      %swap3A_306 = arith.constant 48 : index
      %swap3A_307 = tpu.vector_load %arg10[%swap3A_306] {strides = array<i32>} : memref<128xi32, #tpu.memory_space<vmem>>, vector<16xi32>,
      %swap3A_308 = vector.shape_cast %swap3A_307 : vector<16xi32> to vector<16xi32>
      %swap3A_309 = vector.shape_cast %add3A_305 : vector<16xi32> to vector<16xi32>
      tpu.vector_store %arg10[%swap3A_306], %swap3A_309 {strides = array<i32>} : memref<128xi32, #tpu.memory_space<vmem>>, vector<16xi32>,
      %get3A_310 = arith.constant 320 : index
      %get3A_311 = tpu.vector_load %arg7[%get3A_310] {strides = array<i32>} : memref<1024xi32, #tpu.memory_space<vmem>>, vector<16xi32>,
      %get3A_312 = vector.shape_cast %get3A_311 : vector<16xi32> to vector<16xi32>
      %mul3A_313 = arith.constant 1024 : i32
      %mul3A_314 = vector.broadcast %mul3A_313 : i32 to vector<16xi32>
      %mul3A_315 = arith.muli %get3A_312, %mul3A_314 : vector<16xi32>
      %get3A_316 = arith.constant 320 : index
      %get3A_317 = tpu.vector_load %arg6[%get3A_316] {strides = array<i32>} : memref<1024xi32, #tpu.memory_space<vmem>>, vector<16xi32>,
      %get3A_318 = vector.shape_cast %get3A_317 : vector<16xi32> to vector<16xi32>
      %add3A_319 = arith.addi %mul3A_315, %get3A_318 : vector<16xi32>
      %swap3A_320 = arith.constant 64 : index
      %swap3A_321 = tpu.vector_load %arg10[%swap3A_320] {strides = array<i32>} : memref<128xi32, #tpu.memory_space<vmem>>, vector<16xi32>,
      %swap3A_322 = vector.shape_cast %swap3A_321 : vector<16xi32> to vector<16xi32>
      %swap3A_323 = vector.shape_cast %add3A_319 : vector<16xi32> to vector<16xi32>
      tpu.vector_store %arg10[%swap3A_320], %swap3A_323 {strides = array<i32>} : memref<128xi32, #tpu.memory_space<vmem>>, vector<16xi32>,
      %get3A_324 = arith.constant 336 : index
      %get3A_325 = tpu.vector_load %arg7[%get3A_324] {strides = array<i32>} : memref<1024xi32, #tpu.memory_space<vmem>>, vector<16xi32>,
      %get3A_326 = vector.shape_cast %get3A_325 : vector<16xi32> to vector<16xi32>
      %mul3A_327 = arith.constant 1024 : i32
      %mul3A_328 = vector.broadcast %mul3A_327 : i32 to vector<16xi32>
      %mul3A_329 = arith.muli %get3A_326, %mul3A_328 : vector<16xi32>
      %get3A_330 = arith.constant 336 : index
      %get3A_331 = tpu.vector_load %arg6[%get3A_330] {strides = array<i32>} : memref<1024xi32, #tpu.memory_space<vmem>>, vector<16xi32>,
      %get3A_332 = vector.shape_cast %get3A_331 : vector<16xi32> to vector<16xi32>
      %add3A_333 = arith.addi %mul3A_329, %get3A_332 : vector<16xi32>
      %swap3A_334 = arith.constant 80 : index
      %swap3A_335 = tpu.vector_load %arg10[%swap3A_334] {strides = array<i32>} : memref<128xi32, #tpu.memory_space<vmem>>, vector<16xi32>,
      %swap3A_336 = vector.shape_cast %swap3A_335 : vector<16xi32> to vector<16xi32>
      %swap3A_337 = vector.shape_cast %add3A_333 : vector<16xi32> to vector<16xi32>
      tpu.vector_store %arg10[%swap3A_334], %swap3A_337 {strides = array<i32>} : memref<128xi32, #tpu.memory_space<vmem>>, vector<16xi32>,
      %get3A_338 = arith.constant 352 : index
      %get3A_339 = tpu.vector_load %arg7[%get3A_338] {strides = array<i32>} : memref<1024xi32, #tpu.memory_space<vmem>>, vector<16xi32>,
      %get3A_340 = vector.shape_cast %get3A_339 : vector<16xi32> to vector<16xi32>
      %mul3A_341 = arith.constant 1024 : i32
      %mul3A_342 = vector.broadcast %mul3A_341 : i32 to vector<16xi32>
      %mul3A_343 = arith.muli %get3A_340, %mul3A_342 : vector<16xi32>
      %get3A_344 = arith.constant 352 : index
      %get3A_345 = tpu.vector_load %arg6[%get3A_344] {strides = array<i32>} : memref<1024xi32, #tpu.memory_space<vmem>>, vector<16xi32>,
      %get3A_346 = vector.shape_cast %get3A_345 : vector<16xi32> to vector<16xi32>
      %add3A_347 = arith.addi %mul3A_343, %get3A_346 : vector<16xi32>
      %swap3A_348 = arith.constant 96 : index
      %swap3A_349 = tpu.vector_load %arg10[%swap3A_348] {strides = array<i32>} : memref<128xi32, #tpu.memory_space<vmem>>, vector<16xi32>,
      %swap3A_350 = vector.shape_cast %swap3A_349 : vector<16xi32> to vector<16xi32>
      %swap3A_351 = vector.shape_cast %add3A_347 : vector<16xi32> to vector<16xi32>
      tpu.vector_store %arg10[%swap3A_348], %swap3A_351 {strides = array<i32>} : memref<128xi32, #tpu.memory_space<vmem>>, vector<16xi32>,
      %get3A_352 = arith.constant 368 : index
      %get3A_353 = tpu.vector_load %arg7[%get3A_352] {strides = array<i32>} : memref<1024xi32, #tpu.memory_space<vmem>>, vector<16xi32>,
      %get3A_354 = vector.shape_cast %get3A_353 : vector<16xi32> to vector<16xi32>
      %mul3A_355 = arith.constant 1024 : i32
      %mul3A_356 = vector.broadcast %mul3A_355 : i32 to vector<16xi32>
      %mul3A_357 = arith.muli %get3A_354, %mul3A_356 : vector<16xi32>
      %get3A_358 = arith.constant 368 : index
      %get3A_359 = tpu.vector_load %arg6[%get3A_358] {strides = array<i32>} : memref<1024xi32, #tpu.memory_space<vmem>>, vector<16xi32>,
      %get3A_360 = vector.shape_cast %get3A_359 : vector<16xi32> to vector<16xi32>
      %add3A_361 = arith.addi %mul3A_357, %get3A_360 : vector<16xi32>
      %swap3A_362 = arith.constant 112 : index
      %swap3A_363 = tpu.vector_load %arg10[%swap3A_362] {strides = array<i32>} : memref<128xi32, #tpu.memory_space<vmem>>, vector<16xi32>,
      %swap3A_364 = vector.shape_cast %swap3A_363 : vector<16xi32> to vector<16xi32>
      %swap3A_365 = vector.shape_cast %add3A_361 : vector<16xi32> to vector<16xi32>
      tpu.vector_store %arg10[%swap3A_362], %swap3A_365 {strides = array<i32>} : memref<128xi32, #tpu.memory_space<vmem>>, vector<16xi32>,
      %get3A_366 = arith.constant 384 : index
      %get3A_367 = tpu.vector_load %arg7[%get3A_366] {strides = array<i32>} : memref<1024xi32, #tpu.memory_space<vmem>>, vector<16xi32>,
      %get3A_368 = vector.shape_cast %get3A_367 : vector<16xi32> to vector<16xi32>
      %mul3A_369 = arith.constant 1024 : i32
      %mul3A_370 = vector.broadcast %mul3A_369 : i32 to vector<16xi32>
      %mul3A_371 = arith.muli %get3A_368, %mul3A_370 : vector<16xi32>
      %get3A_372 = arith.constant 384 : index
      %get3A_373 = tpu.vector_load %arg6[%get3A_372] {strides = array<i32>} : memref<1024xi32, #tpu.memory_space<vmem>>, vector<16xi32>,
      %get3A_374 = vector.shape_cast %get3A_373 : vector<16xi32> to vector<16xi32>
      %add3A_375 = arith.addi %mul3A_371, %get3A_374 : vector<16xi32>
      %swap3A_376 = arith.constant 0 : index
      %swap3A_377 = tpu.vector_load %arg11[%swap3A_376] {strides = array<i32>} : memref<128xi32, #tpu.memory_space<vmem>>, vector<16xi32>,
      %swap3A_378 = vector.shape_cast %swap3A_377 : vector<16xi32> to vector<16xi32>
      %swap3A_379 = vector.shape_cast %add3A_375 : vector<16xi32> to vector<16xi32>
      tpu.vector_store %arg11[%swap3A_376], %swap3A_379 {strides = array<i32>} : memref<128xi32, #tpu.memory_space<vmem>>, vector<16xi32>,
      %get3A_380 = arith.constant 400 : index
      %get3A_381 = tpu.vector_load %arg7[%get3A_380] {strides = array<i32>} : memref<1024xi32, #tpu.memory_space<vmem>>, vector<16xi32>,
      %get3A_382 = vector.shape_cast %get3A_381 : vector<16xi32> to vector<16xi32>
      %mul3A_383 = arith.constant 1024 : i32
      %mul3A_384 = vector.broadcast %mul3A_383 : i32 to vector<16xi32>
      %mul3A_385 = arith.muli %get3A_382, %mul3A_384 : vector<16xi32>
      %get3A_386 = arith.constant 400 : index
      %get3A_387 = tpu.vector_load %arg6[%get3A_386] {strides = array<i32>} : memref<1024xi32, #tpu.memory_space<vmem>>, vector<16xi32>,
      %get3A_388 = vector.shape_cast %get3A_387 : vector<16xi32> to vector<16xi32>
      %add3A_389 = arith.addi %mul3A_385, %get3A_388 : vector<16xi32>
      %swap3A_390 = arith.constant 16 : index
      %swap3A_391 = tpu.vector_load %arg11[%swap3A_390] {strides = array<i32>} : memref<128xi32, #tpu.memory_space<vmem>>, vector<16xi32>,
      %swap3A_392 = vector.shape_cast %swap3A_391 : vector<16xi32> to vector<16xi32>
      %swap3A_393 = vector.shape_cast %add3A_389 : vector<16xi32> to vector<16xi32>
      tpu.vector_store %arg11[%swap3A_390], %swap3A_393 {strides = array<i32>} : memref<128xi32, #tpu.memory_space<vmem>>, vector<16xi32>,
      %get3A_394 = arith.constant 416 : index
      %get3A_395 = tpu.vector_load %arg7[%get3A_394] {strides = array<i32>} : memref<1024xi32, #tpu.memory_space<vmem>>, vector<16xi32>,
      %get3A_396 = vector.shape_cast %get3A_395 : vector<16xi32> to vector<16xi32>
      %mul3A_397 = arith.constant 1024 : i32
      %mul3A_398 = vector.broadcast %mul3A_397 : i32 to vector<16xi32>
      %mul3A_399 = arith.muli %get3A_396, %mul3A_398 : vector<16xi32>
      %get3A_400 = arith.constant 416 : index
      %get3A_401 = tpu.vector_load %arg6[%get3A_400] {strides = array<i32>} : memref<1024xi32, #tpu.memory_space<vmem>>, vector<16xi32>,
      %get3A_402 = vector.shape_cast %get3A_401 : vector<16xi32> to vector<16xi32>
      %add3A_403 = arith.addi %mul3A_399, %get3A_402 : vector<16xi32>
      %swap3A_404 = arith.constant 32 : index
      %swap3A_405 = tpu.vector_load %arg11[%swap3A_404] {strides = array<i32>} : memref<128xi32, #tpu.memory_space<vmem>>, vector<16xi32>,
      %swap3A_406 = vector.shape_cast %swap3A_405 : vector<16xi32> to vector<16xi32>
      %swap3A_407 = vector.shape_cast %add3A_403 : vector<16xi32> to vector<16xi32>
      tpu.vector_store %arg11[%swap3A_404], %swap3A_407 {strides = array<i32>} : memref<128xi32, #tpu.memory_space<vmem>>, vector<16xi32>,
      %get3A_408 = arith.constant 432 : index
      %get3A_409 = tpu.vector_load %arg7[%get3A_408] {strides = array<i32>} : memref<1024xi32, #tpu.memory_space<vmem>>, vector<16xi32>,
      %get3A_410 = vector.shape_cast %get3A_409 : vector<16xi32> to vector<16xi32>
      %mul3A_411 = arith.constant 1024 : i32
      %mul3A_412 = vector.broadcast %mul3A_411 : i32 to vector<16xi32>
      %mul3A_413 = arith.muli %get3A_410, %mul3A_412 : vector<16xi32>
      %get3A_414 = arith.constant 432 : index
      %get3A_415 = tpu.vector_load %arg6[%get3A_414] {strides = array<i32>} : memref<1024xi32, #tpu.memory_space<vmem>>, vector<16xi32>,
      %get3A_416 = vector.shape_cast %get3A_415 : vector<16xi32> to vector<16xi32>
      %add3A_417 = arith.addi %mul3A_413, %get3A_416 : vector<16xi32>
      %swap3A_418 = arith.constant 48 : index
      %swap3A_419 = tpu.vector_load %arg11[%swap3A_418] {strides = array<i32>} : memref<128xi32, #tpu.memory_space<vmem>>, vector<16xi32>,
      %swap3A_420 = vector.shape_cast %swap3A_419 : vector<16xi32> to vector<16xi32>
      %swap3A_421 = vector.shape_cast %add3A_417 : vector<16xi32> to vector<16xi32>
      tpu.vector_store %arg11[%swap3A_418], %swap3A_421 {strides = array<i32>} : memref<128xi32, #tpu.memory_space<vmem>>, vector<16xi32>,
      %get3A_422 = arith.constant 448 : index
      %get3A_423 = tpu.vector_load %arg7[%get3A_422] {strides = array<i32>} : memref<1024xi32, #tpu.memory_space<vmem>>, vector<16xi32>,
      %get3A_424 = vector.shape_cast %get3A_423 : vector<16xi32> to vector<16xi32>
      %mul3A_425 = arith.constant 1024 : i32
      %mul3A_426 = vector.broadcast %mul3A_425 : i32 to vector<16xi32>
      %mul3A_427 = arith.muli %get3A_424, %mul3A_426 : vector<16xi32>
      %get3A_428 = arith.constant 448 : index
      %get3A_429 = tpu.vector_load %arg6[%get3A_428] {strides = array<i32>} : memref<1024xi32, #tpu.memory_space<vmem>>, vector<16xi32>,
      %get3A_430 = vector.shape_cast %get3A_429 : vector<16xi32> to vector<16xi32>
      %add3A_431 = arith.addi %mul3A_427, %get3A_430 : vector<16xi32>
      %swap3A_432 = arith.constant 64 : index
      %swap3A_433 = tpu.vector_load %arg11[%swap3A_432] {strides = array<i32>} : memref<128xi32, #tpu.memory_space<vmem>>, vector<16xi32>,
      %swap3A_434 = vector.shape_cast %swap3A_433 : vector<16xi32> to vector<16xi32>
      %swap3A_435 = vector.shape_cast %add3A_431 : vector<16xi32> to vector<16xi32>
      tpu.vector_store %arg11[%swap3A_432], %swap3A_435 {strides = array<i32>} : memref<128xi32, #tpu.memory_space<vmem>>, vector<16xi32>,
      %get3A_436 = arith.constant 464 : index
      %get3A_437 = tpu.vector_load %arg7[%get3A_436] {strides = array<i32>} : memref<1024xi32, #tpu.memory_space<vmem>>, vector<16xi32>,
      %get3A_438 = vector.shape_cast %get3A_437 : vector<16xi32> to vector<16xi32>
      %mul3A_439 = arith.constant 1024 : i32
      %mul3A_440 = vector.broadcast %mul3A_439 : i32 to vector<16xi32>
      %mul3A_441 = arith.muli %get3A_438, %mul3A_440 : vector<16xi32>
      %get3A_442 = arith.constant 464 : index
      %get3A_443 = tpu.vector_load %arg6[%get3A_442] {strides = array<i32>} : memref<1024xi32, #tpu.memory_space<vmem>>, vector<16xi32>,
      %get3A_444 = vector.shape_cast %get3A_443 : vector<16xi32> to vector<16xi32>
      %add3A_445 = arith.addi %mul3A_441, %get3A_444 : vector<16xi32>
      %swap3A_446 = arith.constant 80 : index
      %swap3A_447 = tpu.vector_load %arg11[%swap3A_446] {strides = array<i32>} : memref<128xi32, #tpu.memory_space<vmem>>, vector<16xi32>,
      %swap3A_448 = vector.shape_cast %swap3A_447 : vector<16xi32> to vector<16xi32>
      %swap3A_449 = vector.shape_cast %add3A_445 : vector<16xi32> to vector<16xi32>
      tpu.vector_store %arg11[%swap3A_446], %swap3A_449 {strides = array<i32>} : memref<128xi32, #tpu.memory_space<vmem>>, vector<16xi32>,
      %get3A_450 = arith.constant 480 : index
      %get3A_451 = tpu.vector_load %arg7[%get3A_450] {strides = array<i32>} : memref<1024xi32, #tpu.memory_space<vmem>>, vector<16xi32>,
      %get3A_452 = vector.shape_cast %get3A_451 : vector<16xi32> to vector<16xi32>
      %mul3A_453 = arith.constant 1024 : i32
      %mul3A_454 = vector.broadcast %mul3A_453 : i32 to vector<16xi32>
      %mul3A_455 = arith.muli %get3A_452, %mul3A_454 : vector<16xi32>
      %get3A_456 = arith.constant 480 : index
      %get3A_457 = tpu.vector_load %arg6[%get3A_456] {strides = array<i32>} : memref<1024xi32, #tpu.memory_space<vmem>>, vector<16xi32>,
      %get3A_458 = vector.shape_cast %get3A_457 : vector<16xi32> to vector<16xi32>
      %add3A_459 = arith.addi %mul3A_455, %get3A_458 : vector<16xi32>
      %swap3A_460 = arith.constant 96 : index
      %swap3A_461 = tpu.vector_load %arg11[%swap3A_460] {strides = array<i32>} : memref<128xi32, #tpu.memory_space<vmem>>, vector<16xi32>,
      %swap3A_462 = vector.shape_cast %swap3A_461 : vector<16xi32> to vector<16xi32>
      %swap3A_463 = vector.shape_cast %add3A_459 : vector<16xi32> to vector<16xi32>
      tpu.vector_store %arg11[%swap3A_460], %swap3A_463 {strides = array<i32>} : memref<128xi32, #tpu.memory_space<vmem>>, vector<16xi32>,
      %get3A_464 = arith.constant 496 : index
      %get3A_465 = tpu.vector_load %arg7[%get3A_464] {strides = array<i32>} : memref<1024xi32, #tpu.memory_space<vmem>>, vector<16xi32>,
      %get3A_466 = vector.shape_cast %get3A_465 : vector<16xi32> to vector<16xi32>
      %mul3A_467 = arith.constant 1024 : i32
      %mul3A_468 = vector.broadcast %mul3A_467 : i32 to vector<16xi32>
      %mul3A_469 = arith.muli %get3A_466, %mul3A_468 : vector<16xi32>
      %get3A_470 = arith.constant 496 : index
      %get3A_471 = tpu.vector_load %arg6[%get3A_470] {strides = array<i32>} : memref<1024xi32, #tpu.memory_space<vmem>>, vector<16xi32>,
      %get3A_472 = vector.shape_cast %get3A_471 : vector<16xi32> to vector<16xi32>
      %add3A_473 = arith.addi %mul3A_469, %get3A_472 : vector<16xi32>
      %swap3A_474 = arith.constant 112 : index
      %swap3A_475 = tpu.vector_load %arg11[%swap3A_474] {strides = array<i32>} : memref<128xi32, #tpu.memory_space<vmem>>, vector<16xi32>,
      %swap3A_476 = vector.shape_cast %swap3A_475 : vector<16xi32> to vector<16xi32>
      %swap3A_477 = vector.shape_cast %add3A_473 : vector<16xi32> to vector<16xi32>
      tpu.vector_store %arg11[%swap3A_474], %swap3A_477 {strides = array<i32>} : memref<128xi32, #tpu.memory_space<vmem>>, vector<16xi32>,
      %get3A_478 = arith.constant 512 : index
      %get3A_479 = tpu.vector_load %arg7[%get3A_478] {strides = array<i32>} : memref<1024xi32, #tpu.memory_space<vmem>>, vector<16xi32>,
      %get3A_480 = vector.shape_cast %get3A_479 : vector<16xi32> to vector<16xi32>
      %mul3A_481 = arith.constant 1024 : i32
      %mul3A_482 = vector.broadcast %mul3A_481 : i32 to vector<16xi32>
      %mul3A_483 = arith.muli %get3A_480, %mul3A_482 : vector<16xi32>
      %get3A_484 = arith.constant 512 : index
      %get3A_485 = tpu.vector_load %arg6[%get3A_484] {strides = array<i32>} : memref<1024xi32, #tpu.memory_space<vmem>>, vector<16xi32>,
      %get3A_486 = vector.shape_cast %get3A_485 : vector<16xi32> to vector<16xi32>
      %add3A_487 = arith.addi %mul3A_483, %get3A_486 : vector<16xi32>
      %swap3A_488 = arith.constant 0 : index
      %swap3A_489 = tpu.vector_load %arg12[%swap3A_488] {strides = array<i32>} : memref<128xi32, #tpu.memory_space<vmem>>, vector<16xi32>,
      %swap3A_490 = vector.shape_cast %swap3A_489 : vector<16xi32> to vector<16xi32>
      %swap3A_491 = vector.shape_cast %add3A_487 : vector<16xi32> to vector<16xi32>
      tpu.vector_store %arg12[%swap3A_488], %swap3A_491 {strides = array<i32>} : memref<128xi32, #tpu.memory_space<vmem>>, vector<16xi32>,
      %get3A_492 = arith.constant 528 : index
      %get3A_493 = tpu.vector_load %arg7[%get3A_492] {strides = array<i32>} : memref<1024xi32, #tpu.memory_space<vmem>>, vector<16xi32>,
      %get3A_494 = vector.shape_cast %get3A_493 : vector<16xi32> to vector<16xi32>
      %mul3A_495 = arith.constant 1024 : i32
      %mul3A_496 = vector.broadcast %mul3A_495 : i32 to vector<16xi32>
      %mul3A_497 = arith.muli %get3A_494, %mul3A_496 : vector<16xi32>
      %get3A_498 = arith.constant 528 : index
      %get3A_499 = tpu.vector_load %arg6[%get3A_498] {strides = array<i32>} : memref<1024xi32, #tpu.memory_space<vmem>>, vector<16xi32>,
      %get3A_500 = vector.shape_cast %get3A_499 : vector<16xi32> to vector<16xi32>
      %add3A_501 = arith.addi %mul3A_497, %get3A_500 : vector<16xi32>
      %swap3A_502 = arith.constant 16 : index
      %swap3A_503 = tpu.vector_load %arg12[%swap3A_502] {strides = array<i32>} : memref<128xi32, #tpu.memory_space<vmem>>, vector<16xi32>,
      %swap3A_504 = vector.shape_cast %swap3A_503 : vector<16xi32> to vector<16xi32>
      %swap3A_505 = vector.shape_cast %add3A_501 : vector<16xi32> to vector<16xi32>
      tpu.vector_store %arg12[%swap3A_502], %swap3A_505 {strides = array<i32>} : memref<128xi32, #tpu.memory_space<vmem>>, vector<16xi32>,
      %get3A_506 = arith.constant 544 : index
      %get3A_507 = tpu.vector_load %arg7[%get3A_506] {strides = array<i32>} : memref<1024xi32, #tpu.memory_space<vmem>>, vector<16xi32>,
      %get3A_508 = vector.shape_cast %get3A_507 : vector<16xi32> to vector<16xi32>
      %mul3A_509 = arith.constant 1024 : i32
      %mul3A_510 = vector.broadcast %mul3A_509 : i32 to vector<16xi32>
      %mul3A_511 = arith.muli %get3A_508, %mul3A_510 : vector<16xi32>
      %get3A_512 = arith.constant 544 : index
      %get3A_513 = tpu.vector_load %arg6[%get3A_512] {strides = array<i32>} : memref<1024xi32, #tpu.memory_space<vmem>>, vector<16xi32>,
      %get3A_514 = vector.shape_cast %get3A_513 : vector<16xi32> to vector<16xi32>
      %add3A_515 = arith.addi %mul3A_511, %get3A_514 : vector<16xi32>
      %swap3A_516 = arith.constant 32 : index
      %swap3A_517 = tpu.vector_load %arg12[%swap3A_516] {strides = array<i32>} : memref<128xi32, #tpu.memory_space<vmem>>, vector<16xi32>,
      %swap3A_518 = vector.shape_cast %swap3A_517 : vector<16xi32> to vector<16xi32>
      %swap3A_519 = vector.shape_cast %add3A_515 : vector<16xi32> to vector<16xi32>
      tpu.vector_store %arg12[%swap3A_516], %swap3A_519 {strides = array<i32>} : memref<128xi32, #tpu.memory_space<vmem>>, vector<16xi32>,
      %get3A_520 = arith.constant 560 : index
      %get3A_521 = tpu.vector_load %arg7[%get3A_520] {strides = array<i32>} : memref<1024xi32, #tpu.memory_space<vmem>>, vector<16xi32>,
      %get3A_522 = vector.shape_cast %get3A_521 : vector<16xi32> to vector<16xi32>
      %mul3A_523 = arith.constant 1024 : i32
      %mul3A_524 = vector.broadcast %mul3A_523 : i32 to vector<16xi32>
      %mul3A_525 = arith.muli %get3A_522, %mul3A_524 : vector<16xi32>
      %get3A_526 = arith.constant 560 : index
      %get3A_527 = tpu.vector_load %arg6[%get3A_526] {strides = array<i32>} : memref<1024xi32, #tpu.memory_space<vmem>>, vector<16xi32>,
      %get3A_528 = vector.shape_cast %get3A_527 : vector<16xi32> to vector<16xi32>
      %add3A_529 = arith.addi %mul3A_525, %get3A_528 : vector<16xi32>
      %swap3A_530 = arith.constant 48 : index
      %swap3A_531 = tpu.vector_load %arg12[%swap3A_530] {strides = array<i32>} : memref<128xi32, #tpu.memory_space<vmem>>, vector<16xi32>,
      %swap3A_532 = vector.shape_cast %swap3A_531 : vector<16xi32> to vector<16xi32>
      %swap3A_533 = vector.shape_cast %add3A_529 : vector<16xi32> to vector<16xi32>
      tpu.vector_store %arg12[%swap3A_530], %swap3A_533 {strides = array<i32>} : memref<128xi32, #tpu.memory_space<vmem>>, vector<16xi32>,
      %get3A_534 = arith.constant 576 : index
      %get3A_535 = tpu.vector_load %arg7[%get3A_534] {strides = array<i32>} : memref<1024xi32, #tpu.memory_space<vmem>>, vector<16xi32>,
      %get3A_536 = vector.shape_cast %get3A_535 : vector<16xi32> to vector<16xi32>
      %mul3A_537 = arith.constant 1024 : i32
      %mul3A_538 = vector.broadcast %mul3A_537 : i32 to vector<16xi32>
      %mul3A_539 = arith.muli %get3A_536, %mul3A_538 : vector<16xi32>
      %get3A_540 = arith.constant 576 : index
      %get3A_541 = tpu.vector_load %arg6[%get3A_540] {strides = array<i32>} : memref<1024xi32, #tpu.memory_space<vmem>>, vector<16xi32>,
      %get3A_542 = vector.shape_cast %get3A_541 : vector<16xi32> to vector<16xi32>
      %add3A_543 = arith.addi %mul3A_539, %get3A_542 : vector<16xi32>
      %swap3A_544 = arith.constant 64 : index
      %swap3A_545 = tpu.vector_load %arg12[%swap3A_544] {strides = array<i32>} : memref<128xi32, #tpu.memory_space<vmem>>, vector<16xi32>,
      %swap3A_546 = vector.shape_cast %swap3A_545 : vector<16xi32> to vector<16xi32>
      %swap3A_547 = vector.shape_cast %add3A_543 : vector<16xi32> to vector<16xi32>
      tpu.vector_store %arg12[%swap3A_544], %swap3A_547 {strides = array<i32>} : memref<128xi32, #tpu.memory_space<vmem>>, vector<16xi32>,
      %get3A_548 = arith.constant 592 : index
      %get3A_549 = tpu.vector_load %arg7[%get3A_548] {strides = array<i32>} : memref<1024xi32, #tpu.memory_space<vmem>>, vector<16xi32>,
      %get3A_550 = vector.shape_cast %get3A_549 : vector<16xi32> to vector<16xi32>
      %mul3A_551 = arith.constant 1024 : i32
      %mul3A_552 = vector.broadcast %mul3A_551 : i32 to vector<16xi32>
      %mul3A_553 = arith.muli %get3A_550, %mul3A_552 : vector<16xi32>
      %get3A_554 = arith.constant 592 : index
      %get3A_555 = tpu.vector_load %arg6[%get3A_554] {strides = array<i32>} : memref<1024xi32, #tpu.memory_space<vmem>>, vector<16xi32>,
      %get3A_556 = vector.shape_cast %get3A_555 : vector<16xi32> to vector<16xi32>
      %add3A_557 = arith.addi %mul3A_553, %get3A_556 : vector<16xi32>
      %swap3A_558 = arith.constant 80 : index
      %swap3A_559 = tpu.vector_load %arg12[%swap3A_558] {strides = array<i32>} : memref<128xi32, #tpu.memory_space<vmem>>, vector<16xi32>,
      %swap3A_560 = vector.shape_cast %swap3A_559 : vector<16xi32> to vector<16xi32>
      %swap3A_561 = vector.shape_cast %add3A_557 : vector<16xi32> to vector<16xi32>
      tpu.vector_store %arg12[%swap3A_558], %swap3A_561 {strides = array<i32>} : memref<128xi32, #tpu.memory_space<vmem>>, vector<16xi32>,
      %get3A_562 = arith.constant 608 : index
      %get3A_563 = tpu.vector_load %arg7[%get3A_562] {strides = array<i32>} : memref<1024xi32, #tpu.memory_space<vmem>>, vector<16xi32>,
      %get3A_564 = vector.shape_cast %get3A_563 : vector<16xi32> to vector<16xi32>
      %mul3A_565 = arith.constant 1024 : i32
      %mul3A_566 = vector.broadcast %mul3A_565 : i32 to vector<16xi32>
      %mul3A_567 = arith.muli %get3A_564, %mul3A_566 : vector<16xi32>
      %get3A_568 = arith.constant 608 : index
      %get3A_569 = tpu.vector_load %arg6[%get3A_568] {strides = array<i32>} : memref<1024xi32, #tpu.memory_space<vmem>>, vector<16xi32>,
      %get3A_570 = vector.shape_cast %get3A_569 : vector<16xi32> to vector<16xi32>
      %add3A_571 = arith.addi %mul3A_567, %get3A_570 : vector<16xi32>
      %swap3A_572 = arith.constant 96 : index
      %swap3A_573 = tpu.vector_load %arg12[%swap3A_572] {strides = array<i32>} : memref<128xi32, #tpu.memory_space<vmem>>, vector<16xi32>,
      %swap3A_574 = vector.shape_cast %swap3A_573 : vector<16xi32> to vector<16xi32>
      %swap3A_575 = vector.shape_cast %add3A_571 : vector<16xi32> to vector<16xi32>
      tpu.vector_store %arg12[%swap3A_572], %swap3A_575 {strides = array<i32>} : memref<128xi32, #tpu.memory_space<vmem>>, vector<16xi32>,
      %get3A_576 = arith.constant 624 : index
      %get3A_577 = tpu.vector_load %arg7[%get3A_576] {strides = array<i32>} : memref<1024xi32, #tpu.memory_space<vmem>>, vector<16xi32>,
      %get3A_578 = vector.shape_cast %get3A_577 : vector<16xi32> to vector<16xi32>
      %mul3A_579 = arith.constant 1024 : i32
      %mul3A_580 = vector.broadcast %mul3A_579 : i32 to vector<16xi32>
      %mul3A_581 = arith.muli %get3A_578, %mul3A_580 : vector<16xi32>
      %get3A_582 = arith.constant 624 : index
      %get3A_583 = tpu.vector_load %arg6[%get3A_582] {strides = array<i32>} : memref<1024xi32, #tpu.memory_space<vmem>>, vector<16xi32>,
      %get3A_584 = vector.shape_cast %get3A_583 : vector<16xi32> to vector<16xi32>
      %add3A_585 = arith.addi %mul3A_581, %get3A_584 : vector<16xi32>
      %swap3A_586 = arith.constant 112 : index
      %swap3A_587 = tpu.vector_load %arg12[%swap3A_586] {strides = array<i32>} : memref<128xi32, #tpu.memory_space<vmem>>, vector<16xi32>,
      %swap3A_588 = vector.shape_cast %swap3A_587 : vector<16xi32> to vector<16xi32>
      %swap3A_589 = vector.shape_cast %add3A_585 : vector<16xi32> to vector<16xi32>
      tpu.vector_store %arg12[%swap3A_586], %swap3A_589 {strides = array<i32>} : memref<128xi32, #tpu.memory_space<vmem>>, vector<16xi32>,
      %get3A_590 = arith.constant 640 : index
      %get3A_591 = tpu.vector_load %arg7[%get3A_590] {strides = array<i32>} : memref<1024xi32, #tpu.memory_space<vmem>>, vector<16xi32>,
      %get3A_592 = vector.shape_cast %get3A_591 : vector<16xi32> to vector<16xi32>
      %mul3A_593 = arith.constant 1024 : i32
      %mul3A_594 = vector.broadcast %mul3A_593 : i32 to vector<16xi32>
      %mul3A_595 = arith.muli %get3A_592, %mul3A_594 : vector<16xi32>
      %get3A_596 = arith.constant 640 : index
      %get3A_597 = tpu.vector_load %arg6[%get3A_596] {strides = array<i32>} : memref<1024xi32, #tpu.memory_space<vmem>>, vector<16xi32>,
      %get3A_598 = vector.shape_cast %get3A_597 : vector<16xi32> to vector<16xi32>
      %add3A_599 = arith.addi %mul3A_595, %get3A_598 : vector<16xi32>
      %swap3A_600 = arith.constant 0 : index
      %swap3A_601 = tpu.vector_load %arg13[%swap3A_600] {strides = array<i32>} : memref<128xi32, #tpu.memory_space<vmem>>, vector<16xi32>,
      %swap3A_602 = vector.shape_cast %swap3A_601 : vector<16xi32> to vector<16xi32>
      %swap3A_603 = vector.shape_cast %add3A_599 : vector<16xi32> to vector<16xi32>
      tpu.vector_store %arg13[%swap3A_600], %swap3A_603 {strides = array<i32>} : memref<128xi32, #tpu.memory_space<vmem>>, vector<16xi32>,
      %get3A_604 = arith.constant 656 : index
      %get3A_605 = tpu.vector_load %arg7[%get3A_604] {strides = array<i32>} : memref<1024xi32, #tpu.memory_space<vmem>>, vector<16xi32>,
      %get3A_606 = vector.shape_cast %get3A_605 : vector<16xi32> to vector<16xi32>
      %mul3A_607 = arith.constant 1024 : i32
      %mul3A_608 = vector.broadcast %mul3A_607 : i32 to vector<16xi32>
      %mul3A_609 = arith.muli %get3A_606, %mul3A_608 : vector<16xi32>
      %get3A_610 = arith.constant 656 : index
      %get3A_611 = tpu.vector_load %arg6[%get3A_610] {strides = array<i32>} : memref<1024xi32, #tpu.memory_space<vmem>>, vector<16xi32>,
      %get3A_612 = vector.shape_cast %get3A_611 : vector<16xi32> to vector<16xi32>
      %add3A_613 = arith.addi %mul3A_609, %get3A_612 : vector<16xi32>
      %swap3A_614 = arith.constant 16 : index
      %swap3A_615 = tpu.vector_load %arg13[%swap3A_614] {strides = array<i32>} : memref<128xi32, #tpu.memory_space<vmem>>, vector<16xi32>,
      %swap3A_616 = vector.shape_cast %swap3A_615 : vector<16xi32> to vector<16xi32>
      %swap3A_617 = vector.shape_cast %add3A_613 : vector<16xi32> to vector<16xi32>
      tpu.vector_store %arg13[%swap3A_614], %swap3A_617 {strides = array<i32>} : memref<128xi32, #tpu.memory_space<vmem>>, vector<16xi32>,
      %get3A_618 = arith.constant 672 : index
      %get3A_619 = tpu.vector_load %arg7[%get3A_618] {strides = array<i32>} : memref<1024xi32, #tpu.memory_space<vmem>>, vector<16xi32>,
      %get3A_620 = vector.shape_cast %get3A_619 : vector<16xi32> to vector<16xi32>
      %mul3A_621 = arith.constant 1024 : i32
      %mul3A_622 = vector.broadcast %mul3A_621 : i32 to vector<16xi32>
      %mul3A_623 = arith.muli %get3A_620, %mul3A_622 : vector<16xi32>
      %get3A_624 = arith.constant 672 : index
      %get3A_625 = tpu.vector_load %arg6[%get3A_624] {strides = array<i32>} : memref<1024xi32, #tpu.memory_space<vmem>>, vector<16xi32>,
      %get3A_626 = vector.shape_cast %get3A_625 : vector<16xi32> to vector<16xi32>
      %add3A_627 = arith.addi %mul3A_623, %get3A_626 : vector<16xi32>
      %swap3A_628 = arith.constant 32 : index
      %swap3A_629 = tpu.vector_load %arg13[%swap3A_628] {strides = array<i32>} : memref<128xi32, #tpu.memory_space<vmem>>, vector<16xi32>,
      %swap3A_630 = vector.shape_cast %swap3A_629 : vector<16xi32> to vector<16xi32>
      %swap3A_631 = vector.shape_cast %add3A_627 : vector<16xi32> to vector<16xi32>
      tpu.vector_store %arg13[%swap3A_628], %swap3A_631 {strides = array<i32>} : memref<128xi32, #tpu.memory_space<vmem>>, vector<16xi32>,
      %get3A_632 = arith.constant 688 : index
      %get3A_633 = tpu.vector_load %arg7[%get3A_632] {strides = array<i32>} : memref<1024xi32, #tpu.memory_space<vmem>>, vector<16xi32>,
      %get3A_634 = vector.shape_cast %get3A_633 : vector<16xi32> to vector<16xi32>
      %mul3A_635 = arith.constant 1024 : i32
      %mul3A_636 = vector.broadcast %mul3A_635 : i32 to vector<16xi32>
      %mul3A_637 = arith.muli %get3A_634, %mul3A_636 : vector<16xi32>
      %get3A_638 = arith.constant 688 : index
      %get3A_639 = tpu.vector_load %arg6[%get3A_638] {strides = array<i32>} : memref<1024xi32, #tpu.memory_space<vmem>>, vector<16xi32>,
      %get3A_640 = vector.shape_cast %get3A_639 : vector<16xi32> to vector<16xi32>
      %add3A_641 = arith.addi %mul3A_637, %get3A_640 : vector<16xi32>
      %swap3A_642 = arith.constant 48 : index
      %swap3A_643 = tpu.vector_load %arg13[%swap3A_642] {strides = array<i32>} : memref<128xi32, #tpu.memory_space<vmem>>, vector<16xi32>,
      %swap3A_644 = vector.shape_cast %swap3A_643 : vector<16xi32> to vector<16xi32>
      %swap3A_645 = vector.shape_cast %add3A_641 : vector<16xi32> to vector<16xi32>
      tpu.vector_store %arg13[%swap3A_642], %swap3A_645 {strides = array<i32>} : memref<128xi32, #tpu.memory_space<vmem>>, vector<16xi32>,
      %get3A_646 = arith.constant 704 : index
      %get3A_647 = tpu.vector_load %arg7[%get3A_646] {strides = array<i32>} : memref<1024xi32, #tpu.memory_space<vmem>>, vector<16xi32>,
      %get3A_648 = vector.shape_cast %get3A_647 : vector<16xi32> to vector<16xi32>
      %mul3A_649 = arith.constant 1024 : i32
      %mul3A_650 = vector.broadcast %mul3A_649 : i32 to vector<16xi32>
      %mul3A_651 = arith.muli %get3A_648, %mul3A_650 : vector<16xi32>
      %get3A_652 = arith.constant 704 : index
      %get3A_653 = tpu.vector_load %arg6[%get3A_652] {strides = array<i32>} : memref<1024xi32, #tpu.memory_space<vmem>>, vector<16xi32>,
      %get3A_654 = vector.shape_cast %get3A_653 : vector<16xi32> to vector<16xi32>
      %add3A_655 = arith.addi %mul3A_651, %get3A_654 : vector<16xi32>
      %swap3A_656 = arith.constant 64 : index
      %swap3A_657 = tpu.vector_load %arg13[%swap3A_656] {strides = array<i32>} : memref<128xi32, #tpu.memory_space<vmem>>, vector<16xi32>,
      %swap3A_658 = vector.shape_cast %swap3A_657 : vector<16xi32> to vector<16xi32>
      %swap3A_659 = vector.shape_cast %add3A_655 : vector<16xi32> to vector<16xi32>
      tpu.vector_store %arg13[%swap3A_656], %swap3A_659 {strides = array<i32>} : memref<128xi32, #tpu.memory_space<vmem>>, vector<16xi32>,
      %get3A_660 = arith.constant 720 : index
      %get3A_661 = tpu.vector_load %arg7[%get3A_660] {strides = array<i32>} : memref<1024xi32, #tpu.memory_space<vmem>>, vector<16xi32>,
      %get3A_662 = vector.shape_cast %get3A_661 : vector<16xi32> to vector<16xi32>
      %mul3A_663 = arith.constant 1024 : i32
      %mul3A_664 = vector.broadcast %mul3A_663 : i32 to vector<16xi32>
      %mul3A_665 = arith.muli %get3A_662, %mul3A_664 : vector<16xi32>
      %get3A_666 = arith.constant 720 : index
      %get3A_667 = tpu.vector_load %arg6[%get3A_666] {strides = array<i32>} : memref<1024xi32, #tpu.memory_space<vmem>>, vector<16xi32>,
      %get3A_668 = vector.shape_cast %get3A_667 : vector<16xi32> to vector<16xi32>
      %add3A_669 = arith.addi %mul3A_665, %get3A_668 : vector<16xi32>
      %swap3A_670 = arith.constant 80 : index
      %swap3A_671 = tpu.vector_load %arg13[%swap3A_670] {strides = array<i32>} : memref<128xi32, #tpu.memory_space<vmem>>, vector<16xi32>,
      %swap3A_672 = vector.shape_cast %swap3A_671 : vector<16xi32> to vector<16xi32>
      %swap3A_673 = vector.shape_cast %add3A_669 : vector<16xi32> to vector<16xi32>
      tpu.vector_store %arg13[%swap3A_670], %swap3A_673 {strides = array<i32>} : memref<128xi32, #tpu.memory_space<vmem>>, vector<16xi32>,
      %get3A_674 = arith.constant 736 : index
      %get3A_675 = tpu.vector_load %arg7[%get3A_674] {strides = array<i32>} : memref<1024xi32, #tpu.memory_space<vmem>>, vector<16xi32>,
      %get3A_676 = vector.shape_cast %get3A_675 : vector<16xi32> to vector<16xi32>
      %mul3A_677 = arith.constant 1024 : i32
      %mul3A_678 = vector.broadcast %mul3A_677 : i32 to vector<16xi32>
      %mul3A_679 = arith.muli %get3A_676, %mul3A_678 : vector<16xi32>
      %get3A_680 = arith.constant 736 : index
      %get3A_681 = tpu.vector_load %arg6[%get3A_680] {strides = array<i32>} : memref<1024xi32, #tpu.memory_space<vmem>>, vector<16xi32>,
      %get3A_682 = vector.shape_cast %get3A_681 : vector<16xi32> to vector<16xi32>
      %add3A_683 = arith.addi %mul3A_679, %get3A_682 : vector<16xi32>
      %swap3A_684 = arith.constant 96 : index
      %swap3A_685 = tpu.vector_load %arg13[%swap3A_684] {strides = array<i32>} : memref<128xi32, #tpu.memory_space<vmem>>, vector<16xi32>,
      %swap3A_686 = vector.shape_cast %swap3A_685 : vector<16xi32> to vector<16xi32>
      %swap3A_687 = vector.shape_cast %add3A_683 : vector<16xi32> to vector<16xi32>
      tpu.vector_store %arg13[%swap3A_684], %swap3A_687 {strides = array<i32>} : memref<128xi32, #tpu.memory_space<vmem>>, vector<16xi32>,
      %get3A_688 = arith.constant 752 : index
      %get3A_689 = tpu.vector_load %arg7[%get3A_688] {strides = array<i32>} : memref<1024xi32, #tpu.memory_space<vmem>>, vector<16xi32>,
      %get3A_690 = vector.shape_cast %get3A_689 : vector<16xi32> to vector<16xi32>
      %mul3A_691 = arith.constant 1024 : i32
      %mul3A_692 = vector.broadcast %mul3A_691 : i32 to vector<16xi32>
      %mul3A_693 = arith.muli %get3A_690, %mul3A_692 : vector<16xi32>
      %get3A_694 = arith.constant 752 : index
      %get3A_695 = tpu.vector_load %arg6[%get3A_694] {strides = array<i32>} : memref<1024xi32, #tpu.memory_space<vmem>>, vector<16xi32>,
      %get3A_696 = vector.shape_cast %get3A_695 : vector<16xi32> to vector<16xi32>
      %add3A_697 = arith.addi %mul3A_693, %get3A_696 : vector<16xi32>
      %swap3A_698 = arith.constant 112 : index
      %swap3A_699 = tpu.vector_load %arg13[%swap3A_698] {strides = array<i32>} : memref<128xi32, #tpu.memory_space<vmem>>, vector<16xi32>,
      %swap3A_700 = vector.shape_cast %swap3A_699 : vector<16xi32> to vector<16xi32>
      %swap3A_701 = vector.shape_cast %add3A_697 : vector<16xi32> to vector<16xi32>
      tpu.vector_store %arg13[%swap3A_698], %swap3A_701 {strides = array<i32>} : memref<128xi32, #tpu.memory_space<vmem>>, vector<16xi32>,
      %get3A_702 = arith.constant 768 : index
      %get3A_703 = tpu.vector_load %arg7[%get3A_702] {strides = array<i32>} : memref<1024xi32, #tpu.memory_space<vmem>>, vector<16xi32>,
      %get3A_704 = vector.shape_cast %get3A_703 : vector<16xi32> to vector<16xi32>
      %mul3A_705 = arith.constant 1024 : i32
      %mul3A_706 = vector.broadcast %mul3A_705 : i32 to vector<16xi32>
      %mul3A_707 = arith.muli %get3A_704, %mul3A_706 : vector<16xi32>
      %get3A_708 = arith.constant 768 : index
      %get3A_709 = tpu.vector_load %arg6[%get3A_708] {strides = array<i32>} : memref<1024xi32, #tpu.memory_space<vmem>>, vector<16xi32>,
      %get3A_710 = vector.shape_cast %get3A_709 : vector<16xi32> to vector<16xi32>
      %add3A_711 = arith.addi %mul3A_707, %get3A_710 : vector<16xi32>
      %swap3A_712 = arith.constant 0 : index
      %swap3A_713 = tpu.vector_load %arg14[%swap3A_712] {strides = array<i32>} : memref<128xi32, #tpu.memory_space<vmem>>, vector<16xi32>,
      %swap3A_714 = vector.shape_cast %swap3A_713 : vector<16xi32> to vector<16xi32>
      %swap3A_715 = vector.shape_cast %add3A_711 : vector<16xi32> to vector<16xi32>
      tpu.vector_store %arg14[%swap3A_712], %swap3A_715 {strides = array<i32>} : memref<128xi32, #tpu.memory_space<vmem>>, vector<16xi32>,
      %get3A_716 = arith.constant 784 : index
      %get3A_717 = tpu.vector_load %arg7[%get3A_716] {strides = array<i32>} : memref<1024xi32, #tpu.memory_space<vmem>>, vector<16xi32>,
      %get3A_718 = vector.shape_cast %get3A_717 : vector<16xi32> to vector<16xi32>
      %mul3A_719 = arith.constant 1024 : i32
      %mul3A_720 = vector.broadcast %mul3A_719 : i32 to vector<16xi32>
      %mul3A_721 = arith.muli %get3A_718, %mul3A_720 : vector<16xi32>
      %get3A_722 = arith.constant 784 : index
      %get3A_723 = tpu.vector_load %arg6[%get3A_722] {strides = array<i32>} : memref<1024xi32, #tpu.memory_space<vmem>>, vector<16xi32>,
      %get3A_724 = vector.shape_cast %get3A_723 : vector<16xi32> to vector<16xi32>
      %add3A_725 = arith.addi %mul3A_721, %get3A_724 : vector<16xi32>
      %swap3A_726 = arith.constant 16 : index
      %swap3A_727 = tpu.vector_load %arg14[%swap3A_726] {strides = array<i32>} : memref<128xi32, #tpu.memory_space<vmem>>, vector<16xi32>,
      %swap3A_728 = vector.shape_cast %swap3A_727 : vector<16xi32> to vector<16xi32>
      %swap3A_729 = vector.shape_cast %add3A_725 : vector<16xi32> to vector<16xi32>
      tpu.vector_store %arg14[%swap3A_726], %swap3A_729 {strides = array<i32>} : memref<128xi32, #tpu.memory_space<vmem>>, vector<16xi32>,
      %get3A_730 = arith.constant 800 : index
      %get3A_731 = tpu.vector_load %arg7[%get3A_730] {strides = array<i32>} : memref<1024xi32, #tpu.memory_space<vmem>>, vector<16xi32>,
      %get3A_732 = vector.shape_cast %get3A_731 : vector<16xi32> to vector<16xi32>
      %mul3A_733 = arith.constant 1024 : i32
      %mul3A_734 = vector.broadcast %mul3A_733 : i32 to vector<16xi32>
      %mul3A_735 = arith.muli %get3A_732, %mul3A_734 : vector<16xi32>
      %get3A_736 = arith.constant 800 : index
      %get3A_737 = tpu.vector_load %arg6[%get3A_736] {strides = array<i32>} : memref<1024xi32, #tpu.memory_space<vmem>>, vector<16xi32>,
      %get3A_738 = vector.shape_cast %get3A_737 : vector<16xi32> to vector<16xi32>
      %add3A_739 = arith.addi %mul3A_735, %get3A_738 : vector<16xi32>
      %swap3A_740 = arith.constant 32 : index
      %swap3A_741 = tpu.vector_load %arg14[%swap3A_740] {strides = array<i32>} : memref<128xi32, #tpu.memory_space<vmem>>, vector<16xi32>,
      %swap3A_742 = vector.shape_cast %swap3A_741 : vector<16xi32> to vector<16xi32>
      %swap3A_743 = vector.shape_cast %add3A_739 : vector<16xi32> to vector<16xi32>
      tpu.vector_store %arg14[%swap3A_740], %swap3A_743 {strides = array<i32>} : memref<128xi32, #tpu.memory_space<vmem>>, vector<16xi32>,
      %get3A_744 = arith.constant 816 : index
      %get3A_745 = tpu.vector_load %arg7[%get3A_744] {strides = array<i32>} : memref<1024xi32, #tpu.memory_space<vmem>>, vector<16xi32>,
      %get3A_746 = vector.shape_cast %get3A_745 : vector<16xi32> to vector<16xi32>
      %mul3A_747 = arith.constant 1024 : i32
      %mul3A_748 = vector.broadcast %mul3A_747 : i32 to vector<16xi32>
      %mul3A_749 = arith.muli %get3A_746, %mul3A_748 : vector<16xi32>
      %get3A_750 = arith.constant 816 : index
      %get3A_751 = tpu.vector_load %arg6[%get3A_750] {strides = array<i32>} : memref<1024xi32, #tpu.memory_space<vmem>>, vector<16xi32>,
      %get3A_752 = vector.shape_cast %get3A_751 : vector<16xi32> to vector<16xi32>
      %add3A_753 = arith.addi %mul3A_749, %get3A_752 : vector<16xi32>
      %swap3A_754 = arith.constant 48 : index
      %swap3A_755 = tpu.vector_load %arg14[%swap3A_754] {strides = array<i32>} : memref<128xi32, #tpu.memory_space<vmem>>, vector<16xi32>,
      %swap3A_756 = vector.shape_cast %swap3A_755 : vector<16xi32> to vector<16xi32>
      %swap3A_757 = vector.shape_cast %add3A_753 : vector<16xi32> to vector<16xi32>
      tpu.vector_store %arg14[%swap3A_754], %swap3A_757 {strides = array<i32>} : memref<128xi32, #tpu.memory_space<vmem>>, vector<16xi32>,
      %get3A_758 = arith.constant 832 : index
      %get3A_759 = tpu.vector_load %arg7[%get3A_758] {strides = array<i32>} : memref<1024xi32, #tpu.memory_space<vmem>>, vector<16xi32>,
      %get3A_760 = vector.shape_cast %get3A_759 : vector<16xi32> to vector<16xi32>
      %mul3A_761 = arith.constant 1024 : i32
      %mul3A_762 = vector.broadcast %mul3A_761 : i32 to vector<16xi32>
      %mul3A_763 = arith.muli %get3A_760, %mul3A_762 : vector<16xi32>
      %get3A_764 = arith.constant 832 : index
      %get3A_765 = tpu.vector_load %arg6[%get3A_764] {strides = array<i32>} : memref<1024xi32, #tpu.memory_space<vmem>>, vector<16xi32>,
      %get3A_766 = vector.shape_cast %get3A_765 : vector<16xi32> to vector<16xi32>
      %add3A_767 = arith.addi %mul3A_763, %get3A_766 : vector<16xi32>
      %swap3A_768 = arith.constant 64 : index
      %swap3A_769 = tpu.vector_load %arg14[%swap3A_768] {strides = array<i32>} : memref<128xi32, #tpu.memory_space<vmem>>, vector<16xi32>,
      %swap3A_770 = vector.shape_cast %swap3A_769 : vector<16xi32> to vector<16xi32>
      %swap3A_771 = vector.shape_cast %add3A_767 : vector<16xi32> to vector<16xi32>
      tpu.vector_store %arg14[%swap3A_768], %swap3A_771 {strides = array<i32>} : memref<128xi32, #tpu.memory_space<vmem>>, vector<16xi32>,
      %get3A_772 = arith.constant 848 : index
      %get3A_773 = tpu.vector_load %arg7[%get3A_772] {strides = array<i32>} : memref<1024xi32, #tpu.memory_space<vmem>>, vector<16xi32>,
      %get3A_774 = vector.shape_cast %get3A_773 : vector<16xi32> to vector<16xi32>
      %mul3A_775 = arith.constant 1024 : i32
      %mul3A_776 = vector.broadcast %mul3A_775 : i32 to vector<16xi32>
      %mul3A_777 = arith.muli %get3A_774, %mul3A_776 : vector<16xi32>
      %get3A_778 = arith.constant 848 : index
      %get3A_779 = tpu.vector_load %arg6[%get3A_778] {strides = array<i32>} : memref<1024xi32, #tpu.memory_space<vmem>>, vector<16xi32>,
      %get3A_780 = vector.shape_cast %get3A_779 : vector<16xi32> to vector<16xi32>
      %add3A_781 = arith.addi %mul3A_777, %get3A_780 : vector<16xi32>
      %swap3A_782 = arith.constant 80 : index
      %swap3A_783 = tpu.vector_load %arg14[%swap3A_782] {strides = array<i32>} : memref<128xi32, #tpu.memory_space<vmem>>, vector<16xi32>,
      %swap3A_784 = vector.shape_cast %swap3A_783 : vector<16xi32> to vector<16xi32>
      %swap3A_785 = vector.shape_cast %add3A_781 : vector<16xi32> to vector<16xi32>
      tpu.vector_store %arg14[%swap3A_782], %swap3A_785 {strides = array<i32>} : memref<128xi32, #tpu.memory_space<vmem>>, vector<16xi32>,
      %get3A_786 = arith.constant 864 : index
      %get3A_787 = tpu.vector_load %arg7[%get3A_786] {strides = array<i32>} : memref<1024xi32, #tpu.memory_space<vmem>>, vector<16xi32>,
      %get3A_788 = vector.shape_cast %get3A_787 : vector<16xi32> to vector<16xi32>
      %mul3A_789 = arith.constant 1024 : i32
      %mul3A_790 = vector.broadcast %mul3A_789 : i32 to vector<16xi32>
      %mul3A_791 = arith.muli %get3A_788, %mul3A_790 : vector<16xi32>
      %get3A_792 = arith.constant 864 : index
      %get3A_793 = tpu.vector_load %arg6[%get3A_792] {strides = array<i32>} : memref<1024xi32, #tpu.memory_space<vmem>>, vector<16xi32>,
      %get3A_794 = vector.shape_cast %get3A_793 : vector<16xi32> to vector<16xi32>
      %add3A_795 = arith.addi %mul3A_791, %get3A_794 : vector<16xi32>
      %swap3A_796 = arith.constant 96 : index
      %swap3A_797 = tpu.vector_load %arg14[%swap3A_796] {strides = array<i32>} : memref<128xi32, #tpu.memory_space<vmem>>, vector<16xi32>,
      %swap3A_798 = vector.shape_cast %swap3A_797 : vector<16xi32> to vector<16xi32>
      %swap3A_799 = vector.shape_cast %add3A_795 : vector<16xi32> to vector<16xi32>
      tpu.vector_store %arg14[%swap3A_796], %swap3A_799 {strides = array<i32>} : memref<128xi32, #tpu.memory_space<vmem>>, vector<16xi32>,
      %get3A_800 = arith.constant 880 : index
      %get3A_801 = tpu.vector_load %arg7[%get3A_800] {strides = array<i32>} : memref<1024xi32, #tpu.memory_space<vmem>>, vector<16xi32>,
      %get3A_802 = vector.shape_cast %get3A_801 : vector<16xi32> to vector<16xi32>
      %mul3A_803 = arith.constant 1024 : i32
      %mul3A_804 = vector.broadcast %mul3A_803 : i32 to vector<16xi32>
      %mul3A_805 = arith.muli %get3A_802, %mul3A_804 : vector<16xi32>
      %get3A_806 = arith.constant 880 : index
      %get3A_807 = tpu.vector_load %arg6[%get3A_806] {strides = array<i32>} : memref<1024xi32, #tpu.memory_space<vmem>>, vector<16xi32>,
      %get3A_808 = vector.shape_cast %get3A_807 : vector<16xi32> to vector<16xi32>
      %add3A_809 = arith.addi %mul3A_805, %get3A_808 : vector<16xi32>
      %swap3A_810 = arith.constant 112 : index
      %swap3A_811 = tpu.vector_load %arg14[%swap3A_810] {strides = array<i32>} : memref<128xi32, #tpu.memory_space<vmem>>, vector<16xi32>,
      %swap3A_812 = vector.shape_cast %swap3A_811 : vector<16xi32> to vector<16xi32>
      %swap3A_813 = vector.shape_cast %add3A_809 : vector<16xi32> to vector<16xi32>
      tpu.vector_store %arg14[%swap3A_810], %swap3A_813 {strides = array<i32>} : memref<128xi32, #tpu.memory_space<vmem>>, vector<16xi32>,
      %get3A_814 = arith.constant 896 : index
      %get3A_815 = tpu.vector_load %arg7[%get3A_814] {strides = array<i32>} : memref<1024xi32, #tpu.memory_space<vmem>>, vector<16xi32>,
      %get3A_816 = vector.shape_cast %get3A_815 : vector<16xi32> to vector<16xi32>
      %mul3A_817 = arith.constant 1024 : i32
      %mul3A_818 = vector.broadcast %mul3A_817 : i32 to vector<16xi32>
      %mul3A_819 = arith.muli %get3A_816, %mul3A_818 : vector<16xi32>
      %get3A_820 = arith.constant 896 : index
      %get3A_821 = tpu.vector_load %arg6[%get3A_820] {strides = array<i32>} : memref<1024xi32, #tpu.memory_space<vmem>>, vector<16xi32>,
      %get3A_822 = vector.shape_cast %get3A_821 : vector<16xi32> to vector<16xi32>
      %add3A_823 = arith.addi %mul3A_819, %get3A_822 : vector<16xi32>
      %swap3A_824 = arith.constant 0 : index
      %swap3A_825 = tpu.vector_load %arg15[%swap3A_824] {strides = array<i32>} : memref<128xi32, #tpu.memory_space<vmem>>, vector<16xi32>,
      %swap3A_826 = vector.shape_cast %swap3A_825 : vector<16xi32> to vector<16xi32>
      %swap3A_827 = vector.shape_cast %add3A_823 : vector<16xi32> to vector<16xi32>
      tpu.vector_store %arg15[%swap3A_824], %swap3A_827 {strides = array<i32>} : memref<128xi32, #tpu.memory_space<vmem>>, vector<16xi32>,
      %get3A_828 = arith.constant 912 : index
      %get3A_829 = tpu.vector_load %arg7[%get3A_828] {strides = array<i32>} : memref<1024xi32, #tpu.memory_space<vmem>>, vector<16xi32>,
      %get3A_830 = vector.shape_cast %get3A_829 : vector<16xi32> to vector<16xi32>
      %mul3A_831 = arith.constant 1024 : i32
      %mul3A_832 = vector.broadcast %mul3A_831 : i32 to vector<16xi32>
      %mul3A_833 = arith.muli %get3A_830, %mul3A_832 : vector<16xi32>
      %get3A_834 = arith.constant 912 : index
      %get3A_835 = tpu.vector_load %arg6[%get3A_834] {strides = array<i32>} : memref<1024xi32, #tpu.memory_space<vmem>>, vector<16xi32>,
      %get3A_836 = vector.shape_cast %get3A_835 : vector<16xi32> to vector<16xi32>
      %add3A_837 = arith.addi %mul3A_833, %get3A_836 : vector<16xi32>
      %swap3A_838 = arith.constant 16 : index
      %swap3A_839 = tpu.vector_load %arg15[%swap3A_838] {strides = array<i32>} : memref<128xi32, #tpu.memory_space<vmem>>, vector<16xi32>,
      %swap3A_840 = vector.shape_cast %swap3A_839 : vector<16xi32> to vector<16xi32>
      %swap3A_841 = vector.shape_cast %add3A_837 : vector<16xi32> to vector<16xi32>
      tpu.vector_store %arg15[%swap3A_838], %swap3A_841 {strides = array<i32>} : memref<128xi32, #tpu.memory_space<vmem>>, vector<16xi32>,
      %get3A_842 = arith.constant 928 : index
      %get3A_843 = tpu.vector_load %arg7[%get3A_842] {strides = array<i32>} : memref<1024xi32, #tpu.memory_space<vmem>>, vector<16xi32>,
      %get3A_844 = vector.shape_cast %get3A_843 : vector<16xi32> to vector<16xi32>
      %mul3A_845 = arith.constant 1024 : i32
      %mul3A_846 = vector.broadcast %mul3A_845 : i32 to vector<16xi32>
      %mul3A_847 = arith.muli %get3A_844, %mul3A_846 : vector<16xi32>
      %get3A_848 = arith.constant 928 : index
      %get3A_849 = tpu.vector_load %arg6[%get3A_848] {strides = array<i32>} : memref<1024xi32, #tpu.memory_space<vmem>>, vector<16xi32>,
      %get3A_850 = vector.shape_cast %get3A_849 : vector<16xi32> to vector<16xi32>
      %add3A_851 = arith.addi %mul3A_847, %get3A_850 : vector<16xi32>
      %swap3A_852 = arith.constant 32 : index
      %swap3A_853 = tpu.vector_load %arg15[%swap3A_852] {strides = array<i32>} : memref<128xi32, #tpu.memory_space<vmem>>, vector<16xi32>,
      %swap3A_854 = vector.shape_cast %swap3A_853 : vector<16xi32> to vector<16xi32>
      %swap3A_855 = vector.shape_cast %add3A_851 : vector<16xi32> to vector<16xi32>
      tpu.vector_store %arg15[%swap3A_852], %swap3A_855 {strides = array<i32>} : memref<128xi32, #tpu.memory_space<vmem>>, vector<16xi32>,
      %get3A_856 = arith.constant 944 : index
      %get3A_857 = tpu.vector_load %arg7[%get3A_856] {strides = array<i32>} : memref<1024xi32, #tpu.memory_space<vmem>>, vector<16xi32>,
      %get3A_858 = vector.shape_cast %get3A_857 : vector<16xi32> to vector<16xi32>
      %mul3A_859 = arith.constant 1024 : i32
      %mul3A_860 = vector.broadcast %mul3A_859 : i32 to vector<16xi32>
      %mul3A_861 = arith.muli %get3A_858, %mul3A_860 : vector<16xi32>
      %get3A_862 = arith.constant 944 : index
      %get3A_863 = tpu.vector_load %arg6[%get3A_862] {strides = array<i32>} : memref<1024xi32, #tpu.memory_space<vmem>>, vector<16xi32>,
      %get3A_864 = vector.shape_cast %get3A_863 : vector<16xi32> to vector<16xi32>
      %add3A_865 = arith.addi %mul3A_861, %get3A_864 : vector<16xi32>
      %swap3A_866 = arith.constant 48 : index
      %swap3A_867 = tpu.vector_load %arg15[%swap3A_866] {strides = array<i32>} : memref<128xi32, #tpu.memory_space<vmem>>, vector<16xi32>,
      %swap3A_868 = vector.shape_cast %swap3A_867 : vector<16xi32> to vector<16xi32>
      %swap3A_869 = vector.shape_cast %add3A_865 : vector<16xi32> to vector<16xi32>
      tpu.vector_store %arg15[%swap3A_866], %swap3A_869 {strides = array<i32>} : memref<128xi32, #tpu.memory_space<vmem>>, vector<16xi32>,
      %get3A_870 = arith.constant 960 : index
      %get3A_871 = tpu.vector_load %arg7[%get3A_870] {strides = array<i32>} : memref<1024xi32, #tpu.memory_space<vmem>>, vector<16xi32>,
      %get3A_872 = vector.shape_cast %get3A_871 : vector<16xi32> to vector<16xi32>
      %mul3A_873 = arith.constant 1024 : i32
      %mul3A_874 = vector.broadcast %mul3A_873 : i32 to vector<16xi32>
      %mul3A_875 = arith.muli %get3A_872, %mul3A_874 : vector<16xi32>
      %get3A_876 = arith.constant 960 : index
      %get3A_877 = tpu.vector_load %arg6[%get3A_876] {strides = array<i32>} : memref<1024xi32, #tpu.memory_space<vmem>>, vector<16xi32>,
      %get3A_878 = vector.shape_cast %get3A_877 : vector<16xi32> to vector<16xi32>
      %add3A_879 = arith.addi %mul3A_875, %get3A_878 : vector<16xi32>
      %swap3A_880 = arith.constant 64 : index
      %swap3A_881 = tpu.vector_load %arg15[%swap3A_880] {strides = array<i32>} : memref<128xi32, #tpu.memory_space<vmem>>, vector<16xi32>,
      %swap3A_882 = vector.shape_cast %swap3A_881 : vector<16xi32> to vector<16xi32>
      %swap3A_883 = vector.shape_cast %add3A_879 : vector<16xi32> to vector<16xi32>
      tpu.vector_store %arg15[%swap3A_880], %swap3A_883 {strides = array<i32>} : memref<128xi32, #tpu.memory_space<vmem>>, vector<16xi32>,
      %get3A_884 = arith.constant 976 : index
      %get3A_885 = tpu.vector_load %arg7[%get3A_884] {strides = array<i32>} : memref<1024xi32, #tpu.memory_space<vmem>>, vector<16xi32>,
      %get3A_886 = vector.shape_cast %get3A_885 : vector<16xi32> to vector<16xi32>
      %mul3A_887 = arith.constant 1024 : i32
      %mul3A_888 = vector.broadcast %mul3A_887 : i32 to vector<16xi32>
      %mul3A_889 = arith.muli %get3A_886, %mul3A_888 : vector<16xi32>
      %get3A_890 = arith.constant 976 : index
      %get3A_891 = tpu.vector_load %arg6[%get3A_890] {strides = array<i32>} : memref<1024xi32, #tpu.memory_space<vmem>>, vector<16xi32>,
      %get3A_892 = vector.shape_cast %get3A_891 : vector<16xi32> to vector<16xi32>
      %add3A_893 = arith.addi %mul3A_889, %get3A_892 : vector<16xi32>
      %swap3A_894 = arith.constant 80 : index
      %swap3A_895 = tpu.vector_load %arg15[%swap3A_894] {strides = array<i32>} : memref<128xi32, #tpu.memory_space<vmem>>, vector<16xi32>,
      %swap3A_896 = vector.shape_cast %swap3A_895 : vector<16xi32> to vector<16xi32>
      %swap3A_897 = vector.shape_cast %add3A_893 : vector<16xi32> to vector<16xi32>
      tpu.vector_store %arg15[%swap3A_894], %swap3A_897 {strides = array<i32>} : memref<128xi32, #tpu.memory_space<vmem>>, vector<16xi32>,
      %get3A_898 = arith.constant 992 : index
      %get3A_899 = tpu.vector_load %arg7[%get3A_898] {strides = array<i32>} : memref<1024xi32, #tpu.memory_space<vmem>>, vector<16xi32>,
      %get3A_900 = vector.shape_cast %get3A_899 : vector<16xi32> to vector<16xi32>
      %mul3A_901 = arith.constant 1024 : i32
      %mul3A_902 = vector.broadcast %mul3A_901 : i32 to vector<16xi32>
      %mul3A_903 = arith.muli %get3A_900, %mul3A_902 : vector<16xi32>
      %get3A_904 = arith.constant 992 : index
      %get3A_905 = tpu.vector_load %arg6[%get3A_904] {strides = array<i32>} : memref<1024xi32, #tpu.memory_space<vmem>>, vector<16xi32>,
      %get3A_906 = vector.shape_cast %get3A_905 : vector<16xi32> to vector<16xi32>
      %add3A_907 = arith.addi %mul3A_903, %get3A_906 : vector<16xi32>
      %swap3A_908 = arith.constant 96 : index
      %swap3A_909 = tpu.vector_load %arg15[%swap3A_908] {strides = array<i32>} : memref<128xi32, #tpu.memory_space<vmem>>, vector<16xi32>,
      %swap3A_910 = vector.shape_cast %swap3A_909 : vector<16xi32> to vector<16xi32>
      %swap3A_911 = vector.shape_cast %add3A_907 : vector<16xi32> to vector<16xi32>
      tpu.vector_store %arg15[%swap3A_908], %swap3A_911 {strides = array<i32>} : memref<128xi32, #tpu.memory_space<vmem>>, vector<16xi32>,
      %get3A_912 = arith.constant 1008 : index
      %get3A_913 = tpu.vector_load %arg7[%get3A_912] {strides = array<i32>} : memref<1024xi32, #tpu.memory_space<vmem>>, vector<16xi32>,
      %get3A_914 = vector.shape_cast %get3A_913 : vector<16xi32> to vector<16xi32>
      %mul3A_915 = arith.constant 1024 : i32
      %mul3A_916 = vector.broadcast %mul3A_915 : i32 to vector<16xi32>
      %mul3A_917 = arith.muli %get3A_914, %mul3A_916 : vector<16xi32>
      %get3A_918 = arith.constant 1008 : index
      %get3A_919 = tpu.vector_load %arg6[%get3A_918] {strides = array<i32>} : memref<1024xi32, #tpu.memory_space<vmem>>, vector<16xi32>,
      %get3A_920 = vector.shape_cast %get3A_919 : vector<16xi32> to vector<16xi32>
      %add3A_921 = arith.addi %mul3A_917, %get3A_920 : vector<16xi32>
      %swap3A_922 = arith.constant 112 : index
      %swap3A_923 = tpu.vector_load %arg15[%swap3A_922] {strides = array<i32>} : memref<128xi32, #tpu.memory_space<vmem>>, vector<16xi32>,
      %swap3A_924 = vector.shape_cast %swap3A_923 : vector<16xi32> to vector<16xi32>
      %swap3A_925 = vector.shape_cast %add3A_921 : vector<16xi32> to vector<16xi32>
      tpu.vector_store %arg15[%swap3A_922], %swap3A_925 {strides = array<i32>} : memref<128xi32, #tpu.memory_space<vmem>>, vector<16xi32>,
      %broadcast_in_dim3A = arith.constant 1.000000e+00 : f32
      %broadcast_in_dim3A_926 = vector.broadcast %broadcast_in_dim3A : f32 to vector<16xf32>
      %swap3A_927 = arith.constant 0 : index
      %swap3A_928 = tpu.vector_load %arg16[%swap3A_927] {strides = array<i32>} : memref<128xf32, #tpu.memory_space<vmem>>, vector<16xf32>,
      %swap3A_929 = vector.shape_cast %swap3A_928 : vector<16xf32> to vector<16xf32>
      %swap3A_930 = vector.shape_cast %broadcast_in_dim3A_926 : vector<16xf32> to vector<16xf32>
      tpu.vector_store %arg16[%swap3A_927], %swap3A_930 {strides = array<i32>} : memref<128xf32, #tpu.memory_space<vmem>>, vector<16xf32>,
      %broadcast_in_dim3A_931 = arith.constant 1.000000e+00 : f32
      %broadcast_in_dim3A_932 = vector.broadcast %broadcast_in_dim3A_931 : f32 to vector<16xf32>
      %swap3A_933 = arith.constant 16 : index
      %swap3A_934 = tpu.vector_load %arg16[%swap3A_933] {strides = array<i32>} : memref<128xf32, #tpu.memory_space<vmem>>, vector<16xf32>,
      %swap3A_935 = vector.shape_cast %swap3A_934 : vector<16xf32> to vector<16xf32>
      %swap3A_936 = vector.shape_cast %broadcast_in_dim3A_932 : vector<16xf32> to vector<16xf32>
      tpu.vector_store %arg16[%swap3A_933], %swap3A_936 {strides = array<i32>} : memref<128xf32, #tpu.memory_space<vmem>>, vector<16xf32>,
      %broadcast_in_dim3A_937 = arith.constant 1.000000e+00 : f32
      %broadcast_in_dim3A_938 = vector.broadcast %broadcast_in_dim3A_937 : f32 to vector<16xf32>
      %swap3A_939 = arith.constant 32 : index
      %swap3A_940 = tpu.vector_load %arg16[%swap3A_939] {strides = array<i32>} : memref<128xf32, #tpu.memory_space<vmem>>, vector<16xf32>,
      %swap3A_941 = vector.shape_cast %swap3A_940 : vector<16xf32> to vector<16xf32>
      %swap3A_942 = vector.shape_cast %broadcast_in_dim3A_938 : vector<16xf32> to vector<16xf32>
      tpu.vector_store %arg16[%swap3A_939], %swap3A_942 {strides = array<i32>} : memref<128xf32, #tpu.memory_space<vmem>>, vector<16xf32>,
      %broadcast_in_dim3A_943 = arith.constant 1.000000e+00 : f32
      %broadcast_in_dim3A_944 = vector.broadcast %broadcast_in_dim3A_943 : f32 to vector<16xf32>
      %swap3A_945 = arith.constant 48 : index
      %swap3A_946 = tpu.vector_load %arg16[%swap3A_945] {strides = array<i32>} : memref<128xf32, #tpu.memory_space<vmem>>, vector<16xf32>,
      %swap3A_947 = vector.shape_cast %swap3A_946 : vector<16xf32> to vector<16xf32>
      %swap3A_948 = vector.shape_cast %broadcast_in_dim3A_944 : vector<16xf32> to vector<16xf32>
      tpu.vector_store %arg16[%swap3A_945], %swap3A_948 {strides = array<i32>} : memref<128xf32, #tpu.memory_space<vmem>>, vector<16xf32>,
      %broadcast_in_dim3A_949 = arith.constant 1.000000e+00 : f32
      %broadcast_in_dim3A_950 = vector.broadcast %broadcast_in_dim3A_949 : f32 to vector<16xf32>
      %swap3A_951 = arith.constant 64 : index
      %swap3A_952 = tpu.vector_load %arg16[%swap3A_951] {strides = array<i32>} : memref<128xf32, #tpu.memory_space<vmem>>, vector<16xf32>,
      %swap3A_953 = vector.shape_cast %swap3A_952 : vector<16xf32> to vector<16xf32>
      %swap3A_954 = vector.shape_cast %broadcast_in_dim3A_950 : vector<16xf32> to vector<16xf32>
      tpu.vector_store %arg16[%swap3A_951], %swap3A_954 {strides = array<i32>} : memref<128xf32, #tpu.memory_space<vmem>>, vector<16xf32>,
      %broadcast_in_dim3A_955 = arith.constant 1.000000e+00 : f32
      %broadcast_in_dim3A_956 = vector.broadcast %broadcast_in_dim3A_955 : f32 to vector<16xf32>
      %swap3A_957 = arith.constant 80 : index
      %swap3A_958 = tpu.vector_load %arg16[%swap3A_957] {strides = array<i32>} : memref<128xf32, #tpu.memory_space<vmem>>, vector<16xf32>,
      %swap3A_959 = vector.shape_cast %swap3A_958 : vector<16xf32> to vector<16xf32>
      %swap3A_960 = vector.shape_cast %broadcast_in_dim3A_956 : vector<16xf32> to vector<16xf32>
      tpu.vector_store %arg16[%swap3A_957], %swap3A_960 {strides = array<i32>} : memref<128xf32, #tpu.memory_space<vmem>>, vector<16xf32>,
      %broadcast_in_dim3A_961 = arith.constant 1.000000e+00 : f32
      %broadcast_in_dim3A_962 = vector.broadcast %broadcast_in_dim3A_961 : f32 to vector<16xf32>
      %swap3A_963 = arith.constant 96 : index
      %swap3A_964 = tpu.vector_load %arg16[%swap3A_963] {strides = array<i32>} : memref<128xf32, #tpu.memory_space<vmem>>, vector<16xf32>,
      %swap3A_965 = vector.shape_cast %swap3A_964 : vector<16xf32> to vector<16xf32>
      %swap3A_966 = vector.shape_cast %broadcast_in_dim3A_962 : vector<16xf32> to vector<16xf32>
      tpu.vector_store %arg16[%swap3A_963], %swap3A_966 {strides = array<i32>} : memref<128xf32, #tpu.memory_space<vmem>>, vector<16xf32>,
      %broadcast_in_dim3A_967 = arith.constant 1.000000e+00 : f32
      %broadcast_in_dim3A_968 = vector.broadcast %broadcast_in_dim3A_967 : f32 to vector<16xf32>
      %swap3A_969 = arith.constant 112 : index
      %swap3A_970 = tpu.vector_load %arg16[%swap3A_969] {strides = array<i32>} : memref<128xf32, #tpu.memory_space<vmem>>, vector<16xf32>,
      %swap3A_971 = vector.shape_cast %swap3A_970 : vector<16xf32> to vector<16xf32>
      %swap3A_972 = vector.shape_cast %broadcast_in_dim3A_968 : vector<16xf32> to vector<16xf32>
      tpu.vector_store %arg16[%swap3A_969], %swap3A_972 {strides = array<i32>} : memref<128xf32, #tpu.memory_space<vmem>>, vector<16xf32>,
      %dma_wait3A_973 = tpu.memref_slice %arg18[%add3A_8] : memref<1048576xf32, #tpu.memory_space<vmem_shared>> -> memref<16384xf32, #tpu.memory_space<vmem_shared>>
      %dma_wait3A_974 = tpu.memref_slice %arg18[%add3A_8] : memref<1048576xf32, #tpu.memory_space<vmem_shared>> -> memref<16384xf32, #tpu.memory_space<vmem_shared>>
      tpu.wait_dma2 semaphore(%arg20 : memref<!tpu.dma_semaphore, #tpu.memory_space<semaphore_mem>>) src(%arg17 : memref<16384xf32, #tpu.memory_space<vmem>>) dst(%dma_wait3A_974 : memref<16384xf32, #tpu.memory_space<vmem_shared>>)
      %dma_wait3A_975 = tpu.memref_slice %arg18[%add3A_14] : memref<1048576xf32, #tpu.memory_space<vmem_shared>> -> memref<16384xf32, #tpu.memory_space<vmem_shared>>
      %dma_wait3A_976 = tpu.memref_slice %arg18[%add3A_14] : memref<1048576xf32, #tpu.memory_space<vmem_shared>> -> memref<16384xf32, #tpu.memory_space<vmem_shared>>
      tpu.wait_dma2 semaphore(%arg20 : memref<!tpu.dma_semaphore, #tpu.memory_space<semaphore_mem>>) src(%arg17 : memref<16384xf32, #tpu.memory_space<vmem>>) dst(%dma_wait3A_976 : memref<16384xf32, #tpu.memory_space<vmem_shared>>)
      %dma_wait3A_977 = tpu.memref_slice %arg18[%add3A_20] : memref<1048576xf32, #tpu.memory_space<vmem_shared>> -> memref<16384xf32, #tpu.memory_space<vmem_shared>>
      %dma_wait3A_978 = tpu.memref_slice %arg18[%add3A_20] : memref<1048576xf32, #tpu.memory_space<vmem_shared>> -> memref<16384xf32, #tpu.memory_space<vmem_shared>>
      tpu.wait_dma2 semaphore(%arg20 : memref<!tpu.dma_semaphore, #tpu.memory_space<semaphore_mem>>) src(%arg17 : memref<16384xf32, #tpu.memory_space<vmem>>) dst(%dma_wait3A_978 : memref<16384xf32, #tpu.memory_space<vmem_shared>>)
      %dma_wait3A_979 = tpu.memref_slice %arg18[%add3A_26] : memref<1048576xf32, #tpu.memory_space<vmem_shared>> -> memref<16384xf32, #tpu.memory_space<vmem_shared>>
      %dma_wait3A_980 = tpu.memref_slice %arg18[%add3A_26] : memref<1048576xf32, #tpu.memory_space<vmem_shared>> -> memref<16384xf32, #tpu.memory_space<vmem_shared>>
      tpu.wait_dma2 semaphore(%arg20 : memref<!tpu.dma_semaphore, #tpu.memory_space<semaphore_mem>>) src(%arg17 : memref<16384xf32, #tpu.memory_space<vmem>>) dst(%dma_wait3A_980 : memref<16384xf32, #tpu.memory_space<vmem_shared>>)
      %barrier3A = arith.constant 0 : index
      tpu.barrier barrier_id(%barrier3A)
      %dma_start3A_981 = arith.constant 0 : i32
      %dma_start3A_982 = tpu.memref_slice %arg18[%dma_start3A_981] : memref<1048576xf32, #tpu.memory_space<vmem_shared>> -> memref<1048576xf32, #tpu.memory_space<vmem_shared>>
      tpu.enqueue_indirect_dma source(%arg16 : memref<128xf32, #tpu.memory_space<vmem>>) target(%dma_start3A_982 : memref<1048576xf32, #tpu.memory_space<vmem_shared>>) offsets(%arg8 : memref<128xi32, #tpu.memory_space<vmem>>) semaphore(%arg20 : memref<!tpu.dma_semaphore, #tpu.memory_space<semaphore_mem>>) {add = true}
      %dma_start3A_983 = arith.constant 0 : i32
      %dma_start3A_984 = tpu.memref_slice %arg18[%dma_start3A_983] : memref<1048576xf32, #tpu.memory_space<vmem_shared>> -> memref<1048576xf32, #tpu.memory_space<vmem_shared>>
      tpu.enqueue_indirect_dma source(%arg16 : memref<128xf32, #tpu.memory_space<vmem>>) target(%dma_start3A_984 : memref<1048576xf32, #tpu.memory_space<vmem_shared>>) offsets(%arg9 : memref<128xi32, #tpu.memory_space<vmem>>) semaphore(%arg20 : memref<!tpu.dma_semaphore, #tpu.memory_space<semaphore_mem>>) {add = true}
      %dma_start3A_985 = arith.constant 0 : i32
      %dma_start3A_986 = tpu.memref_slice %arg18[%dma_start3A_985] : memref<1048576xf32, #tpu.memory_space<vmem_shared>> -> memref<1048576xf32, #tpu.memory_space<vmem_shared>>
      tpu.enqueue_indirect_dma source(%arg16 : memref<128xf32, #tpu.memory_space<vmem>>) target(%dma_start3A_986 : memref<1048576xf32, #tpu.memory_space<vmem_shared>>) offsets(%arg10 : memref<128xi32, #tpu.memory_space<vmem>>) semaphore(%arg20 : memref<!tpu.dma_semaphore, #tpu.memory_space<semaphore_mem>>) {add = true}
      %dma_start3A_987 = arith.constant 0 : i32
      %dma_start3A_988 = tpu.memref_slice %arg18[%dma_start3A_987] : memref<1048576xf32, #tpu.memory_space<vmem_shared>> -> memref<1048576xf32, #tpu.memory_space<vmem_shared>>
      tpu.enqueue_indirect_dma source(%arg16 : memref<128xf32, #tpu.memory_space<vmem>>) target(%dma_start3A_988 : memref<1048576xf32, #tpu.memory_space<vmem_shared>>) offsets(%arg11 : memref<128xi32, #tpu.memory_space<vmem>>) semaphore(%arg20 : memref<!tpu.dma_semaphore, #tpu.memory_space<semaphore_mem>>) {add = true}
      %dma_start3A_989 = arith.constant 0 : i32
      %dma_start3A_990 = tpu.memref_slice %arg18[%dma_start3A_989] : memref<1048576xf32, #tpu.memory_space<vmem_shared>> -> memref<1048576xf32, #tpu.memory_space<vmem_shared>>
      tpu.enqueue_indirect_dma source(%arg16 : memref<128xf32, #tpu.memory_space<vmem>>) target(%dma_start3A_990 : memref<1048576xf32, #tpu.memory_space<vmem_shared>>) offsets(%arg12 : memref<128xi32, #tpu.memory_space<vmem>>) semaphore(%arg20 : memref<!tpu.dma_semaphore, #tpu.memory_space<semaphore_mem>>) {add = true}
      %dma_start3A_991 = arith.constant 0 : i32
      %dma_start3A_992 = tpu.memref_slice %arg18[%dma_start3A_991] : memref<1048576xf32, #tpu.memory_space<vmem_shared>> -> memref<1048576xf32, #tpu.memory_space<vmem_shared>>
      tpu.enqueue_indirect_dma source(%arg16 : memref<128xf32, #tpu.memory_space<vmem>>) target(%dma_start3A_992 : memref<1048576xf32, #tpu.memory_space<vmem_shared>>) offsets(%arg13 : memref<128xi32, #tpu.memory_space<vmem>>) semaphore(%arg20 : memref<!tpu.dma_semaphore, #tpu.memory_space<semaphore_mem>>) {add = true}
      %dma_start3A_993 = arith.constant 0 : i32
      %dma_start3A_994 = tpu.memref_slice %arg18[%dma_start3A_993] : memref<1048576xf32, #tpu.memory_space<vmem_shared>> -> memref<1048576xf32, #tpu.memory_space<vmem_shared>>
      tpu.enqueue_indirect_dma source(%arg16 : memref<128xf32, #tpu.memory_space<vmem>>) target(%dma_start3A_994 : memref<1048576xf32, #tpu.memory_space<vmem_shared>>) offsets(%arg14 : memref<128xi32, #tpu.memory_space<vmem>>) semaphore(%arg20 : memref<!tpu.dma_semaphore, #tpu.memory_space<semaphore_mem>>) {add = true}
      %dma_start3A_995 = arith.constant 0 : i32
      %dma_start3A_996 = tpu.memref_slice %arg18[%dma_start3A_995] : memref<1048576xf32, #tpu.memory_space<vmem_shared>> -> memref<1048576xf32, #tpu.memory_space<vmem_shared>>
      tpu.enqueue_indirect_dma source(%arg16 : memref<128xf32, #tpu.memory_space<vmem>>) target(%dma_start3A_996 : memref<1048576xf32, #tpu.memory_space<vmem_shared>>) offsets(%arg15 : memref<128xi32, #tpu.memory_space<vmem>>) semaphore(%arg20 : memref<!tpu.dma_semaphore, #tpu.memory_space<semaphore_mem>>) {add = true}
      %dma_wait3A_997 = arith.constant 0 : i32
      %dma_wait3A_998 = tpu.memref_slice %arg18[%dma_wait3A_997] : memref<1048576xf32, #tpu.memory_space<vmem_shared>> -> memref<1048576xf32, #tpu.memory_space<vmem_shared>>
      tpu.wait_indirect_dma semaphore(%arg20 : memref<!tpu.dma_semaphore, #tpu.memory_space<semaphore_mem>>) src(%arg16 : memref<128xf32, #tpu.memory_space<vmem>>) dst(%dma_wait3A_998 : memref<1048576xf32, #tpu.memory_space<vmem_shared>>)
      %dma_wait3A_999 = arith.constant 0 : i32
      %dma_wait3A_1000 = tpu.memref_slice %arg18[%dma_wait3A_999] : memref<1048576xf32, #tpu.memory_space<vmem_shared>> -> memref<1048576xf32, #tpu.memory_space<vmem_shared>>
      tpu.wait_indirect_dma semaphore(%arg20 : memref<!tpu.dma_semaphore, #tpu.memory_space<semaphore_mem>>) src(%arg16 : memref<128xf32, #tpu.memory_space<vmem>>) dst(%dma_wait3A_1000 : memref<1048576xf32, #tpu.memory_space<vmem_shared>>)
      %dma_wait3A_1001 = arith.constant 0 : i32
      %dma_wait3A_1002 = tpu.memref_slice %arg18[%dma_wait3A_1001] : memref<1048576xf32, #tpu.memory_space<vmem_shared>> -> memref<1048576xf32, #tpu.memory_space<vmem_shared>>
      tpu.wait_indirect_dma semaphore(%arg20 : memref<!tpu.dma_semaphore, #tpu.memory_space<semaphore_mem>>) src(%arg16 : memref<128xf32, #tpu.memory_space<vmem>>) dst(%dma_wait3A_1002 : memref<1048576xf32, #tpu.memory_space<vmem_shared>>)
      %dma_wait3A_1003 = arith.constant 0 : i32
      %dma_wait3A_1004 = tpu.memref_slice %arg18[%dma_wait3A_1003] : memref<1048576xf32, #tpu.memory_space<vmem_shared>> -> memref<1048576xf32, #tpu.memory_space<vmem_shared>>
      tpu.wait_indirect_dma semaphore(%arg20 : memref<!tpu.dma_semaphore, #tpu.memory_space<semaphore_mem>>) src(%arg16 : memref<128xf32, #tpu.memory_space<vmem>>) dst(%dma_wait3A_1004 : memref<1048576xf32, #tpu.memory_space<vmem_shared>>)
      %dma_wait3A_1005 = arith.constant 0 : i32
      %dma_wait3A_1006 = tpu.memref_slice %arg18[%dma_wait3A_1005] : memref<1048576xf32, #tpu.memory_space<vmem_shared>> -> memref<1048576xf32, #tpu.memory_space<vmem_shared>>
      tpu.wait_indirect_dma semaphore(%arg20 : memref<!tpu.dma_semaphore, #tpu.memory_space<semaphore_mem>>) src(%arg16 : memref<128xf32, #tpu.memory_space<vmem>>) dst(%dma_wait3A_1006 : memref<1048576xf32, #tpu.memory_space<vmem_shared>>)
      %dma_wait3A_1007 = arith.constant 0 : i32
      %dma_wait3A_1008 = tpu.memref_slice %arg18[%dma_wait3A_1007] : memref<1048576xf32, #tpu.memory_space<vmem_shared>> -> memref<1048576xf32, #tpu.memory_space<vmem_shared>>
      tpu.wait_indirect_dma semaphore(%arg20 : memref<!tpu.dma_semaphore, #tpu.memory_space<semaphore_mem>>) src(%arg16 : memref<128xf32, #tpu.memory_space<vmem>>) dst(%dma_wait3A_1008 : memref<1048576xf32, #tpu.memory_space<vmem_shared>>)
      %dma_wait3A_1009 = arith.constant 0 : i32
      %dma_wait3A_1010 = tpu.memref_slice %arg18[%dma_wait3A_1009] : memref<1048576xf32, #tpu.memory_space<vmem_shared>> -> memref<1048576xf32, #tpu.memory_space<vmem_shared>>
      tpu.wait_indirect_dma semaphore(%arg20 : memref<!tpu.dma_semaphore, #tpu.memory_space<semaphore_mem>>) src(%arg16 : memref<128xf32, #tpu.memory_space<vmem>>) dst(%dma_wait3A_1010 : memref<1048576xf32, #tpu.memory_space<vmem_shared>>)
      %dma_wait3A_1011 = arith.constant 0 : i32
      %dma_wait3A_1012 = tpu.memref_slice %arg18[%dma_wait3A_1011] : memref<1048576xf32, #tpu.memory_space<vmem_shared>> -> memref<1048576xf32, #tpu.memory_space<vmem_shared>>
      tpu.wait_indirect_dma semaphore(%arg20 : memref<!tpu.dma_semaphore, #tpu.memory_space<semaphore_mem>>) src(%arg16 : memref<128xf32, #tpu.memory_space<vmem>>) dst(%dma_wait3A_1012 : memref<1048576xf32, #tpu.memory_space<vmem_shared>>)
      %barrier3A_1013 = arith.constant 0 : index
      tpu.barrier barrier_id(%barrier3A_1013)
      %mul3A_1014 = arith.constant 65536 : i32
      %mul3A_1015 = arith.muli %arg1, %mul3A_1014 : i32
      %mul3A_1016 = arith.constant 65536 : i32
      %mul3A_1017 = arith.muli %arg1, %mul3A_1016 : i32
      %dma_start3A_1018 = tpu.memref_slice %arg5[%mul3A_1017] : memref<1048576xf32, #tpu.memory_space<hbm>> -> memref<65536xf32, #tpu.memory_space<hbm>>
      %dma_start3A_1019 = tpu.memref_slice %arg18[%mul3A_1015] : memref<1048576xf32, #tpu.memory_space<vmem_shared>> -> memref<65536xf32, #tpu.memory_space<vmem_shared>>
      tpu.enqueue_dma source(%dma_start3A_1019 : memref<65536xf32, #tpu.memory_space<vmem_shared>>) target(%dma_start3A_1018 : memref<65536xf32, #tpu.memory_space<hbm>>) target_semaphore(%arg20 : memref<!tpu.dma_semaphore, #tpu.memory_space<semaphore_mem>>)
      %dma_wait3A_1020 = tpu.memref_slice %arg5[%mul3A_1017] : memref<1048576xf32, #tpu.memory_space<hbm>> -> memref<65536xf32, #tpu.memory_space<hbm>>
      %dma_wait3A_1021 = tpu.memref_slice %arg18[%mul3A_1015] : memref<1048576xf32, #tpu.memory_space<vmem_shared>> -> memref<65536xf32, #tpu.memory_space<vmem_shared>>
      tpu.wait_dma2 semaphore(%arg20 : memref<!tpu.dma_semaphore, #tpu.memory_space<semaphore_mem>>) src(%dma_wait3A_1021 : memref<65536xf32, #tpu.memory_space<vmem_shared>>) dst(%dma_wait3A_1020 : memref<65536xf32, #tpu.memory_space<hbm>>)
    } else {
    }
    return
  }
}

module attributes {stable_mosaic.version = 14 : i64} {
  func.func @_dense_body(%arg0: memref<1024x128xf32, #tpu.memory_space<vmem>>, %arg1: memref<1048576xf32, #tpu.memory_space<vmem>>, %arg2: memref<128x256xf32, #tpu.memory_space<vmem>>, %arg3: memref<1x256xf32, #tpu.memory_space<vmem>>, %arg4: memref<256x256xf32, #tpu.memory_space<vmem>>, %arg5: memref<256x256xf32, #tpu.memory_space<vmem>>, %arg6: memref<256x256xf32, #tpu.memory_space<vmem>>, %arg7: memref<256x768xf32, #tpu.memory_space<vmem>>, %arg8: memref<256x768xf32, #tpu.memory_space<vmem>>, %arg9: memref<1x768xf32, #tpu.memory_space<vmem>>, %arg10: memref<1x768xf32, #tpu.memory_space<vmem>>, %arg11: memref<256x256xf32, #tpu.memory_space<vmem>>, %arg12: memref<1x256xf32, #tpu.memory_space<vmem>>, %arg13: memref<256x1xf32, #tpu.memory_space<vmem>>, %arg14: memref<1x1xf32, #tpu.memory_space<vmem>>, %arg15: memref<1024x1xf32, #tpu.memory_space<vmem>>, %arg16: memref<1024xi32, #tpu.memory_space<vmem>>) attributes {dimension_semantics = [], scalar_prefetch = 0 : i64, scratch_operands = 0 : i64, tpu.core_type = #tpu.core_type<tc>} {
    %get3A = arith.constant 0 : index
    %get3A_0 = vector.load %arg1[%get3A] : memref<1048576xf32, #tpu.memory_space<vmem>>, vector<1048576xf32>
    %reshape3A = vector.shape_cast %get3A_0 : vector<1048576xf32> to vector<1024x1024xf32>
    %reduce_sum3A = arith.constant dense<0.000000e+00> : vector<1024xf32>
    %reduce_sum3A_1 = vector.multi_reduction <add>, %reshape3A, %reduce_sum3A [1] : vector<1024x1024xf32> to vector<1024xf32>
    %broadcast_in_dim3A = vector.shape_cast %reduce_sum3A_1 : vector<1024xf32> to vector<1024x1xf32>
    %max3A = arith.constant 1.000000e+00 : f32
    %max3A_2 = vector.broadcast %max3A : f32 to vector<1024x1xf32>
    %max3A_3 = arith.maximumf %broadcast_in_dim3A, %max3A_2 : vector<1024x1xf32>
    %rsqrt3A = math.rsqrt %max3A_3 : vector<1024x1xf32>
    %get3A_4 = arith.constant 0 : index
    %get3A_5 = arith.constant 0 : index
    %get3A_6 = vector.load %arg0[%get3A_4, %get3A_5] : memref<1024x128xf32, #tpu.memory_space<vmem>>, vector<1024x128xf32>
    %get3A_7 = arith.constant 0 : index
    %get3A_8 = arith.constant 0 : index
    %get3A_9 = vector.load %arg2[%get3A_7, %get3A_8] : memref<128x256xf32, #tpu.memory_space<vmem>>, vector<128x256xf32>
    %dot_general3A = arith.constant dense<0.000000e+00> : vector<1024x256xf32>
    %dot_general3A_10 = tpu.matmul %get3A_6, %get3A_9, %dot_general3A {dimension_numbers = #tpu.dot_dimension_numbers<[1], [0], [0], [1], [0, 0, 1, 1], [], []>, transpose_lhs_hint = false} : vector<1024x128xf32>, vector<128x256xf32>, vector<1024x256xf32> -> vector<1024x256xf32>
    %mul3A = vector.broadcast %rsqrt3A : vector<1024x1xf32> to vector<1024x256xf32>
    %mul3A_11 = arith.mulf %mul3A, %dot_general3A_10 : vector<1024x256xf32>
    %dot_general3A_12 = arith.constant dense<0.000000e+00> : vector<1024x256xf32>
    %dot_general3A_13 = tpu.matmul %reshape3A, %mul3A_11, %dot_general3A_12 {dimension_numbers = #tpu.dot_dimension_numbers<[1], [0], [0], [1], [0, 0, 1, 1], [], []>, transpose_lhs_hint = false} : vector<1024x1024xf32>, vector<1024x256xf32>, vector<1024x256xf32> -> vector<1024x256xf32>
    %mul3A_14 = vector.broadcast %rsqrt3A : vector<1024x1xf32> to vector<1024x256xf32>
    %mul3A_15 = arith.mulf %mul3A_14, %dot_general3A_13 : vector<1024x256xf32>
    %get3A_16 = arith.constant 0 : index
    %get3A_17 = arith.constant 0 : index
    %get3A_18 = vector.load %arg3[%get3A_16, %get3A_17] : memref<1x256xf32, #tpu.memory_space<vmem>>, vector<1x256xf32>
    %add3A = vector.broadcast %get3A_18 : vector<1x256xf32> to vector<1024x256xf32>
    %add3A_19 = arith.addf %mul3A_15, %add3A : vector<1024x256xf32>
    %ge3A = arith.constant 0.000000e+00 : f32
    %ge3A_20 = vector.broadcast %ge3A : f32 to vector<1024x256xf32>
    %ge3A_21 = arith.cmpf oge, %add3A_19, %ge3A_20 : vector<1024x256xf32>
    %mul3A_22 = arith.constant 0.00999999977 : f32
    %mul3A_23 = vector.broadcast %mul3A_22 : f32 to vector<1024x256xf32>
    %mul3A_24 = arith.mulf %mul3A_23, %add3A_19 : vector<1024x256xf32>
    %select_n3A = arith.select %ge3A_21, %add3A_19, %mul3A_24 : vector<1024x256xi1>, vector<1024x256xf32>
    %get3A_25 = arith.constant 0 : index
    %get3A_26 = arith.constant 0 : index
    %get3A_27 = vector.load %arg9[%get3A_25, %get3A_26] : memref<1x768xf32, #tpu.memory_space<vmem>>, vector<1x768xf32>
    %get3A_28 = arith.constant 0 : index
    %get3A_29 = arith.constant 0 : index
    %get3A_30 = vector.load %arg10[%get3A_28, %get3A_29] : memref<1x768xf32, #tpu.memory_space<vmem>>, vector<1x768xf32>
    %get3A_31 = arith.constant 0 : index
    %get3A_32 = arith.constant 0 : index
    %get3A_33 = vector.load %arg7[%get3A_31, %get3A_32] : memref<256x768xf32, #tpu.memory_space<vmem>>, vector<256x768xf32>
    %get3A_34 = arith.constant 0 : index
    %get3A_35 = arith.constant 0 : index
    %get3A_36 = vector.load %arg8[%get3A_34, %get3A_35] : memref<256x768xf32, #tpu.memory_space<vmem>>, vector<256x768xf32>
    %get3A_37 = arith.constant 0 : index
    %get3A_38 = arith.constant 0 : index
    %get3A_39 = vector.load %arg4[%get3A_37, %get3A_38] : memref<256x256xf32, #tpu.memory_space<vmem>>, vector<256x256xf32>
    %dot_general3A_40 = arith.constant dense<0.000000e+00> : vector<1024x256xf32>
    %dot_general3A_41 = tpu.matmul %select_n3A, %get3A_39, %dot_general3A_40 {dimension_numbers = #tpu.dot_dimension_numbers<[1], [0], [0], [1], [0, 0, 1, 1], [], []>, transpose_lhs_hint = false} : vector<1024x256xf32>, vector<256x256xf32>, vector<1024x256xf32> -> vector<1024x256xf32>
    %dot_general3A_42 = arith.constant dense<0.000000e+00> : vector<1024x256xf32>
    %dot_general3A_43 = tpu.matmul %reshape3A, %dot_general3A_41, %dot_general3A_42 {dimension_numbers = #tpu.dot_dimension_numbers<[1], [0], [0], [1], [0, 0, 1, 1], [], []>, transpose_lhs_hint = false} : vector<1024x1024xf32>, vector<1024x256xf32>, vector<1024x256xf32> -> vector<1024x256xf32>
    %dot_general3A_44 = arith.constant dense<0.000000e+00> : vector<1024x768xf32>
    %dot_general3A_45 = tpu.matmul %dot_general3A_43, %get3A_33, %dot_general3A_44 {dimension_numbers = #tpu.dot_dimension_numbers<[1], [0], [0], [1], [0, 0, 1, 1], [], []>, transpose_lhs_hint = false} : vector<1024x256xf32>, vector<256x768xf32>, vector<1024x768xf32> -> vector<1024x768xf32>
    %add3A_46 = vector.broadcast %get3A_27 : vector<1x768xf32> to vector<1024x768xf32>
    %add3A_47 = arith.addf %dot_general3A_45, %add3A_46 : vector<1024x768xf32>
    %dot_general3A_48 = arith.constant dense<0.000000e+00> : vector<1024x768xf32>
    %dot_general3A_49 = tpu.matmul %select_n3A, %get3A_36, %dot_general3A_48 {dimension_numbers = #tpu.dot_dimension_numbers<[1], [0], [0], [1], [0, 0, 1, 1], [], []>, transpose_lhs_hint = false} : vector<1024x256xf32>, vector<256x768xf32>, vector<1024x768xf32> -> vector<1024x768xf32>
    %add3A_50 = vector.broadcast %get3A_30 : vector<1x768xf32> to vector<1024x768xf32>
    %add3A_51 = arith.addf %dot_general3A_49, %add3A_50 : vector<1024x768xf32>
    %slice3A = vector.extract_strided_slice %add3A_47 {offsets = [0, 0], sizes = [1024, 256], strides = [1, 1]} : vector<1024x768xf32> to vector<1024x256xf32>
    %slice3A_52 = vector.extract_strided_slice %add3A_47 {offsets = [0, 256], sizes = [1024, 256], strides = [1, 1]} : vector<1024x768xf32> to vector<1024x256xf32>
    %slice3A_53 = vector.extract_strided_slice %add3A_47 {offsets = [0, 512], sizes = [1024, 256], strides = [1, 1]} : vector<1024x768xf32> to vector<1024x256xf32>
    %slice3A_54 = vector.extract_strided_slice %add3A_51 {offsets = [0, 0], sizes = [1024, 256], strides = [1, 1]} : vector<1024x768xf32> to vector<1024x256xf32>
    %slice3A_55 = vector.extract_strided_slice %add3A_51 {offsets = [0, 256], sizes = [1024, 256], strides = [1, 1]} : vector<1024x768xf32> to vector<1024x256xf32>
    %slice3A_56 = vector.extract_strided_slice %add3A_51 {offsets = [0, 512], sizes = [1024, 256], strides = [1, 1]} : vector<1024x768xf32> to vector<1024x256xf32>
    %add3A_57 = arith.addf %slice3A, %slice3A_54 : vector<1024x256xf32>
    %logistic3A = arith.negf %add3A_57 : vector<1024x256xf32>
    %logistic3A_58 = math.exp %logistic3A : vector<1024x256xf32>
    %logistic3A_59 = arith.constant 1.000000e+00 : f32
    %logistic3A_60 = vector.broadcast %logistic3A_59 : f32 to vector<1024x256xf32>
    %logistic3A_61 = arith.addf %logistic3A_60, %logistic3A_58 : vector<1024x256xf32>
    %logistic3A_62 = arith.divf %logistic3A_60, %logistic3A_61 : vector<1024x256xf32>
    %add3A_63 = arith.addf %slice3A_52, %slice3A_55 : vector<1024x256xf32>
    %logistic3A_64 = arith.negf %add3A_63 : vector<1024x256xf32>
    %logistic3A_65 = math.exp %logistic3A_64 : vector<1024x256xf32>
    %logistic3A_66 = arith.constant 1.000000e+00 : f32
    %logistic3A_67 = vector.broadcast %logistic3A_66 : f32 to vector<1024x256xf32>
    %logistic3A_68 = arith.addf %logistic3A_67, %logistic3A_65 : vector<1024x256xf32>
    %logistic3A_69 = arith.divf %logistic3A_67, %logistic3A_68 : vector<1024x256xf32>
    %mul3A_70 = arith.mulf %logistic3A_62, %slice3A_56 : vector<1024x256xf32>
    %add3A_71 = arith.addf %slice3A_53, %mul3A_70 : vector<1024x256xf32>
    %tanh3A = math.tanh %add3A_71 : vector<1024x256xf32>
    %sub3A = arith.constant 1.000000e+00 : f32
    %sub3A_72 = vector.broadcast %sub3A : f32 to vector<1024x256xf32>
    %sub3A_73 = arith.subf %sub3A_72, %logistic3A_69 : vector<1024x256xf32>
    %mul3A_74 = arith.mulf %sub3A_73, %tanh3A : vector<1024x256xf32>
    %mul3A_75 = arith.mulf %logistic3A_69, %select_n3A : vector<1024x256xf32>
    %add3A_76 = arith.addf %mul3A_74, %mul3A_75 : vector<1024x256xf32>
    %get3A_77 = arith.constant 0 : index
    %get3A_78 = arith.constant 0 : index
    %get3A_79 = vector.load %arg5[%get3A_77, %get3A_78] : memref<256x256xf32, #tpu.memory_space<vmem>>, vector<256x256xf32>
    %dot_general3A_80 = arith.constant dense<0.000000e+00> : vector<1024x256xf32>
    %dot_general3A_81 = tpu.matmul %add3A_76, %get3A_79, %dot_general3A_80 {dimension_numbers = #tpu.dot_dimension_numbers<[1], [0], [0], [1], [0, 0, 1, 1], [], []>, transpose_lhs_hint = false} : vector<1024x256xf32>, vector<256x256xf32>, vector<1024x256xf32> -> vector<1024x256xf32>
    %dot_general3A_82 = arith.constant dense<0.000000e+00> : vector<1024x256xf32>
    %dot_general3A_83 = tpu.matmul %reshape3A, %dot_general3A_81, %dot_general3A_82 {dimension_numbers = #tpu.dot_dimension_numbers<[1], [0], [0], [1], [0, 0, 1, 1], [], []>, transpose_lhs_hint = false} : vector<1024x1024xf32>, vector<1024x256xf32>, vector<1024x256xf32> -> vector<1024x256xf32>
    %dot_general3A_84 = arith.constant dense<0.000000e+00> : vector<1024x768xf32>
    %dot_general3A_85 = tpu.matmul %dot_general3A_83, %get3A_33, %dot_general3A_84 {dimension_numbers = #tpu.dot_dimension_numbers<[1], [0], [0], [1], [0, 0, 1, 1], [], []>, transpose_lhs_hint = false} : vector<1024x256xf32>, vector<256x768xf32>, vector<1024x768xf32> -> vector<1024x768xf32>
    %add3A_86 = vector.broadcast %get3A_27 : vector<1x768xf32> to vector<1024x768xf32>
    %add3A_87 = arith.addf %dot_general3A_85, %add3A_86 : vector<1024x768xf32>
    %dot_general3A_88 = arith.constant dense<0.000000e+00> : vector<1024x768xf32>
    %dot_general3A_89 = tpu.matmul %add3A_76, %get3A_36, %dot_general3A_88 {dimension_numbers = #tpu.dot_dimension_numbers<[1], [0], [0], [1], [0, 0, 1, 1], [], []>, transpose_lhs_hint = false} : vector<1024x256xf32>, vector<256x768xf32>, vector<1024x768xf32> -> vector<1024x768xf32>
    %add3A_90 = vector.broadcast %get3A_30 : vector<1x768xf32> to vector<1024x768xf32>
    %add3A_91 = arith.addf %dot_general3A_89, %add3A_90 : vector<1024x768xf32>
    %slice3A_92 = vector.extract_strided_slice %add3A_87 {offsets = [0, 0], sizes = [1024, 256], strides = [1, 1]} : vector<1024x768xf32> to vector<1024x256xf32>
    %slice3A_93 = vector.extract_strided_slice %add3A_87 {offsets = [0, 256], sizes = [1024, 256], strides = [1, 1]} : vector<1024x768xf32> to vector<1024x256xf32>
    %slice3A_94 = vector.extract_strided_slice %add3A_87 {offsets = [0, 512], sizes = [1024, 256], strides = [1, 1]} : vector<1024x768xf32> to vector<1024x256xf32>
    %slice3A_95 = vector.extract_strided_slice %add3A_91 {offsets = [0, 0], sizes = [1024, 256], strides = [1, 1]} : vector<1024x768xf32> to vector<1024x256xf32>
    %slice3A_96 = vector.extract_strided_slice %add3A_91 {offsets = [0, 256], sizes = [1024, 256], strides = [1, 1]} : vector<1024x768xf32> to vector<1024x256xf32>
    %slice3A_97 = vector.extract_strided_slice %add3A_91 {offsets = [0, 512], sizes = [1024, 256], strides = [1, 1]} : vector<1024x768xf32> to vector<1024x256xf32>
    %add3A_98 = arith.addf %slice3A_92, %slice3A_95 : vector<1024x256xf32>
    %logistic3A_99 = arith.negf %add3A_98 : vector<1024x256xf32>
    %logistic3A_100 = math.exp %logistic3A_99 : vector<1024x256xf32>
    %logistic3A_101 = arith.constant 1.000000e+00 : f32
    %logistic3A_102 = vector.broadcast %logistic3A_101 : f32 to vector<1024x256xf32>
    %logistic3A_103 = arith.addf %logistic3A_102, %logistic3A_100 : vector<1024x256xf32>
    %logistic3A_104 = arith.divf %logistic3A_102, %logistic3A_103 : vector<1024x256xf32>
    %add3A_105 = arith.addf %slice3A_93, %slice3A_96 : vector<1024x256xf32>
    %logistic3A_106 = arith.negf %add3A_105 : vector<1024x256xf32>
    %logistic3A_107 = math.exp %logistic3A_106 : vector<1024x256xf32>
    %logistic3A_108 = arith.constant 1.000000e+00 : f32
    %logistic3A_109 = vector.broadcast %logistic3A_108 : f32 to vector<1024x256xf32>
    %logistic3A_110 = arith.addf %logistic3A_109, %logistic3A_107 : vector<1024x256xf32>
    %logistic3A_111 = arith.divf %logistic3A_109, %logistic3A_110 : vector<1024x256xf32>
    %mul3A_112 = arith.mulf %logistic3A_104, %slice3A_97 : vector<1024x256xf32>
    %add3A_113 = arith.addf %slice3A_94, %mul3A_112 : vector<1024x256xf32>
    %tanh3A_114 = math.tanh %add3A_113 : vector<1024x256xf32>
    %sub3A_115 = arith.constant 1.000000e+00 : f32
    %sub3A_116 = vector.broadcast %sub3A_115 : f32 to vector<1024x256xf32>
    %sub3A_117 = arith.subf %sub3A_116, %logistic3A_111 : vector<1024x256xf32>
    %mul3A_118 = arith.mulf %sub3A_117, %tanh3A_114 : vector<1024x256xf32>
    %mul3A_119 = arith.mulf %logistic3A_111, %add3A_76 : vector<1024x256xf32>
    %add3A_120 = arith.addf %mul3A_118, %mul3A_119 : vector<1024x256xf32>
    %get3A_121 = arith.constant 0 : index
    %get3A_122 = arith.constant 0 : index
    %get3A_123 = vector.load %arg6[%get3A_121, %get3A_122] : memref<256x256xf32, #tpu.memory_space<vmem>>, vector<256x256xf32>
    %dot_general3A_124 = arith.constant dense<0.000000e+00> : vector<1024x256xf32>
    %dot_general3A_125 = tpu.matmul %add3A_120, %get3A_123, %dot_general3A_124 {dimension_numbers = #tpu.dot_dimension_numbers<[1], [0], [0], [1], [0, 0, 1, 1], [], []>, transpose_lhs_hint = false} : vector<1024x256xf32>, vector<256x256xf32>, vector<1024x256xf32> -> vector<1024x256xf32>
    %dot_general3A_126 = arith.constant dense<0.000000e+00> : vector<1024x256xf32>
    %dot_general3A_127 = tpu.matmul %reshape3A, %dot_general3A_125, %dot_general3A_126 {dimension_numbers = #tpu.dot_dimension_numbers<[1], [0], [0], [1], [0, 0, 1, 1], [], []>, transpose_lhs_hint = false} : vector<1024x1024xf32>, vector<1024x256xf32>, vector<1024x256xf32> -> vector<1024x256xf32>
    %dot_general3A_128 = arith.constant dense<0.000000e+00> : vector<1024x768xf32>
    %dot_general3A_129 = tpu.matmul %dot_general3A_127, %get3A_33, %dot_general3A_128 {dimension_numbers = #tpu.dot_dimension_numbers<[1], [0], [0], [1], [0, 0, 1, 1], [], []>, transpose_lhs_hint = false} : vector<1024x256xf32>, vector<256x768xf32>, vector<1024x768xf32> -> vector<1024x768xf32>
    %add3A_130 = vector.broadcast %get3A_27 : vector<1x768xf32> to vector<1024x768xf32>
    %add3A_131 = arith.addf %dot_general3A_129, %add3A_130 : vector<1024x768xf32>
    %dot_general3A_132 = arith.constant dense<0.000000e+00> : vector<1024x768xf32>
    %dot_general3A_133 = tpu.matmul %add3A_120, %get3A_36, %dot_general3A_132 {dimension_numbers = #tpu.dot_dimension_numbers<[1], [0], [0], [1], [0, 0, 1, 1], [], []>, transpose_lhs_hint = false} : vector<1024x256xf32>, vector<256x768xf32>, vector<1024x768xf32> -> vector<1024x768xf32>
    %add3A_134 = vector.broadcast %get3A_30 : vector<1x768xf32> to vector<1024x768xf32>
    %add3A_135 = arith.addf %dot_general3A_133, %add3A_134 : vector<1024x768xf32>
    %slice3A_136 = vector.extract_strided_slice %add3A_131 {offsets = [0, 0], sizes = [1024, 256], strides = [1, 1]} : vector<1024x768xf32> to vector<1024x256xf32>
    %slice3A_137 = vector.extract_strided_slice %add3A_131 {offsets = [0, 256], sizes = [1024, 256], strides = [1, 1]} : vector<1024x768xf32> to vector<1024x256xf32>
    %slice3A_138 = vector.extract_strided_slice %add3A_131 {offsets = [0, 512], sizes = [1024, 256], strides = [1, 1]} : vector<1024x768xf32> to vector<1024x256xf32>
    %slice3A_139 = vector.extract_strided_slice %add3A_135 {offsets = [0, 0], sizes = [1024, 256], strides = [1, 1]} : vector<1024x768xf32> to vector<1024x256xf32>
    %slice3A_140 = vector.extract_strided_slice %add3A_135 {offsets = [0, 256], sizes = [1024, 256], strides = [1, 1]} : vector<1024x768xf32> to vector<1024x256xf32>
    %slice3A_141 = vector.extract_strided_slice %add3A_135 {offsets = [0, 512], sizes = [1024, 256], strides = [1, 1]} : vector<1024x768xf32> to vector<1024x256xf32>
    %add3A_142 = arith.addf %slice3A_136, %slice3A_139 : vector<1024x256xf32>
    %logistic3A_143 = arith.negf %add3A_142 : vector<1024x256xf32>
    %logistic3A_144 = math.exp %logistic3A_143 : vector<1024x256xf32>
    %logistic3A_145 = arith.constant 1.000000e+00 : f32
    %logistic3A_146 = vector.broadcast %logistic3A_145 : f32 to vector<1024x256xf32>
    %logistic3A_147 = arith.addf %logistic3A_146, %logistic3A_144 : vector<1024x256xf32>
    %logistic3A_148 = arith.divf %logistic3A_146, %logistic3A_147 : vector<1024x256xf32>
    %add3A_149 = arith.addf %slice3A_137, %slice3A_140 : vector<1024x256xf32>
    %logistic3A_150 = arith.negf %add3A_149 : vector<1024x256xf32>
    %logistic3A_151 = math.exp %logistic3A_150 : vector<1024x256xf32>
    %logistic3A_152 = arith.constant 1.000000e+00 : f32
    %logistic3A_153 = vector.broadcast %logistic3A_152 : f32 to vector<1024x256xf32>
    %logistic3A_154 = arith.addf %logistic3A_153, %logistic3A_151 : vector<1024x256xf32>
    %logistic3A_155 = arith.divf %logistic3A_153, %logistic3A_154 : vector<1024x256xf32>
    %mul3A_156 = arith.mulf %logistic3A_148, %slice3A_141 : vector<1024x256xf32>
    %add3A_157 = arith.addf %slice3A_138, %mul3A_156 : vector<1024x256xf32>
    %tanh3A_158 = math.tanh %add3A_157 : vector<1024x256xf32>
    %sub3A_159 = arith.constant 1.000000e+00 : f32
    %sub3A_160 = vector.broadcast %sub3A_159 : f32 to vector<1024x256xf32>
    %sub3A_161 = arith.subf %sub3A_160, %logistic3A_155 : vector<1024x256xf32>
    %mul3A_162 = arith.mulf %sub3A_161, %tanh3A_158 : vector<1024x256xf32>
    %mul3A_163 = arith.mulf %logistic3A_155, %add3A_120 : vector<1024x256xf32>
    %add3A_164 = arith.addf %mul3A_162, %mul3A_163 : vector<1024x256xf32>
    %ge3A_165 = arith.constant 0.000000e+00 : f32
    %ge3A_166 = vector.broadcast %ge3A_165 : f32 to vector<1024x256xf32>
    %ge3A_167 = arith.cmpf oge, %add3A_164, %ge3A_166 : vector<1024x256xf32>
    %mul3A_168 = arith.constant 0.00999999977 : f32
    %mul3A_169 = vector.broadcast %mul3A_168 : f32 to vector<1024x256xf32>
    %mul3A_170 = arith.mulf %mul3A_169, %add3A_164 : vector<1024x256xf32>
    %select_n3A_171 = arith.select %ge3A_167, %add3A_164, %mul3A_170 : vector<1024x256xi1>, vector<1024x256xf32>
    %add3A_172 = arith.addf %select_n3A_171, %select_n3A : vector<1024x256xf32>
    %get3A_173 = arith.constant 0 : index
    %get3A_174 = arith.constant 0 : index
    %get3A_175 = vector.load %arg11[%get3A_173, %get3A_174] : memref<256x256xf32, #tpu.memory_space<vmem>>, vector<256x256xf32>
    %dot_general3A_176 = arith.constant dense<0.000000e+00> : vector<1024x256xf32>
    %dot_general3A_177 = tpu.matmul %add3A_172, %get3A_175, %dot_general3A_176 {dimension_numbers = #tpu.dot_dimension_numbers<[1], [0], [0], [1], [0, 0, 1, 1], [], []>, transpose_lhs_hint = false} : vector<1024x256xf32>, vector<256x256xf32>, vector<1024x256xf32> -> vector<1024x256xf32>
    %get3A_178 = arith.constant 0 : index
    %get3A_179 = arith.constant 0 : index
    %get3A_180 = vector.load %arg12[%get3A_178, %get3A_179] : memref<1x256xf32, #tpu.memory_space<vmem>>, vector<1x256xf32>
    %add3A_181 = vector.broadcast %get3A_180 : vector<1x256xf32> to vector<1024x256xf32>
    %add3A_182 = arith.addf %dot_general3A_177, %add3A_181 : vector<1024x256xf32>
    %ge3A_183 = arith.constant 0.000000e+00 : f32
    %ge3A_184 = vector.broadcast %ge3A_183 : f32 to vector<1024x256xf32>
    %ge3A_185 = arith.cmpf oge, %add3A_182, %ge3A_184 : vector<1024x256xf32>
    %mul3A_186 = arith.constant 0.00999999977 : f32
    %mul3A_187 = vector.broadcast %mul3A_186 : f32 to vector<1024x256xf32>
    %mul3A_188 = arith.mulf %mul3A_187, %add3A_182 : vector<1024x256xf32>
    %select_n3A_189 = arith.select %ge3A_185, %add3A_182, %mul3A_188 : vector<1024x256xi1>, vector<1024x256xf32>
    %get3A_190 = arith.constant 0 : index
    %get3A_191 = arith.constant 0 : index
    %get3A_192 = vector.load %arg13[%get3A_190, %get3A_191] : memref<256x1xf32, #tpu.memory_space<vmem>>, vector<256x1xf32>
    %dot_general3A_193 = arith.constant dense<0.000000e+00> : vector<1024x1xf32>
    %dot_general3A_194 = tpu.matmul %select_n3A_189, %get3A_192, %dot_general3A_193 {dimension_numbers = #tpu.dot_dimension_numbers<[1], [0], [0], [1], [0, 0, 1, 1], [], []>, transpose_lhs_hint = false} : vector<1024x256xf32>, vector<256x1xf32>, vector<1024x1xf32> -> vector<1024x1xf32>
    %get3A_195 = arith.constant 0 : index
    %get3A_196 = arith.constant 0 : index
    %get3A_197 = vector.load %arg14[%get3A_195, %get3A_196] : memref<1x1xf32, #tpu.memory_space<vmem>>, vector<1x1xf32>
    %add3A_198 = vector.broadcast %get3A_197 : vector<1x1xf32> to vector<1024x1xf32>
    %add3A_199 = arith.addf %dot_general3A_194, %add3A_198 : vector<1024x1xf32>
    %ge3A_200 = arith.constant 0.000000e+00 : f32
    %ge3A_201 = vector.broadcast %ge3A_200 : f32 to vector<1024x1xf32>
    %ge3A_202 = arith.cmpf oge, %add3A_199, %ge3A_201 : vector<1024x1xf32>
    %mul3A_203 = arith.constant 0.00999999977 : f32
    %mul3A_204 = vector.broadcast %mul3A_203 : f32 to vector<1024x1xf32>
    %mul3A_205 = arith.mulf %mul3A_204, %add3A_199 : vector<1024x1xf32>
    %select_n3A_206 = arith.select %ge3A_202, %add3A_199, %mul3A_205 : vector<1024x1xi1>, vector<1024x1xf32>
    %logistic3A_207 = arith.negf %select_n3A_206 : vector<1024x1xf32>
    %logistic3A_208 = math.exp %logistic3A_207 : vector<1024x1xf32>
    %logistic3A_209 = arith.constant 1.000000e+00 : f32
    %logistic3A_210 = vector.broadcast %logistic3A_209 : f32 to vector<1024x1xf32>
    %logistic3A_211 = arith.addf %logistic3A_210, %logistic3A_208 : vector<1024x1xf32>
    %logistic3A_212 = arith.divf %logistic3A_210, %logistic3A_211 : vector<1024x1xf32>
    %swap3A = arith.constant 0 : index
    %swap3A_213 = arith.constant 0 : index
    %swap3A_214 = vector.load %arg15[%swap3A, %swap3A_213] : memref<1024x1xf32, #tpu.memory_space<vmem>>, vector<1024x1xf32>
    tpu.vector_store %arg15[%swap3A, %swap3A_213], %logistic3A_212 {strides = array<i32>} : memref<1024x1xf32, #tpu.memory_space<vmem>>, vector<1024x1xf32>,
    %get3A_215 = arith.constant 0 : index
    %get3A_216 = arith.constant 0 : index
    %get3A_217 = vector.load %arg13[%get3A_215, %get3A_216] : memref<256x1xf32, #tpu.memory_space<vmem>>, vector<256x1xf32>
    %dot_general3A_218 = arith.constant dense<0.000000e+00> : vector<1x1024xf32>
    %dot_general3A_219 = tpu.matmul %get3A_217, %select_n3A_189, %dot_general3A_218 {dimension_numbers = #tpu.dot_dimension_numbers<[0], [1], [1], [0], [0, 1, 1, 0], [], []>, precision = #tpu.contract_precision<fp32>, transpose_lhs_hint = false} : vector<256x1xf32>, vector<1024x256xf32>, vector<1x1024xf32> -> vector<1x1024xf32>
    %get3A_220 = arith.constant 0 : index
    %get3A_221 = arith.constant 0 : index
    %get3A_222 = vector.load %arg14[%get3A_220, %get3A_221] : memref<1x1xf32, #tpu.memory_space<vmem>>, vector<1x1xf32>
    %add3A_223 = vector.broadcast %get3A_222 : vector<1x1xf32> to vector<1x1024xf32>
    %add3A_224 = arith.addf %dot_general3A_219, %add3A_223 : vector<1x1024xf32>
    %ge3A_225 = arith.constant 0.000000e+00 : f32
    %ge3A_226 = vector.broadcast %ge3A_225 : f32 to vector<1x1024xf32>
    %ge3A_227 = arith.cmpf oge, %add3A_224, %ge3A_226 : vector<1x1024xf32>
    %mul3A_228 = arith.constant 0.00999999977 : f32
    %mul3A_229 = vector.broadcast %mul3A_228 : f32 to vector<1x1024xf32>
    %mul3A_230 = arith.mulf %mul3A_229, %add3A_224 : vector<1x1024xf32>
    %select_n3A_231 = arith.select %ge3A_227, %add3A_224, %mul3A_230 : vector<1x1024xi1>, vector<1x1024xf32>
    %logistic3A_232 = arith.negf %select_n3A_231 : vector<1x1024xf32>
    %logistic3A_233 = math.exp %logistic3A_232 : vector<1x1024xf32>
    %logistic3A_234 = arith.constant 1.000000e+00 : f32
    %logistic3A_235 = vector.broadcast %logistic3A_234 : f32 to vector<1x1024xf32>
    %logistic3A_236 = arith.addf %logistic3A_235, %logistic3A_233 : vector<1x1024xf32>
    %logistic3A_237 = arith.divf %logistic3A_235, %logistic3A_236 : vector<1x1024xf32>
    %iota3A = tpu.iota {dimensions = array<i32: 0>} : vector<1024x1024xi32>
    %iota3A_238 = tpu.iota {dimensions = array<i32: 1>} : vector<1024x1024xi32>
    %ne3A = arith.cmpi ne, %iota3A, %iota3A_238 : vector<1024x1024xi32>
    %gt3A = vector.broadcast %logistic3A_237 : vector<1x1024xf32> to vector<1024x1024xf32>
    %gt3A_239 = vector.broadcast %logistic3A_212 : vector<1024x1xf32> to vector<1024x1024xf32>
    %gt3A_240 = arith.cmpf ogt, %gt3A, %gt3A_239 : vector<1024x1024xf32>
    %eq3A = vector.broadcast %logistic3A_237 : vector<1x1024xf32> to vector<1024x1024xf32>
    %eq3A_241 = vector.broadcast %logistic3A_212 : vector<1024x1xf32> to vector<1024x1024xf32>
    %eq3A_242 = arith.cmpf oeq, %eq3A, %eq3A_241 : vector<1024x1024xf32>
    %lt3A = arith.cmpi slt, %iota3A_238, %iota3A : vector<1024x1024xi32>
    %and3A = arith.andi %eq3A_242, %lt3A : vector<1024x1024xi1>
    %or3A = arith.ori %gt3A_240, %and3A : vector<1024x1024xi1>
    %and3A_243 = arith.andi %ne3A, %or3A : vector<1024x1024xi1>
    %convert_element_type3A = arith.extui %and3A_243 : vector<1024x1024xi1> to vector<1024x1024xi32>
    %convert_element_type3A_244 = arith.sitofp %convert_element_type3A : vector<1024x1024xi32> to vector<1024x1024xf32>
    %reduce_sum3A_245 = arith.constant dense<0.000000e+00> : vector<1024xf32>
    %reduce_sum3A_246 = vector.multi_reduction <add>, %convert_element_type3A_244, %reduce_sum3A_245 [1] : vector<1024x1024xf32> to vector<1024xf32>
    %convert_element_type3A_247 = arith.fptosi %reduce_sum3A_246 : vector<1024xf32> to vector<1024xi32>
    %swap3A_248 = arith.constant 0 : index
    %swap3A_249 = vector.load %arg16[%swap3A_248] : memref<1024xi32, #tpu.memory_space<vmem>>, vector<1024xi32>
    tpu.vector_store %arg16[%swap3A_248], %convert_element_type3A_247 {strides = array<i32>} : memref<1024xi32, #tpu.memory_space<vmem>>, vector<1024xi32>,
    return
  }
}

</mosaic_0001>

<sc_bundles>
// kernel: kernel.5.cloned.1.call-start
scs
__scs_entry_jumppad:
0x0: {  	(pc) =	sbr.rel $0x88, $3  }
0x1: {  	(tag) =	ssettag $0x0;
	lr =	simm.s32 $0x1  }
0x2: {  	[smem:$0x3F94] =	sst lr;
	_ =	strace $0xD0000000  }
0x3: {  	_ = 	snop  }
0x4: {  	_ = 	snop  }
0x5: {  	_ = 	snop  }
0x6: {  	_ = 	snop  }
0x7: {  	_ = 	snop  }
__scs_overlays_trampoline_lowered:
0x8: {  	[smem:$0x3FA3] =	sst s0  }
0x9: {  	[smem:$0x3FA4] =	sst s1  }
0xa: {  	[smem:$0x3FA5] =	sst s2  }
0xb: {  	[smem:$0x3FA6] =	sst s3  }
0xc: {  	[smem:$0x3FA7] =	sst s4  }
0xd: {  	[smem:$0x3FA8] =	sst s5  }
0xe: {  	[smem:$0x3FA9] =	sst s6  }
0xf: {  	[smem:$0x3FAA] =	sst s7  }
0x10: {  	[smem:$0x3FAB] =	sst s8  }
0x11: {  	[smem:$0x3FAC] =	sst s9;
	s0 =	simm.s32 @!p0 $0x0  }
0x12: {  	s1 =	sld [smem:$0x3F92];
	s0 =	simm.s32 @p0 $0x1  }
0x13: {  	[smem:$0x3FAD] =	sst s0;
	s0 =	simm.s32 @!p1 $0x0  }
0x14: {  	s2 =	sld [smem:$0x3F91];
	s0 =	simm.s32 @p1 $0x1  }
0x15: {  	[smem:$0x3FAE] =	sst s0;
	s0 =	simm.s32 @!p2 $0x0  }
0x16: {  	s3 =	sld [smem:$0x3FDB];
	s0 =	simm.s32 @p2 $0x1  }
0x17: {  	s4 =	simm.s32 $0x1BF5;
	[smem:$0x3FB0] =	sst s0  }
0x18: {  	s0 =	sld [smem:$0x3F93];
	_ =	swait.ge [sflag:s4], $0x0  }
0x19: {  	s7 =	sld [smem:$0x3F94]  }
0x1a: {  	s8 =	sadd.s32 $0xFFFFE003, lr  }
0x1b: {  	s9 =	sadd.s32 $0xFFFFFEF7, lr;
	s5 =	simm.s32 $0xFFFFFFFF;
	p2 =	slt.u32 s8, $0xFFFFF086  }
0x1c: {  	p1 =	slt.u32 s9, $0xF7A;
	s5 =	simm.s32 @!p2 $0x0  }
0x1d: {  	s5 =	simm.s32 @p1 $0x1;
	p0 =	seq.s32 s7, s2  }
0x1e: {  	s7 =	smul.u32 @!p0 $0xF7A, s2;
	p2 =	seq.s32 @!p0 s5, $0x0  }
0x1f: {  	s9 =	smul.u32 $0xF7A, s1;
	s8 =	simm.s32 @!p0 $0x1BF5;
	p2 =	por !p2, p0  }
0x20: {  	[sflag:s8] =	ssyncset.s32 @!p0 $0xFFFFF086;
	s6 =	sadd.s32 @!p0 s3, s7;
	s7 =	simm.s32 @!p0 $0x108  }
0x21: {  	s3 =	sadd.s32 s3, s9;
	s6 =	sadd.s32 @!p0 $0x88, s6;
	s7 =	simm.s32 @p2 $0x1082  }
0x22: {  	[simem:s7], [sflag:s8] =	dma.local @!p0 [hbm:s6], $0xF7A  }
0x23: {  	s9 =	sor.u32 $0xD0000000, s2;
	s6 =	simm.s32 $0x108;
	_ =	swait.ge @!p0 [sflag:s8], $0x0  }
0x24: {  	s3 =	sadd.s32 $0x88, s3;
	s6 =	simm.s32 @!p1 $0x1082;
	[sflag:s4] =	ssyncset.s32 $0xFFFFF086  }
0x25: {  	[simem:s6], [sflag:s4] =	dma.local [hbm:s3], $0xF7A  }
0x26: {  	[smem:$0x3F94] =	sst s1;
	(tag) =	ssettag s2;
	_ =	strace s9  }
0x27: {  	s1 =	sld [smem:$0x3FA4]  }
0x28: {  	s2 =	sld [smem:$0x3FA5]  }
0x29: {  	s4 =	sld [smem:$0x3FA7]  }
0x2a: {  	p0 =	seq.s32 s5, $0x0;
	s5 =	sld [smem:$0x3FA8]  }
0x2b: {  	s6 =	sld [smem:$0x3FA9]  }
0x2c: {  	s7 =	sld [smem:$0x3FAA]  }
0x2d: {  	s3 =	simm.s32 $0x108;
	s8 =	sld [smem:$0x3FAB]  }
0x2e: {  	s3 =	simm.s32 @!p0 $0x1082;
	s9 =	sld [smem:$0x3FAC]  }
0x2f: {  	lr =	sadd.s32 s0, s3;
	s0 =	sld [smem:$0x3FA3]  }
0x30: {  	s3 =	sld [smem:$0x3FA6]  }
0x31: {  	[smem:$0x3FAF] =	sst s10  }
0x32: {  	s10 =	sld [smem:$0x3FAD];
	_ =	sdelay $0x3  }
0x33: {  	p0 =	seq.s32 s10, $0x1;
	s10 =	sld [smem:$0x3FAF];
	_ =	sdelay $0x3  }
0x34: {  	[smem:$0x3FAF] =	sst s10  }
0x35: {  	s10 =	sld [smem:$0x3FAE];
	_ =	sdelay $0x3  }
0x36: {  	p1 =	seq.s32 s10, $0x1;
	s10 =	sld [smem:$0x3FAF];
	_ =	sdelay $0x3  }
0x37: {  	[smem:$0x3FAF] =	sst s10  }
0x38: {  	s10 =	sld [smem:$0x3FB0]  }
0x39: {  	_ = 	snop;
	(pc) =	sbr.ind lr, $3  }
0x3a: {  	_ = 	snop  }
0x3b: {  	_ = 	snop  }
0x3c: {  	p2 =	seq.s32 s10, $0x1;
	s10 =	sld [smem:$0x3FAF]  }
0x3d: {  	_ =	shalt  }
0x3e: {  	_ =	shalt  }
0x3f: {  	_ =	shalt  }
0x40: {  	_ =	shalt  }
0x41: {  	_ =	shalt  }
0x42: {  	_ =	shalt  }
0x43: {  	_ =	shalt  }
0x44: {  	_ =	shalt  }
0x45: {  	_ =	shalt  }
0x46: {  	_ =	shalt  }
0x47: {  	_ =	shalt  }
0x48: {  	_ =	shalt  }
0x49: {  	_ =	shalt  }
0x4a: {  	_ =	shalt  }
0x4b: {  	_ =	shalt  }
0x4c: {  	_ =	shalt  }
0x4d: {  	_ =	shalt  }
0x4e: {  	_ =	shalt  }
0x4f: {  	_ =	shalt  }
0x50: {  	_ =	shalt  }
0x51: {  	_ =	shalt  }
0x52: {  	_ =	shalt  }
0x53: {  	_ =	shalt  }
0x54: {  	_ =	shalt  }
0x55: {  	_ =	shalt  }
0x56: {  	_ =	shalt  }
0x57: {  	_ =	shalt  }
0x58: {  	_ =	shalt  }
0x59: {  	_ =	shalt  }
0x5a: {  	_ =	shalt  }
0x5b: {  	_ =	shalt  }
0x5c: {  	_ =	shalt  }
0x5d: {  	_ =	shalt  }
0x5e: {  	_ =	shalt  }
0x5f: {  	_ =	shalt  }
0x60: {  	_ =	shalt  }
0x61: {  	_ =	shalt  }
0x62: {  	_ =	shalt  }
0x63: {  	_ =	shalt  }
0x64: {  	_ =	shalt  }
0x65: {  	_ =	shalt  }
0x66: {  	_ =	shalt  }
0x67: {  	_ =	shalt  }
0x68: {  	_ =	shalt  }
0x69: {  	_ =	shalt  }
0x6a: {  	_ =	shalt  }
0x6b: {  	_ =	shalt  }
0x6c: {  	_ =	shalt  }
0x6d: {  	_ =	shalt  }
0x6e: {  	_ =	shalt  }
0x6f: {  	_ =	shalt  }
0x70: {  	_ =	shalt  }
0x71: {  	_ =	shalt  }
0x72: {  	_ =	shalt  }
0x73: {  	_ =	shalt  }
0x74: {  	_ =	shalt  }
0x75: {  	_ =	shalt  }
0x76: {  	_ =	shalt  }
0x77: {  	_ =	shalt  }
0x78: {  	_ =	shalt  }
0x79: {  	_ =	shalt  }
0x7a: {  	_ =	shalt  }
0x7b: {  	_ =	shalt  }
0x7c: {  	_ =	shalt  }
0x7d: {  	_ =	shalt  }
0x7e: {  	_ =	shalt  }
0x7f: {  	_ =	shalt  }
0x80: {  	_ =	shalt  }
0x81: {  	_ =	shalt  }
0x82: {  	_ =	shalt  }
0x83: {  	_ =	shalt  }
0x84: {  	_ =	shalt  }
0x85: {  	_ =	shalt  }
0x86: {  	_ =	shalt  }
0x87: {  	_ =	shalt  }
.Lfunc_end0:
.L_simem_size_0:
called_computation_lowered:
.L_overlay_start_0:
0x88: {  	s2 =	sld [smem:$0x3FD9]  }
0x89: {  	s3 =	sld [smem:$0x3FFE];
	_ =	sdelay $0x1  }
0x8a: {  	s1 =	srdreg.scid  }
0x8b: {  	s0 =	sand.u32 $0x1, s1  }
0x8c: {  	s16 =	sshll.u32 s0, $0xA;
	s2 =	sadd.s32 s3, s2  }
0x8d: {  	s2 =	sadd.s32 s2, s16  }
0x8e: {  	[smem:$0x3FBB] =	sst s2  }
0x8f: {  	_ = 	snop  }
0x90: {  	(tm) =	ssettm $0x1  }
0x91: {  	s17 =	sld [smem:$0x3FFB];
	_ =	sdelay $0x3  }
0x92: {  	_ =	strace s17  }
0x93: {  	s2 =	sld [smem:$0x3FFC];
	_ =	sdelay $0x3  }
0x94: {  	_ =	strace s2  }
0x95: {  	s2 =	sld [smem:$0x3FFD];
	_ =	sdelay $0x3  }
0x96: {  	_ =	strace s2  }
0x97: {  	_ =	strace $0x8FFFFFFF  }
0x98: {  	s18 =	sld [smem:$0x3FDB];
	_ =	sdelay $0x1  }
0x99: {  	s19 =	simm.s32 $_scs_section_size  }
0x9a: {  	s4 =	simm.s32 $_size__tile_overlayer_lowered;
	s5 =	simm.s32 $_tile_overlayer_lowered  }
0x9b: {  	s22 =	simm.s32 $0x1BFF;
	s21 =	sshll.u32 s5, $0x1;
	s2 =	sadd.s32 s19, s18  }
0x9c: {  	s6 =	simm.s32 $0x0;
	s20 =	sshll.u32 s4, $0x1;
	s4 =	sadd.s32 s21, s2  }
0x9d: {  	[timem:s6], [sflag:s22] =	dma.local [hbm:s4], s20  }
0x9e: {  	_ =	swait.ge [sflag:s22], s20  }
0x9f: {  	s3 =	ssub.s32 $0x0, s20;
	[sflag:s22] =	ssyncset.done $0x0  }
0xa0: {  	[sflag:s22] =	ssyncadd.s32 s3;
	_ =	sdelay $0x1  }
0xa1: {  	s23 =	simm.s32 $0x1B8B  }
0xa2: {  	_ =	swait.ge [sflag:s23], $0x1  }
0xa3: {  	[sflag:s23] =	ssyncset.done $0x0  }
0xa4: {  	s25 =	simm.s32 $0x1B8E;
	s24 =	sld [smem:$0x3FFE];
	[sflag:s23] =	ssyncadd.s32 $0xFFFFFFFF  }
0xa5: {  	s26 =	simm.s32 $execute0_lowered;
	[smem:$0x3FD2] =	sst s25  }
0xa6: {  	s4 =	sshll.u32 s26, $0x1;
	_ =	strace $0x80000046;
	[dreg:$0x1] =	wrdreg $0xFFFFFFFF  }
0xa7: {  	s28 =	simm.s32 $_size_execute0_lowered;
	s2 =	sadd.s32 s2, s4;
	[dreg:$0x0] =	wrdreg $0x0  }
0xa8: {  	s4 =	sshll.u32 s28, $0x1;
	[dreg:$0x2] =	wrdreg s2  }
0xa9: {  	[dreg:$0x3] =	wrdreg s4  }
0xaa: {  	[dreg:$0x4] =	wrdreg $0xC0  }
0xab: {  	_ =	task [dreg:s6], $0x5FFFF  }
0xac: {  	[dreg:$0x1] =	wrdreg $0xFFFFFFFF  }
0xad: {  	[dreg:$0x0] =	wrdreg $0x60  }
0xae: {  	[dreg:$0x2] =	wrdreg s24  }
0xaf: {  	[dreg:$0x3] =	wrdreg $0x4C800  }
0xb0: {  	[dreg:$0x4] =	wrdreg $0x9  }
0xb1: {  	_ =	task.clear_ibuf [dreg:s6], $0x5FFFF;
	_ =	strace $0x90000046  }
0xb2: {  	s29 =	simm.s32 $0x9;
	_ =	strace $0x80000048  }
0xb3: {  	_ =	swait.ge [sflag:s29], $0x1  }
0xb4: {  	[sflag:s29] =	ssyncadd.s32 $0xFFFFFFFF  }
0xb5: {  	_ =	strace $0x90000048  }
0xb6: {  	_ =	sfence  }
0xb7: {  	s30 =	sld [smem:$0x0];
	_ =	sdelay $0x2  }
0xb8: {  	s31 =	sshll.u32 s1, $0xD;
	s1 =	sshrl.u32 s1, $0x2  }
0xb9: {  	s3 =	sand.u32 $0x4000, s31;
	s1 =	sadd.s32 s1, s30  }
0xba: {  	s0 =	sor.u32 s3, s0;
	s1 =	sshll.u32 s1, $0x11  }
0xbb: {  	s0 =	sor.u32 s1, s0  }
0xbc: {  	s0 =	sadd.s32 $0x8F2B, s0  }
0xbd: {  	[sflag:s0] =	ssyncadd.remote.s32 $0x1  }
0xbe: {  	_ =	sfence.sel $0xFFFF  }
0xbf: {  	[dreg:$0x0] =	wrdreg $0xFFFFFFFF;
	(pc) =	sbr.abs _section_cstart, $3  }
0xc0: {  	[dreg:$0x1] =	wrdreg $0xFFFFFFFF  }
0xc1: {  	_ =	task.clear_ibuf [dreg:s6], $0x2FFFF;
	_ =	strace $0x9FFFFFFF  }
0xc2: {  	(tm) =	ssettm $0x7FFFFFFF  }
0xc3: {  	_ =	shalt  }
tec
execute0_lowered:
.L_overlay_start_1:
0x0: {  	(tag) =	ssettag $0x1  }
0x1: {  	s1 =	srdreg.scid  }
0x2: {  	s1 =	sand.u32 $0x1, s1  }
0x3: {  	p0 =	seq.s32 s1, $0x1  }
.Ltmp0:
0x4: {  	_ = 	snop;
	(pc) =	sbr.rel @p0 .LBB2_2-.Ltmp0, $4  }
0x5: {  	s2 =	rddreg [dreg:$0x0]  }
0x6: {  	s4 =	rddreg [dreg:$0x1];
	s3 =	simm.s32 $0x0  }
0x7: {  	[smem:$0x7FF] =	sst s3  }
0x8: {  	s0 =	rddreg [dreg:$0x2];
	_ =	strace $0x80000047;
	s1 =	stileid.u32  }
0x9: {  	s5 =	sadd.s32 $0x3200, s2;
	s6 =	sshll.u32 s1, $0x7  }
0xa: {  	s7 =	sadd.s32 $0x2A00, s2;
	s5 =	sadd.s32 s5, s6  }
0xb: {  	[tilespmem:s3], [sflag:$0x1] =	stream.linear.gather [hbm4b:s5+s3], $0x400, $0x38;
	[tilespmem:$0x14C80] =	vst v63  }
0xc: {  	s10 =	simm.s32 $0x400;
	s9 =	sadd.s32 s7, s6  }
0xd: {  	[tilespmem:s10], [sflag:$0x1] =	stream.linear.gather [hbm4b:s9+s3], $0x400, $0x38;
	[tilespmem:$0x14C80] =	vst v63  }
0xe: {  	s11 =	sadd.s32 $0x3A00, s2;
	s12 =	simm.s32 $0xC80;
	s13 =	simm.s32 $0x1  }
0xf: {  	[tilespmem:s12], [sflag:$0x1] =	stream.linear.gather [hbm4b:s11+s3], $0x4000, $0x38;
	[tilespmem:$0x14C80] =	vst v63  }
0x10: {  	_ =	swait.ge [sflag:s13], $0x4000  }
0x11: {  	s14 =	sshll.u32 s1, $0x10;
	[sflag:s13] =	ssyncset.done $0x0  }
0x12: {  	s3 =	sadd.s32 s14, s4;
	[sflag:s13] =	ssyncadd.s32 $0xFFFFC000  }
0x13: {  	[spmem:s3] =	stream.linear.scatter [tilespmem:s12], [sflag:$0x2], $0x4000, $0x38;
	[tilespmem:$0x14C80] =	vst v63  }
0x14: {  	s15 =	sadd.s32 $0x4000, s3  }
0x15: {  	[spmem:s15] =	stream.linear.scatter [tilespmem:s12], [sflag:$0x2], $0x4000, $0x38;
	[tilespmem:$0x14C80] =	vst v63  }
0x16: {  	s16 =	sadd.s32 $0x8000, s3  }
0x17: {  	[spmem:s16] =	stream.linear.scatter [tilespmem:s12], [sflag:$0x2], $0x4000, $0x38;
	[tilespmem:$0x14C80] =	vst v63  }
0x18: {  	s17 =	sadd.s32 $0xC000, s3  }
0x19: {  	[spmem:s17] =	stream.linear.scatter [tilespmem:s12], [sflag:$0x2], $0x4000, $0x38;
	[tilespmem:$0x14C80] =	vst v63  }
0x1a: {  	_ =	swait.ge [sflag:s13], $0x400  }
0x1b: {  	[sflag:s13] =	ssyncset.done $0x0  }
0x1c: {  	[sflag:s13] =	ssyncadd.s32 $0xFFFFFC00  }
0x1d: {  	_ =	swait.ge [sflag:s13], $0x400  }
0x1e: {  	[sflag:s13] =	ssyncset.done $0x0  }
0x1f: {  	[sflag:s13] =	ssyncadd.s32 $0xFFFFFC00  }
0x20: {  	v1 =	vld [tilespmem:$0x400]  }
0x21: {  	v2 =	vld [tilespmem:$0x0]  }
0x22: {  	v7 =	vld [tilespmem:$0x410]  }
0x23: {  	v8 =	vld [tilespmem:$0x10]  }
0x24: {  	v11 =	vld [tilespmem:$0x420]  }
0x25: {  	v12 =	vld [tilespmem:$0x20]  }
0x26: {  	v13 =	vld [tilespmem:$0x430]  }
0x27: {  	v14 =	vld [tilespmem:$0x30]  }
0x28: {  	v15 =	vld [tilespmem:$0x440]  }
0x29: {  	v16 =	vld [tilespmem:$0x40]  }
0x2a: {  	v17 =	vld [tilespmem:$0x450]  }
0x2b: {  	v18 =	vld [tilespmem:$0x50]  }
0x2c: {  	v19 =	vld [tilespmem:$0x460]  }
0x2d: {  	v20 =	vld [tilespmem:$0x60]  }
0x2e: {  	v21 =	vld [tilespmem:$0x470]  }
0x2f: {  	v22 =	vld [tilespmem:$0x70]  }
0x30: {  	v23 =	vld [tilespmem:$0x480]  }
0x31: {  	v24 =	vld [tilespmem:$0x80]  }
0x32: {  	v25 =	vld [tilespmem:$0x490]  }
0x33: {  	v26 =	vld [tilespmem:$0x90]  }
0x34: {  	v27 =	vld [tilespmem:$0x4A0]  }
0x35: {  	v28 =	vld [tilespmem:$0xA0]  }
0x36: {  	v29 =	vld [tilespmem:$0x4B0]  }
0x37: {  	v30 =	vld [tilespmem:$0xB0]  }
0x38: {  	v31 =	vld [tilespmem:$0x4C0]  }
0x39: {  	v32 =	vld [tilespmem:$0xC0]  }
0x3a: {  	v33 =	vld [tilespmem:$0x4D0]  }
0x3b: {  	v34 =	vld [tilespmem:$0xD0]  }
0x3c: {  	v35 =	vld [tilespmem:$0x4E0]  }
0x3d: {  	v36 =	vld [tilespmem:$0xE0]  }
0x3e: {  	v37 =	vld [tilespmem:$0x4F0]  }
0x3f: {  	v38 =	vld [tilespmem:$0xF0]  }
0x40: {  	v39 =	vld [tilespmem:$0x500]  }
0x41: {  	v40 =	vld [tilespmem:$0x100]  }
0x42: {  	v41 =	vld [tilespmem:$0x510]  }
0x43: {  	v42 =	vld [tilespmem:$0x110]  }
0x44: {  	v43 =	vld [tilespmem:$0x520]  }
0x45: {  	v44 =	vld [tilespmem:$0x120]  }
0x46: {  	v45 =	vld [tilespmem:$0x530]  }
0x47: {  	v46 =	vld [tilespmem:$0x130]  }
0x48: {  	v47 =	vld [tilespmem:$0x540]  }
0x49: {  	v48 =	vld [tilespmem:$0x140]  }
0x4a: {  	v49 =	vld [tilespmem:$0x550]  }
0x4b: {  	v50 =	vld [tilespmem:$0x150]  }
0x4c: {  	v51 =	vld [tilespmem:$0x560]  }
0x4d: {  	v52 =	vld [tilespmem:$0x160]  }
0x4e: {  	v53 =	vld [tilespmem:$0x570]  }
0x4f: {  	v54 =	vld [tilespmem:$0x170]  }
0x50: {  	v55 =	vld [tilespmem:$0x580]  }
0x51: {  	v56 =	vld [tilespmem:$0x180]  }
0x52: {  	v57 =	vld [tilespmem:$0x590]  }
0x53: {  	v58 =	vld [tilespmem:$0x190]  }
0x54: {  	v59 =	vld [tilespmem:$0x5A0]  }
0x55: {  	v60 =	vld [tilespmem:$0x1A0]  }
0x56: {  	v61 =	vld [tilespmem:$0x5B0]  }
0x57: {  	v62 =	vld [tilespmem:$0x1B0]  }
0x58: {  	v63 =	vld [tilespmem:$0x5C0]  }
0x59: {  	v0 =	vld [tilespmem:$0x1F0]  }
0x5a: {  	v4 =	vld [tilespmem:$0x1C0]  }
0x5b: {  	v3 =	vld [tilespmem:$0x5D0]  }
0x5c: {  	v6 =	vld [tilespmem:$0x1D0]  }
0x5d: {  	v5 =	vld [tilespmem:$0x5E0];
	v17 =	vshll.u32 v17, $0xA  }
0x5e: {  	v9 =	vld [tilespmem:$0x1E0];
	[tilespmem:$0x1FFB0] =	vst v0;
	v19 =	vshll.u32 v19, $0xA;
	v18 =	vadd.s32 v18, v17  }
0x5f: {  	v10 =	vld [tilespmem:$0x5F0];
	v21 =	vshll.u32 v21, $0xA;
	v20 =	vadd.s32 v20, v19;
	[tilespmem:$0x850] =	vst v18  }
0x60: {  	v0 =	vld [tilespmem:$0x600];
	v23 =	vshll.u32 v23, $0xA;
	v22 =	vadd.s32 v22, v21;
	[tilespmem:$0x860] =	vst v20  }
0x61: {  	v25 =	vshll.u32 v25, $0xA;
	v24 =	vadd.s32 v24, v23;
	v17 =	vld [tilespmem:$0x260];
	[tilespmem:$0x870] =	vst v22  }
0x62: {  	v27 =	vshll.u32 v27, $0xA;
	v26 =	vadd.s32 v26, v25;
	v19 =	vld [tilespmem:$0x270];
	[tilespmem:$0x880] =	vst v24  }
0x63: {  	v29 =	vshll.u32 v29, $0xA;
	v28 =	vadd.s32 v28, v27;
	v21 =	vld [tilespmem:$0x280];
	[tilespmem:$0x890] =	vst v26  }
0x64: {  	v31 =	vshll.u32 v31, $0xA;
	v30 =	vadd.s32 v30, v29;
	v23 =	vld [tilespmem:$0x290];
	[tilespmem:$0x8A0] =	vst v28  }
0x65: {  	v33 =	vshll.u32 v33, $0xA;
	v32 =	vadd.s32 v32, v31;
	v25 =	vld [tilespmem:$0x2A0];
	[tilespmem:$0x8B0] =	vst v30  }
0x66: {  	v35 =	vshll.u32 v35, $0xA;
	v34 =	vadd.s32 v34, v33;
	v27 =	vld [tilespmem:$0x2B0];
	[tilespmem:$0x8C0] =	vst v32  }
0x67: {  	v37 =	vshll.u32 v37, $0xA;
	v36 =	vadd.s32 v36, v35;
	v18 =	vld [tilespmem:$0x670];
	[tilespmem:$0x8D0] =	vst v34  }
0x68: {  	v38 =	vadd.s32 v38, v37;
	v20 =	vld [tilespmem:$0x680];
	[tilespmem:$0x8E0] =	vst v36;
	v28 =	vshll.u32 v39, $0xA  }
0x69: {  	v22 =	vld [tilespmem:$0x690];
	[tilespmem:$0x8F0] =	vst v38;
	v30 =	vshll.u32 v41, $0xA;
	v29 =	vadd.s32 v40, v28  }
0x6a: {  	v24 =	vld [tilespmem:$0x6A0];
	v32 =	vshll.u32 v43, $0xA;
	v31 =	vadd.s32 v42, v30;
	[tilespmem:$0x900] =	vst v29  }
0x6b: {  	v26 =	vld [tilespmem:$0x6B0];
	v34 =	vshll.u32 v45, $0xA;
	v33 =	vadd.s32 v44, v32;
	[tilespmem:$0x910] =	vst v31  }
0x6c: {  	v36 =	vshll.u32 v47, $0xA;
	v35 =	vadd.s32 v46, v34;
	v28 =	vld [tilespmem:$0x6C0];
	[tilespmem:$0x920] =	vst v33  }
0x6d: {  	v38 =	vshll.u32 v49, $0xA;
	v37 =	vadd.s32 v48, v36;
	v30 =	vld [tilespmem:$0x6D0];
	[tilespmem:$0x930] =	vst v35  }
0x6e: {  	v39 =	vadd.s32 v50, v38;
	v32 =	vld [tilespmem:$0x6E0];
	[tilespmem:$0x940] =	vst v37  }
0x6f: {  	v40 =	vshll.u32 v51, $0xA;
	v34 =	vld [tilespmem:$0x6F0];
	[tilespmem:$0x950] =	vst v39  }
0x70: {  	v42 =	vshll.u32 v53, $0xA;
	v36 =	vld [tilespmem:$0x700];
	v41 =	vadd.s32 v52, v40;
	[tilespmem:$0x1FFC0] =	vst v0  }
0x71: {  	v44 =	vshll.u32 v55, $0xA;
	v55 =	vshll.u32 v5, $0xA;
	v5 =	vld [tilespmem:$0x710];
	v43 =	vadd.s32 v54, v42;
	[tilespmem:$0x960] =	vst v41  }
0x72: {  	v46 =	vshll.u32 v57, $0xA;
	v57 =	vshll.u32 v10, $0xA;
	v10 =	vld [tilespmem:$0x320];
	v45 =	vadd.s32 v56, v44;
	[tilespmem:$0x970] =	vst v43  }
0x73: {  	v48 =	vshll.u32 v59, $0xA;
	v38 =	vld [tilespmem:$0x760];
	v47 =	vadd.s32 v58, v46;
	[tilespmem:$0x980] =	vst v45  }
0x74: {  	v50 =	vshll.u32 v61, $0xA;
	v29 =	vld [tilespmem:$0x2C0];
	v49 =	vadd.s32 v60, v48;
	[tilespmem:$0x990] =	vst v47  }
0x75: {  	v3 =	vshll.u32 v3, $0xA;
	v31 =	vld [tilespmem:$0x2D0];
	v51 =	vadd.s32 v62, v50;
	[tilespmem:$0x9A0] =	vst v49  }
0x76: {  	v54 =	vadd.s32 v6, v3;
	v6 =	vld [tilespmem:$0x310];
	[tilespmem:$0x9B0] =	vst v51  }
0x77: {  	v52 =	vshll.u32 v63, $0xA;
	v56 =	vadd.s32 v9, v55;
	v9 =	vld [tilespmem:$0x720];
	[tilespmem:$0x9D0] =	vst v54  }
0x78: {  	v44 =	vld [tilespmem:$0x770];
	v53 =	vadd.s32 v4, v52;
	[tilespmem:$0x9E0] =	vst v56;
	v18 =	vshll.u32 v18, $0xA  }
0x79: {  	v50 =	vld [tilespmem:$0x780];
	[tilespmem:$0x9C0] =	vst v53;
	v37 =	vshll.u32 v20, $0xA;
	v19 =	vadd.s32 v19, v18  }
0x7a: {  	v0 =	vld [tilespmem:$0x200];
	v40 =	vshll.u32 v22, $0xA;
	v39 =	vadd.s32 v21, v37;
	[tilespmem:$0xA70] =	vst v19  }
0x7b: {  	v41 =	vld [tilespmem:$0x360];
	v43 =	vshll.u32 v24, $0xA;
	v42 =	vadd.s32 v23, v40;
	[tilespmem:$0xA80] =	vst v39  }
0x7c: {  	v47 =	vld [tilespmem:$0x370];
	v46 =	vshll.u32 v26, $0xA;
	v45 =	vadd.s32 v25, v43;
	[tilespmem:$0xA90] =	vst v42  }
0x7d: {  	v56 =	vld [tilespmem:$0x790];
	v48 =	vadd.s32 v27, v46;
	[tilespmem:$0xAA0] =	vst v45  }
0x7e: {  	v59 =	vld [tilespmem:$0x1FFC0];
	v49 =	vshll.u32 v28, $0xA;
	[tilespmem:$0xAB0] =	vst v48  }
0x7f: {  	v52 =	vshll.u32 v30, $0xA;
	v51 =	vadd.s32 v29, v49;
	[tilespmem:$0x1FFD0] =	vst v0;
	v0 =	vld [tilespmem:$0x610]  }
0x80: {  	v53 =	vld [tilespmem:$0x380];
	v22 =	vshll.u32 v5, $0xA;
	v54 =	vadd.s32 v31, v52;
	[tilespmem:$0xAC0] =	vst v51  }
0x81: {  	v26 =	vld [tilespmem:$0x7B0];
	v24 =	vadd.s32 v6, v22;
	v25 =	vshll.u32 v9, $0xA;
	[tilespmem:$0xAD0] =	vst v54  }
0x82: {  	v29 =	vld [tilespmem:$0x3B0];
	[tilespmem:$0xB10] =	vst v24;
	v27 =	vadd.s32 v10, v25  }
0x83: {  	v37 =	vshll.u32 v38, $0xA;
	v3 =	vshll.u32 v59, $0xA;
	v59 =	vld [tilespmem:$0x390];
	[tilespmem:$0xB20] =	vst v27  }
0x84: {  	v40 =	vshll.u32 v44, $0xA;
	v39 =	vadd.s32 v41, v37;
	[tilespmem:$0x1FFE0] =	vst v0;
	v0 =	vld [tilespmem:$0x210]  }
0x85: {  	v33 =	vld [tilespmem:$0x2E0];
	v43 =	vshll.u32 v50, $0xA;
	v42 =	vadd.s32 v47, v40;
	[tilespmem:$0xB60] =	vst v39  }
0x86: {  	v35 =	vld [tilespmem:$0x2F0];
	[tilespmem:$0xB70] =	vst v42;
	v45 =	vadd.s32 v53, v43;
	v52 =	vshll.u32 v26, $0xA  }
0x87: {  	v58 =	vld [tilespmem:$0x1FFB0];
	[tilespmem:$0xB80] =	vst v45;
	v54 =	vadd.s32 v29, v52  }
0x88: {  	v4 =	vld [tilespmem:$0x300];
	v46 =	vshll.u32 v56, $0xA;
	[tilespmem:$0xBB0] =	vst v54  }
0x89: {  	v38 =	vld [tilespmem:$0x7D0];
	v48 =	vadd.s32 v59, v46;
	[tilespmem:$0x1FFF0] =	vst v0;
	v0 =	vshll.u32 v1, $0xA  }
0x8a: {  	v7 =	vshll.u32 v7, $0xA;
	v44 =	vld [tilespmem:$0x7E0];
	[tilespmem:$0xB90] =	vst v48;
	v0 =	vadd.s32 v2, v0  }
0x8b: {  	v60 =	vld [tilespmem:$0x1FFD0];
	[tilespmem:$0x800] =	vst v0;
	v0 =	vadd.s32 v8, v7;
	v8 =	vshll.u32 v11, $0xA  }
0x8c: {  	v13 =	vshll.u32 v13, $0xA;
	v61 =	vld [tilespmem:$0x1FFE0];
	[tilespmem:$0x810] =	vst v0;
	v12 =	vadd.s32 v12, v8  }
0x8d: {  	v1 =	vld [tilespmem:$0x620];
	v11 =	vshll.u32 v15, $0xA;
	v0 =	vadd.s32 v14, v13;
	[tilespmem:$0x820] =	vst v12  }
0x8e: {  	v62 =	vld [tilespmem:$0x1FFF0];
	v16 =	vadd.s32 v16, v11;
	[tilespmem:$0x830] =	vst v0  }
0x8f: {  	v55 =	vshll.u32 v32, $0xA;
	v2 =	vld [tilespmem:$0x220];
	[tilespmem:$0x840] =	vst v16;
	v0 =	vadd.s32 v58, v57  }
0x90: {  	v41 =	vld [tilespmem:$0x3D0];
	v57 =	vadd.s32 v33, v55;
	[tilespmem:$0x9F0] =	vst v0  }
0x91: {  	v47 =	vld [tilespmem:$0x3E0];
	v58 =	vshll.u32 v34, $0xA;
	v0 =	vadd.s32 v60, v3;
	[tilespmem:$0xAE0] =	vst v57  }
0x92: {  	v7 =	vld [tilespmem:$0x630];
	v3 =	vshll.u32 v61, $0xA;
	v60 =	vadd.s32 v35, v58;
	[tilespmem:$0xA00] =	vst v0  }
0x93: {  	v8 =	vld [tilespmem:$0x230];
	v1 =	vshll.u32 v1, $0xA;
	v0 =	vadd.s32 v62, v3;
	[tilespmem:$0xAF0] =	vst v60  }
0x94: {  	v23 =	vld [tilespmem:$0x3A0];
	v57 =	vshll.u32 v38, $0xA;
	v63 =	vadd.s32 v2, v1;
	[tilespmem:$0xA10] =	vst v0  }
0x95: {  	v32 =	vld [tilespmem:$0x7C0];
	v59 =	vshll.u32 v44, $0xA;
	v58 =	vadd.s32 v41, v57;
	[tilespmem:$0xA20] =	vst v63  }
0x96: {  	v50 =	vld [tilespmem:$0x7F0];
	v61 =	vshll.u32 v36, $0xA;
	v60 =	vadd.s32 v47, v59;
	[tilespmem:$0xBD0] =	vst v58  }
0x97: {  	v53 =	vld [tilespmem:$0x3F0];
	v7 =	vshll.u32 v7, $0xA;
	v63 =	vadd.s32 v4, v61;
	[tilespmem:$0xBE0] =	vst v60  }
0x98: {  	v15 =	vld [tilespmem:$0x250];
	v11 =	vadd.s32 v8, v7;
	[tilespmem:$0xB00] =	vst v63  }
0x99: {  	v13 =	vld [tilespmem:$0x240];
	v63 =	vimm.f32 $1.000000000e+00;
	[tilespmem:$0xA30] =	vst v11  }
0x9a: {  	v14 =	vld [tilespmem:$0x650];
	[tilespmem:$0xC00] =	vst v63  }
0x9b: {  	v12 =	vld [tilespmem:$0x640];
	[tilespmem:$0xC10] =	vst v63  }
0x9c: {  	v16 =	vld [tilespmem:$0x660];
	[tilespmem:$0xC20] =	vst v63  }
0x9d: {  	v35 =	vld [tilespmem:$0x3C0];
	[tilespmem:$0xC30] =	vst v63  }
0x9e: {  	v3 =	vld [tilespmem:$0x730];
	[tilespmem:$0xC40] =	vst v63  }
0x9f: {  	v2 =	vld [tilespmem:$0x330];
	[tilespmem:$0xC50] =	vst v63  }
0xa0: {  	v62 =	vld [tilespmem:$0x7A0];
	v14 =	vshll.u32 v14, $0xA;
	[tilespmem:$0xC60] =	vst v63  }
0xa1: {  	v7 =	vld [tilespmem:$0x740];
	v12 =	vshll.u32 v12, $0xA;
	v15 =	vadd.s32 v15, v14;
	[tilespmem:$0xC70] =	vst v63  }
0xa2: {  	v8 =	vld [tilespmem:$0x340];
	v16 =	vshll.u32 v16, $0xA;
	v13 =	vadd.s32 v13, v12;
	[tilespmem:$0xA50] =	vst v15  }
0xa3: {  	v55 =	vshll.u32 v32, $0xA;
	v11 =	vld [tilespmem:$0x750];
	v17 =	vadd.s32 v17, v16;
	[tilespmem:$0xA40] =	vst v13  }
0xa4: {  	v61 =	vshll.u32 v50, $0xA;
	v12 =	vld [tilespmem:$0x350];
	v56 =	vadd.s32 v35, v55;
	[tilespmem:$0xA60] =	vst v17  }
0xa5: {  	v28 =	vshll.u32 v3, $0xA;
	v49 =	vshll.u32 v62, $0xA;
	[tilespmem:$0xBC0] =	vst v56;
	v62 =	vadd.s32 v53, v61  }
0xa6: {  	v30 =	vadd.s32 v2, v28;
	[tilespmem:$0xBF0] =	vst v62  }
0xa7: {  	v51 =	vadd.s32 v23, v49;
	v31 =	vshll.u32 v7, $0xA;
	[tilespmem:$0xB30] =	vst v30  }
0xa8: {  	[tilespmem:$0xBA0] =	vst v51;
	v33 =	vadd.s32 v8, v31;
	v34 =	vshll.u32 v11, $0xA  }
0xa9: {  	[tilespmem:$0xB40] =	vst v33;
	v36 =	vadd.s32 v12, v34  }
0xaa: {  	s18 =	simm.s32 $0x2;
	[tilespmem:$0xB50] =	vst v36  }
0xab: {  	_ =	swait.ge [sflag:s18], $0x4000  }
0xac: {  	[sflag:s18] =	ssyncset.done $0x0  }
0xad: {  	[sflag:s18] =	ssyncadd.s32 $0xFFFFC000  }
0xae: {  	_ =	swait.ge [sflag:s18], $0x4000  }
0xaf: {  	[sflag:s18] =	ssyncset.done $0x0  }
0xb0: {  	[sflag:s18] =	ssyncadd.s32 $0xFFFFC000  }
0xb1: {  	_ =	swait.ge [sflag:s18], $0x4000  }
0xb2: {  	[sflag:s18] =	ssyncset.done $0x0  }
0xb3: {  	[sflag:s18] =	ssyncadd.s32 $0xFFFFC000  }
0xb4: {  	_ =	swait.ge [sflag:s18], $0x4000  }
0xb5: {  	[sflag:s18] =	ssyncset.done $0x0  }
0xb6: {  	s19 =	simm.s32 $0x80;
	[sflag:s18] =	ssyncadd.s32 $0xFFFFC000  }
0xb7: {  	s20 =	simm.s32 $0x800;
	s8 =	simm.s32 $0xC00;
	[bflag:$0x0] =	sbarrier.arrive $0xFFFF  }
0xb8: {  	[spmem:s4] =	stream.indirect.scatter.add.f32 [tilespmem:s8], [sflag:$0x2], $0x1, s20, s19, $0xb8;
	[tilespmem:$0x14C80] =	vst v63  }
0xb9: {  	s21 =	simm.s32 $0x880  }
0xba: {  	[spmem:s4] =	stream.indirect.scatter.add.f32 [tilespmem:s8], [sflag:$0x2], $0x1, s21, s19, $0xb8;
	[tilespmem:$0x14C80] =	vst v63  }
0xbb: {  	s22 =	simm.s32 $0x900  }
0xbc: {  	[spmem:s4] =	stream.indirect.scatter.add.f32 [tilespmem:s8], [sflag:$0x2], $0x1, s22, s19, $0xb8;
	[tilespmem:$0x14C80] =	vst v63  }
0xbd: {  	s23 =	simm.s32 $0x980  }
0xbe: {  	[spmem:s4] =	stream.indirect.scatter.add.f32 [tilespmem:s8], [sflag:$0x2], $0x1, s23, s19, $0xb8;
	[tilespmem:$0x14C80] =	vst v63  }
0xbf: {  	s24 =	simm.s32 $0xA00  }
0xc0: {  	[spmem:s4] =	stream.indirect.scatter.add.f32 [tilespmem:s8], [sflag:$0x2], $0x1, s24, s19, $0xb8;
	[tilespmem:$0x14C80] =	vst v63  }
0xc1: {  	s25 =	simm.s32 $0xA80  }
0xc2: {  	[spmem:s4] =	stream.indirect.scatter.add.f32 [tilespmem:s8], [sflag:$0x2], $0x1, s25, s19, $0xb8;
	[tilespmem:$0x14C80] =	vst v63  }
0xc3: {  	s26 =	simm.s32 $0xB00  }
0xc4: {  	[spmem:s4] =	stream.indirect.scatter.add.f32 [tilespmem:s8], [sflag:$0x2], $0x1, s26, s19, $0xb8;
	[tilespmem:$0x14C80] =	vst v63  }
0xc5: {  	s28 =	simm.s32 $0xB80  }
0xc6: {  	[spmem:s4] =	stream.indirect.scatter.add.f32 [tilespmem:s8], [sflag:$0x2], $0x1, s28, s19, $0xb8;
	[tilespmem:$0x14C80] =	vst v63  }
0xc7: {  	_ =	swait.ge [sflag:s18], $0x80  }
0xc8: {  	[sflag:s18] =	ssyncset.done $0x0  }
0xc9: {  	[sflag:s18] =	ssyncadd.s32 $0xFFFFFF80  }
0xca: {  	_ =	swait.ge [sflag:s18], $0x80  }
0xcb: {  	[sflag:s18] =	ssyncset.done $0x0  }
0xcc: {  	[sflag:s18] =	ssyncadd.s32 $0xFFFFFF80  }
0xcd: {  	_ =	swait.ge [sflag:s18], $0x80  }
0xce: {  	[sflag:s18] =	ssyncset.done $0x0  }
0xcf: {  	[sflag:s18] =	ssyncadd.s32 $0xFFFFFF80  }
0xd0: {  	_ =	swait.ge [sflag:s18], $0x80  }
0xd1: {  	[sflag:s18] =	ssyncset.done $0x0  }
0xd2: {  	[sflag:s18] =	ssyncadd.s32 $0xFFFFFF80  }
0xd3: {  	_ =	swait.ge [sflag:s18], $0x80  }
0xd4: {  	[sflag:s18] =	ssyncset.done $0x0  }
0xd5: {  	[sflag:s18] =	ssyncadd.s32 $0xFFFFFF80  }
0xd6: {  	_ =	swait.ge [sflag:s18], $0x80  }
0xd7: {  	[sflag:s18] =	ssyncset.done $0x0  }
0xd8: {  	[sflag:s18] =	ssyncadd.s32 $0xFFFFFF80  }
0xd9: {  	_ =	swait.ge [sflag:s18], $0x80  }
0xda: {  	[sflag:s18] =	ssyncset.done $0x0  }
0xdb: {  	[sflag:s18] =	ssyncadd.s32 $0xFFFFFF80  }
0xdc: {  	_ =	swait.ge [sflag:s18], $0x80  }
0xdd: {  	s29 =	sadd.s32 $0x4200, s2;
	s30 =	sshll.u32 s1, $0xD;
	[sflag:s18] =	ssyncset.done $0x0  }
0xde: {  	s31 =	sshll.u32 s1, $0x6;
	s2 =	sadd.s32 s29, s30;
	[sflag:s18] =	ssyncadd.s32 $0xFFFFFF80  }
0xdf: {  	s3 =	sshrl.u32 s3, $0x3;
	s4 =	sor.u32 $0x1C02, s31;
	[bflag:$0x0] =	sbarrier.arrive $0xFFFF  }
0xe0: {  	[hbm:s2], [sflag:s4] =	dma.local [spmem:s3], $0x2000  }
0xe1: {  	_ =	swait.ge [sflag:s18], $0x2000  }
0xe2: {  	[sflag:s18] =	ssyncset.done $0x0  }
0xe3: {  	[sflag:s18] =	ssyncadd.s32 $0xFFFFE000  }
.LBB2_2:
0xe4: {  	_ =	sfence.sel $0x180000  }
0xe5: {  	[bflag:$0x0] =	sbarrier.arrive $0xFFFF  }
0xe6: {  	p0 =	sne.s32 s1, $0x0;
	_ =	strace $0x90000047  }
0xe7: {  	s0 =	sadd.s32 @!p0 $0x100000, s0;
	[bflag:$0x2] =	sbarrier.arrive $0xFFFF  }
0xe8: {  	[sflag:s0] =	ssyncadd.tile.s32 @!p0 $0x1;
	_ =	shalt  }
.Lfunc_end2:
_tile_overlayer_lowered:
.L_overlay_start_2:
0xe9: {  	(tag) =	ssettag $0x2  }
0xea: {  	s0 =	rddreg [dreg:$0x0];
	s2 =	stileid.u32  }
0xeb: {  	s1 =	rddreg [dreg:$0x1];
	p0 =	sne.s32 s2, $0x0  }
0xec: {  	s3 =	rddreg [dreg:$0x2];
	[bflag:$0x3] =	sbarrier.arrive $0xFFFF;
	s2 =	simm.s32 @!p0 $0x1C03  }
0xed: {  	[timem:s3], [sflag:s2] =	dma.local @!p0 [hbm:s0], s1  }
0xee: {  	s0 =	simm.s32 @!p0 $0x3  }
0xef: {  	_ =	swait.ge @!p0 [sflag:s0], s1  }
0xf0: {  	s1 =	ssub.s32 @!p0 $0x0, s1;
	[sflag:s0] =	ssyncset.done @!p0 $0x0  }
0xf1: {  	[sflag:s0] =	ssyncadd.s32 @!p0 s1  }
0xf2: {  	[bflag:$0x3] =	sbarrier.arrive $0xFFFF  }
0xf3: {  	_ =	shalt  }

// kernel: kernel.8.cloned.1.call-start
scs
__scs_entry_jumppad:
0x0: {  	(pc) =	sbr.rel $0x88, $3  }
0x1: {  	(tag) =	ssettag $0x0;
	lr =	simm.s32 $0x1  }
0x2: {  	[smem:$0x3F94] =	sst lr;
	_ =	strace $0xD0000000  }
0x3: {  	_ = 	snop  }
0x4: {  	_ = 	snop  }
0x5: {  	_ = 	snop  }
0x6: {  	_ = 	snop  }
0x7: {  	_ = 	snop  }
__scs_overlays_trampoline_lowered:
0x8: {  	[smem:$0x3FA3] =	sst s0  }
0x9: {  	[smem:$0x3FA4] =	sst s1  }
0xa: {  	[smem:$0x3FA5] =	sst s2  }
0xb: {  	[smem:$0x3FA6] =	sst s3  }
0xc: {  	[smem:$0x3FA7] =	sst s4  }
0xd: {  	[smem:$0x3FA8] =	sst s5  }
0xe: {  	[smem:$0x3FA9] =	sst s6  }
0xf: {  	[smem:$0x3FAA] =	sst s7  }
0x10: {  	[smem:$0x3FAB] =	sst s8  }
0x11: {  	[smem:$0x3FAC] =	sst s9;
	s0 =	simm.s32 @!p0 $0x0  }
0x12: {  	s1 =	sld [smem:$0x3F92];
	s0 =	simm.s32 @p0 $0x1  }
0x13: {  	[smem:$0x3FAD] =	sst s0;
	s0 =	simm.s32 @!p1 $0x0  }
0x14: {  	s2 =	sld [smem:$0x3F91];
	s0 =	simm.s32 @p1 $0x1  }
0x15: {  	[smem:$0x3FAE] =	sst s0;
	s0 =	simm.s32 @!p2 $0x0  }
0x16: {  	s3 =	sld [smem:$0x3FDB];
	s0 =	simm.s32 @p2 $0x1  }
0x17: {  	s4 =	simm.s32 $0x1BF5;
	[smem:$0x3FB0] =	sst s0  }
0x18: {  	s0 =	sld [smem:$0x3F93];
	_ =	swait.ge [sflag:s4], $0x0  }
0x19: {  	s7 =	sld [smem:$0x3F94]  }
0x1a: {  	s8 =	sadd.s32 $0xFFFFE003, lr  }
0x1b: {  	s9 =	sadd.s32 $0xFFFFFEF7, lr;
	s5 =	simm.s32 $0xFFFFFFFF;
	p2 =	slt.u32 s8, $0xFFFFF086  }
0x1c: {  	p1 =	slt.u32 s9, $0xF7A;
	s5 =	simm.s32 @!p2 $0x0  }
0x1d: {  	s5 =	simm.s32 @p1 $0x1;
	p0 =	seq.s32 s7, s2  }
0x1e: {  	s7 =	smul.u32 @!p0 $0xF7A, s2;
	p2 =	seq.s32 @!p0 s5, $0x0  }
0x1f: {  	s9 =	smul.u32 $0xF7A, s1;
	s8 =	simm.s32 @!p0 $0x1BF5;
	p2 =	por !p2, p0  }
0x20: {  	[sflag:s8] =	ssyncset.s32 @!p0 $0xFFFFF086;
	s6 =	sadd.s32 @!p0 s3, s7;
	s7 =	simm.s32 @!p0 $0x108  }
0x21: {  	s3 =	sadd.s32 s3, s9;
	s6 =	sadd.s32 @!p0 $0x88, s6;
	s7 =	simm.s32 @p2 $0x1082  }
0x22: {  	[simem:s7], [sflag:s8] =	dma.local @!p0 [hbm:s6], $0xF7A  }
0x23: {  	s9 =	sor.u32 $0xD0000000, s2;
	s6 =	simm.s32 $0x108;
	_ =	swait.ge @!p0 [sflag:s8], $0x0  }
0x24: {  	s3 =	sadd.s32 $0x88, s3;
	s6 =	simm.s32 @!p1 $0x1082;
	[sflag:s4] =	ssyncset.s32 $0xFFFFF086  }
0x25: {  	[simem:s6], [sflag:s4] =	dma.local [hbm:s3], $0xF7A  }
0x26: {  	[smem:$0x3F94] =	sst s1;
	(tag) =	ssettag s2;
	_ =	strace s9  }
0x27: {  	s1 =	sld [smem:$0x3FA4]  }
0x28: {  	s2 =	sld [smem:$0x3FA5]  }
0x29: {  	s4 =	sld [smem:$0x3FA7]  }
0x2a: {  	p0 =	seq.s32 s5, $0x0;
	s5 =	sld [smem:$0x3FA8]  }
0x2b: {  	s6 =	sld [smem:$0x3FA9]  }
0x2c: {  	s7 =	sld [smem:$0x3FAA]  }
0x2d: {  	s3 =	simm.s32 $0x108;
	s8 =	sld [smem:$0x3FAB]  }
0x2e: {  	s3 =	simm.s32 @!p0 $0x1082;
	s9 =	sld [smem:$0x3FAC]  }
0x2f: {  	lr =	sadd.s32 s0, s3;
	s0 =	sld [smem:$0x3FA3]  }
0x30: {  	s3 =	sld [smem:$0x3FA6]  }
0x31: {  	[smem:$0x3FAF] =	sst s10  }
0x32: {  	s10 =	sld [smem:$0x3FAD];
	_ =	sdelay $0x3  }
0x33: {  	p0 =	seq.s32 s10, $0x1;
	s10 =	sld [smem:$0x3FAF];
	_ =	sdelay $0x3  }
0x34: {  	[smem:$0x3FAF] =	sst s10  }
0x35: {  	s10 =	sld [smem:$0x3FAE];
	_ =	sdelay $0x3  }
0x36: {  	p1 =	seq.s32 s10, $0x1;
	s10 =	sld [smem:$0x3FAF];
	_ =	sdelay $0x3  }
0x37: {  	[smem:$0x3FAF] =	sst s10  }
0x38: {  	s10 =	sld [smem:$0x3FB0]  }
0x39: {  	_ = 	snop;
	(pc) =	sbr.ind lr, $3  }
0x3a: {  	_ = 	snop  }
0x3b: {  	_ = 	snop  }
0x3c: {  	p2 =	seq.s32 s10, $0x1;
	s10 =	sld [smem:$0x3FAF]  }
0x3d: {  	_ =	shalt  }
0x3e: {  	_ =	shalt  }
0x3f: {  	_ =	shalt  }
0x40: {  	_ =	shalt  }
0x41: {  	_ =	shalt  }
0x42: {  	_ =	shalt  }
0x43: {  	_ =	shalt  }
0x44: {  	_ =	shalt  }
0x45: {  	_ =	shalt  }
0x46: {  	_ =	shalt  }
0x47: {  	_ =	shalt  }
0x48: {  	_ =	shalt  }
0x49: {  	_ =	shalt  }
0x4a: {  	_ =	shalt  }
0x4b: {  	_ =	shalt  }
0x4c: {  	_ =	shalt  }
0x4d: {  	_ =	shalt  }
0x4e: {  	_ =	shalt  }
0x4f: {  	_ =	shalt  }
0x50: {  	_ =	shalt  }
0x51: {  	_ =	shalt  }
0x52: {  	_ =	shalt  }
0x53: {  	_ =	shalt  }
0x54: {  	_ =	shalt  }
0x55: {  	_ =	shalt  }
0x56: {  	_ =	shalt  }
0x57: {  	_ =	shalt  }
0x58: {  	_ =	shalt  }
0x59: {  	_ =	shalt  }
0x5a: {  	_ =	shalt  }
0x5b: {  	_ =	shalt  }
0x5c: {  	_ =	shalt  }
0x5d: {  	_ =	shalt  }
0x5e: {  	_ =	shalt  }
0x5f: {  	_ =	shalt  }
0x60: {  	_ =	shalt  }
0x61: {  	_ =	shalt  }
0x62: {  	_ =	shalt  }
0x63: {  	_ =	shalt  }
0x64: {  	_ =	shalt  }
0x65: {  	_ =	shalt  }
0x66: {  	_ =	shalt  }
0x67: {  	_ =	shalt  }
0x68: {  	_ =	shalt  }
0x69: {  	_ =	shalt  }
0x6a: {  	_ =	shalt  }
0x6b: {  	_ =	shalt  }
0x6c: {  	_ =	shalt  }
0x6d: {  	_ =	shalt  }
0x6e: {  	_ =	shalt  }
0x6f: {  	_ =	shalt  }
0x70: {  	_ =	shalt  }
0x71: {  	_ =	shalt  }
0x72: {  	_ =	shalt  }
0x73: {  	_ =	shalt  }
0x74: {  	_ =	shalt  }
0x75: {  	_ =	shalt  }
0x76: {  	_ =	shalt  }
0x77: {  	_ =	shalt  }
0x78: {  	_ =	shalt  }
0x79: {  	_ =	shalt  }
0x7a: {  	_ =	shalt  }
0x7b: {  	_ =	shalt  }
0x7c: {  	_ =	shalt  }
0x7d: {  	_ =	shalt  }
0x7e: {  	_ =	shalt  }
0x7f: {  	_ =	shalt  }
0x80: {  	_ =	shalt  }
0x81: {  	_ =	shalt  }
0x82: {  	_ =	shalt  }
0x83: {  	_ =	shalt  }
0x84: {  	_ =	shalt  }
0x85: {  	_ =	shalt  }
0x86: {  	_ =	shalt  }
0x87: {  	_ =	shalt  }
.Lfunc_end0:
.L_simem_size_0:
called_computation.1_lowered:
.L_overlay_start_0:
0x88: {  	s2 =	sld [smem:$0x3FD9]  }
0x89: {  	s3 =	sld [smem:$0x3FFE];
	_ =	sdelay $0x1  }
0x8a: {  	s1 =	srdreg.scid  }
0x8b: {  	s0 =	sand.u32 $0x1, s1  }
0x8c: {  	s16 =	sshll.u32 s0, $0xA;
	s2 =	sadd.s32 s3, s2  }
0x8d: {  	s2 =	sadd.s32 s2, s16  }
0x8e: {  	[smem:$0x3FBB] =	sst s2  }
0x8f: {  	_ = 	snop  }
0x90: {  	(tm) =	ssettm $0x1  }
0x91: {  	s17 =	sld [smem:$0x3FFB];
	_ =	sdelay $0x3  }
0x92: {  	_ =	strace s17  }
0x93: {  	s2 =	sld [smem:$0x3FFC];
	_ =	sdelay $0x3  }
0x94: {  	_ =	strace s2  }
0x95: {  	s2 =	sld [smem:$0x3FFD];
	_ =	sdelay $0x3  }
0x96: {  	_ =	strace s2  }
0x97: {  	_ =	strace $0x8FFFFFFF  }
0x98: {  	s18 =	sld [smem:$0x3FDB];
	_ =	sdelay $0x1  }
0x99: {  	s19 =	simm.s32 $_scs_section_size  }
0x9a: {  	s4 =	simm.s32 $_size__tile_overlayer_lowered;
	s5 =	simm.s32 $_tile_overlayer_lowered  }
0x9b: {  	s22 =	simm.s32 $0x1BFF;
	s21 =	sshll.u32 s5, $0x1;
	s2 =	sadd.s32 s19, s18  }
0x9c: {  	s6 =	simm.s32 $0x0;
	s20 =	sshll.u32 s4, $0x1;
	s4 =	sadd.s32 s21, s2  }
0x9d: {  	[timem:s6], [sflag:s22] =	dma.local [hbm:s4], s20  }
0x9e: {  	_ =	swait.ge [sflag:s22], s20  }
0x9f: {  	s3 =	ssub.s32 $0x0, s20;
	[sflag:s22] =	ssyncset.done $0x0  }
0xa0: {  	[sflag:s22] =	ssyncadd.s32 s3;
	_ =	sdelay $0x1  }
0xa1: {  	s23 =	simm.s32 $0x1B8B  }
0xa2: {  	_ =	swait.ge [sflag:s23], $0x1  }
0xa3: {  	[sflag:s23] =	ssyncset.done $0x0  }
0xa4: {  	s25 =	simm.s32 $0x1B8E;
	s24 =	sld [smem:$0x3FFE];
	[sflag:s23] =	ssyncadd.s32 $0xFFFFFFFF  }
0xa5: {  	s26 =	simm.s32 $execute0_lowered;
	[smem:$0x3FD2] =	sst s25  }
0xa6: {  	s4 =	sshll.u32 s26, $0x1;
	_ =	strace $0x80000049;
	[dreg:$0x1] =	wrdreg $0xFFFFFFFF  }
0xa7: {  	s28 =	simm.s32 $_size_execute0_lowered;
	s2 =	sadd.s32 s2, s4;
	[dreg:$0x0] =	wrdreg $0x0  }
0xa8: {  	s4 =	sshll.u32 s28, $0x1;
	[dreg:$0x2] =	wrdreg s2  }
0xa9: {  	[dreg:$0x3] =	wrdreg s4  }
0xaa: {  	[dreg:$0x4] =	wrdreg $0xC0  }
0xab: {  	_ =	task [dreg:s6], $0x5FFFF  }
0xac: {  	[dreg:$0x1] =	wrdreg $0xFFFFFFFF  }
0xad: {  	[dreg:$0x0] =	wrdreg $0x60  }
0xae: {  	[dreg:$0x2] =	wrdreg s24  }
0xaf: {  	[dreg:$0x3] =	wrdreg $0x1D800  }
0xb0: {  	[dreg:$0x4] =	wrdreg $0x9  }
0xb1: {  	_ =	task.clear_ibuf [dreg:s6], $0x5FFFF;
	_ =	strace $0x90000049  }
0xb2: {  	s29 =	simm.s32 $0x9;
	_ =	strace $0x8000004B  }
0xb3: {  	_ =	swait.ge [sflag:s29], $0x1  }
0xb4: {  	[sflag:s29] =	ssyncadd.s32 $0xFFFFFFFF  }
0xb5: {  	_ =	strace $0x9000004B  }
0xb6: {  	_ =	sfence  }
0xb7: {  	s30 =	sld [smem:$0x0];
	_ =	sdelay $0x2  }
0xb8: {  	s31 =	sshll.u32 s1, $0xD;
	s1 =	sshrl.u32 s1, $0x2  }
0xb9: {  	s3 =	sand.u32 $0x4000, s31;
	s1 =	sadd.s32 s1, s30  }
0xba: {  	s0 =	sor.u32 s3, s0;
	s1 =	sshll.u32 s1, $0x11  }
0xbb: {  	s0 =	sor.u32 s1, s0  }
0xbc: {  	s0 =	sadd.s32 $0x8F2B, s0  }
0xbd: {  	[sflag:s0] =	ssyncadd.remote.s32 $0x1  }
0xbe: {  	_ =	sfence.sel $0xFFFF  }
0xbf: {  	[dreg:$0x0] =	wrdreg $0xFFFFFFFF;
	(pc) =	sbr.abs _section_cstart, $3  }
0xc0: {  	[dreg:$0x1] =	wrdreg $0xFFFFFFFF  }
0xc1: {  	_ =	task.clear_ibuf [dreg:s6], $0x2FFFF;
	_ =	strace $0x9FFFFFFF  }
0xc2: {  	(tm) =	ssettm $0x7FFFFFFF  }
0xc3: {  	_ =	shalt  }
tec
execute0_lowered:
.L_overlay_start_1:
0x0: {  	(tag) =	ssettag $0x1  }
0x1: {  	s2 =	rddreg [dreg:$0x0]  }
0x2: {  	s4 =	rddreg [dreg:$0x1]  }
0x3: {  	s0 =	rddreg [dreg:$0x2];
	s3 =	simm.s32 $0x0;
	s1 =	srdreg.scid  }
0x4: {  	[smem:$0x7FF] =	sst s3;
	s5 =	sand.u32 $0x1, s1;
	s6 =	sadd.s32 $0x3200, s2  }
0x5: {  	s1 =	stileid.u32;
	s7 =	sadd.s32 $0x3A00, s2;
	p0 =	seq.s32 s5, $0x1  }
0x6: {  	_ =	strace $0x8000004A;
	s8 =	sshll.u32 @!p0 s1, $0x7;
	s5 =	simm.s32 @!p0 $0x0  }
0x7: {  	[tilespmem:s5], [sflag:$0x1] =	stream.linear.gather @!p0 [hbm4b:s7+s5], $0x400, $0x38;
	[tilespmem:$0x1E00] =	vst v63  }
0x8: {  	s9 =	simm.s32 @!p0 $0x400;
	s7 =	sadd.s32 $0x2A00, s2;
	s6 =	sadd.s32 @!p0 s6, s8  }
0x9: {  	[tilespmem:s9], [sflag:$0x1] =	stream.linear.gather @!p0 [hbm4b:s6+s5], $0x400, $0x38;
	[tilespmem:$0x1E00] =	vst v63  }
0xa: {  	s6 =	sadd.s32 @!p0 s7, s8;
	s7 =	simm.s32 @!p0 $0x800  }
0xb: {  	v0 =	vimm.f32 @!p0 $1.000000000e+00;
	[tilespmem:s7], [sflag:$0x1] =	stream.linear.gather @!p0 [hbm4b:s6+s5], $0x400, $0x38;
	[tilespmem:$0x1E00] =	vst v63  }
0xc: {  	v1 =	vimm.f32 @!p0 $0.0e+00;
	[tilespmem:$0x1400] =	vst @!p0 v0  }
0xd: {  	[tilespmem:$0x1480] =	vst @!p0 v1  }
0xe: {  	[tilespmem:$0x1410] =	vst @!p0 v0  }
0xf: {  	[tilespmem:$0x1490] =	vst @!p0 v1  }
0x10: {  	[tilespmem:$0x1420] =	vst @!p0 v0  }
0x11: {  	[tilespmem:$0x14A0] =	vst @!p0 v1  }
0x12: {  	[tilespmem:$0x1430] =	vst @!p0 v0  }
0x13: {  	[tilespmem:$0x14B0] =	vst @!p0 v1  }
0x14: {  	[tilespmem:$0x1440] =	vst @!p0 v0  }
0x15: {  	[tilespmem:$0x14C0] =	vst @!p0 v1  }
0x16: {  	[tilespmem:$0x1450] =	vst @!p0 v0  }
0x17: {  	[tilespmem:$0x14D0] =	vst @!p0 v1  }
0x18: {  	[tilespmem:$0x1460] =	vst @!p0 v0  }
0x19: {  	[tilespmem:$0x14E0] =	vst @!p0 v1  }
0x1a: {  	[tilespmem:$0x1470] =	vst @!p0 v0  }
0x1b: {  	s6 =	sadd.s32 @!p0 s8, s4;
	s7 =	simm.s32 @!p0 $0x1480;
	[tilespmem:$0x14F0] =	vst @!p0 v1  }
0x1c: {  	[spmem:s6] =	stream.linear.scatter @!p0 [tilespmem:s7], [sflag:$0x2], $0x80, $0x38;
	[tilespmem:$0x1E00] =	vst v63  }
0x1d: {  	s6 =	simm.s32 @!p0 $0x1  }
0x1e: {  	_ =	swait.ge @!p0 [sflag:s6], $0x400  }
0x1f: {  	[sflag:s6] =	ssyncset.done @!p0 $0x0  }
0x20: {  	[sflag:s6] =	ssyncadd.s32 @!p0 $0xFFFFFC00  }
0x21: {  	_ =	swait.ge @!p0 [sflag:s6], $0x400  }
0x22: {  	[sflag:s6] =	ssyncset.done @!p0 $0x0  }
0x23: {  	[sflag:s6] =	ssyncadd.s32 @!p0 $0xFFFFFC00  }
0x24: {  	_ =	swait.ge @!p0 [sflag:s6], $0x400  }
0x25: {  	[sflag:s6] =	ssyncset.done @!p0 $0x0  }
0x26: {  	[sflag:s6] =	ssyncadd.s32 @!p0 $0xFFFFFC00  }
0x27: {  	v0 =	vld @!p0 [tilespmem:$0x400]  }
0x28: {  	v1 =	vld @!p0 [tilespmem:$0x800];
	_ =	sdelay $0x6  }
0x29: {  	v0 =	vld.idx.msk @!p0 [tilespmem:v0+s5+$0x0], $0xffff  }
0x2a: {  	v1 =	vld.idx.msk @!p0 [tilespmem:v1+s5+$0x0], $0xffff  }
0x2b: {  	v2 =	vld @!p0 [tilespmem:$0x410]  }
0x2c: {  	v3 =	vld @!p0 [tilespmem:$0x810];
	_ =	sdelay $0x2  }
0x2d: {  	vm0 =	vgt.s32 @!p0 v0, v1  }
0x2e: {  	v4 =	vsel @!p0 vm0, v1, v0;
	v0 =	vsel @!p0 vm0, v0, v1  }
0x2f: {  	[tilespmem:$0xC00] =	vst @!p0 v4;
	v0 =	vadd.s32 @!p0 $0x400, v0  }
0x30: {  	[tilespmem:$0x1000] =	vst @!p0 v0  }
0x31: {  	v0 =	vld.idx.msk @!p0 [tilespmem:v2+s5+$0x0], $0xffff  }
0x32: {  	v1 =	vld.idx.msk @!p0 [tilespmem:v3+s5+$0x0], $0xffff  }
0x33: {  	v2 =	vld @!p0 [tilespmem:$0x420]  }
0x34: {  	v3 =	vld @!p0 [tilespmem:$0x820];
	_ =	sdelay $0x2  }
0x35: {  	vm0 =	vgt.s32 @!p0 v0, v1  }
0x36: {  	v4 =	vsel @!p0 vm0, v1, v0;
	v0 =	vsel @!p0 vm0, v0, v1  }
0x37: {  	[tilespmem:$0xC10] =	vst @!p0 v4;
	v0 =	vadd.s32 @!p0 $0x400, v0  }
0x38: {  	[tilespmem:$0x1010] =	vst @!p0 v0  }
0x39: {  	v0 =	vld.idx.msk @!p0 [tilespmem:v2+s5+$0x0], $0xffff  }
0x3a: {  	v1 =	vld.idx.msk @!p0 [tilespmem:v3+s5+$0x0], $0xffff  }
0x3b: {  	v2 =	vld @!p0 [tilespmem:$0x430]  }
0x3c: {  	v3 =	vld @!p0 [tilespmem:$0x830];
	_ =	sdelay $0x2  }
0x3d: {  	vm0 =	vgt.s32 @!p0 v0, v1  }
0x3e: {  	v4 =	vsel @!p0 vm0, v1, v0;
	v0 =	vsel @!p0 vm0, v0, v1  }
0x3f: {  	[tilespmem:$0xC20] =	vst @!p0 v4;
	v0 =	vadd.s32 @!p0 $0x400, v0  }
0x40: {  	[tilespmem:$0x1020] =	vst @!p0 v0  }
0x41: {  	v0 =	vld.idx.msk @!p0 [tilespmem:v2+s5+$0x0], $0xffff  }
0x42: {  	v1 =	vld.idx.msk @!p0 [tilespmem:v3+s5+$0x0], $0xffff  }
0x43: {  	v2 =	vld @!p0 [tilespmem:$0x440]  }
0x44: {  	v3 =	vld @!p0 [tilespmem:$0x840];
	_ =	sdelay $0x2  }
0x45: {  	vm0 =	vgt.s32 @!p0 v0, v1  }
0x46: {  	v4 =	vsel @!p0 vm0, v1, v0;
	v0 =	vsel @!p0 vm0, v0, v1  }
0x47: {  	[tilespmem:$0xC30] =	vst @!p0 v4;
	v0 =	vadd.s32 @!p0 $0x400, v0  }
0x48: {  	[tilespmem:$0x1030] =	vst @!p0 v0  }
0x49: {  	v0 =	vld.idx.msk @!p0 [tilespmem:v2+s5+$0x0], $0xffff  }
0x4a: {  	v1 =	vld.idx.msk @!p0 [tilespmem:v3+s5+$0x0], $0xffff  }
0x4b: {  	v2 =	vld @!p0 [tilespmem:$0x450]  }
0x4c: {  	v3 =	vld @!p0 [tilespmem:$0x850];
	_ =	sdelay $0x2  }
0x4d: {  	vm0 =	vgt.s32 @!p0 v0, v1  }
0x4e: {  	v4 =	vsel @!p0 vm0, v1, v0;
	v0 =	vsel @!p0 vm0, v0, v1  }
0x4f: {  	[tilespmem:$0xC40] =	vst @!p0 v4;
	v0 =	vadd.s32 @!p0 $0x400, v0  }
0x50: {  	[tilespmem:$0x1040] =	vst @!p0 v0  }
0x51: {  	v0 =	vld.idx.msk @!p0 [tilespmem:v2+s5+$0x0], $0xffff  }
0x52: {  	v1 =	vld.idx.msk @!p0 [tilespmem:v3+s5+$0x0], $0xffff  }
0x53: {  	v2 =	vld @!p0 [tilespmem:$0x460]  }
0x54: {  	v3 =	vld @!p0 [tilespmem:$0x860];
	_ =	sdelay $0x2  }
0x55: {  	vm0 =	vgt.s32 @!p0 v0, v1  }
0x56: {  	v4 =	vsel @!p0 vm0, v1, v0;
	v0 =	vsel @!p0 vm0, v0, v1  }
0x57: {  	[tilespmem:$0xC50] =	vst @!p0 v4;
	v0 =	vadd.s32 @!p0 $0x400, v0  }
0x58: {  	[tilespmem:$0x1050] =	vst @!p0 v0  }
0x59: {  	v0 =	vld.idx.msk @!p0 [tilespmem:v2+s5+$0x0], $0xffff  }
0x5a: {  	v1 =	vld.idx.msk @!p0 [tilespmem:v3+s5+$0x0], $0xffff  }
0x5b: {  	v2 =	vld @!p0 [tilespmem:$0x470]  }
0x5c: {  	v3 =	vld @!p0 [tilespmem:$0x870];
	_ =	sdelay $0x2  }
0x5d: {  	vm0 =	vgt.s32 @!p0 v0, v1  }
0x5e: {  	v4 =	vsel @!p0 vm0, v1, v0;
	v0 =	vsel @!p0 vm0, v0, v1  }
0x5f: {  	[tilespmem:$0xC60] =	vst @!p0 v4;
	v0 =	vadd.s32 @!p0 $0x400, v0  }
0x60: {  	[tilespmem:$0x1060] =	vst @!p0 v0  }
0x61: {  	v0 =	vld.idx.msk @!p0 [tilespmem:v2+s5+$0x0], $0xffff  }
0x62: {  	v1 =	vld.idx.msk @!p0 [tilespmem:v3+s5+$0x0], $0xffff  }
0x63: {  	v2 =	vld @!p0 [tilespmem:$0x480]  }
0x64: {  	v3 =	vld @!p0 [tilespmem:$0x880];
	_ =	sdelay $0x2  }
0x65: {  	vm0 =	vgt.s32 @!p0 v0, v1  }
0x66: {  	v4 =	vsel @!p0 vm0, v1, v0;
	v0 =	vsel @!p0 vm0, v0, v1  }
0x67: {  	[tilespmem:$0xC70] =	vst @!p0 v4;
	v0 =	vadd.s32 @!p0 $0x400, v0  }
0x68: {  	[tilespmem:$0x1070] =	vst @!p0 v0  }
0x69: {  	v0 =	vld.idx.msk @!p0 [tilespmem:v2+s5+$0x0], $0xffff  }
0x6a: {  	v1 =	vld.idx.msk @!p0 [tilespmem:v3+s5+$0x0], $0xffff  }
0x6b: {  	v2 =	vld @!p0 [tilespmem:$0x490]  }
0x6c: {  	v3 =	vld @!p0 [tilespmem:$0x890];
	_ =	sdelay $0x2  }
0x6d: {  	vm0 =	vgt.s32 @!p0 v0, v1  }
0x6e: {  	v4 =	vsel @!p0 vm0, v1, v0;
	v0 =	vsel @!p0 vm0, v0, v1  }
0x6f: {  	[tilespmem:$0xC80] =	vst @!p0 v4;
	v0 =	vadd.s32 @!p0 $0x400, v0  }
0x70: {  	[tilespmem:$0x1080] =	vst @!p0 v0  }
0x71: {  	v0 =	vld.idx.msk @!p0 [tilespmem:v2+s5+$0x0], $0xffff  }
0x72: {  	v1 =	vld.idx.msk @!p0 [tilespmem:v3+s5+$0x0], $0xffff  }
0x73: {  	v2 =	vld @!p0 [tilespmem:$0x4A0]  }
0x74: {  	v3 =	vld @!p0 [tilespmem:$0x8A0];
	_ =	sdelay $0x2  }
0x75: {  	vm0 =	vgt.s32 @!p0 v0, v1  }
0x76: {  	v4 =	vsel @!p0 vm0, v1, v0;
	v0 =	vsel @!p0 vm0, v0, v1  }
0x77: {  	[tilespmem:$0xC90] =	vst @!p0 v4;
	v0 =	vadd.s32 @!p0 $0x400, v0  }
0x78: {  	[tilespmem:$0x1090] =	vst @!p0 v0  }
0x79: {  	v0 =	vld.idx.msk @!p0 [tilespmem:v2+s5+$0x0], $0xffff  }
0x7a: {  	v1 =	vld.idx.msk @!p0 [tilespmem:v3+s5+$0x0], $0xffff  }
0x7b: {  	v2 =	vld @!p0 [tilespmem:$0x4B0]  }
0x7c: {  	v3 =	vld @!p0 [tilespmem:$0x8B0];
	_ =	sdelay $0x2  }
0x7d: {  	vm0 =	vgt.s32 @!p0 v0, v1  }
0x7e: {  	v4 =	vsel @!p0 vm0, v1, v0;
	v0 =	vsel @!p0 vm0, v0, v1  }
0x7f: {  	[tilespmem:$0xCA0] =	vst @!p0 v4;
	v0 =	vadd.s32 @!p0 $0x400, v0  }
0x80: {  	[tilespmem:$0x10A0] =	vst @!p0 v0  }
0x81: {  	v0 =	vld.idx.msk @!p0 [tilespmem:v2+s5+$0x0], $0xffff  }
0x82: {  	v1 =	vld.idx.msk @!p0 [tilespmem:v3+s5+$0x0], $0xffff  }
0x83: {  	v2 =	vld @!p0 [tilespmem:$0x4C0]  }
0x84: {  	v3 =	vld @!p0 [tilespmem:$0x8C0];
	_ =	sdelay $0x2  }
0x85: {  	vm0 =	vgt.s32 @!p0 v0, v1  }
0x86: {  	v4 =	vsel @!p0 vm0, v1, v0;
	v0 =	vsel @!p0 vm0, v0, v1  }
0x87: {  	[tilespmem:$0xCB0] =	vst @!p0 v4;
	v0 =	vadd.s32 @!p0 $0x400, v0  }
0x88: {  	[tilespmem:$0x10B0] =	vst @!p0 v0  }
0x89: {  	v0 =	vld.idx.msk @!p0 [tilespmem:v2+s5+$0x0], $0xffff  }
0x8a: {  	v1 =	vld.idx.msk @!p0 [tilespmem:v3+s5+$0x0], $0xffff  }
0x8b: {  	v2 =	vld @!p0 [tilespmem:$0x4D0]  }
0x8c: {  	v3 =	vld @!p0 [tilespmem:$0x8D0];
	_ =	sdelay $0x2  }
0x8d: {  	vm0 =	vgt.s32 @!p0 v0, v1  }
0x8e: {  	v4 =	vsel @!p0 vm0, v1, v0;
	v0 =	vsel @!p0 vm0, v0, v1  }
0x8f: {  	[tilespmem:$0xCC0] =	vst @!p0 v4;
	v0 =	vadd.s32 @!p0 $0x400, v0  }
0x90: {  	[tilespmem:$0x10C0] =	vst @!p0 v0  }
0x91: {  	v0 =	vld.idx.msk @!p0 [tilespmem:v2+s5+$0x0], $0xffff  }
0x92: {  	v1 =	vld.idx.msk @!p0 [tilespmem:v3+s5+$0x0], $0xffff  }
0x93: {  	v2 =	vld @!p0 [tilespmem:$0x4E0]  }
0x94: {  	v3 =	vld @!p0 [tilespmem:$0x8E0];
	_ =	sdelay $0x2  }
0x95: {  	vm0 =	vgt.s32 @!p0 v0, v1  }
0x96: {  	v4 =	vsel @!p0 vm0, v1, v0;
	v0 =	vsel @!p0 vm0, v0, v1  }
0x97: {  	[tilespmem:$0xCD0] =	vst @!p0 v4;
	v0 =	vadd.s32 @!p0 $0x400, v0  }
0x98: {  	[tilespmem:$0x10D0] =	vst @!p0 v0  }
0x99: {  	v0 =	vld.idx.msk @!p0 [tilespmem:v2+s5+$0x0], $0xffff  }
0x9a: {  	v1 =	vld.idx.msk @!p0 [tilespmem:v3+s5+$0x0], $0xffff  }
0x9b: {  	v2 =	vld @!p0 [tilespmem:$0x4F0]  }
0x9c: {  	v3 =	vld @!p0 [tilespmem:$0x8F0];
	_ =	sdelay $0x2  }
0x9d: {  	vm0 =	vgt.s32 @!p0 v0, v1  }
0x9e: {  	v4 =	vsel @!p0 vm0, v1, v0;
	v0 =	vsel @!p0 vm0, v0, v1  }
0x9f: {  	[tilespmem:$0xCE0] =	vst @!p0 v4;
	v0 =	vadd.s32 @!p0 $0x400, v0  }
0xa0: {  	[tilespmem:$0x10E0] =	vst @!p0 v0  }
0xa1: {  	v0 =	vld.idx.msk @!p0 [tilespmem:v2+s5+$0x0], $0xffff  }
0xa2: {  	v1 =	vld.idx.msk @!p0 [tilespmem:v3+s5+$0x0], $0xffff  }
0xa3: {  	v2 =	vld @!p0 [tilespmem:$0x500]  }
0xa4: {  	v3 =	vld @!p0 [tilespmem:$0x900];
	_ =	sdelay $0x2  }
0xa5: {  	vm0 =	vgt.s32 @!p0 v0, v1  }
0xa6: {  	v4 =	vsel @!p0 vm0, v1, v0;
	v0 =	vsel @!p0 vm0, v0, v1  }
0xa7: {  	[tilespmem:$0xCF0] =	vst @!p0 v4;
	v0 =	vadd.s32 @!p0 $0x400, v0  }
0xa8: {  	[tilespmem:$0x10F0] =	vst @!p0 v0  }
0xa9: {  	v0 =	vld.idx.msk @!p0 [tilespmem:v2+s5+$0x0], $0xffff  }
0xaa: {  	v1 =	vld.idx.msk @!p0 [tilespmem:v3+s5+$0x0], $0xffff  }
0xab: {  	v2 =	vld @!p0 [tilespmem:$0x510]  }
0xac: {  	v3 =	vld @!p0 [tilespmem:$0x910];
	_ =	sdelay $0x2  }
0xad: {  	vm0 =	vgt.s32 @!p0 v0, v1  }
0xae: {  	v4 =	vsel @!p0 vm0, v1, v0;
	v0 =	vsel @!p0 vm0, v0, v1  }
0xaf: {  	[tilespmem:$0xD00] =	vst @!p0 v4;
	v0 =	vadd.s32 @!p0 $0x400, v0  }
0xb0: {  	[tilespmem:$0x1100] =	vst @!p0 v0  }
0xb1: {  	v0 =	vld.idx.msk @!p0 [tilespmem:v2+s5+$0x0], $0xffff  }
0xb2: {  	v1 =	vld.idx.msk @!p0 [tilespmem:v3+s5+$0x0], $0xffff  }
0xb3: {  	v2 =	vld @!p0 [tilespmem:$0x520]  }
0xb4: {  	v3 =	vld @!p0 [tilespmem:$0x920];
	_ =	sdelay $0x2  }
0xb5: {  	vm0 =	vgt.s32 @!p0 v0, v1  }
0xb6: {  	v4 =	vsel @!p0 vm0, v1, v0;
	v0 =	vsel @!p0 vm0, v0, v1  }
0xb7: {  	[tilespmem:$0xD10] =	vst @!p0 v4;
	v0 =	vadd.s32 @!p0 $0x400, v0  }
0xb8: {  	[tilespmem:$0x1110] =	vst @!p0 v0  }
0xb9: {  	v0 =	vld.idx.msk @!p0 [tilespmem:v2+s5+$0x0], $0xffff  }
0xba: {  	v1 =	vld.idx.msk @!p0 [tilespmem:v3+s5+$0x0], $0xffff  }
0xbb: {  	v2 =	vld @!p0 [tilespmem:$0x530]  }
0xbc: {  	v3 =	vld @!p0 [tilespmem:$0x930];
	_ =	sdelay $0x2  }
0xbd: {  	vm0 =	vgt.s32 @!p0 v0, v1  }
0xbe: {  	v4 =	vsel @!p0 vm0, v1, v0;
	v0 =	vsel @!p0 vm0, v0, v1  }
0xbf: {  	[tilespmem:$0xD20] =	vst @!p0 v4;
	v0 =	vadd.s32 @!p0 $0x400, v0  }
0xc0: {  	[tilespmem:$0x1120] =	vst @!p0 v0  }
0xc1: {  	v0 =	vld.idx.msk @!p0 [tilespmem:v2+s5+$0x0], $0xffff  }
0xc2: {  	v1 =	vld.idx.msk @!p0 [tilespmem:v3+s5+$0x0], $0xffff  }
0xc3: {  	v2 =	vld @!p0 [tilespmem:$0x540]  }
0xc4: {  	v3 =	vld @!p0 [tilespmem:$0x940];
	_ =	sdelay $0x2  }
0xc5: {  	vm0 =	vgt.s32 @!p0 v0, v1  }
0xc6: {  	v4 =	vsel @!p0 vm0, v1, v0;
	v0 =	vsel @!p0 vm0, v0, v1  }
0xc7: {  	[tilespmem:$0xD30] =	vst @!p0 v4;
	v0 =	vadd.s32 @!p0 $0x400, v0  }
0xc8: {  	[tilespmem:$0x1130] =	vst @!p0 v0  }
0xc9: {  	v0 =	vld.idx.msk @!p0 [tilespmem:v2+s5+$0x0], $0xffff  }
0xca: {  	v1 =	vld.idx.msk @!p0 [tilespmem:v3+s5+$0x0], $0xffff  }
0xcb: {  	v2 =	vld @!p0 [tilespmem:$0x550]  }
0xcc: {  	v3 =	vld @!p0 [tilespmem:$0x950];
	_ =	sdelay $0x2  }
0xcd: {  	vm0 =	vgt.s32 @!p0 v0, v1  }
0xce: {  	v4 =	vsel @!p0 vm0, v1, v0;
	v0 =	vsel @!p0 vm0, v0, v1  }
0xcf: {  	[tilespmem:$0xD40] =	vst @!p0 v4;
	v0 =	vadd.s32 @!p0 $0x400, v0  }
0xd0: {  	[tilespmem:$0x1140] =	vst @!p0 v0  }
0xd1: {  	v0 =	vld.idx.msk @!p0 [tilespmem:v2+s5+$0x0], $0xffff  }
0xd2: {  	v1 =	vld.idx.msk @!p0 [tilespmem:v3+s5+$0x0], $0xffff  }
0xd3: {  	v2 =	vld @!p0 [tilespmem:$0x560]  }
0xd4: {  	v3 =	vld @!p0 [tilespmem:$0x960];
	_ =	sdelay $0x2  }
0xd5: {  	vm0 =	vgt.s32 @!p0 v0, v1  }
0xd6: {  	v4 =	vsel @!p0 vm0, v1, v0;
	v0 =	vsel @!p0 vm0, v0, v1  }
0xd7: {  	[tilespmem:$0xD50] =	vst @!p0 v4;
	v0 =	vadd.s32 @!p0 $0x400, v0  }
0xd8: {  	[tilespmem:$0x1150] =	vst @!p0 v0  }
0xd9: {  	v0 =	vld.idx.msk @!p0 [tilespmem:v2+s5+$0x0], $0xffff  }
0xda: {  	v1 =	vld.idx.msk @!p0 [tilespmem:v3+s5+$0x0], $0xffff  }
0xdb: {  	v2 =	vld @!p0 [tilespmem:$0x570]  }
0xdc: {  	v3 =	vld @!p0 [tilespmem:$0x970];
	_ =	sdelay $0x2  }
0xdd: {  	vm0 =	vgt.s32 @!p0 v0, v1  }
0xde: {  	v4 =	vsel @!p0 vm0, v1, v0;
	v0 =	vsel @!p0 vm0, v0, v1  }
0xdf: {  	[tilespmem:$0xD60] =	vst @!p0 v4;
	v0 =	vadd.s32 @!p0 $0x400, v0  }
0xe0: {  	[tilespmem:$0x1160] =	vst @!p0 v0  }
0xe1: {  	v0 =	vld.idx.msk @!p0 [tilespmem:v2+s5+$0x0], $0xffff  }
0xe2: {  	v1 =	vld.idx.msk @!p0 [tilespmem:v3+s5+$0x0], $0xffff  }
0xe3: {  	v2 =	vld @!p0 [tilespmem:$0x580]  }
0xe4: {  	v3 =	vld @!p0 [tilespmem:$0x980];
	_ =	sdelay $0x2  }
0xe5: {  	vm0 =	vgt.s32 @!p0 v0, v1  }
0xe6: {  	v4 =	vsel @!p0 vm0, v1, v0;
	v0 =	vsel @!p0 vm0, v0, v1  }
0xe7: {  	[tilespmem:$0xD70] =	vst @!p0 v4;
	v0 =	vadd.s32 @!p0 $0x400, v0  }
0xe8: {  	[tilespmem:$0x1170] =	vst @!p0 v0  }
0xe9: {  	v0 =	vld.idx.msk @!p0 [tilespmem:v2+s5+$0x0], $0xffff  }
0xea: {  	v1 =	vld.idx.msk @!p0 [tilespmem:v3+s5+$0x0], $0xffff  }
0xeb: {  	v2 =	vld @!p0 [tilespmem:$0x590]  }
0xec: {  	v3 =	vld @!p0 [tilespmem:$0x990];
	_ =	sdelay $0x2  }
0xed: {  	vm0 =	vgt.s32 @!p0 v0, v1  }
0xee: {  	v4 =	vsel @!p0 vm0, v1, v0;
	v0 =	vsel @!p0 vm0, v0, v1  }
0xef: {  	[tilespmem:$0xD80] =	vst @!p0 v4;
	v0 =	vadd.s32 @!p0 $0x400, v0  }
0xf0: {  	[tilespmem:$0x1180] =	vst @!p0 v0  }
0xf1: {  	v0 =	vld.idx.msk @!p0 [tilespmem:v2+s5+$0x0], $0xffff  }
0xf2: {  	v1 =	vld.idx.msk @!p0 [tilespmem:v3+s5+$0x0], $0xffff  }
0xf3: {  	v2 =	vld @!p0 [tilespmem:$0x5A0]  }
0xf4: {  	v3 =	vld @!p0 [tilespmem:$0x9A0];
	_ =	sdelay $0x2  }
0xf5: {  	vm0 =	vgt.s32 @!p0 v0, v1  }
0xf6: {  	v4 =	vsel @!p0 vm0, v1, v0;
	v0 =	vsel @!p0 vm0, v0, v1  }
0xf7: {  	[tilespmem:$0xD90] =	vst @!p0 v4;
	v0 =	vadd.s32 @!p0 $0x400, v0  }
0xf8: {  	[tilespmem:$0x1190] =	vst @!p0 v0  }
0xf9: {  	v0 =	vld.idx.msk @!p0 [tilespmem:v2+s5+$0x0], $0xffff  }
0xfa: {  	v1 =	vld.idx.msk @!p0 [tilespmem:v3+s5+$0x0], $0xffff  }
0xfb: {  	v2 =	vld @!p0 [tilespmem:$0x5B0]  }
0xfc: {  	v3 =	vld @!p0 [tilespmem:$0x9B0];
	_ =	sdelay $0x2  }
0xfd: {  	vm0 =	vgt.s32 @!p0 v0, v1  }
0xfe: {  	v4 =	vsel @!p0 vm0, v1, v0;
	v0 =	vsel @!p0 vm0, v0, v1  }
0xff: {  	[tilespmem:$0xDA0] =	vst @!p0 v4;
	v0 =	vadd.s32 @!p0 $0x400, v0  }
0x100: {  	[tilespmem:$0x11A0] =	vst @!p0 v0  }
0x101: {  	v0 =	vld.idx.msk @!p0 [tilespmem:v2+s5+$0x0], $0xffff  }
0x102: {  	v1 =	vld.idx.msk @!p0 [tilespmem:v3+s5+$0x0], $0xffff  }
0x103: {  	v2 =	vld @!p0 [tilespmem:$0x5C0]  }
0x104: {  	v3 =	vld @!p0 [tilespmem:$0x9C0];
	_ =	sdelay $0x2  }
0x105: {  	vm0 =	vgt.s32 @!p0 v0, v1  }
0x106: {  	v4 =	vsel @!p0 vm0, v1, v0;
	v0 =	vsel @!p0 vm0, v0, v1  }
0x107: {  	[tilespmem:$0xDB0] =	vst @!p0 v4;
	v0 =	vadd.s32 @!p0 $0x400, v0  }
0x108: {  	[tilespmem:$0x11B0] =	vst @!p0 v0  }
0x109: {  	v0 =	vld.idx.msk @!p0 [tilespmem:v2+s5+$0x0], $0xffff  }
0x10a: {  	v1 =	vld.idx.msk @!p0 [tilespmem:v3+s5+$0x0], $0xffff  }
0x10b: {  	v2 =	vld @!p0 [tilespmem:$0x5D0]  }
0x10c: {  	v3 =	vld @!p0 [tilespmem:$0x9D0];
	_ =	sdelay $0x2  }
0x10d: {  	vm0 =	vgt.s32 @!p0 v0, v1  }
0x10e: {  	v4 =	vsel @!p0 vm0, v1, v0;
	v0 =	vsel @!p0 vm0, v0, v1  }
0x10f: {  	[tilespmem:$0xDC0] =	vst @!p0 v4;
	v0 =	vadd.s32 @!p0 $0x400, v0  }
0x110: {  	[tilespmem:$0x11C0] =	vst @!p0 v0  }
0x111: {  	v0 =	vld.idx.msk @!p0 [tilespmem:v2+s5+$0x0], $0xffff  }
0x112: {  	v1 =	vld.idx.msk @!p0 [tilespmem:v3+s5+$0x0], $0xffff  }
0x113: {  	v2 =	vld @!p0 [tilespmem:$0x5E0]  }
0x114: {  	v3 =	vld @!p0 [tilespmem:$0x9E0];
	_ =	sdelay $0x2  }
0x115: {  	vm0 =	vgt.s32 @!p0 v0, v1  }
0x116: {  	v4 =	vsel @!p0 vm0, v1, v0;
	v0 =	vsel @!p0 vm0, v0, v1  }
0x117: {  	[tilespmem:$0xDD0] =	vst @!p0 v4;
	v0 =	vadd.s32 @!p0 $0x400, v0  }
0x118: {  	[tilespmem:$0x11D0] =	vst @!p0 v0  }
0x119: {  	v0 =	vld.idx.msk @!p0 [tilespmem:v2+s5+$0x0], $0xffff  }
0x11a: {  	v1 =	vld.idx.msk @!p0 [tilespmem:v3+s5+$0x0], $0xffff  }
0x11b: {  	v2 =	vld @!p0 [tilespmem:$0x5F0]  }
0x11c: {  	v3 =	vld @!p0 [tilespmem:$0x9F0];
	_ =	sdelay $0x2  }
0x11d: {  	vm0 =	vgt.s32 @!p0 v0, v1  }
0x11e: {  	v4 =	vsel @!p0 vm0, v1, v0;
	v0 =	vsel @!p0 vm0, v0, v1  }
0x11f: {  	[tilespmem:$0xDE0] =	vst @!p0 v4;
	v0 =	vadd.s32 @!p0 $0x400, v0  }
0x120: {  	[tilespmem:$0x11E0] =	vst @!p0 v0  }
0x121: {  	v0 =	vld.idx.msk @!p0 [tilespmem:v2+s5+$0x0], $0xffff  }
0x122: {  	v1 =	vld.idx.msk @!p0 [tilespmem:v3+s5+$0x0], $0xffff  }
0x123: {  	v2 =	vld @!p0 [tilespmem:$0x600]  }
0x124: {  	v3 =	vld @!p0 [tilespmem:$0xA00];
	_ =	sdelay $0x2  }
0x125: {  	vm0 =	vgt.s32 @!p0 v0, v1  }
0x126: {  	v4 =	vsel @!p0 vm0, v1, v0;
	v0 =	vsel @!p0 vm0, v0, v1  }
0x127: {  	[tilespmem:$0xDF0] =	vst @!p0 v4;
	v0 =	vadd.s32 @!p0 $0x400, v0  }
0x128: {  	[tilespmem:$0x11F0] =	vst @!p0 v0  }
0x129: {  	v0 =	vld.idx.msk @!p0 [tilespmem:v2+s5+$0x0], $0xffff  }
0x12a: {  	v1 =	vld.idx.msk @!p0 [tilespmem:v3+s5+$0x0], $0xffff  }
0x12b: {  	v2 =	vld @!p0 [tilespmem:$0x610]  }
0x12c: {  	v3 =	vld @!p0 [tilespmem:$0xA10];
	_ =	sdelay $0x2  }
0x12d: {  	vm0 =	vgt.s32 @!p0 v0, v1  }
0x12e: {  	v4 =	vsel @!p0 vm0, v1, v0;
	v0 =	vsel @!p0 vm0, v0, v1  }
0x12f: {  	[tilespmem:$0xE00] =	vst @!p0 v4;
	v0 =	vadd.s32 @!p0 $0x400, v0  }
0x130: {  	[tilespmem:$0x1200] =	vst @!p0 v0  }
0x131: {  	v0 =	vld.idx.msk @!p0 [tilespmem:v2+s5+$0x0], $0xffff  }
0x132: {  	v1 =	vld.idx.msk @!p0 [tilespmem:v3+s5+$0x0], $0xffff  }
0x133: {  	v2 =	vld @!p0 [tilespmem:$0x620]  }
0x134: {  	v3 =	vld @!p0 [tilespmem:$0xA20];
	_ =	sdelay $0x2  }
0x135: {  	vm0 =	vgt.s32 @!p0 v0, v1  }
0x136: {  	v4 =	vsel @!p0 vm0, v1, v0;
	v0 =	vsel @!p0 vm0, v0, v1  }
0x137: {  	[tilespmem:$0xE10] =	vst @!p0 v4;
	v0 =	vadd.s32 @!p0 $0x400, v0  }
0x138: {  	[tilespmem:$0x1210] =	vst @!p0 v0  }
0x139: {  	v0 =	vld.idx.msk @!p0 [tilespmem:v2+s5+$0x0], $0xffff  }
0x13a: {  	v1 =	vld.idx.msk @!p0 [tilespmem:v3+s5+$0x0], $0xffff  }
0x13b: {  	v2 =	vld @!p0 [tilespmem:$0x630]  }
0x13c: {  	v3 =	vld @!p0 [tilespmem:$0xA30];
	_ =	sdelay $0x2  }
0x13d: {  	vm0 =	vgt.s32 @!p0 v0, v1  }
0x13e: {  	v4 =	vsel @!p0 vm0, v1, v0;
	v0 =	vsel @!p0 vm0, v0, v1  }
0x13f: {  	[tilespmem:$0xE20] =	vst @!p0 v4;
	v0 =	vadd.s32 @!p0 $0x400, v0  }
0x140: {  	[tilespmem:$0x1220] =	vst @!p0 v0  }
0x141: {  	v0 =	vld.idx.msk @!p0 [tilespmem:v2+s5+$0x0], $0xffff  }
0x142: {  	v1 =	vld.idx.msk @!p0 [tilespmem:v3+s5+$0x0], $0xffff  }
0x143: {  	v2 =	vld @!p0 [tilespmem:$0x640]  }
0x144: {  	v3 =	vld @!p0 [tilespmem:$0xA40];
	_ =	sdelay $0x2  }
0x145: {  	vm0 =	vgt.s32 @!p0 v0, v1  }
0x146: {  	v4 =	vsel @!p0 vm0, v1, v0;
	v0 =	vsel @!p0 vm0, v0, v1  }
0x147: {  	[tilespmem:$0xE30] =	vst @!p0 v4;
	v0 =	vadd.s32 @!p0 $0x400, v0  }
0x148: {  	[tilespmem:$0x1230] =	vst @!p0 v0  }
0x149: {  	v0 =	vld.idx.msk @!p0 [tilespmem:v2+s5+$0x0], $0xffff  }
0x14a: {  	v1 =	vld.idx.msk @!p0 [tilespmem:v3+s5+$0x0], $0xffff  }
0x14b: {  	v2 =	vld @!p0 [tilespmem:$0x650]  }
0x14c: {  	v3 =	vld @!p0 [tilespmem:$0xA50];
	_ =	sdelay $0x2  }
0x14d: {  	vm0 =	vgt.s32 @!p0 v0, v1  }
0x14e: {  	v4 =	vsel @!p0 vm0, v1, v0;
	v0 =	vsel @!p0 vm0, v0, v1  }
0x14f: {  	[tilespmem:$0xE40] =	vst @!p0 v4;
	v0 =	vadd.s32 @!p0 $0x400, v0  }
0x150: {  	[tilespmem:$0x1240] =	vst @!p0 v0  }
0x151: {  	v0 =	vld.idx.msk @!p0 [tilespmem:v2+s5+$0x0], $0xffff  }
0x152: {  	v1 =	vld.idx.msk @!p0 [tilespmem:v3+s5+$0x0], $0xffff  }
0x153: {  	v2 =	vld @!p0 [tilespmem:$0x660]  }
0x154: {  	v3 =	vld @!p0 [tilespmem:$0xA60];
	_ =	sdelay $0x2  }
0x155: {  	vm0 =	vgt.s32 @!p0 v0, v1  }
0x156: {  	v4 =	vsel @!p0 vm0, v1, v0;
	v0 =	vsel @!p0 vm0, v0, v1  }
0x157: {  	[tilespmem:$0xE50] =	vst @!p0 v4;
	v0 =	vadd.s32 @!p0 $0x400, v0  }
0x158: {  	[tilespmem:$0x1250] =	vst @!p0 v0  }
0x159: {  	v0 =	vld.idx.msk @!p0 [tilespmem:v2+s5+$0x0], $0xffff  }
0x15a: {  	v1 =	vld.idx.msk @!p0 [tilespmem:v3+s5+$0x0], $0xffff  }
0x15b: {  	v2 =	vld @!p0 [tilespmem:$0x670]  }
0x15c: {  	v3 =	vld @!p0 [tilespmem:$0xA70];
	_ =	sdelay $0x2  }
0x15d: {  	vm0 =	vgt.s32 @!p0 v0, v1  }
0x15e: {  	v4 =	vsel @!p0 vm0, v1, v0;
	v0 =	vsel @!p0 vm0, v0, v1  }
0x15f: {  	[tilespmem:$0xE60] =	vst @!p0 v4;
	v0 =	vadd.s32 @!p0 $0x400, v0  }
0x160: {  	[tilespmem:$0x1260] =	vst @!p0 v0  }
0x161: {  	v0 =	vld.idx.msk @!p0 [tilespmem:v2+s5+$0x0], $0xffff  }
0x162: {  	v1 =	vld.idx.msk @!p0 [tilespmem:v3+s5+$0x0], $0xffff  }
0x163: {  	v2 =	vld @!p0 [tilespmem:$0x680]  }
0x164: {  	v3 =	vld @!p0 [tilespmem:$0xA80];
	_ =	sdelay $0x2  }
0x165: {  	vm0 =	vgt.s32 @!p0 v0, v1  }
0x166: {  	v4 =	vsel @!p0 vm0, v1, v0;
	v0 =	vsel @!p0 vm0, v0, v1  }
0x167: {  	[tilespmem:$0xE70] =	vst @!p0 v4;
	v0 =	vadd.s32 @!p0 $0x400, v0  }
0x168: {  	[tilespmem:$0x1270] =	vst @!p0 v0  }
0x169: {  	v0 =	vld.idx.msk @!p0 [tilespmem:v2+s5+$0x0], $0xffff  }
0x16a: {  	v1 =	vld.idx.msk @!p0 [tilespmem:v3+s5+$0x0], $0xffff  }
0x16b: {  	v2 =	vld @!p0 [tilespmem:$0x690]  }
0x16c: {  	v3 =	vld @!p0 [tilespmem:$0xA90];
	_ =	sdelay $0x2  }
0x16d: {  	vm0 =	vgt.s32 @!p0 v0, v1  }
0x16e: {  	v4 =	vsel @!p0 vm0, v1, v0;
	v0 =	vsel @!p0 vm0, v0, v1  }
0x16f: {  	[tilespmem:$0xE80] =	vst @!p0 v4;
	v0 =	vadd.s32 @!p0 $0x400, v0  }
0x170: {  	[tilespmem:$0x1280] =	vst @!p0 v0  }
0x171: {  	v0 =	vld.idx.msk @!p0 [tilespmem:v2+s5+$0x0], $0xffff  }
0x172: {  	v1 =	vld.idx.msk @!p0 [tilespmem:v3+s5+$0x0], $0xffff  }
0x173: {  	v2 =	vld @!p0 [tilespmem:$0x6A0]  }
0x174: {  	v3 =	vld @!p0 [tilespmem:$0xAA0];
	_ =	sdelay $0x2  }
0x175: {  	vm0 =	vgt.s32 @!p0 v0, v1  }
0x176: {  	v4 =	vsel @!p0 vm0, v1, v0;
	v0 =	vsel @!p0 vm0, v0, v1  }
0x177: {  	[tilespmem:$0xE90] =	vst @!p0 v4;
	v0 =	vadd.s32 @!p0 $0x400, v0  }
0x178: {  	[tilespmem:$0x1290] =	vst @!p0 v0  }
0x179: {  	v0 =	vld.idx.msk @!p0 [tilespmem:v2+s5+$0x0], $0xffff  }
0x17a: {  	v1 =	vld.idx.msk @!p0 [tilespmem:v3+s5+$0x0], $0xffff  }
0x17b: {  	v2 =	vld @!p0 [tilespmem:$0x6B0]  }
0x17c: {  	v3 =	vld @!p0 [tilespmem:$0xAB0];
	_ =	sdelay $0x2  }
0x17d: {  	vm0 =	vgt.s32 @!p0 v0, v1  }
0x17e: {  	v4 =	vsel @!p0 vm0, v1, v0;
	v0 =	vsel @!p0 vm0, v0, v1  }
0x17f: {  	[tilespmem:$0xEA0] =	vst @!p0 v4;
	v0 =	vadd.s32 @!p0 $0x400, v0  }
0x180: {  	[tilespmem:$0x12A0] =	vst @!p0 v0  }
0x181: {  	v0 =	vld.idx.msk @!p0 [tilespmem:v2+s5+$0x0], $0xffff  }
0x182: {  	v1 =	vld.idx.msk @!p0 [tilespmem:v3+s5+$0x0], $0xffff  }
0x183: {  	v2 =	vld @!p0 [tilespmem:$0x6C0]  }
0x184: {  	v3 =	vld @!p0 [tilespmem:$0xAC0];
	_ =	sdelay $0x2  }
0x185: {  	vm0 =	vgt.s32 @!p0 v0, v1  }
0x186: {  	v4 =	vsel @!p0 vm0, v1, v0;
	v0 =	vsel @!p0 vm0, v0, v1  }
0x187: {  	[tilespmem:$0xEB0] =	vst @!p0 v4;
	v0 =	vadd.s32 @!p0 $0x400, v0  }
0x188: {  	[tilespmem:$0x12B0] =	vst @!p0 v0  }
0x189: {  	v0 =	vld.idx.msk @!p0 [tilespmem:v2+s5+$0x0], $0xffff  }
0x18a: {  	v1 =	vld.idx.msk @!p0 [tilespmem:v3+s5+$0x0], $0xffff  }
0x18b: {  	v2 =	vld @!p0 [tilespmem:$0x6D0]  }
0x18c: {  	v3 =	vld @!p0 [tilespmem:$0xAD0];
	_ =	sdelay $0x2  }
0x18d: {  	vm0 =	vgt.s32 @!p0 v0, v1  }
0x18e: {  	v4 =	vsel @!p0 vm0, v1, v0;
	v0 =	vsel @!p0 vm0, v0, v1  }
0x18f: {  	[tilespmem:$0xEC0] =	vst @!p0 v4;
	v0 =	vadd.s32 @!p0 $0x400, v0  }
0x190: {  	[tilespmem:$0x12C0] =	vst @!p0 v0  }
0x191: {  	v0 =	vld.idx.msk @!p0 [tilespmem:v2+s5+$0x0], $0xffff  }
0x192: {  	v1 =	vld.idx.msk @!p0 [tilespmem:v3+s5+$0x0], $0xffff  }
0x193: {  	v2 =	vld @!p0 [tilespmem:$0x6E0]  }
0x194: {  	v3 =	vld @!p0 [tilespmem:$0xAE0];
	_ =	sdelay $0x2  }
0x195: {  	vm0 =	vgt.s32 @!p0 v0, v1  }
0x196: {  	v4 =	vsel @!p0 vm0, v1, v0;
	v0 =	vsel @!p0 vm0, v0, v1  }
0x197: {  	[tilespmem:$0xED0] =	vst @!p0 v4;
	v0 =	vadd.s32 @!p0 $0x400, v0  }
0x198: {  	[tilespmem:$0x12D0] =	vst @!p0 v0  }
0x199: {  	v0 =	vld.idx.msk @!p0 [tilespmem:v2+s5+$0x0], $0xffff  }
0x19a: {  	v1 =	vld.idx.msk @!p0 [tilespmem:v3+s5+$0x0], $0xffff  }
0x19b: {  	v2 =	vld @!p0 [tilespmem:$0x6F0]  }
0x19c: {  	v3 =	vld @!p0 [tilespmem:$0xAF0];
	_ =	sdelay $0x2  }
0x19d: {  	vm0 =	vgt.s32 @!p0 v0, v1  }
0x19e: {  	v4 =	vsel @!p0 vm0, v1, v0;
	v0 =	vsel @!p0 vm0, v0, v1  }
0x19f: {  	[tilespmem:$0xEE0] =	vst @!p0 v4;
	v0 =	vadd.s32 @!p0 $0x400, v0  }
0x1a0: {  	[tilespmem:$0x12E0] =	vst @!p0 v0  }
0x1a1: {  	v0 =	vld.idx.msk @!p0 [tilespmem:v2+s5+$0x0], $0xffff  }
0x1a2: {  	v1 =	vld.idx.msk @!p0 [tilespmem:v3+s5+$0x0], $0xffff  }
0x1a3: {  	v2 =	vld @!p0 [tilespmem:$0x700]  }
0x1a4: {  	v3 =	vld @!p0 [tilespmem:$0xB00];
	_ =	sdelay $0x2  }
0x1a5: {  	vm0 =	vgt.s32 @!p0 v0, v1  }
0x1a6: {  	v4 =	vsel @!p0 vm0, v1, v0;
	v0 =	vsel @!p0 vm0, v0, v1  }
0x1a7: {  	[tilespmem:$0xEF0] =	vst @!p0 v4;
	v0 =	vadd.s32 @!p0 $0x400, v0  }
0x1a8: {  	[tilespmem:$0x12F0] =	vst @!p0 v0  }
0x1a9: {  	v0 =	vld.idx.msk @!p0 [tilespmem:v2+s5+$0x0], $0xffff  }
0x1aa: {  	v1 =	vld.idx.msk @!p0 [tilespmem:v3+s5+$0x0], $0xffff  }
0x1ab: {  	v2 =	vld @!p0 [tilespmem:$0x710]  }
0x1ac: {  	v3 =	vld @!p0 [tilespmem:$0xB10];
	_ =	sdelay $0x2  }
0x1ad: {  	vm0 =	vgt.s32 @!p0 v0, v1  }
0x1ae: {  	v4 =	vsel @!p0 vm0, v1, v0;
	v0 =	vsel @!p0 vm0, v0, v1  }
0x1af: {  	[tilespmem:$0xF00] =	vst @!p0 v4;
	v0 =	vadd.s32 @!p0 $0x400, v0  }
0x1b0: {  	[tilespmem:$0x1300] =	vst @!p0 v0  }
0x1b1: {  	v0 =	vld.idx.msk @!p0 [tilespmem:v2+s5+$0x0], $0xffff  }
0x1b2: {  	v1 =	vld.idx.msk @!p0 [tilespmem:v3+s5+$0x0], $0xffff  }
0x1b3: {  	v2 =	vld @!p0 [tilespmem:$0x720]  }
0x1b4: {  	v3 =	vld @!p0 [tilespmem:$0xB20];
	_ =	sdelay $0x2  }
0x1b5: {  	vm0 =	vgt.s32 @!p0 v0, v1  }
0x1b6: {  	v4 =	vsel @!p0 vm0, v1, v0;
	v0 =	vsel @!p0 vm0, v0, v1  }
0x1b7: {  	[tilespmem:$0xF10] =	vst @!p0 v4;
	v0 =	vadd.s32 @!p0 $0x400, v0  }
0x1b8: {  	[tilespmem:$0x1310] =	vst @!p0 v0  }
0x1b9: {  	v0 =	vld.idx.msk @!p0 [tilespmem:v2+s5+$0x0], $0xffff  }
0x1ba: {  	v1 =	vld.idx.msk @!p0 [tilespmem:v3+s5+$0x0], $0xffff  }
0x1bb: {  	v2 =	vld @!p0 [tilespmem:$0x730]  }
0x1bc: {  	v3 =	vld @!p0 [tilespmem:$0xB30];
	_ =	sdelay $0x2  }
0x1bd: {  	vm0 =	vgt.s32 @!p0 v0, v1  }
0x1be: {  	v4 =	vsel @!p0 vm0, v1, v0;
	v0 =	vsel @!p0 vm0, v0, v1  }
0x1bf: {  	[tilespmem:$0xF20] =	vst @!p0 v4;
	v0 =	vadd.s32 @!p0 $0x400, v0  }
0x1c0: {  	[tilespmem:$0x1320] =	vst @!p0 v0  }
0x1c1: {  	v0 =	vld.idx.msk @!p0 [tilespmem:v2+s5+$0x0], $0xffff  }
0x1c2: {  	v1 =	vld.idx.msk @!p0 [tilespmem:v3+s5+$0x0], $0xffff  }
0x1c3: {  	v2 =	vld @!p0 [tilespmem:$0x740]  }
0x1c4: {  	v3 =	vld @!p0 [tilespmem:$0xB40];
	_ =	sdelay $0x2  }
0x1c5: {  	vm0 =	vgt.s32 @!p0 v0, v1  }
0x1c6: {  	v4 =	vsel @!p0 vm0, v1, v0;
	v0 =	vsel @!p0 vm0, v0, v1  }
0x1c7: {  	[tilespmem:$0xF30] =	vst @!p0 v4;
	v0 =	vadd.s32 @!p0 $0x400, v0  }
0x1c8: {  	[tilespmem:$0x1330] =	vst @!p0 v0  }
0x1c9: {  	v0 =	vld.idx.msk @!p0 [tilespmem:v2+s5+$0x0], $0xffff  }
0x1ca: {  	v1 =	vld.idx.msk @!p0 [tilespmem:v3+s5+$0x0], $0xffff  }
0x1cb: {  	v2 =	vld @!p0 [tilespmem:$0x750]  }
0x1cc: {  	v3 =	vld @!p0 [tilespmem:$0xB50];
	_ =	sdelay $0x2  }
0x1cd: {  	vm0 =	vgt.s32 @!p0 v0, v1  }
0x1ce: {  	v4 =	vsel @!p0 vm0, v1, v0;
	v0 =	vsel @!p0 vm0, v0, v1  }
0x1cf: {  	[tilespmem:$0xF40] =	vst @!p0 v4;
	v0 =	vadd.s32 @!p0 $0x400, v0  }
0x1d0: {  	[tilespmem:$0x1340] =	vst @!p0 v0  }
0x1d1: {  	v0 =	vld.idx.msk @!p0 [tilespmem:v2+s5+$0x0], $0xffff  }
0x1d2: {  	v1 =	vld.idx.msk @!p0 [tilespmem:v3+s5+$0x0], $0xffff  }
0x1d3: {  	v2 =	vld @!p0 [tilespmem:$0x760]  }
0x1d4: {  	v3 =	vld @!p0 [tilespmem:$0xB60];
	_ =	sdelay $0x2  }
0x1d5: {  	vm0 =	vgt.s32 @!p0 v0, v1  }
0x1d6: {  	v4 =	vsel @!p0 vm0, v1, v0;
	v0 =	vsel @!p0 vm0, v0, v1  }
0x1d7: {  	[tilespmem:$0xF50] =	vst @!p0 v4;
	v0 =	vadd.s32 @!p0 $0x400, v0  }
0x1d8: {  	[tilespmem:$0x1350] =	vst @!p0 v0  }
0x1d9: {  	v0 =	vld.idx.msk @!p0 [tilespmem:v2+s5+$0x0], $0xffff  }
0x1da: {  	v1 =	vld.idx.msk @!p0 [tilespmem:v3+s5+$0x0], $0xffff  }
0x1db: {  	v2 =	vld @!p0 [tilespmem:$0x770]  }
0x1dc: {  	v3 =	vld @!p0 [tilespmem:$0xB70];
	_ =	sdelay $0x2  }
0x1dd: {  	vm0 =	vgt.s32 @!p0 v0, v1  }
0x1de: {  	v4 =	vsel @!p0 vm0, v1, v0;
	v0 =	vsel @!p0 vm0, v0, v1  }
0x1df: {  	[tilespmem:$0xF60] =	vst @!p0 v4;
	v0 =	vadd.s32 @!p0 $0x400, v0  }
0x1e0: {  	[tilespmem:$0x1360] =	vst @!p0 v0  }
0x1e1: {  	v0 =	vld.idx.msk @!p0 [tilespmem:v2+s5+$0x0], $0xffff  }
0x1e2: {  	v1 =	vld.idx.msk @!p0 [tilespmem:v3+s5+$0x0], $0xffff  }
0x1e3: {  	v2 =	vld @!p0 [tilespmem:$0x780]  }
0x1e4: {  	v3 =	vld @!p0 [tilespmem:$0xB80];
	_ =	sdelay $0x2  }
0x1e5: {  	vm0 =	vgt.s32 @!p0 v0, v1  }
0x1e6: {  	v4 =	vsel @!p0 vm0, v1, v0;
	v0 =	vsel @!p0 vm0, v0, v1  }
0x1e7: {  	[tilespmem:$0xF70] =	vst @!p0 v4;
	v0 =	vadd.s32 @!p0 $0x400, v0  }
0x1e8: {  	[tilespmem:$0x1370] =	vst @!p0 v0  }
0x1e9: {  	v0 =	vld.idx.msk @!p0 [tilespmem:v2+s5+$0x0], $0xffff  }
0x1ea: {  	v1 =	vld.idx.msk @!p0 [tilespmem:v3+s5+$0x0], $0xffff  }
0x1eb: {  	v2 =	vld @!p0 [tilespmem:$0x790]  }
0x1ec: {  	v3 =	vld @!p0 [tilespmem:$0xB90];
	_ =	sdelay $0x2  }
0x1ed: {  	vm0 =	vgt.s32 @!p0 v0, v1  }
0x1ee: {  	v4 =	vsel @!p0 vm0, v1, v0;
	v0 =	vsel @!p0 vm0, v0, v1  }
0x1ef: {  	[tilespmem:$0xF80] =	vst @!p0 v4;
	v0 =	vadd.s32 @!p0 $0x400, v0  }
0x1f0: {  	[tilespmem:$0x1380] =	vst @!p0 v0  }
0x1f1: {  	v0 =	vld.idx.msk @!p0 [tilespmem:v2+s5+$0x0], $0xffff  }
0x1f2: {  	v1 =	vld.idx.msk @!p0 [tilespmem:v3+s5+$0x0], $0xffff  }
0x1f3: {  	v2 =	vld @!p0 [tilespmem:$0x7A0]  }
0x1f4: {  	v3 =	vld @!p0 [tilespmem:$0xBA0];
	_ =	sdelay $0x2  }
0x1f5: {  	vm0 =	vgt.s32 @!p0 v0, v1  }
0x1f6: {  	v4 =	vsel @!p0 vm0, v1, v0;
	v0 =	vsel @!p0 vm0, v0, v1  }
0x1f7: {  	[tilespmem:$0xF90] =	vst @!p0 v4;
	v0 =	vadd.s32 @!p0 $0x400, v0  }
0x1f8: {  	[tilespmem:$0x1390] =	vst @!p0 v0  }
0x1f9: {  	v0 =	vld.idx.msk @!p0 [tilespmem:v2+s5+$0x0], $0xffff  }
0x1fa: {  	v1 =	vld.idx.msk @!p0 [tilespmem:v3+s5+$0x0], $0xffff  }
0x1fb: {  	v2 =	vld @!p0 [tilespmem:$0x7B0]  }
0x1fc: {  	v3 =	vld @!p0 [tilespmem:$0xBB0];
	_ =	sdelay $0x2  }
0x1fd: {  	vm0 =	vgt.s32 @!p0 v0, v1  }
0x1fe: {  	v4 =	vsel @!p0 vm0, v1, v0;
	v0 =	vsel @!p0 vm0, v0, v1  }
0x1ff: {  	[tilespmem:$0xFA0] =	vst @!p0 v4;
	v0 =	vadd.s32 @!p0 $0x400, v0  }
0x200: {  	[tilespmem:$0x13A0] =	vst @!p0 v0  }
0x201: {  	v0 =	vld.idx.msk @!p0 [tilespmem:v2+s5+$0x0], $0xffff  }
0x202: {  	v1 =	vld.idx.msk @!p0 [tilespmem:v3+s5+$0x0], $0xffff  }
0x203: {  	v2 =	vld @!p0 [tilespmem:$0x7C0]  }
0x204: {  	v3 =	vld @!p0 [tilespmem:$0xBC0];
	_ =	sdelay $0x2  }
0x205: {  	vm0 =	vgt.s32 @!p0 v0, v1  }
0x206: {  	v4 =	vsel @!p0 vm0, v1, v0;
	v0 =	vsel @!p0 vm0, v0, v1  }
0x207: {  	[tilespmem:$0xFB0] =	vst @!p0 v4;
	v0 =	vadd.s32 @!p0 $0x400, v0  }
0x208: {  	[tilespmem:$0x13B0] =	vst @!p0 v0  }
0x209: {  	v0 =	vld.idx.msk @!p0 [tilespmem:v2+s5+$0x0], $0xffff  }
0x20a: {  	v1 =	vld.idx.msk @!p0 [tilespmem:v3+s5+$0x0], $0xffff  }
0x20b: {  	v2 =	vld @!p0 [tilespmem:$0x7D0]  }
0x20c: {  	v3 =	vld @!p0 [tilespmem:$0xBD0];
	_ =	sdelay $0x2  }
0x20d: {  	vm0 =	vgt.s32 @!p0 v0, v1  }
0x20e: {  	v4 =	vsel @!p0 vm0, v1, v0;
	v0 =	vsel @!p0 vm0, v0, v1  }
0x20f: {  	[tilespmem:$0xFC0] =	vst @!p0 v4;
	v0 =	vadd.s32 @!p0 $0x400, v0  }
0x210: {  	[tilespmem:$0x13C0] =	vst @!p0 v0  }
0x211: {  	v0 =	vld.idx.msk @!p0 [tilespmem:v2+s5+$0x0], $0xffff  }
0x212: {  	v1 =	vld.idx.msk @!p0 [tilespmem:v3+s5+$0x0], $0xffff  }
0x213: {  	v2 =	vld @!p0 [tilespmem:$0x7E0]  }
0x214: {  	v3 =	vld @!p0 [tilespmem:$0xBE0];
	_ =	sdelay $0x2  }
0x215: {  	vm0 =	vgt.s32 @!p0 v0, v1  }
0x216: {  	v4 =	vsel @!p0 vm0, v1, v0;
	v0 =	vsel @!p0 vm0, v0, v1  }
0x217: {  	[tilespmem:$0xFD0] =	vst @!p0 v4;
	v0 =	vadd.s32 @!p0 $0x400, v0  }
0x218: {  	[tilespmem:$0x13D0] =	vst @!p0 v0  }
0x219: {  	v0 =	vld.idx.msk @!p0 [tilespmem:v2+s5+$0x0], $0xffff  }
0x21a: {  	v1 =	vld.idx.msk @!p0 [tilespmem:v3+s5+$0x0], $0xffff  }
0x21b: {  	v2 =	vld @!p0 [tilespmem:$0x7F0]  }
0x21c: {  	v3 =	vld @!p0 [tilespmem:$0xBF0];
	_ =	sdelay $0x2  }
0x21d: {  	vm0 =	vgt.s32 @!p0 v0, v1  }
0x21e: {  	v4 =	vsel @!p0 vm0, v1, v0;
	v0 =	vsel @!p0 vm0, v0, v1  }
0x21f: {  	[tilespmem:$0xFE0] =	vst @!p0 v4;
	v0 =	vadd.s32 @!p0 $0x400, v0  }
0x220: {  	[tilespmem:$0x13E0] =	vst @!p0 v0  }
0x221: {  	v0 =	vld.idx.msk @!p0 [tilespmem:v2+s5+$0x0], $0xffff  }
0x222: {  	v1 =	vld.idx.msk @!p0 [tilespmem:v3+s5+$0x0], $0xffff;
	_ =	sdelay $0x4  }
0x223: {  	vm0 =	vgt.s32 @!p0 v0, v1  }
0x224: {  	v2 =	vsel @!p0 vm0, v1, v0;
	v0 =	vsel @!p0 vm0, v0, v1  }
0x225: {  	[tilespmem:$0xFF0] =	vst @!p0 v2;
	v0 =	vadd.s32 @!p0 $0x400, v0  }
0x226: {  	s5 =	simm.s32 @!p0 $0x2;
	[tilespmem:$0x13F0] =	vst @!p0 v0  }
0x227: {  	_ =	swait.ge @!p0 [sflag:s5], $0x80  }
0x228: {  	[sflag:s5] =	ssyncset.done @!p0 $0x0  }
0x229: {  	s8 =	simm.s32 @!p0 $0x1400;
	[sflag:s5] =	ssyncadd.s32 @!p0 $0xFFFFFF80  }
0x22a: {  	s7 =	simm.s32 @!p0 $0xC00;
	s6 =	simm.s32 @!p0 $0x80;
	[bflag:$0x0] =	sbarrier.arrive @!p0 $0xFFFF  }
0x22b: {  	[spmem:s4] =	stream.indirect.scatter.add.f32 @!p0 [tilespmem:s8], [sflag:$0x2], $0x1, s7, s6, $0xb8;
	[tilespmem:$0x1E00] =	vst v63  }
0x22c: {  	s7 =	simm.s32 @!p0 $0xC80  }
0x22d: {  	[spmem:s4] =	stream.indirect.scatter.add.f32 @!p0 [tilespmem:s8], [sflag:$0x2], $0x1, s7, s6, $0xb8;
	[tilespmem:$0x1E00] =	vst v63  }
0x22e: {  	s7 =	simm.s32 @!p0 $0xD00  }
0x22f: {  	[spmem:s4] =	stream.indirect.scatter.add.f32 @!p0 [tilespmem:s8], [sflag:$0x2], $0x1, s7, s6, $0xb8;
	[tilespmem:$0x1E00] =	vst v63  }
0x230: {  	s7 =	simm.s32 @!p0 $0xD80  }
0x231: {  	[spmem:s4] =	stream.indirect.scatter.add.f32 @!p0 [tilespmem:s8], [sflag:$0x2], $0x1, s7, s6, $0xb8;
	[tilespmem:$0x1E00] =	vst v63  }
0x232: {  	s7 =	simm.s32 @!p0 $0xE00  }
0x233: {  	[spmem:s4] =	stream.indirect.scatter.add.f32 @!p0 [tilespmem:s8], [sflag:$0x2], $0x1, s7, s6, $0xb8;
	[tilespmem:$0x1E00] =	vst v63  }
0x234: {  	s7 =	simm.s32 @!p0 $0xE80  }
0x235: {  	[spmem:s4] =	stream.indirect.scatter.add.f32 @!p0 [tilespmem:s8], [sflag:$0x2], $0x1, s7, s6, $0xb8;
	[tilespmem:$0x1E00] =	vst v63  }
0x236: {  	s7 =	simm.s32 @!p0 $0xF00  }
0x237: {  	[spmem:s4] =	stream.indirect.scatter.add.f32 @!p0 [tilespmem:s8], [sflag:$0x2], $0x1, s7, s6, $0xb8;
	[tilespmem:$0x1E00] =	vst v63  }
0x238: {  	s7 =	simm.s32 @!p0 $0xF80  }
0x239: {  	[spmem:s4] =	stream.indirect.scatter.add.f32 @!p0 [tilespmem:s8], [sflag:$0x2], $0x1, s7, s6, $0xb8;
	[tilespmem:$0x1E00] =	vst v63  }
0x23a: {  	s7 =	simm.s32 @!p0 $0x1000  }
0x23b: {  	[spmem:s4] =	stream.indirect.scatter.add.f32 @!p0 [tilespmem:s8], [sflag:$0x2], $0x1, s7, s6, $0xb8;
	[tilespmem:$0x1E00] =	vst v63  }
0x23c: {  	s7 =	simm.s32 @!p0 $0x1080  }
0x23d: {  	[spmem:s4] =	stream.indirect.scatter.add.f32 @!p0 [tilespmem:s8], [sflag:$0x2], $0x1, s7, s6, $0xb8;
	[tilespmem:$0x1E00] =	vst v63  }
0x23e: {  	s7 =	simm.s32 @!p0 $0x1100  }
0x23f: {  	[spmem:s4] =	stream.indirect.scatter.add.f32 @!p0 [tilespmem:s8], [sflag:$0x2], $0x1, s7, s6, $0xb8;
	[tilespmem:$0x1E00] =	vst v63  }
0x240: {  	s7 =	simm.s32 @!p0 $0x1180  }
0x241: {  	[spmem:s4] =	stream.indirect.scatter.add.f32 @!p0 [tilespmem:s8], [sflag:$0x2], $0x1, s7, s6, $0xb8;
	[tilespmem:$0x1E00] =	vst v63  }
0x242: {  	s7 =	simm.s32 @!p0 $0x1200  }
0x243: {  	[spmem:s4] =	stream.indirect.scatter.add.f32 @!p0 [tilespmem:s8], [sflag:$0x2], $0x1, s7, s6, $0xb8;
	[tilespmem:$0x1E00] =	vst v63  }
0x244: {  	s7 =	simm.s32 @!p0 $0x1280  }
0x245: {  	[spmem:s4] =	stream.indirect.scatter.add.f32 @!p0 [tilespmem:s8], [sflag:$0x2], $0x1, s7, s6, $0xb8;
	[tilespmem:$0x1E00] =	vst v63  }
0x246: {  	s7 =	simm.s32 @!p0 $0x1300  }
0x247: {  	[spmem:s4] =	stream.indirect.scatter.add.f32 @!p0 [tilespmem:s8], [sflag:$0x2], $0x1, s7, s6, $0xb8;
	[tilespmem:$0x1E00] =	vst v63  }
0x248: {  	s7 =	simm.s32 @!p0 $0x1380  }
0x249: {  	[spmem:s4] =	stream.indirect.scatter.add.f32 @!p0 [tilespmem:s8], [sflag:$0x2], $0x1, s7, s6, $0xb8;
	[tilespmem:$0x1E00] =	vst v63  }
0x24a: {  	_ =	swait.ge @!p0 [sflag:s5], $0x80  }
0x24b: {  	[sflag:s5] =	ssyncset.done @!p0 $0x0  }
0x24c: {  	[sflag:s5] =	ssyncadd.s32 @!p0 $0xFFFFFF80  }
0x24d: {  	_ =	swait.ge @!p0 [sflag:s5], $0x80  }
0x24e: {  	[sflag:s5] =	ssyncset.done @!p0 $0x0  }
0x24f: {  	[sflag:s5] =	ssyncadd.s32 @!p0 $0xFFFFFF80  }
0x250: {  	_ =	swait.ge @!p0 [sflag:s5], $0x80  }
0x251: {  	[sflag:s5] =	ssyncset.done @!p0 $0x0  }
0x252: {  	[sflag:s5] =	ssyncadd.s32 @!p0 $0xFFFFFF80  }
0x253: {  	_ =	swait.ge @!p0 [sflag:s5], $0x80  }
0x254: {  	[sflag:s5] =	ssyncset.done @!p0 $0x0  }
0x255: {  	[sflag:s5] =	ssyncadd.s32 @!p0 $0xFFFFFF80  }
0x256: {  	_ =	swait.ge @!p0 [sflag:s5], $0x80  }
0x257: {  	[sflag:s5] =	ssyncset.done @!p0 $0x0  }
0x258: {  	[sflag:s5] =	ssyncadd.s32 @!p0 $0xFFFFFF80  }
0x259: {  	_ =	swait.ge @!p0 [sflag:s5], $0x80  }
0x25a: {  	[sflag:s5] =	ssyncset.done @!p0 $0x0  }
0x25b: {  	[sflag:s5] =	ssyncadd.s32 @!p0 $0xFFFFFF80  }
0x25c: {  	_ =	swait.ge @!p0 [sflag:s5], $0x80  }
0x25d: {  	[sflag:s5] =	ssyncset.done @!p0 $0x0  }
0x25e: {  	[sflag:s5] =	ssyncadd.s32 @!p0 $0xFFFFFF80  }
0x25f: {  	_ =	swait.ge @!p0 [sflag:s5], $0x80  }
0x260: {  	[sflag:s5] =	ssyncset.done @!p0 $0x0  }
0x261: {  	[sflag:s5] =	ssyncadd.s32 @!p0 $0xFFFFFF80  }
0x262: {  	_ =	swait.ge @!p0 [sflag:s5], $0x80  }
0x263: {  	[sflag:s5] =	ssyncset.done @!p0 $0x0  }
0x264: {  	[sflag:s5] =	ssyncadd.s32 @!p0 $0xFFFFFF80  }
0x265: {  	_ =	swait.ge @!p0 [sflag:s5], $0x80  }
0x266: {  	[sflag:s5] =	ssyncset.done @!p0 $0x0  }
0x267: {  	[sflag:s5] =	ssyncadd.s32 @!p0 $0xFFFFFF80  }
0x268: {  	_ =	swait.ge @!p0 [sflag:s5], $0x80  }
0x269: {  	[sflag:s5] =	ssyncset.done @!p0 $0x0  }
0x26a: {  	[sflag:s5] =	ssyncadd.s32 @!p0 $0xFFFFFF80  }
0x26b: {  	_ =	swait.ge @!p0 [sflag:s5], $0x80  }
0x26c: {  	[sflag:s5] =	ssyncset.done @!p0 $0x0  }
0x26d: {  	[sflag:s5] =	ssyncadd.s32 @!p0 $0xFFFFFF80  }
0x26e: {  	_ =	swait.ge @!p0 [sflag:s5], $0x80  }
0x26f: {  	[sflag:s5] =	ssyncset.done @!p0 $0x0  }
0x270: {  	[sflag:s5] =	ssyncadd.s32 @!p0 $0xFFFFFF80  }
0x271: {  	_ =	swait.ge @!p0 [sflag:s5], $0x80  }
0x272: {  	[sflag:s5] =	ssyncset.done @!p0 $0x0  }
0x273: {  	[sflag:s5] =	ssyncadd.s32 @!p0 $0xFFFFFF80  }
0x274: {  	_ =	swait.ge @!p0 [sflag:s5], $0x80  }
0x275: {  	p1 =	sne.s32 @!p0 s1, $0x0;
	[sflag:s5] =	ssyncset.done @!p0 $0x0  }
0x276: {  	p1 =	por p0, p1;
	[sflag:s5] =	ssyncadd.s32 @!p0 $0xFFFFFF80  }
.Ltmp0:
0x277: {  	_ =	swait.ge @!p0 [sflag:s5], $0x80;
	(pc) =	sbr.rel @p1 .LBB2_4-.Ltmp0, $3  }
0x278: {  	[sflag:s5] =	ssyncset.done @!p0 $0x0  }
0x279: {  	[sflag:s5] =	ssyncadd.s32 @!p0 $0xFFFFFF80  }
0x27a: {  	[bflag:$0x0] =	sbarrier.arrive @!p0 $0xFFFF;
	_ =	sdelay $0x1  }
0x27b: {  	s5 =	simm.s32 $0x1500;
	s19 =	simm.s32 $0x3  }
0x27c: {  	[tilespmem:s5], [sflag:$0x3] =	stream.linear.gather [spmem:s4], $0x800, $0x38;
	[tilespmem:$0x1E00] =	vst v63  }
0x27d: {  	_ =	swait.ge [sflag:s19], $0x800  }
0x27e: {  	[sflag:s19] =	ssyncset.done $0x0  }
0x27f: {  	[sflag:s19] =	ssyncadd.s32 $0xFFFFF800  }
0x280: {  	s3 =	sand.u32 $0x3F0, s3;
	v0 =	vld [tilespmem:s5+$0x0]  }
0x281: {  	s20 =	simm.s32 $0x10;
	s21 =	simm.s32 $0x1510;
	v1 =	vld [tilespmem:s3+$0x1900]  }
0x282: {  	s22 =	sand.u32 $0x3F0, s20;
	v2 =	vld [tilespmem:s21+$0x0]  }
0x283: {  	v3 =	vld [tilespmem:s22+$0x1900];
	_ =	sdelay $0x3  }
0x284: {  	v0 =	vsub.f32 v0, v1  }
0x285: {  	v1 =	vsub.f32 v2, v3  }
0x286: {  	(xrf2) =	vadd.scan.msk.f32 $0xffff, v0  }
0x287: {  	(xrf2) =	vadd.scan.msk.f32 $0xffff, v1  }
0x288: {  	s26 =	simm.s32 $0x1530  }
0x289: {  	s23 =	simm.s32 $0x20;
	s24 =	simm.s32 $0x1520;
	v2 =	vld [tilespmem:s26+$0x0]  }
0x28a: {  	s25 =	simm.s32 $0x30;
	s3 =	sand.u32 $0x3F0, s23;
	v0 =	vld [tilespmem:s24+$0x0]  }
0x28b: {  	s28 =	sand.u32 $0x3F0, s25;
	v1 =	vld [tilespmem:s3+$0x1900]  }
0x28c: {  	v3 =	vld [tilespmem:s28+$0x1900];
	_ =	sdelay $0x3  }
0x28d: {  	v0 =	vsub.f32 v0, v1;
	v1, _, _ =	vpop (xrf2)  }
0x28e: {  	v6 =	vsub.f32 v2, v3;
	(v2sf) =	vpush v1, $0xF;
	v2, _, _ =	vpop (xrf2)  }
0x28f: {  	(xrf2) =	vadd.scan.msk.f32 $0xffff, v0;
	(v2sf) =	vpush v2, $0xF;
	_ =	sdelay $0x2  }
0x290: {  	s29 =	simm.s32 $0x40;
	s30 =	simm.s32 $0x1540  }
0x291: {  	s31 =	sand.u32 $0x3F0, s29;
	v4 =	vld [tilespmem:s30+$0x0]  }
0x292: {  	v5 =	vld [tilespmem:s31+$0x1900];
	(xrf2) =	vadd.scan.msk.f32 $0xffff, v6;
	_ =	sdelay $0x2  }
0x293: {  	s2 =	sadd.s32 $0x3C00, s2  }
0x294: {  	s4 =	simm.s32 $0x50;
	s5 =	simm.s32 $0x1550;
	s3 =	simm.f32 $0.0e+00;
	v3 =	vimm.f32 $0.0e+00;
	v0 =	vimm.f32 $-3.000000010e+38  }
.LBB2_2:
0x295: {  	s6 =	sand.u32 $0x3F0, s4;
	p0 =	sne.s32 s4, $0x3F0;
	s4 =	sadd.s32 $0x10, s4;
	v6 =	vsub.f32 v4, v5;
	v4 =	vld [tilespmem:s5+$0x0];
	v7, _, _ =	vpop (xrf2)  }
.Ltmp1:
0x296: {  	v5 =	vld [tilespmem:s6+$0x1900];
	(v2sf) =	vpush v7, $0xF;
	v8 =	vadd.f32 s3, v1;
	v1 =	vmovc v2;
	v2 =	vmov v7;
	(pc) =	sbr.rel @p0 .LBB2_2-.Ltmp1, $4  }
0x297: {  	(xrf2) =	vadd.scan.msk.f32 $0xffff, v6  }
0x298: {  	v0 =	vmax.f32 v0, v8;
	v3 =	vadd.f32 v8, v3  }
0x299: {  	s6 =	spop (v2sf)  }
0x29a: {  	s5 =	sadd.s32 $0x10, s5;
	s3 =	sadd.f32 s6, s3  }
0x29b: {  	_ =	sdelay $0x3  }
0x29c: {  	v6, _, _ =	vpop (xrf2)  }
0x29d: {  	(v2sf) =	vpush v6, $0xF  }
0x29e: {  	v7, _, _ =	vpop (xrf2)  }
0x29f: {  	(v2sf) =	vpush v7, $0xF;
	_ =	sdelay $0x4  }
0x2a0: {  	v4 =	vsub.f32 v4, v5;
	_ =	sdelay $0x1  }
0x2a1: {  	(xrf2) =	vadd.scan.msk.f32 $0xffff, v4;
	_ =	sdelay $0x1  }
0x2a2: {  	s4 =	spop (v2sf)  }
0x2a3: {  	v1 =	vadd.f32 s3, v1;
	s22 =	sadd.f32 s4, s3  }
0x2a4: {  	s23 =	spop (v2sf)  }
0x2a5: {  	v3 =	vadd.f32 v1, v3;
	v2 =	vadd.f32 s22, v2;
	s3 =	sadd.f32 s23, s22  }
0x2a6: {  	s24 =	spop (v2sf)  }
0x2a7: {  	v3 =	vadd.f32 v2, v3;
	v57 =	vadd.f32 s3, v6;
	s3 =	sadd.f32 s24, s3  }
0x2a8: {  	s25 =	spop (v2sf)  }
0x2a9: {  	v3 =	vadd.f32 v57, v3;
	v58 =	vadd.f32 s3, v7;
	s3 =	sadd.f32 s25, s3  }
0x2aa: {  	v59, _, _ =	vpop (xrf2)  }
0x2ab: {  	v3 =	vadd.f32 v58, v3;
	v60 =	vadd.f32 s3, v59;
	_ =	sdelay $0x1  }
0x2ac: {  	v0 =	vmax.f32 v0, v1;
	v61 =	vadd.f32 v60, v3  }
0x2ad: {  	v0 =	vmax.f32 v0, v2  }
0x2ae: {  	v0 =	vmax.f32 v0, v57;
	(xrf2) =	vadd.scan.msk.f32 $0xffff, v61  }
0x2af: {  	v0 =	vmax.f32 v0, v58  }
0x2b0: {  	v0 =	vmax.f32 v0, v60  }
0x2b1: {  	(xrf0) =	vmax.scan.msk.f32 $0xffff, v0;
	_ =	sdelay $0x5  }
0x2b2: {  	(v2sf) =	vpush v59, $0xF;
	v0, _, _ =	vpop (xrf0)  }
0x2b3: {  	(v2sf) =	vpush v0, $0xF;
	v62, _, _ =	vpop (xrf2)  }
0x2b4: {  	(v2sf) =	vpush v62, $0xF;
	_ =	sdelay $0xc  }
0x2b5: {  	s26 =	spop (v2sf)  }
0x2b6: {  	s3 =	spop (v2sf)  }
0x2b7: {  	s28 =	spop (v2sf)  }
0x2b8: {  	s4 =	ssub.f32 $5.248000000e+04, s28  }
0x2b9: {  	s3 =	ssub.f32 $0.0e+00, s3  }
0x2ba: {  	s4 =	smul.f32 $9.765625000e-04, s4  }
0x2bb: {  	vm0 =	vcmask $0x704;
	v63 =	vmov s3  }
0x2bc: {  	vm15 =	vmmov $0x3;
	v0 =	vsel vm0, s4, v63  }
0x2bd: {  	v0 =	vnsel vm15, $0x0, v0  }
0x2be: {  	s29 =	simm.s32 $0x0;
	s30 =	simm.s32 $0x1D00;
	s31 =	simm.s32 $0x3;
	[tilespmem:$0x1D00] =	vst v0  }
0x2bf: {  	[hbm4b:s2+s29] =	stream.linear.scatter [tilespmem:s30], [sflag:$0x3], $0x80, $0x38;
	[tilespmem:$0x1E00] =	vst v63  }
0x2c0: {  	_ =	swait.ge [sflag:s31], $0x80  }
0x2c1: {  	[sflag:s31] =	ssyncset.done $0x0  }
0x2c2: {  	[sflag:s31] =	ssyncadd.s32 $0xFFFFFF80  }
.LBB2_4:
0x2c3: {  	_ =	sfence.sel $0x180000  }
0x2c4: {  	[bflag:$0x0] =	sbarrier.arrive $0xFFFF  }
0x2c5: {  	p0 =	sne.s32 s1, $0x0;
	_ =	strace $0x9000004A  }
0x2c6: {  	s0 =	sadd.s32 @!p0 $0x100000, s0;
	[bflag:$0x2] =	sbarrier.arrive $0xFFFF  }
0x2c7: {  	[sflag:s0] =	ssyncadd.tile.s32 @!p0 $0x1;
	_ =	shalt  }
.Lfunc_end2:
_tile_overlayer_lowered:
.L_overlay_start_2:
0x2c8: {  	(tag) =	ssettag $0x2  }
0x2c9: {  	s0 =	rddreg [dreg:$0x0];
	s2 =	stileid.u32  }
0x2ca: {  	s1 =	rddreg [dreg:$0x1];
	p0 =	sne.s32 s2, $0x0  }
0x2cb: {  	s3 =	rddreg [dreg:$0x2];
	[bflag:$0x3] =	sbarrier.arrive $0xFFFF;
	s2 =	simm.s32 @!p0 $0x1C03  }
0x2cc: {  	[timem:s3], [sflag:s2] =	dma.local @!p0 [hbm:s0], s1  }
0x2cd: {  	s0 =	simm.s32 @!p0 $0x3  }
0x2ce: {  	_ =	swait.ge @!p0 [sflag:s0], s1  }
0x2cf: {  	s1 =	ssub.s32 @!p0 $0x0, s1;
	[sflag:s0] =	ssyncset.done @!p0 $0x0  }
0x2d0: {  	[sflag:s0] =	ssyncadd.s32 @!p0 s1  }
0x2d1: {  	[bflag:$0x3] =	sbarrier.arrive $0xFFFF  }
0x2d2: {  	_ =	shalt  }

</sc_bundles>
